<compile_context>
chip_gen: v7x
topology: tpu7x:2x2x1
jax: 0.10.2.dev20260603
libtpu: 0.0.44.dev20260713+nightly
codegen_flags: <defaults>
</compile_context>

<pallas_src>
import functools

import jax
import jax.numpy as jnp
from jax import lax
from jax.experimental import pallas as pl
from jax.experimental.pallas import tpu as pltpu
from jax.experimental.pallas import tpu_sc as plsc

_B, _N = 8, 8192
_G, _S = 512, 32
_GT = 128
_NW = 32
_WPB = _NW // _B
_GPW = _G // _WPB


def _fps_body(pos_ref, sel_ref, cxo_ref, cyo_ref, czo_ref, d_ref):
    x = pos_ref[0]
    y = pos_ref[1]
    z = pos_ref[2]
    iota = lax.broadcasted_iota(jnp.int32, (_B, _N), 1)
    cx = x[:, 0:1]
    cy = y[:, 0:1]
    cz = z[:, 0:1]
    dx = x - cx
    dy = y - cy
    dz = z - cz
    d_ref[...] = (dx * dx + dy * dy) + dz * dz
    sel_ref[0] = jnp.zeros((_B, 1), jnp.int32)
    cxo_ref[0] = cx
    cyo_ref[0] = cy
    czo_ref[0] = cz

    def body(i, carry):
        d = d_ref[...]
        m = jnp.max(d, axis=1, keepdims=True)
        nxt = jnp.min(jnp.where(d == m, iota, _N), axis=1, keepdims=True)
        onehot = iota == nxt
        cx = jnp.sum(jnp.where(onehot, x, 0.0), axis=1, keepdims=True)
        cy = jnp.sum(jnp.where(onehot, y, 0.0), axis=1, keepdims=True)
        cz = jnp.sum(jnp.where(onehot, z, 0.0), axis=1, keepdims=True)
        sel_ref[pl.ds(i, 1)] = nxt[None]
        cxo_ref[pl.ds(i, 1)] = cx[None]
        cyo_ref[pl.ds(i, 1)] = cy[None]
        czo_ref[pl.ds(i, 1)] = cz[None]
        dx = x - cx
        dy = y - cy
        dz = z - cz
        nd = (dx * dx + dy * dy) + dz * dz
        d_ref[...] = jnp.minimum(d, nd)
        return carry

    lax.fori_loop(1, _G, body, 0)


_fps = pl.pallas_call(
    _fps_body,
    out_shape=(
        jax.ShapeDtypeStruct((_G, _B, 1), jnp.int32),
        jax.ShapeDtypeStruct((_G, _B, 1), jnp.float32),
        jax.ShapeDtypeStruct((_G, _B, 1), jnp.float32),
        jax.ShapeDtypeStruct((_G, _B, 1), jnp.float32),
    ),
    scratch_shapes=[pltpu.VMEM((_B, _N), jnp.float32)],
)


_NS = 16
_NC = _N // _NS
_INF = float("inf")


def _knn_body(pos_ref, c_ref, nn_ref, d3_ref, nnj_ref,
              h_ref, hi_ref, c1_ref, i1_ref, c2_ref, i2_ref, t_ref):
    pos_m = pos_ref[0]
    cen = c_ref[0]
    x = pos_m[0:1, :]
    y = pos_m[1:2, :]
    z = pos_m[2:3, :]
    cx = cen[:, 0:1]
    cy = cen[:, 1:2]
    cz = cen[:, 2:3]
    b2 = (x * x + y * y) + z * z
    a2 = (cx * cx + cy * cy) + cz * cz
    ab = lax.dot_general(cen, pos_m, (((1,), (0,)), ((), ())),
                         preferred_element_type=jnp.float32)
    dsq = (a2 + b2) - 2.0 * ab
    dall = jnp.sqrt(jnp.maximum(dsq, 0.0))
    for s in range(_NS):
        d3_ref[s] = dall[:, s * _NC:(s + 1) * _NC]

    iotac = lax.broadcasted_iota(jnp.int32, (_GT, _NC), 1)

    def _extract_rank():
        m = d3_ref[0]
        for s in range(1, _NS):
            m = jnp.minimum(m, d3_ref[s])
        idxs = jnp.full((_GT, _NC), _NS, jnp.int32)
        for s in range(_NS - 1, -1, -1):
            idxs = jnp.where(d3_ref[s] == m, s, idxs)
        for s in range(_NS):
            d3_ref[s] = jnp.where(idxs == s, _INF, d3_ref[s])
        return m, idxs * _NC + iotac

    h0, hi0 = _extract_rank()
    h_ref[...] = h0
    hi_ref[...] = hi0
    c1, i1 = _extract_rank()
    c1_ref[...] = c1
    i1_ref[...] = i1
    c2, i2 = _extract_rank()
    c2_ref[...] = c2
    i2_ref[...] = i2
    t_ref[...] = jnp.zeros((_GT, _NC), jnp.int32)

    big = jnp.int32(_N * 2)

    def body(j, carry):
        h = h_ref[...]
        hi = hi_ref[...]
        m = jnp.min(h, axis=1, keepdims=True)
        idxg = jnp.min(jnp.where(h == m, hi, big), axis=1, keepdims=True)
        nnj_ref[pl.ds(j, 1)] = idxg[None]
        win = hi == idxg
        tn = t_ref[...] + win.astype(jnp.int32)
        t_ref[...] = tn
        nh = jnp.where(tn == 1, c1_ref[...],
                       jnp.where(tn == 2, c2_ref[...], _INF))
        nhi = jnp.where(tn == 1, i1_ref[...],
                        jnp.where(tn == 2, i2_ref[...], big))
        h_ref[...] = jnp.where(win, nh, h)
        hi_ref[...] = jnp.where(win, nhi, hi)
        need_row = jnp.max(jnp.where(win & (tn >= 3), 1, 0),
                           axis=1, keepdims=True)
        need = jnp.max(need_row) > 0

        @pl.when(need)
        def _refill():
            c0 = jnp.where(need_row > 0, idxg & (_NC - 1), -1)
            s0 = lax.shift_right_logical(idxg, 9)
            cmask = iotac == c0
            colmin = None
            for s in range(_NS):
                slab = jnp.where(cmask & (s0 == s), _INF, d3_ref[s])
                d3_ref[s] = slab
                colmin = slab if colmin is None else jnp.minimum(colmin, slab)
            rv = jnp.min(jnp.where(cmask, colmin, _INF), axis=1, keepdims=True)
            rs = jnp.full((_GT, 1), _NS, jnp.int32)
            for s in range(_NS - 1, -1, -1):
                hit = jnp.max(jnp.where(cmask & (d3_ref[s] == rv), 1, 0),
                              axis=1, keepdims=True)
                rs = jnp.where(hit > 0, s, rs)
            ri = rs * _NC + c0
            h_ref[...] = jnp.where(cmask, rv, h_ref[...])
            hi_ref[...] = jnp.where(cmask, ri, hi_ref[...])

        return carry

    lax.fori_loop(0, _S, body, 0)
    nn_ref[0] = jnp.transpose(nnj_ref[:, :, 0], (1, 0))


_knn = pl.pallas_call(
    _knn_body,
    grid=(_B, _G // _GT),
    in_specs=[
        pl.BlockSpec((1, 3, _N), lambda b, g: (b, 0, 0)),
        pl.BlockSpec((1, _GT, 3), lambda b, g: (b, g, 0)),
    ],
    out_specs=pl.BlockSpec((1, _GT, _S), lambda b, g: (b, g, 0)),
    out_shape=jax.ShapeDtypeStruct((_B, _G, _S), jnp.int32),
    scratch_shapes=[
        pltpu.VMEM((_NS, _GT, _NC), jnp.float32),
        pltpu.VMEM((_S, _GT, 1), jnp.int32),
        pltpu.VMEM((_GT, _NC), jnp.float32),
        pltpu.VMEM((_GT, _NC), jnp.int32),
        pltpu.VMEM((_GT, _NC), jnp.float32),
        pltpu.VMEM((_GT, _NC), jnp.int32),
        pltpu.VMEM((_GT, _NC), jnp.float32),
        pltpu.VMEM((_GT, _NC), jnp.int32),
        pltpu.VMEM((_GT, _NC), jnp.int32),
    ],
)


def _gather_body(pc_hbm, rep_hbm, nn_hbm, center_hbm, nb_hbm,
                 pc_v, rep_v, nn_v, cen_v, nb_v):
    wid = lax.axis_index("s") * 2 + lax.axis_index("c")
    b = wid // _WPB
    q = wid % _WPB
    g0 = q * _GPW
    pltpu.sync_copy(pc_hbm.at[b], pc_v)
    pltpu.sync_copy(rep_hbm.at[b, pl.ds(g0, _GPW)], rep_v)
    pltpu.sync_copy(nn_hbm.at[b, pl.ds(g0 * _S, _GPW * _S)], nn_v)
    i16 = lax.iota(jnp.int32, 16)

    for t in range(_GPW // 16):
        base = t * 16
        gidx = rep_v[pl.ds(base, 16)] * 8
        rows = (i16 + base) * 8
        for ch in range(8):
            v = plsc.load_gather(pc_v, [gidx + ch])
            plsc.store_scatter(cen_v, [rows + ch], v)

    def body(t, carry):
        base = t * 16
        nidx = nn_v[pl.ds(base, 16)] * 8
        rows = (i16 + base) * 8
        gvec = lax.shift_right_logical(i16 + base, 5) * 8
        for ch in range(8):
            v = plsc.load_gather(pc_v, [nidx + ch])
            if ch < 3:
                c = plsc.load_gather(cen_v, [gvec + ch])
                v = v - c
            plsc.store_scatter(nb_v, [rows + ch], v)
        return carry

    lax.fori_loop(0, _GPW * _S // 16, body, 0)
    pltpu.sync_copy(cen_v, center_hbm.at[b, pl.ds(g0 * 8, _GPW * 8)])
    pltpu.sync_copy(nb_v, nb_hbm.at[b, pl.ds(g0 * _S * 8, _GPW * _S * 8)])


@functools.cache
def _make_gather():
    return functools.partial(
        pl.kernel,
        mesh=plsc.VectorSubcoreMesh(core_axis_name="c", subcore_axis_name="s"),
        compiler_params=pltpu.CompilerParams(needs_layout_passes=False),
        out_type=(
            jax.ShapeDtypeStruct((_B, _G * 8), jnp.float32),
            jax.ShapeDtypeStruct((_B, _G * _S * 8), jnp.float32),
        ),
        scratch_types=[
            pltpu.VMEM((_N * 8,), jnp.float32),
            pltpu.VMEM((_GPW,), jnp.int32),
            pltpu.VMEM((_GPW * _S,), jnp.int32),
            pltpu.VMEM((_GPW * 8,), jnp.float32),
            pltpu.VMEM((_GPW * _S * 8,), jnp.float32),
        ],
    )(_gather_body)


def kernel(pc):
    pos_t = jnp.transpose(pc[:, :, :3], (2, 0, 1))
    sel, cxo, cyo, czo = _fps(pos_t)
    rep_idx = sel[:, :, 0].T
    c_gt = jnp.stack(
        [cxo[:, :, 0].T, cyo[:, :, 0].T, czo[:, :, 0].T], axis=2)
    pos_bt = jnp.transpose(pos_t, (1, 0, 2))
    nn_idx = _knn(pos_bt, c_gt)
    pc_pad = jnp.concatenate(
        [pc, jnp.zeros((_B, _N, 2), pc.dtype)], axis=-1)
    center8, nb8 = _make_gather()(pc_pad.reshape(_B, _N * 8), rep_idx,
                                  nn_idx.reshape(_B, _G * _S))
    nb = nb8.reshape(_B, _G, _S, 8)[..., :6]
    center = center8.reshape(_B, _G, 8)[..., :6]
    return nb, center, nn_idx

# --- scband reference (transcript-rebuilt; emitter-appended) ---
"""Pipeline reference for scband-group-50044958933387 (READ-ONLY COPY).

The authoritative reference and input builder live on the scoring server;
editing this copy changes nothing except your own understanding.
"""

import jax, jax.numpy as jnp
import numpy as np

NUM_GROUP = 512
GROUP_SIZE = 32

def sample_farthest_points(pos, K):
    B, N, _ = pos.shape
    barange = jnp.arange(B)
    idx0 = jnp.zeros((B,), dtype=jnp.int32)
    sel = jnp.zeros((B, K), dtype=jnp.int32).at[:, 0].set(idx0)
    first = pos[barange, idx0]
    dists = jnp.sum((pos - first[:, None, :]) ** 2, axis=-1)
    def body(i, state):
        sel, dists = state
        nxt = jnp.argmax(dists, axis=1).astype(jnp.int32)
        sel = sel.at[:, i].set(nxt)
        npnt = pos[barange, nxt]
        nd = jnp.sum((pos - npnt[:, None, :]) ** 2, axis=-1)
        return sel, jnp.minimum(dists, nd)
    sel, _ = jax.lax.fori_loop(1, K, body, (sel, dists))
    return sel

def _cdist(a, b):
    # a: [B, G, 3], b: [B, N, 3] -> [B, G, N] Euclidean distances
    a2 = jnp.sum(a * a, axis=-1)[:, :, None]
    b2 = jnp.sum(b * b, axis=-1)[:, None, :]
    ab = jnp.einsum('bgd,bnd->bgn', a, b)
    return jnp.sqrt(jnp.maximum(a2 + b2 - 2.0 * ab, 0.0))

def setup_inputs(seed: int = 0):
    key = jax.random.key(seed)
    pc = jax.random.normal(key, (8, 8192, 6), dtype=jnp.float32)
    return {"pc": pc}

def reference(pc):
    B, N, C = pc.shape
    pos = pc[:, :, 0:3]
    # farthest point sampling (indices are discrete -> stop_gradient on inputs)
    rep_idx = sample_farthest_points(jax.lax.stop_gradient(pos), NUM_GROUP)  # [B, G]
    center = jnp.take_along_axis(pc, rep_idx[:, :, None].astype(jnp.int32), axis=1)  # [B, G, C]
    # kNN search: distances from centers to all points, take smallest GROUP_SIZE
    dist = _cdist(jax.lax.stop_gradient(center[:, :, 0:3]), jax.lax.stop_gradient(pos))  # [B, G, N]
    neg_vals, nn_idx = jax.lax.top_k(-dist, GROUP_SIZE)  # smallest distances, sorted ascending
    # knn_gather
    neighborhood = jax.vmap(lambda p, i: p[i])(pc, nn_idx)  # [B, G, S, C]
    nb = jnp.concatenate([neighborhood[..., 0:3] - center[:, :, None, 0:3], neighborhood[..., 3:]], axis=-1)
    return nb, center, nn_idx

if __name__ == "__main__":
    import jax
    _d = setup_inputs()
    print(jax.jit(kernel)(*tuple(_d.values())))

</pallas_src>

<mosaic_0001>
#map = affine_map<(d0, d1) -> (0, 0)>
module attributes {stable_mosaic.version = 14 : i64} {
  func.func @_gather_body(%arg0: i32, %arg1: i32, %arg2: memref<8x65536xf32, #tpu.memory_space<hbm>>, %arg3: memref<8x512xi32, #tpu.memory_space<hbm>>, %arg4: memref<8x16384xi32, #tpu.memory_space<hbm>>, %arg5: memref<8x4096xf32, #tpu.memory_space<hbm>>, %arg6: memref<8x131072xf32, #tpu.memory_space<hbm>>, %arg7: memref<65536xf32, #tpu.memory_space<vmem>>, %arg8: memref<128xi32, #tpu.memory_space<vmem>>, %arg9: memref<4096xi32, #tpu.memory_space<vmem>>, %arg10: memref<1024xf32, #tpu.memory_space<vmem>>, %arg11: memref<32768xf32, #tpu.memory_space<vmem>>) attributes {dimension_semantics = [#tpu.dimension_semantics<core_parallel>, #tpu.dimension_semantics<subcore_parallel>], iteration_bounds = array<i64: 2, 16>, scalar_prefetch = 0 : i64, scratch_operands = 5 : i64, tpu.core_type = #tpu.core_type<sc_vector_subcore>, window_params = [{transform_indices = #map}, {transform_indices = #map}, {transform_indices = #map}, {transform_indices = #map}, {transform_indices = #map}]} {
    %mul3A = arith.constant 2 : i32
    %mul3A_0 = arith.muli %arg1, %mul3A : i32
    %add3A = arith.addi %mul3A_0, %arg0 : i32
    %jit3A = arith.constant 4 : i32
    %div3A = arith.divsi %add3A, %jit3A : i32
    %sign3A = arith.constant 0 : i32
    %sign3A_1 = arith.cmpi sgt, %add3A, %sign3A : i32
    %sign3A_2 = arith.extui %sign3A_1 : i1 to i32
    %sign3A_3 = arith.constant 0 : i32
    %sign3A_4 = arith.cmpi slt, %add3A, %sign3A_3 : i32
    %sign3A_5 = arith.extui %sign3A_4 : i1 to i32
    %sign3A_6 = arith.subi %sign3A_2, %sign3A_5 : i32
    %sign3A_7 = arith.constant 0 : i32
    %sign3A_8 = arith.cmpi sgt, %jit3A, %sign3A_7 : i32
    %sign3A_9 = arith.extui %sign3A_8 : i1 to i32
    %sign3A_10 = arith.constant 0 : i32
    %sign3A_11 = arith.cmpi slt, %jit3A, %sign3A_10 : i32
    %sign3A_12 = arith.extui %sign3A_11 : i1 to i32
    %sign3A_13 = arith.subi %sign3A_9, %sign3A_12 : i32
    %ne3A = arith.cmpi ne, %sign3A_6, %sign3A_13 : i32
    %rem3A = arith.remsi %add3A, %jit3A : i32
    %ne3A_14 = arith.constant 0 : i32
    %ne3A_15 = arith.cmpi ne, %rem3A, %ne3A_14 : i32
    %and3A = arith.andi %ne3A, %ne3A_15 : i1
    %sub3A = arith.constant 1 : i32
    %sub3A_16 = arith.subi %div3A, %sub3A : i32
    %select_n3A = arith.select %and3A, %sub3A_16, %div3A : i32
    %jit3A_17 = arith.constant 4 : i32
    %eq3A = arith.constant 0 : i32
    %eq3A_18 = arith.cmpi eq, %jit3A_17, %eq3A : i32
    %jit3A_19 = arith.constant 1 : i32
    %select_n3A_20 = arith.select %eq3A_18, %jit3A_19, %jit3A_17 : i32
    %rem3A_21 = arith.remsi %add3A, %select_n3A_20 : i32
    %ne3A_22 = arith.constant 0 : i32
    %ne3A_23 = arith.cmpi ne, %rem3A_21, %ne3A_22 : i32
    %lt3A = arith.constant 0 : i32
    %lt3A_24 = arith.cmpi slt, %rem3A_21, %lt3A : i32
    %lt3A_25 = arith.constant 0 : i32
    %lt3A_26 = arith.cmpi slt, %select_n3A_20, %lt3A_25 : i32
    %ne3A_27 = arith.xori %lt3A_24, %lt3A_26 : i1
    %and3A_28 = arith.andi %ne3A_27, %ne3A_23 : i1
    %add3A_29 = arith.addi %rem3A_21, %select_n3A_20 : i32
    %select_n3A_30 = arith.select %and3A_28, %add3A_29, %rem3A_21 : i32
    %mul3A_31 = arith.constant 128 : i32
    %mul3A_32 = arith.muli %select_n3A_30, %mul3A_31 : i32
    "tpu.region"() ({
      %run_scoped3A = tpu.sem_alloc : memref<!tpu.dma_semaphore, #tpu.memory_space<semaphore_mem>>
      %dma_start3A = arith.constant 0 : i32
      %dma_start3A_580 = tpu.memref_slice %arg2[%select_n3A, %dma_start3A] : memref<8x65536xf32, #tpu.memory_space<hbm>> -> memref<1x65536xf32, #tpu.memory_space<hbm>>
      %dma_start3A_581 = tpu.memref_squeeze %dma_start3A_580 : memref<1x65536xf32, #tpu.memory_space<hbm>> -> memref<65536xf32, #tpu.memory_space<hbm>>
      %dma_start3A_582 = arith.constant 0 : i32
      %dma_start3A_583 = tpu.memref_slice %arg2[%select_n3A, %dma_start3A_582] : memref<8x65536xf32, #tpu.memory_space<hbm>> -> memref<1x65536xf32, #tpu.memory_space<hbm>>
      %dma_start3A_584 = tpu.memref_squeeze %dma_start3A_583 : memref<1x65536xf32, #tpu.memory_space<hbm>> -> memref<65536xf32, #tpu.memory_space<hbm>>
      tpu.enqueue_dma source(%dma_start3A_584 : memref<65536xf32, #tpu.memory_space<hbm>>) target(%arg7 : memref<65536xf32, #tpu.memory_space<vmem>>) target_semaphore(%run_scoped3A : memref<!tpu.dma_semaphore, #tpu.memory_space<semaphore_mem>>)
      %dma_wait3A = arith.constant 0 : i32
      %dma_wait3A_585 = tpu.memref_slice %arg2[%select_n3A, %dma_wait3A] : memref<8x65536xf32, #tpu.memory_space<hbm>> -> memref<1x65536xf32, #tpu.memory_space<hbm>>
      %dma_wait3A_586 = tpu.memref_squeeze %dma_wait3A_585 : memref<1x65536xf32, #tpu.memory_space<hbm>> -> memref<65536xf32, #tpu.memory_space<hbm>>
      %dma_wait3A_587 = arith.constant 0 : i32
      %dma_wait3A_588 = tpu.memref_slice %arg2[%select_n3A, %dma_wait3A_587] : memref<8x65536xf32, #tpu.memory_space<hbm>> -> memref<1x65536xf32, #tpu.memory_space<hbm>>
      %dma_wait3A_589 = tpu.memref_squeeze %dma_wait3A_588 : memref<1x65536xf32, #tpu.memory_space<hbm>> -> memref<65536xf32, #tpu.memory_space<hbm>>
      tpu.wait_dma2 semaphore(%run_scoped3A : memref<!tpu.dma_semaphore, #tpu.memory_space<semaphore_mem>>) src(%dma_wait3A_589 : memref<65536xf32, #tpu.memory_space<hbm>>) dst(%arg7 : memref<65536xf32, #tpu.memory_space<vmem>>)
      tpu.yield
    }) : () -> ()
    "tpu.region"() ({
      %run_scoped3A = tpu.sem_alloc : memref<!tpu.dma_semaphore, #tpu.memory_space<semaphore_mem>>
      %dma_start3A = tpu.memref_slice %arg3[%select_n3A, %mul3A_32] : memref<8x512xi32, #tpu.memory_space<hbm>> -> memref<1x128xi32, #tpu.memory_space<hbm>>
      %dma_start3A_580 = tpu.memref_squeeze %dma_start3A : memref<1x128xi32, #tpu.memory_space<hbm>> -> memref<128xi32, #tpu.memory_space<hbm>>
      %dma_start3A_581 = tpu.memref_slice %arg3[%select_n3A, %mul3A_32] : memref<8x512xi32, #tpu.memory_space<hbm>> -> memref<1x128xi32, #tpu.memory_space<hbm>>
      %dma_start3A_582 = tpu.memref_squeeze %dma_start3A_581 : memref<1x128xi32, #tpu.memory_space<hbm>> -> memref<128xi32, #tpu.memory_space<hbm>>
      tpu.enqueue_dma source(%dma_start3A_582 : memref<128xi32, #tpu.memory_space<hbm>>) target(%arg8 : memref<128xi32, #tpu.memory_space<vmem>>) target_semaphore(%run_scoped3A : memref<!tpu.dma_semaphore, #tpu.memory_space<semaphore_mem>>)
      %dma_wait3A = tpu.memref_slice %arg3[%select_n3A, %mul3A_32] : memref<8x512xi32, #tpu.memory_space<hbm>> -> memref<1x128xi32, #tpu.memory_space<hbm>>
      %dma_wait3A_583 = tpu.memref_squeeze %dma_wait3A : memref<1x128xi32, #tpu.memory_space<hbm>> -> memref<128xi32, #tpu.memory_space<hbm>>
      %dma_wait3A_584 = tpu.memref_slice %arg3[%select_n3A, %mul3A_32] : memref<8x512xi32, #tpu.memory_space<hbm>> -> memref<1x128xi32, #tpu.memory_space<hbm>>
      %dma_wait3A_585 = tpu.memref_squeeze %dma_wait3A_584 : memref<1x128xi32, #tpu.memory_space<hbm>> -> memref<128xi32, #tpu.memory_space<hbm>>
      tpu.wait_dma2 semaphore(%run_scoped3A : memref<!tpu.dma_semaphore, #tpu.memory_space<semaphore_mem>>) src(%dma_wait3A_585 : memref<128xi32, #tpu.memory_space<hbm>>) dst(%arg8 : memref<128xi32, #tpu.memory_space<vmem>>)
      tpu.yield
    }) : () -> ()
    %mul3A_33 = arith.constant 32 : i32
    %mul3A_34 = arith.muli %mul3A_32, %mul3A_33 : i32
    "tpu.region"() ({
      %run_scoped3A = tpu.sem_alloc : memref<!tpu.dma_semaphore, #tpu.memory_space<semaphore_mem>>
      %dma_start3A = tpu.memref_slice %arg4[%select_n3A, %mul3A_34] : memref<8x16384xi32, #tpu.memory_space<hbm>> -> memref<1x4096xi32, #tpu.memory_space<hbm>>
      %dma_start3A_580 = tpu.memref_squeeze %dma_start3A : memref<1x4096xi32, #tpu.memory_space<hbm>> -> memref<4096xi32, #tpu.memory_space<hbm>>
      %dma_start3A_581 = tpu.memref_slice %arg4[%select_n3A, %mul3A_34] : memref<8x16384xi32, #tpu.memory_space<hbm>> -> memref<1x4096xi32, #tpu.memory_space<hbm>>
      %dma_start3A_582 = tpu.memref_squeeze %dma_start3A_581 : memref<1x4096xi32, #tpu.memory_space<hbm>> -> memref<4096xi32, #tpu.memory_space<hbm>>
      tpu.enqueue_dma source(%dma_start3A_582 : memref<4096xi32, #tpu.memory_space<hbm>>) target(%arg9 : memref<4096xi32, #tpu.memory_space<vmem>>) target_semaphore(%run_scoped3A : memref<!tpu.dma_semaphore, #tpu.memory_space<semaphore_mem>>)
      %dma_wait3A = tpu.memref_slice %arg4[%select_n3A, %mul3A_34] : memref<8x16384xi32, #tpu.memory_space<hbm>> -> memref<1x4096xi32, #tpu.memory_space<hbm>>
      %dma_wait3A_583 = tpu.memref_squeeze %dma_wait3A : memref<1x4096xi32, #tpu.memory_space<hbm>> -> memref<4096xi32, #tpu.memory_space<hbm>>
      %dma_wait3A_584 = tpu.memref_slice %arg4[%select_n3A, %mul3A_34] : memref<8x16384xi32, #tpu.memory_space<hbm>> -> memref<1x4096xi32, #tpu.memory_space<hbm>>
      %dma_wait3A_585 = tpu.memref_squeeze %dma_wait3A_584 : memref<1x4096xi32, #tpu.memory_space<hbm>> -> memref<4096xi32, #tpu.memory_space<hbm>>
      tpu.wait_dma2 semaphore(%run_scoped3A : memref<!tpu.dma_semaphore, #tpu.memory_space<semaphore_mem>>) src(%dma_wait3A_585 : memref<4096xi32, #tpu.memory_space<hbm>>) dst(%arg9 : memref<4096xi32, #tpu.memory_space<vmem>>)
      tpu.yield
    }) : () -> ()
    %iota3A = tpu.iota {dimensions = array<i32: 0>} : vector<16xi32>
    %get3A = arith.constant 0 : index
    %get3A_35 = tpu.vector_load %arg8[%get3A] {strides = array<i32>} : memref<128xi32, #tpu.memory_space<vmem>>, vector<16xi32>,
    %mul3A_36 = arith.constant 8 : i32
    %mul3A_37 = vector.broadcast %mul3A_36 : i32 to vector<16xi32>
    %mul3A_38 = arith.muli %get3A_35, %mul3A_37 : vector<16xi32>
    %add3A_39 = arith.constant 0 : i32
    %add3A_40 = vector.broadcast %add3A_39 : i32 to vector<16xi32>
    %add3A_41 = arith.addi %iota3A, %add3A_40 : vector<16xi32>
    %mul3A_42 = arith.constant 8 : i32
    %mul3A_43 = vector.broadcast %mul3A_42 : i32 to vector<16xi32>
    %mul3A_44 = arith.muli %add3A_41, %mul3A_43 : vector<16xi32>
    %add3A_45 = arith.constant 0 : i32
    %add3A_46 = vector.broadcast %add3A_45 : i32 to vector<16xi32>
    %add3A_47 = arith.addi %mul3A_38, %add3A_46 : vector<16xi32>
    %gather3A = tpu.vector_load_idx %arg7[%add3A_47] : memref<65536xf32, #tpu.memory_space<vmem>>[vector<16xi32>], vector<16xf32>,
    %add3A_48 = arith.constant 0 : i32
    %add3A_49 = vector.broadcast %add3A_48 : i32 to vector<16xi32>
    %add3A_50 = arith.addi %mul3A_44, %add3A_49 : vector<16xi32>
    tpu.vector_store_idx %arg10[%add3A_50], %gather3A : memref<1024xf32, #tpu.memory_space<vmem>>[vector<16xi32>], vector<16xf32>,
    %add3A_51 = arith.constant 1 : i32
    %add3A_52 = vector.broadcast %add3A_51 : i32 to vector<16xi32>
    %add3A_53 = arith.addi %mul3A_38, %add3A_52 : vector<16xi32>
    %gather3A_54 = tpu.vector_load_idx %arg7[%add3A_53] : memref<65536xf32, #tpu.memory_space<vmem>>[vector<16xi32>], vector<16xf32>,
    %add3A_55 = arith.constant 1 : i32
    %add3A_56 = vector.broadcast %add3A_55 : i32 to vector<16xi32>
    %add3A_57 = arith.addi %mul3A_44, %add3A_56 : vector<16xi32>
    tpu.vector_store_idx %arg10[%add3A_57], %gather3A_54 : memref<1024xf32, #tpu.memory_space<vmem>>[vector<16xi32>], vector<16xf32>,
    %add3A_58 = arith.constant 2 : i32
    %add3A_59 = vector.broadcast %add3A_58 : i32 to vector<16xi32>
    %add3A_60 = arith.addi %mul3A_38, %add3A_59 : vector<16xi32>
    %gather3A_61 = tpu.vector_load_idx %arg7[%add3A_60] : memref<65536xf32, #tpu.memory_space<vmem>>[vector<16xi32>], vector<16xf32>,
    %add3A_62 = arith.constant 2 : i32
    %add3A_63 = vector.broadcast %add3A_62 : i32 to vector<16xi32>
    %add3A_64 = arith.addi %mul3A_44, %add3A_63 : vector<16xi32>
    tpu.vector_store_idx %arg10[%add3A_64], %gather3A_61 : memref<1024xf32, #tpu.memory_space<vmem>>[vector<16xi32>], vector<16xf32>,
    %add3A_65 = arith.constant 3 : i32
    %add3A_66 = vector.broadcast %add3A_65 : i32 to vector<16xi32>
    %add3A_67 = arith.addi %mul3A_38, %add3A_66 : vector<16xi32>
    %gather3A_68 = tpu.vector_load_idx %arg7[%add3A_67] : memref<65536xf32, #tpu.memory_space<vmem>>[vector<16xi32>], vector<16xf32>,
    %add3A_69 = arith.constant 3 : i32
    %add3A_70 = vector.broadcast %add3A_69 : i32 to vector<16xi32>
    %add3A_71 = arith.addi %mul3A_44, %add3A_70 : vector<16xi32>
    tpu.vector_store_idx %arg10[%add3A_71], %gather3A_68 : memref<1024xf32, #tpu.memory_space<vmem>>[vector<16xi32>], vector<16xf32>,
    %add3A_72 = arith.constant 4 : i32
    %add3A_73 = vector.broadcast %add3A_72 : i32 to vector<16xi32>
    %add3A_74 = arith.addi %mul3A_38, %add3A_73 : vector<16xi32>
    %gather3A_75 = tpu.vector_load_idx %arg7[%add3A_74] : memref<65536xf32, #tpu.memory_space<vmem>>[vector<16xi32>], vector<16xf32>,
    %add3A_76 = arith.constant 4 : i32
    %add3A_77 = vector.broadcast %add3A_76 : i32 to vector<16xi32>
    %add3A_78 = arith.addi %mul3A_44, %add3A_77 : vector<16xi32>
    tpu.vector_store_idx %arg10[%add3A_78], %gather3A_75 : memref<1024xf32, #tpu.memory_space<vmem>>[vector<16xi32>], vector<16xf32>,
    %add3A_79 = arith.constant 5 : i32
    %add3A_80 = vector.broadcast %add3A_79 : i32 to vector<16xi32>
    %add3A_81 = arith.addi %mul3A_38, %add3A_80 : vector<16xi32>
    %gather3A_82 = tpu.vector_load_idx %arg7[%add3A_81] : memref<65536xf32, #tpu.memory_space<vmem>>[vector<16xi32>], vector<16xf32>,
    %add3A_83 = arith.constant 5 : i32
    %add3A_84 = vector.broadcast %add3A_83 : i32 to vector<16xi32>
    %add3A_85 = arith.addi %mul3A_44, %add3A_84 : vector<16xi32>
    tpu.vector_store_idx %arg10[%add3A_85], %gather3A_82 : memref<1024xf32, #tpu.memory_space<vmem>>[vector<16xi32>], vector<16xf32>,
    %add3A_86 = arith.constant 6 : i32
    %add3A_87 = vector.broadcast %add3A_86 : i32 to vector<16xi32>
    %add3A_88 = arith.addi %mul3A_38, %add3A_87 : vector<16xi32>
    %gather3A_89 = tpu.vector_load_idx %arg7[%add3A_88] : memref<65536xf32, #tpu.memory_space<vmem>>[vector<16xi32>], vector<16xf32>,
    %add3A_90 = arith.constant 6 : i32
    %add3A_91 = vector.broadcast %add3A_90 : i32 to vector<16xi32>
    %add3A_92 = arith.addi %mul3A_44, %add3A_91 : vector<16xi32>
    tpu.vector_store_idx %arg10[%add3A_92], %gather3A_89 : memref<1024xf32, #tpu.memory_space<vmem>>[vector<16xi32>], vector<16xf32>,
    %add3A_93 = arith.constant 7 : i32
    %add3A_94 = vector.broadcast %add3A_93 : i32 to vector<16xi32>
    %add3A_95 = arith.addi %mul3A_38, %add3A_94 : vector<16xi32>
    %gather3A_96 = tpu.vector_load_idx %arg7[%add3A_95] : memref<65536xf32, #tpu.memory_space<vmem>>[vector<16xi32>], vector<16xf32>,
    %add3A_97 = arith.constant 7 : i32
    %add3A_98 = vector.broadcast %add3A_97 : i32 to vector<16xi32>
    %add3A_99 = arith.addi %mul3A_44, %add3A_98 : vector<16xi32>
    tpu.vector_store_idx %arg10[%add3A_99], %gather3A_96 : memref<1024xf32, #tpu.memory_space<vmem>>[vector<16xi32>], vector<16xf32>,
    %get3A_100 = arith.constant 16 : index
    %get3A_101 = tpu.vector_load %arg8[%get3A_100] {strides = array<i32>} : memref<128xi32, #tpu.memory_space<vmem>>, vector<16xi32>,
    %mul3A_102 = arith.constant 8 : i32
    %mul3A_103 = vector.broadcast %mul3A_102 : i32 to vector<16xi32>
    %mul3A_104 = arith.muli %get3A_101, %mul3A_103 : vector<16xi32>
    %add3A_105 = arith.constant 16 : i32
    %add3A_106 = vector.broadcast %add3A_105 : i32 to vector<16xi32>
    %add3A_107 = arith.addi %iota3A, %add3A_106 : vector<16xi32>
    %mul3A_108 = arith.constant 8 : i32
    %mul3A_109 = vector.broadcast %mul3A_108 : i32 to vector<16xi32>
    %mul3A_110 = arith.muli %add3A_107, %mul3A_109 : vector<16xi32>
    %add3A_111 = arith.constant 0 : i32
    %add3A_112 = vector.broadcast %add3A_111 : i32 to vector<16xi32>
    %add3A_113 = arith.addi %mul3A_104, %add3A_112 : vector<16xi32>
    %gather3A_114 = tpu.vector_load_idx %arg7[%add3A_113] : memref<65536xf32, #tpu.memory_space<vmem>>[vector<16xi32>], vector<16xf32>,
    %add3A_115 = arith.constant 0 : i32
    %add3A_116 = vector.broadcast %add3A_115 : i32 to vector<16xi32>
    %add3A_117 = arith.addi %mul3A_110, %add3A_116 : vector<16xi32>
    tpu.vector_store_idx %arg10[%add3A_117], %gather3A_114 : memref<1024xf32, #tpu.memory_space<vmem>>[vector<16xi32>], vector<16xf32>,
    %add3A_118 = arith.constant 1 : i32
    %add3A_119 = vector.broadcast %add3A_118 : i32 to vector<16xi32>
    %add3A_120 = arith.addi %mul3A_104, %add3A_119 : vector<16xi32>
    %gather3A_121 = tpu.vector_load_idx %arg7[%add3A_120] : memref<65536xf32, #tpu.memory_space<vmem>>[vector<16xi32>], vector<16xf32>,
    %add3A_122 = arith.constant 1 : i32
    %add3A_123 = vector.broadcast %add3A_122 : i32 to vector<16xi32>
    %add3A_124 = arith.addi %mul3A_110, %add3A_123 : vector<16xi32>
    tpu.vector_store_idx %arg10[%add3A_124], %gather3A_121 : memref<1024xf32, #tpu.memory_space<vmem>>[vector<16xi32>], vector<16xf32>,
    %add3A_125 = arith.constant 2 : i32
    %add3A_126 = vector.broadcast %add3A_125 : i32 to vector<16xi32>
    %add3A_127 = arith.addi %mul3A_104, %add3A_126 : vector<16xi32>
    %gather3A_128 = tpu.vector_load_idx %arg7[%add3A_127] : memref<65536xf32, #tpu.memory_space<vmem>>[vector<16xi32>], vector<16xf32>,
    %add3A_129 = arith.constant 2 : i32
    %add3A_130 = vector.broadcast %add3A_129 : i32 to vector<16xi32>
    %add3A_131 = arith.addi %mul3A_110, %add3A_130 : vector<16xi32>
    tpu.vector_store_idx %arg10[%add3A_131], %gather3A_128 : memref<1024xf32, #tpu.memory_space<vmem>>[vector<16xi32>], vector<16xf32>,
    %add3A_132 = arith.constant 3 : i32
    %add3A_133 = vector.broadcast %add3A_132 : i32 to vector<16xi32>
    %add3A_134 = arith.addi %mul3A_104, %add3A_133 : vector<16xi32>
    %gather3A_135 = tpu.vector_load_idx %arg7[%add3A_134] : memref<65536xf32, #tpu.memory_space<vmem>>[vector<16xi32>], vector<16xf32>,
    %add3A_136 = arith.constant 3 : i32
    %add3A_137 = vector.broadcast %add3A_136 : i32 to vector<16xi32>
    %add3A_138 = arith.addi %mul3A_110, %add3A_137 : vector<16xi32>
    tpu.vector_store_idx %arg10[%add3A_138], %gather3A_135 : memref<1024xf32, #tpu.memory_space<vmem>>[vector<16xi32>], vector<16xf32>,
    %add3A_139 = arith.constant 4 : i32
    %add3A_140 = vector.broadcast %add3A_139 : i32 to vector<16xi32>
    %add3A_141 = arith.addi %mul3A_104, %add3A_140 : vector<16xi32>
    %gather3A_142 = tpu.vector_load_idx %arg7[%add3A_141] : memref<65536xf32, #tpu.memory_space<vmem>>[vector<16xi32>], vector<16xf32>,
    %add3A_143 = arith.constant 4 : i32
    %add3A_144 = vector.broadcast %add3A_143 : i32 to vector<16xi32>
    %add3A_145 = arith.addi %mul3A_110, %add3A_144 : vector<16xi32>
    tpu.vector_store_idx %arg10[%add3A_145], %gather3A_142 : memref<1024xf32, #tpu.memory_space<vmem>>[vector<16xi32>], vector<16xf32>,
    %add3A_146 = arith.constant 5 : i32
    %add3A_147 = vector.broadcast %add3A_146 : i32 to vector<16xi32>
    %add3A_148 = arith.addi %mul3A_104, %add3A_147 : vector<16xi32>
    %gather3A_149 = tpu.vector_load_idx %arg7[%add3A_148] : memref<65536xf32, #tpu.memory_space<vmem>>[vector<16xi32>], vector<16xf32>,
    %add3A_150 = arith.constant 5 : i32
    %add3A_151 = vector.broadcast %add3A_150 : i32 to vector<16xi32>
    %add3A_152 = arith.addi %mul3A_110, %add3A_151 : vector<16xi32>
    tpu.vector_store_idx %arg10[%add3A_152], %gather3A_149 : memref<1024xf32, #tpu.memory_space<vmem>>[vector<16xi32>], vector<16xf32>,
    %add3A_153 = arith.constant 6 : i32
    %add3A_154 = vector.broadcast %add3A_153 : i32 to vector<16xi32>
    %add3A_155 = arith.addi %mul3A_104, %add3A_154 : vector<16xi32>
    %gather3A_156 = tpu.vector_load_idx %arg7[%add3A_155] : memref<65536xf32, #tpu.memory_space<vmem>>[vector<16xi32>], vector<16xf32>,
    %add3A_157 = arith.constant 6 : i32
    %add3A_158 = vector.broadcast %add3A_157 : i32 to vector<16xi32>
    %add3A_159 = arith.addi %mul3A_110, %add3A_158 : vector<16xi32>
    tpu.vector_store_idx %arg10[%add3A_159], %gather3A_156 : memref<1024xf32, #tpu.memory_space<vmem>>[vector<16xi32>], vector<16xf32>,
    %add3A_160 = arith.constant 7 : i32
    %add3A_161 = vector.broadcast %add3A_160 : i32 to vector<16xi32>
    %add3A_162 = arith.addi %mul3A_104, %add3A_161 : vector<16xi32>
    %gather3A_163 = tpu.vector_load_idx %arg7[%add3A_162] : memref<65536xf32, #tpu.memory_space<vmem>>[vector<16xi32>], vector<16xf32>,
    %add3A_164 = arith.constant 7 : i32
    %add3A_165 = vector.broadcast %add3A_164 : i32 to vector<16xi32>
    %add3A_166 = arith.addi %mul3A_110, %add3A_165 : vector<16xi32>
    tpu.vector_store_idx %arg10[%add3A_166], %gather3A_163 : memref<1024xf32, #tpu.memory_space<vmem>>[vector<16xi32>], vector<16xf32>,
    %get3A_167 = arith.constant 32 : index
    %get3A_168 = tpu.vector_load %arg8[%get3A_167] {strides = array<i32>} : memref<128xi32, #tpu.memory_space<vmem>>, vector<16xi32>,
    %mul3A_169 = arith.constant 8 : i32
    %mul3A_170 = vector.broadcast %mul3A_169 : i32 to vector<16xi32>
    %mul3A_171 = arith.muli %get3A_168, %mul3A_170 : vector<16xi32>
    %add3A_172 = arith.constant 32 : i32
    %add3A_173 = vector.broadcast %add3A_172 : i32 to vector<16xi32>
    %add3A_174 = arith.addi %iota3A, %add3A_173 : vector<16xi32>
    %mul3A_175 = arith.constant 8 : i32
    %mul3A_176 = vector.broadcast %mul3A_175 : i32 to vector<16xi32>
    %mul3A_177 = arith.muli %add3A_174, %mul3A_176 : vector<16xi32>
    %add3A_178 = arith.constant 0 : i32
    %add3A_179 = vector.broadcast %add3A_178 : i32 to vector<16xi32>
    %add3A_180 = arith.addi %mul3A_171, %add3A_179 : vector<16xi32>
    %gather3A_181 = tpu.vector_load_idx %arg7[%add3A_180] : memref<65536xf32, #tpu.memory_space<vmem>>[vector<16xi32>], vector<16xf32>,
    %add3A_182 = arith.constant 0 : i32
    %add3A_183 = vector.broadcast %add3A_182 : i32 to vector<16xi32>
    %add3A_184 = arith.addi %mul3A_177, %add3A_183 : vector<16xi32>
    tpu.vector_store_idx %arg10[%add3A_184], %gather3A_181 : memref<1024xf32, #tpu.memory_space<vmem>>[vector<16xi32>], vector<16xf32>,
    %add3A_185 = arith.constant 1 : i32
    %add3A_186 = vector.broadcast %add3A_185 : i32 to vector<16xi32>
    %add3A_187 = arith.addi %mul3A_171, %add3A_186 : vector<16xi32>
    %gather3A_188 = tpu.vector_load_idx %arg7[%add3A_187] : memref<65536xf32, #tpu.memory_space<vmem>>[vector<16xi32>], vector<16xf32>,
    %add3A_189 = arith.constant 1 : i32
    %add3A_190 = vector.broadcast %add3A_189 : i32 to vector<16xi32>
    %add3A_191 = arith.addi %mul3A_177, %add3A_190 : vector<16xi32>
    tpu.vector_store_idx %arg10[%add3A_191], %gather3A_188 : memref<1024xf32, #tpu.memory_space<vmem>>[vector<16xi32>], vector<16xf32>,
    %add3A_192 = arith.constant 2 : i32
    %add3A_193 = vector.broadcast %add3A_192 : i32 to vector<16xi32>
    %add3A_194 = arith.addi %mul3A_171, %add3A_193 : vector<16xi32>
    %gather3A_195 = tpu.vector_load_idx %arg7[%add3A_194] : memref<65536xf32, #tpu.memory_space<vmem>>[vector<16xi32>], vector<16xf32>,
    %add3A_196 = arith.constant 2 : i32
    %add3A_197 = vector.broadcast %add3A_196 : i32 to vector<16xi32>
    %add3A_198 = arith.addi %mul3A_177, %add3A_197 : vector<16xi32>
    tpu.vector_store_idx %arg10[%add3A_198], %gather3A_195 : memref<1024xf32, #tpu.memory_space<vmem>>[vector<16xi32>], vector<16xf32>,
    %add3A_199 = arith.constant 3 : i32
    %add3A_200 = vector.broadcast %add3A_199 : i32 to vector<16xi32>
    %add3A_201 = arith.addi %mul3A_171, %add3A_200 : vector<16xi32>
    %gather3A_202 = tpu.vector_load_idx %arg7[%add3A_201] : memref<65536xf32, #tpu.memory_space<vmem>>[vector<16xi32>], vector<16xf32>,
    %add3A_203 = arith.constant 3 : i32
    %add3A_204 = vector.broadcast %add3A_203 : i32 to vector<16xi32>
    %add3A_205 = arith.addi %mul3A_177, %add3A_204 : vector<16xi32>
    tpu.vector_store_idx %arg10[%add3A_205], %gather3A_202 : memref<1024xf32, #tpu.memory_space<vmem>>[vector<16xi32>], vector<16xf32>,
    %add3A_206 = arith.constant 4 : i32
    %add3A_207 = vector.broadcast %add3A_206 : i32 to vector<16xi32>
    %add3A_208 = arith.addi %mul3A_171, %add3A_207 : vector<16xi32>
    %gather3A_209 = tpu.vector_load_idx %arg7[%add3A_208] : memref<65536xf32, #tpu.memory_space<vmem>>[vector<16xi32>], vector<16xf32>,
    %add3A_210 = arith.constant 4 : i32
    %add3A_211 = vector.broadcast %add3A_210 : i32 to vector<16xi32>
    %add3A_212 = arith.addi %mul3A_177, %add3A_211 : vector<16xi32>
    tpu.vector_store_idx %arg10[%add3A_212], %gather3A_209 : memref<1024xf32, #tpu.memory_space<vmem>>[vector<16xi32>], vector<16xf32>,
    %add3A_213 = arith.constant 5 : i32
    %add3A_214 = vector.broadcast %add3A_213 : i32 to vector<16xi32>
    %add3A_215 = arith.addi %mul3A_171, %add3A_214 : vector<16xi32>
    %gather3A_216 = tpu.vector_load_idx %arg7[%add3A_215] : memref<65536xf32, #tpu.memory_space<vmem>>[vector<16xi32>], vector<16xf32>,
    %add3A_217 = arith.constant 5 : i32
    %add3A_218 = vector.broadcast %add3A_217 : i32 to vector<16xi32>
    %add3A_219 = arith.addi %mul3A_177, %add3A_218 : vector<16xi32>
    tpu.vector_store_idx %arg10[%add3A_219], %gather3A_216 : memref<1024xf32, #tpu.memory_space<vmem>>[vector<16xi32>], vector<16xf32>,
    %add3A_220 = arith.constant 6 : i32
    %add3A_221 = vector.broadcast %add3A_220 : i32 to vector<16xi32>
    %add3A_222 = arith.addi %mul3A_171, %add3A_221 : vector<16xi32>
    %gather3A_223 = tpu.vector_load_idx %arg7[%add3A_222] : memref<65536xf32, #tpu.memory_space<vmem>>[vector<16xi32>], vector<16xf32>,
    %add3A_224 = arith.constant 6 : i32
    %add3A_225 = vector.broadcast %add3A_224 : i32 to vector<16xi32>
    %add3A_226 = arith.addi %mul3A_177, %add3A_225 : vector<16xi32>
    tpu.vector_store_idx %arg10[%add3A_226], %gather3A_223 : memref<1024xf32, #tpu.memory_space<vmem>>[vector<16xi32>], vector<16xf32>,
    %add3A_227 = arith.constant 7 : i32
    %add3A_228 = vector.broadcast %add3A_227 : i32 to vector<16xi32>
    %add3A_229 = arith.addi %mul3A_171, %add3A_228 : vector<16xi32>
    %gather3A_230 = tpu.vector_load_idx %arg7[%add3A_229] : memref<65536xf32, #tpu.memory_space<vmem>>[vector<16xi32>], vector<16xf32>,
    %add3A_231 = arith.constant 7 : i32
    %add3A_232 = vector.broadcast %add3A_231 : i32 to vector<16xi32>
    %add3A_233 = arith.addi %mul3A_177, %add3A_232 : vector<16xi32>
    tpu.vector_store_idx %arg10[%add3A_233], %gather3A_230 : memref<1024xf32, #tpu.memory_space<vmem>>[vector<16xi32>], vector<16xf32>,
    %get3A_234 = arith.constant 48 : index
    %get3A_235 = tpu.vector_load %arg8[%get3A_234] {strides = array<i32>} : memref<128xi32, #tpu.memory_space<vmem>>, vector<16xi32>,
    %mul3A_236 = arith.constant 8 : i32
    %mul3A_237 = vector.broadcast %mul3A_236 : i32 to vector<16xi32>
    %mul3A_238 = arith.muli %get3A_235, %mul3A_237 : vector<16xi32>
    %add3A_239 = arith.constant 48 : i32
    %add3A_240 = vector.broadcast %add3A_239 : i32 to vector<16xi32>
    %add3A_241 = arith.addi %iota3A, %add3A_240 : vector<16xi32>
    %mul3A_242 = arith.constant 8 : i32
    %mul3A_243 = vector.broadcast %mul3A_242 : i32 to vector<16xi32>
    %mul3A_244 = arith.muli %add3A_241, %mul3A_243 : vector<16xi32>
    %add3A_245 = arith.constant 0 : i32
    %add3A_246 = vector.broadcast %add3A_245 : i32 to vector<16xi32>
    %add3A_247 = arith.addi %mul3A_238, %add3A_246 : vector<16xi32>
    %gather3A_248 = tpu.vector_load_idx %arg7[%add3A_247] : memref<65536xf32, #tpu.memory_space<vmem>>[vector<16xi32>], vector<16xf32>,
    %add3A_249 = arith.constant 0 : i32
    %add3A_250 = vector.broadcast %add3A_249 : i32 to vector<16xi32>
    %add3A_251 = arith.addi %mul3A_244, %add3A_250 : vector<16xi32>
    tpu.vector_store_idx %arg10[%add3A_251], %gather3A_248 : memref<1024xf32, #tpu.memory_space<vmem>>[vector<16xi32>], vector<16xf32>,
    %add3A_252 = arith.constant 1 : i32
    %add3A_253 = vector.broadcast %add3A_252 : i32 to vector<16xi32>
    %add3A_254 = arith.addi %mul3A_238, %add3A_253 : vector<16xi32>
    %gather3A_255 = tpu.vector_load_idx %arg7[%add3A_254] : memref<65536xf32, #tpu.memory_space<vmem>>[vector<16xi32>], vector<16xf32>,
    %add3A_256 = arith.constant 1 : i32
    %add3A_257 = vector.broadcast %add3A_256 : i32 to vector<16xi32>
    %add3A_258 = arith.addi %mul3A_244, %add3A_257 : vector<16xi32>
    tpu.vector_store_idx %arg10[%add3A_258], %gather3A_255 : memref<1024xf32, #tpu.memory_space<vmem>>[vector<16xi32>], vector<16xf32>,
    %add3A_259 = arith.constant 2 : i32
    %add3A_260 = vector.broadcast %add3A_259 : i32 to vector<16xi32>
    %add3A_261 = arith.addi %mul3A_238, %add3A_260 : vector<16xi32>
    %gather3A_262 = tpu.vector_load_idx %arg7[%add3A_261] : memref<65536xf32, #tpu.memory_space<vmem>>[vector<16xi32>], vector<16xf32>,
    %add3A_263 = arith.constant 2 : i32
    %add3A_264 = vector.broadcast %add3A_263 : i32 to vector<16xi32>
    %add3A_265 = arith.addi %mul3A_244, %add3A_264 : vector<16xi32>
    tpu.vector_store_idx %arg10[%add3A_265], %gather3A_262 : memref<1024xf32, #tpu.memory_space<vmem>>[vector<16xi32>], vector<16xf32>,
    %add3A_266 = arith.constant 3 : i32
    %add3A_267 = vector.broadcast %add3A_266 : i32 to vector<16xi32>
    %add3A_268 = arith.addi %mul3A_238, %add3A_267 : vector<16xi32>
    %gather3A_269 = tpu.vector_load_idx %arg7[%add3A_268] : memref<65536xf32, #tpu.memory_space<vmem>>[vector<16xi32>], vector<16xf32>,
    %add3A_270 = arith.constant 3 : i32
    %add3A_271 = vector.broadcast %add3A_270 : i32 to vector<16xi32>
    %add3A_272 = arith.addi %mul3A_244, %add3A_271 : vector<16xi32>
    tpu.vector_store_idx %arg10[%add3A_272], %gather3A_269 : memref<1024xf32, #tpu.memory_space<vmem>>[vector<16xi32>], vector<16xf32>,
    %add3A_273 = arith.constant 4 : i32
    %add3A_274 = vector.broadcast %add3A_273 : i32 to vector<16xi32>
    %add3A_275 = arith.addi %mul3A_238, %add3A_274 : vector<16xi32>
    %gather3A_276 = tpu.vector_load_idx %arg7[%add3A_275] : memref<65536xf32, #tpu.memory_space<vmem>>[vector<16xi32>], vector<16xf32>,
    %add3A_277 = arith.constant 4 : i32
    %add3A_278 = vector.broadcast %add3A_277 : i32 to vector<16xi32>
    %add3A_279 = arith.addi %mul3A_244, %add3A_278 : vector<16xi32>
    tpu.vector_store_idx %arg10[%add3A_279], %gather3A_276 : memref<1024xf32, #tpu.memory_space<vmem>>[vector<16xi32>], vector<16xf32>,
    %add3A_280 = arith.constant 5 : i32
    %add3A_281 = vector.broadcast %add3A_280 : i32 to vector<16xi32>
    %add3A_282 = arith.addi %mul3A_238, %add3A_281 : vector<16xi32>
    %gather3A_283 = tpu.vector_load_idx %arg7[%add3A_282] : memref<65536xf32, #tpu.memory_space<vmem>>[vector<16xi32>], vector<16xf32>,
    %add3A_284 = arith.constant 5 : i32
    %add3A_285 = vector.broadcast %add3A_284 : i32 to vector<16xi32>
    %add3A_286 = arith.addi %mul3A_244, %add3A_285 : vector<16xi32>
    tpu.vector_store_idx %arg10[%add3A_286], %gather3A_283 : memref<1024xf32, #tpu.memory_space<vmem>>[vector<16xi32>], vector<16xf32>,
    %add3A_287 = arith.constant 6 : i32
    %add3A_288 = vector.broadcast %add3A_287 : i32 to vector<16xi32>
    %add3A_289 = arith.addi %mul3A_238, %add3A_288 : vector<16xi32>
    %gather3A_290 = tpu.vector_load_idx %arg7[%add3A_289] : memref<65536xf32, #tpu.memory_space<vmem>>[vector<16xi32>], vector<16xf32>,
    %add3A_291 = arith.constant 6 : i32
    %add3A_292 = vector.broadcast %add3A_291 : i32 to vector<16xi32>
    %add3A_293 = arith.addi %mul3A_244, %add3A_292 : vector<16xi32>
    tpu.vector_store_idx %arg10[%add3A_293], %gather3A_290 : memref<1024xf32, #tpu.memory_space<vmem>>[vector<16xi32>], vector<16xf32>,
    %add3A_294 = arith.constant 7 : i32
    %add3A_295 = vector.broadcast %add3A_294 : i32 to vector<16xi32>
    %add3A_296 = arith.addi %mul3A_238, %add3A_295 : vector<16xi32>
    %gather3A_297 = tpu.vector_load_idx %arg7[%add3A_296] : memref<65536xf32, #tpu.memory_space<vmem>>[vector<16xi32>], vector<16xf32>,
    %add3A_298 = arith.constant 7 : i32
    %add3A_299 = vector.broadcast %add3A_298 : i32 to vector<16xi32>
    %add3A_300 = arith.addi %mul3A_244, %add3A_299 : vector<16xi32>
    tpu.vector_store_idx %arg10[%add3A_300], %gather3A_297 : memref<1024xf32, #tpu.memory_space<vmem>>[vector<16xi32>], vector<16xf32>,
    %get3A_301 = arith.constant 64 : index
    %get3A_302 = tpu.vector_load %arg8[%get3A_301] {strides = array<i32>} : memref<128xi32, #tpu.memory_space<vmem>>, vector<16xi32>,
    %mul3A_303 = arith.constant 8 : i32
    %mul3A_304 = vector.broadcast %mul3A_303 : i32 to vector<16xi32>
    %mul3A_305 = arith.muli %get3A_302, %mul3A_304 : vector<16xi32>
    %add3A_306 = arith.constant 64 : i32
    %add3A_307 = vector.broadcast %add3A_306 : i32 to vector<16xi32>
    %add3A_308 = arith.addi %iota3A, %add3A_307 : vector<16xi32>
    %mul3A_309 = arith.constant 8 : i32
    %mul3A_310 = vector.broadcast %mul3A_309 : i32 to vector<16xi32>
    %mul3A_311 = arith.muli %add3A_308, %mul3A_310 : vector<16xi32>
    %add3A_312 = arith.constant 0 : i32
    %add3A_313 = vector.broadcast %add3A_312 : i32 to vector<16xi32>
    %add3A_314 = arith.addi %mul3A_305, %add3A_313 : vector<16xi32>
    %gather3A_315 = tpu.vector_load_idx %arg7[%add3A_314] : memref<65536xf32, #tpu.memory_space<vmem>>[vector<16xi32>], vector<16xf32>,
    %add3A_316 = arith.constant 0 : i32
    %add3A_317 = vector.broadcast %add3A_316 : i32 to vector<16xi32>
    %add3A_318 = arith.addi %mul3A_311, %add3A_317 : vector<16xi32>
    tpu.vector_store_idx %arg10[%add3A_318], %gather3A_315 : memref<1024xf32, #tpu.memory_space<vmem>>[vector<16xi32>], vector<16xf32>,
    %add3A_319 = arith.constant 1 : i32
    %add3A_320 = vector.broadcast %add3A_319 : i32 to vector<16xi32>
    %add3A_321 = arith.addi %mul3A_305, %add3A_320 : vector<16xi32>
    %gather3A_322 = tpu.vector_load_idx %arg7[%add3A_321] : memref<65536xf32, #tpu.memory_space<vmem>>[vector<16xi32>], vector<16xf32>,
    %add3A_323 = arith.constant 1 : i32
    %add3A_324 = vector.broadcast %add3A_323 : i32 to vector<16xi32>
    %add3A_325 = arith.addi %mul3A_311, %add3A_324 : vector<16xi32>
    tpu.vector_store_idx %arg10[%add3A_325], %gather3A_322 : memref<1024xf32, #tpu.memory_space<vmem>>[vector<16xi32>], vector<16xf32>,
    %add3A_326 = arith.constant 2 : i32
    %add3A_327 = vector.broadcast %add3A_326 : i32 to vector<16xi32>
    %add3A_328 = arith.addi %mul3A_305, %add3A_327 : vector<16xi32>
    %gather3A_329 = tpu.vector_load_idx %arg7[%add3A_328] : memref<65536xf32, #tpu.memory_space<vmem>>[vector<16xi32>], vector<16xf32>,
    %add3A_330 = arith.constant 2 : i32
    %add3A_331 = vector.broadcast %add3A_330 : i32 to vector<16xi32>
    %add3A_332 = arith.addi %mul3A_311, %add3A_331 : vector<16xi32>
    tpu.vector_store_idx %arg10[%add3A_332], %gather3A_329 : memref<1024xf32, #tpu.memory_space<vmem>>[vector<16xi32>], vector<16xf32>,
    %add3A_333 = arith.constant 3 : i32
    %add3A_334 = vector.broadcast %add3A_333 : i32 to vector<16xi32>
    %add3A_335 = arith.addi %mul3A_305, %add3A_334 : vector<16xi32>
    %gather3A_336 = tpu.vector_load_idx %arg7[%add3A_335] : memref<65536xf32, #tpu.memory_space<vmem>>[vector<16xi32>], vector<16xf32>,
    %add3A_337 = arith.constant 3 : i32
    %add3A_338 = vector.broadcast %add3A_337 : i32 to vector<16xi32>
    %add3A_339 = arith.addi %mul3A_311, %add3A_338 : vector<16xi32>
    tpu.vector_store_idx %arg10[%add3A_339], %gather3A_336 : memref<1024xf32, #tpu.memory_space<vmem>>[vector<16xi32>], vector<16xf32>,
    %add3A_340 = arith.constant 4 : i32
    %add3A_341 = vector.broadcast %add3A_340 : i32 to vector<16xi32>
    %add3A_342 = arith.addi %mul3A_305, %add3A_341 : vector<16xi32>
    %gather3A_343 = tpu.vector_load_idx %arg7[%add3A_342] : memref<65536xf32, #tpu.memory_space<vmem>>[vector<16xi32>], vector<16xf32>,
    %add3A_344 = arith.constant 4 : i32
    %add3A_345 = vector.broadcast %add3A_344 : i32 to vector<16xi32>
    %add3A_346 = arith.addi %mul3A_311, %add3A_345 : vector<16xi32>
    tpu.vector_store_idx %arg10[%add3A_346], %gather3A_343 : memref<1024xf32, #tpu.memory_space<vmem>>[vector<16xi32>], vector<16xf32>,
    %add3A_347 = arith.constant 5 : i32
    %add3A_348 = vector.broadcast %add3A_347 : i32 to vector<16xi32>
    %add3A_349 = arith.addi %mul3A_305, %add3A_348 : vector<16xi32>
    %gather3A_350 = tpu.vector_load_idx %arg7[%add3A_349] : memref<65536xf32, #tpu.memory_space<vmem>>[vector<16xi32>], vector<16xf32>,
    %add3A_351 = arith.constant 5 : i32
    %add3A_352 = vector.broadcast %add3A_351 : i32 to vector<16xi32>
    %add3A_353 = arith.addi %mul3A_311, %add3A_352 : vector<16xi32>
    tpu.vector_store_idx %arg10[%add3A_353], %gather3A_350 : memref<1024xf32, #tpu.memory_space<vmem>>[vector<16xi32>], vector<16xf32>,
    %add3A_354 = arith.constant 6 : i32
    %add3A_355 = vector.broadcast %add3A_354 : i32 to vector<16xi32>
    %add3A_356 = arith.addi %mul3A_305, %add3A_355 : vector<16xi32>
    %gather3A_357 = tpu.vector_load_idx %arg7[%add3A_356] : memref<65536xf32, #tpu.memory_space<vmem>>[vector<16xi32>], vector<16xf32>,
    %add3A_358 = arith.constant 6 : i32
    %add3A_359 = vector.broadcast %add3A_358 : i32 to vector<16xi32>
    %add3A_360 = arith.addi %mul3A_311, %add3A_359 : vector<16xi32>
    tpu.vector_store_idx %arg10[%add3A_360], %gather3A_357 : memref<1024xf32, #tpu.memory_space<vmem>>[vector<16xi32>], vector<16xf32>,
    %add3A_361 = arith.constant 7 : i32
    %add3A_362 = vector.broadcast %add3A_361 : i32 to vector<16xi32>
    %add3A_363 = arith.addi %mul3A_305, %add3A_362 : vector<16xi32>
    %gather3A_364 = tpu.vector_load_idx %arg7[%add3A_363] : memref<65536xf32, #tpu.memory_space<vmem>>[vector<16xi32>], vector<16xf32>,
    %add3A_365 = arith.constant 7 : i32
    %add3A_366 = vector.broadcast %add3A_365 : i32 to vector<16xi32>
    %add3A_367 = arith.addi %mul3A_311, %add3A_366 : vector<16xi32>
    tpu.vector_store_idx %arg10[%add3A_367], %gather3A_364 : memref<1024xf32, #tpu.memory_space<vmem>>[vector<16xi32>], vector<16xf32>,
    %get3A_368 = arith.constant 80 : index
    %get3A_369 = tpu.vector_load %arg8[%get3A_368] {strides = array<i32>} : memref<128xi32, #tpu.memory_space<vmem>>, vector<16xi32>,
    %mul3A_370 = arith.constant 8 : i32
    %mul3A_371 = vector.broadcast %mul3A_370 : i32 to vector<16xi32>
    %mul3A_372 = arith.muli %get3A_369, %mul3A_371 : vector<16xi32>
    %add3A_373 = arith.constant 80 : i32
    %add3A_374 = vector.broadcast %add3A_373 : i32 to vector<16xi32>
    %add3A_375 = arith.addi %iota3A, %add3A_374 : vector<16xi32>
    %mul3A_376 = arith.constant 8 : i32
    %mul3A_377 = vector.broadcast %mul3A_376 : i32 to vector<16xi32>
    %mul3A_378 = arith.muli %add3A_375, %mul3A_377 : vector<16xi32>
    %add3A_379 = arith.constant 0 : i32
    %add3A_380 = vector.broadcast %add3A_379 : i32 to vector<16xi32>
    %add3A_381 = arith.addi %mul3A_372, %add3A_380 : vector<16xi32>
    %gather3A_382 = tpu.vector_load_idx %arg7[%add3A_381] : memref<65536xf32, #tpu.memory_space<vmem>>[vector<16xi32>], vector<16xf32>,
    %add3A_383 = arith.constant 0 : i32
    %add3A_384 = vector.broadcast %add3A_383 : i32 to vector<16xi32>
    %add3A_385 = arith.addi %mul3A_378, %add3A_384 : vector<16xi32>
    tpu.vector_store_idx %arg10[%add3A_385], %gather3A_382 : memref<1024xf32, #tpu.memory_space<vmem>>[vector<16xi32>], vector<16xf32>,
    %add3A_386 = arith.constant 1 : i32
    %add3A_387 = vector.broadcast %add3A_386 : i32 to vector<16xi32>
    %add3A_388 = arith.addi %mul3A_372, %add3A_387 : vector<16xi32>
    %gather3A_389 = tpu.vector_load_idx %arg7[%add3A_388] : memref<65536xf32, #tpu.memory_space<vmem>>[vector<16xi32>], vector<16xf32>,
    %add3A_390 = arith.constant 1 : i32
    %add3A_391 = vector.broadcast %add3A_390 : i32 to vector<16xi32>
    %add3A_392 = arith.addi %mul3A_378, %add3A_391 : vector<16xi32>
    tpu.vector_store_idx %arg10[%add3A_392], %gather3A_389 : memref<1024xf32, #tpu.memory_space<vmem>>[vector<16xi32>], vector<16xf32>,
    %add3A_393 = arith.constant 2 : i32
    %add3A_394 = vector.broadcast %add3A_393 : i32 to vector<16xi32>
    %add3A_395 = arith.addi %mul3A_372, %add3A_394 : vector<16xi32>
    %gather3A_396 = tpu.vector_load_idx %arg7[%add3A_395] : memref<65536xf32, #tpu.memory_space<vmem>>[vector<16xi32>], vector<16xf32>,
    %add3A_397 = arith.constant 2 : i32
    %add3A_398 = vector.broadcast %add3A_397 : i32 to vector<16xi32>
    %add3A_399 = arith.addi %mul3A_378, %add3A_398 : vector<16xi32>
    tpu.vector_store_idx %arg10[%add3A_399], %gather3A_396 : memref<1024xf32, #tpu.memory_space<vmem>>[vector<16xi32>], vector<16xf32>,
    %add3A_400 = arith.constant 3 : i32
    %add3A_401 = vector.broadcast %add3A_400 : i32 to vector<16xi32>
    %add3A_402 = arith.addi %mul3A_372, %add3A_401 : vector<16xi32>
    %gather3A_403 = tpu.vector_load_idx %arg7[%add3A_402] : memref<65536xf32, #tpu.memory_space<vmem>>[vector<16xi32>], vector<16xf32>,
    %add3A_404 = arith.constant 3 : i32
    %add3A_405 = vector.broadcast %add3A_404 : i32 to vector<16xi32>
    %add3A_406 = arith.addi %mul3A_378, %add3A_405 : vector<16xi32>
    tpu.vector_store_idx %arg10[%add3A_406], %gather3A_403 : memref<1024xf32, #tpu.memory_space<vmem>>[vector<16xi32>], vector<16xf32>,
    %add3A_407 = arith.constant 4 : i32
    %add3A_408 = vector.broadcast %add3A_407 : i32 to vector<16xi32>
    %add3A_409 = arith.addi %mul3A_372, %add3A_408 : vector<16xi32>
    %gather3A_410 = tpu.vector_load_idx %arg7[%add3A_409] : memref<65536xf32, #tpu.memory_space<vmem>>[vector<16xi32>], vector<16xf32>,
    %add3A_411 = arith.constant 4 : i32
    %add3A_412 = vector.broadcast %add3A_411 : i32 to vector<16xi32>
    %add3A_413 = arith.addi %mul3A_378, %add3A_412 : vector<16xi32>
    tpu.vector_store_idx %arg10[%add3A_413], %gather3A_410 : memref<1024xf32, #tpu.memory_space<vmem>>[vector<16xi32>], vector<16xf32>,
    %add3A_414 = arith.constant 5 : i32
    %add3A_415 = vector.broadcast %add3A_414 : i32 to vector<16xi32>
    %add3A_416 = arith.addi %mul3A_372, %add3A_415 : vector<16xi32>
    %gather3A_417 = tpu.vector_load_idx %arg7[%add3A_416] : memref<65536xf32, #tpu.memory_space<vmem>>[vector<16xi32>], vector<16xf32>,
    %add3A_418 = arith.constant 5 : i32
    %add3A_419 = vector.broadcast %add3A_418 : i32 to vector<16xi32>
    %add3A_420 = arith.addi %mul3A_378, %add3A_419 : vector<16xi32>
    tpu.vector_store_idx %arg10[%add3A_420], %gather3A_417 : memref<1024xf32, #tpu.memory_space<vmem>>[vector<16xi32>], vector<16xf32>,
    %add3A_421 = arith.constant 6 : i32
    %add3A_422 = vector.broadcast %add3A_421 : i32 to vector<16xi32>
    %add3A_423 = arith.addi %mul3A_372, %add3A_422 : vector<16xi32>
    %gather3A_424 = tpu.vector_load_idx %arg7[%add3A_423] : memref<65536xf32, #tpu.memory_space<vmem>>[vector<16xi32>], vector<16xf32>,
    %add3A_425 = arith.constant 6 : i32
    %add3A_426 = vector.broadcast %add3A_425 : i32 to vector<16xi32>
    %add3A_427 = arith.addi %mul3A_378, %add3A_426 : vector<16xi32>
    tpu.vector_store_idx %arg10[%add3A_427], %gather3A_424 : memref<1024xf32, #tpu.memory_space<vmem>>[vector<16xi32>], vector<16xf32>,
    %add3A_428 = arith.constant 7 : i32
    %add3A_429 = vector.broadcast %add3A_428 : i32 to vector<16xi32>
    %add3A_430 = arith.addi %mul3A_372, %add3A_429 : vector<16xi32>
    %gather3A_431 = tpu.vector_load_idx %arg7[%add3A_430] : memref<65536xf32, #tpu.memory_space<vmem>>[vector<16xi32>], vector<16xf32>,
    %add3A_432 = arith.constant 7 : i32
    %add3A_433 = vector.broadcast %add3A_432 : i32 to vector<16xi32>
    %add3A_434 = arith.addi %mul3A_378, %add3A_433 : vector<16xi32>
    tpu.vector_store_idx %arg10[%add3A_434], %gather3A_431 : memref<1024xf32, #tpu.memory_space<vmem>>[vector<16xi32>], vector<16xf32>,
    %get3A_435 = arith.constant 96 : index
    %get3A_436 = tpu.vector_load %arg8[%get3A_435] {strides = array<i32>} : memref<128xi32, #tpu.memory_space<vmem>>, vector<16xi32>,
    %mul3A_437 = arith.constant 8 : i32
    %mul3A_438 = vector.broadcast %mul3A_437 : i32 to vector<16xi32>
    %mul3A_439 = arith.muli %get3A_436, %mul3A_438 : vector<16xi32>
    %add3A_440 = arith.constant 96 : i32
    %add3A_441 = vector.broadcast %add3A_440 : i32 to vector<16xi32>
    %add3A_442 = arith.addi %iota3A, %add3A_441 : vector<16xi32>
    %mul3A_443 = arith.constant 8 : i32
    %mul3A_444 = vector.broadcast %mul3A_443 : i32 to vector<16xi32>
    %mul3A_445 = arith.muli %add3A_442, %mul3A_444 : vector<16xi32>
    %add3A_446 = arith.constant 0 : i32
    %add3A_447 = vector.broadcast %add3A_446 : i32 to vector<16xi32>
    %add3A_448 = arith.addi %mul3A_439, %add3A_447 : vector<16xi32>
    %gather3A_449 = tpu.vector_load_idx %arg7[%add3A_448] : memref<65536xf32, #tpu.memory_space<vmem>>[vector<16xi32>], vector<16xf32>,
    %add3A_450 = arith.constant 0 : i32
    %add3A_451 = vector.broadcast %add3A_450 : i32 to vector<16xi32>
    %add3A_452 = arith.addi %mul3A_445, %add3A_451 : vector<16xi32>
    tpu.vector_store_idx %arg10[%add3A_452], %gather3A_449 : memref<1024xf32, #tpu.memory_space<vmem>>[vector<16xi32>], vector<16xf32>,
    %add3A_453 = arith.constant 1 : i32
    %add3A_454 = vector.broadcast %add3A_453 : i32 to vector<16xi32>
    %add3A_455 = arith.addi %mul3A_439, %add3A_454 : vector<16xi32>
    %gather3A_456 = tpu.vector_load_idx %arg7[%add3A_455] : memref<65536xf32, #tpu.memory_space<vmem>>[vector<16xi32>], vector<16xf32>,
    %add3A_457 = arith.constant 1 : i32
    %add3A_458 = vector.broadcast %add3A_457 : i32 to vector<16xi32>
    %add3A_459 = arith.addi %mul3A_445, %add3A_458 : vector<16xi32>
    tpu.vector_store_idx %arg10[%add3A_459], %gather3A_456 : memref<1024xf32, #tpu.memory_space<vmem>>[vector<16xi32>], vector<16xf32>,
    %add3A_460 = arith.constant 2 : i32
    %add3A_461 = vector.broadcast %add3A_460 : i32 to vector<16xi32>
    %add3A_462 = arith.addi %mul3A_439, %add3A_461 : vector<16xi32>
    %gather3A_463 = tpu.vector_load_idx %arg7[%add3A_462] : memref<65536xf32, #tpu.memory_space<vmem>>[vector<16xi32>], vector<16xf32>,
    %add3A_464 = arith.constant 2 : i32
    %add3A_465 = vector.broadcast %add3A_464 : i32 to vector<16xi32>
    %add3A_466 = arith.addi %mul3A_445, %add3A_465 : vector<16xi32>
    tpu.vector_store_idx %arg10[%add3A_466], %gather3A_463 : memref<1024xf32, #tpu.memory_space<vmem>>[vector<16xi32>], vector<16xf32>,
    %add3A_467 = arith.constant 3 : i32
    %add3A_468 = vector.broadcast %add3A_467 : i32 to vector<16xi32>
    %add3A_469 = arith.addi %mul3A_439, %add3A_468 : vector<16xi32>
    %gather3A_470 = tpu.vector_load_idx %arg7[%add3A_469] : memref<65536xf32, #tpu.memory_space<vmem>>[vector<16xi32>], vector<16xf32>,
    %add3A_471 = arith.constant 3 : i32
    %add3A_472 = vector.broadcast %add3A_471 : i32 to vector<16xi32>
    %add3A_473 = arith.addi %mul3A_445, %add3A_472 : vector<16xi32>
    tpu.vector_store_idx %arg10[%add3A_473], %gather3A_470 : memref<1024xf32, #tpu.memory_space<vmem>>[vector<16xi32>], vector<16xf32>,
    %add3A_474 = arith.constant 4 : i32
    %add3A_475 = vector.broadcast %add3A_474 : i32 to vector<16xi32>
    %add3A_476 = arith.addi %mul3A_439, %add3A_475 : vector<16xi32>
    %gather3A_477 = tpu.vector_load_idx %arg7[%add3A_476] : memref<65536xf32, #tpu.memory_space<vmem>>[vector<16xi32>], vector<16xf32>,
    %add3A_478 = arith.constant 4 : i32
    %add3A_479 = vector.broadcast %add3A_478 : i32 to vector<16xi32>
    %add3A_480 = arith.addi %mul3A_445, %add3A_479 : vector<16xi32>
    tpu.vector_store_idx %arg10[%add3A_480], %gather3A_477 : memref<1024xf32, #tpu.memory_space<vmem>>[vector<16xi32>], vector<16xf32>,
    %add3A_481 = arith.constant 5 : i32
    %add3A_482 = vector.broadcast %add3A_481 : i32 to vector<16xi32>
    %add3A_483 = arith.addi %mul3A_439, %add3A_482 : vector<16xi32>
    %gather3A_484 = tpu.vector_load_idx %arg7[%add3A_483] : memref<65536xf32, #tpu.memory_space<vmem>>[vector<16xi32>], vector<16xf32>,
    %add3A_485 = arith.constant 5 : i32
    %add3A_486 = vector.broadcast %add3A_485 : i32 to vector<16xi32>
    %add3A_487 = arith.addi %mul3A_445, %add3A_486 : vector<16xi32>
    tpu.vector_store_idx %arg10[%add3A_487], %gather3A_484 : memref<1024xf32, #tpu.memory_space<vmem>>[vector<16xi32>], vector<16xf32>,
    %add3A_488 = arith.constant 6 : i32
    %add3A_489 = vector.broadcast %add3A_488 : i32 to vector<16xi32>
    %add3A_490 = arith.addi %mul3A_439, %add3A_489 : vector<16xi32>
    %gather3A_491 = tpu.vector_load_idx %arg7[%add3A_490] : memref<65536xf32, #tpu.memory_space<vmem>>[vector<16xi32>], vector<16xf32>,
    %add3A_492 = arith.constant 6 : i32
    %add3A_493 = vector.broadcast %add3A_492 : i32 to vector<16xi32>
    %add3A_494 = arith.addi %mul3A_445, %add3A_493 : vector<16xi32>
    tpu.vector_store_idx %arg10[%add3A_494], %gather3A_491 : memref<1024xf32, #tpu.memory_space<vmem>>[vector<16xi32>], vector<16xf32>,
    %add3A_495 = arith.constant 7 : i32
    %add3A_496 = vector.broadcast %add3A_495 : i32 to vector<16xi32>
    %add3A_497 = arith.addi %mul3A_439, %add3A_496 : vector<16xi32>
    %gather3A_498 = tpu.vector_load_idx %arg7[%add3A_497] : memref<65536xf32, #tpu.memory_space<vmem>>[vector<16xi32>], vector<16xf32>,
    %add3A_499 = arith.constant 7 : i32
    %add3A_500 = vector.broadcast %add3A_499 : i32 to vector<16xi32>
    %add3A_501 = arith.addi %mul3A_445, %add3A_500 : vector<16xi32>
    tpu.vector_store_idx %arg10[%add3A_501], %gather3A_498 : memref<1024xf32, #tpu.memory_space<vmem>>[vector<16xi32>], vector<16xf32>,
    %get3A_502 = arith.constant 112 : index
    %get3A_503 = tpu.vector_load %arg8[%get3A_502] {strides = array<i32>} : memref<128xi32, #tpu.memory_space<vmem>>, vector<16xi32>,
    %mul3A_504 = arith.constant 8 : i32
    %mul3A_505 = vector.broadcast %mul3A_504 : i32 to vector<16xi32>
    %mul3A_506 = arith.muli %get3A_503, %mul3A_505 : vector<16xi32>
    %add3A_507 = arith.constant 112 : i32
    %add3A_508 = vector.broadcast %add3A_507 : i32 to vector<16xi32>
    %add3A_509 = arith.addi %iota3A, %add3A_508 : vector<16xi32>
    %mul3A_510 = arith.constant 8 : i32
    %mul3A_511 = vector.broadcast %mul3A_510 : i32 to vector<16xi32>
    %mul3A_512 = arith.muli %add3A_509, %mul3A_511 : vector<16xi32>
    %add3A_513 = arith.constant 0 : i32
    %add3A_514 = vector.broadcast %add3A_513 : i32 to vector<16xi32>
    %add3A_515 = arith.addi %mul3A_506, %add3A_514 : vector<16xi32>
    %gather3A_516 = tpu.vector_load_idx %arg7[%add3A_515] : memref<65536xf32, #tpu.memory_space<vmem>>[vector<16xi32>], vector<16xf32>,
    %add3A_517 = arith.constant 0 : i32
    %add3A_518 = vector.broadcast %add3A_517 : i32 to vector<16xi32>
    %add3A_519 = arith.addi %mul3A_512, %add3A_518 : vector<16xi32>
    tpu.vector_store_idx %arg10[%add3A_519], %gather3A_516 : memref<1024xf32, #tpu.memory_space<vmem>>[vector<16xi32>], vector<16xf32>,
    %add3A_520 = arith.constant 1 : i32
    %add3A_521 = vector.broadcast %add3A_520 : i32 to vector<16xi32>
    %add3A_522 = arith.addi %mul3A_506, %add3A_521 : vector<16xi32>
    %gather3A_523 = tpu.vector_load_idx %arg7[%add3A_522] : memref<65536xf32, #tpu.memory_space<vmem>>[vector<16xi32>], vector<16xf32>,
    %add3A_524 = arith.constant 1 : i32
    %add3A_525 = vector.broadcast %add3A_524 : i32 to vector<16xi32>
    %add3A_526 = arith.addi %mul3A_512, %add3A_525 : vector<16xi32>
    tpu.vector_store_idx %arg10[%add3A_526], %gather3A_523 : memref<1024xf32, #tpu.memory_space<vmem>>[vector<16xi32>], vector<16xf32>,
    %add3A_527 = arith.constant 2 : i32
    %add3A_528 = vector.broadcast %add3A_527 : i32 to vector<16xi32>
    %add3A_529 = arith.addi %mul3A_506, %add3A_528 : vector<16xi32>
    %gather3A_530 = tpu.vector_load_idx %arg7[%add3A_529] : memref<65536xf32, #tpu.memory_space<vmem>>[vector<16xi32>], vector<16xf32>,
    %add3A_531 = arith.constant 2 : i32
    %add3A_532 = vector.broadcast %add3A_531 : i32 to vector<16xi32>
    %add3A_533 = arith.addi %mul3A_512, %add3A_532 : vector<16xi32>
    tpu.vector_store_idx %arg10[%add3A_533], %gather3A_530 : memref<1024xf32, #tpu.memory_space<vmem>>[vector<16xi32>], vector<16xf32>,
    %add3A_534 = arith.constant 3 : i32
    %add3A_535 = vector.broadcast %add3A_534 : i32 to vector<16xi32>
    %add3A_536 = arith.addi %mul3A_506, %add3A_535 : vector<16xi32>
    %gather3A_537 = tpu.vector_load_idx %arg7[%add3A_536] : memref<65536xf32, #tpu.memory_space<vmem>>[vector<16xi32>], vector<16xf32>,
    %add3A_538 = arith.constant 3 : i32
    %add3A_539 = vector.broadcast %add3A_538 : i32 to vector<16xi32>
    %add3A_540 = arith.addi %mul3A_512, %add3A_539 : vector<16xi32>
    tpu.vector_store_idx %arg10[%add3A_540], %gather3A_537 : memref<1024xf32, #tpu.memory_space<vmem>>[vector<16xi32>], vector<16xf32>,
    %add3A_541 = arith.constant 4 : i32
    %add3A_542 = vector.broadcast %add3A_541 : i32 to vector<16xi32>
    %add3A_543 = arith.addi %mul3A_506, %add3A_542 : vector<16xi32>
    %gather3A_544 = tpu.vector_load_idx %arg7[%add3A_543] : memref<65536xf32, #tpu.memory_space<vmem>>[vector<16xi32>], vector<16xf32>,
    %add3A_545 = arith.constant 4 : i32
    %add3A_546 = vector.broadcast %add3A_545 : i32 to vector<16xi32>
    %add3A_547 = arith.addi %mul3A_512, %add3A_546 : vector<16xi32>
    tpu.vector_store_idx %arg10[%add3A_547], %gather3A_544 : memref<1024xf32, #tpu.memory_space<vmem>>[vector<16xi32>], vector<16xf32>,
    %add3A_548 = arith.constant 5 : i32
    %add3A_549 = vector.broadcast %add3A_548 : i32 to vector<16xi32>
    %add3A_550 = arith.addi %mul3A_506, %add3A_549 : vector<16xi32>
    %gather3A_551 = tpu.vector_load_idx %arg7[%add3A_550] : memref<65536xf32, #tpu.memory_space<vmem>>[vector<16xi32>], vector<16xf32>,
    %add3A_552 = arith.constant 5 : i32
    %add3A_553 = vector.broadcast %add3A_552 : i32 to vector<16xi32>
    %add3A_554 = arith.addi %mul3A_512, %add3A_553 : vector<16xi32>
    tpu.vector_store_idx %arg10[%add3A_554], %gather3A_551 : memref<1024xf32, #tpu.memory_space<vmem>>[vector<16xi32>], vector<16xf32>,
    %add3A_555 = arith.constant 6 : i32
    %add3A_556 = vector.broadcast %add3A_555 : i32 to vector<16xi32>
    %add3A_557 = arith.addi %mul3A_506, %add3A_556 : vector<16xi32>
    %gather3A_558 = tpu.vector_load_idx %arg7[%add3A_557] : memref<65536xf32, #tpu.memory_space<vmem>>[vector<16xi32>], vector<16xf32>,
    %add3A_559 = arith.constant 6 : i32
    %add3A_560 = vector.broadcast %add3A_559 : i32 to vector<16xi32>
    %add3A_561 = arith.addi %mul3A_512, %add3A_560 : vector<16xi32>
    tpu.vector_store_idx %arg10[%add3A_561], %gather3A_558 : memref<1024xf32, #tpu.memory_space<vmem>>[vector<16xi32>], vector<16xf32>,
    %add3A_562 = arith.constant 7 : i32
    %add3A_563 = vector.broadcast %add3A_562 : i32 to vector<16xi32>
    %add3A_564 = arith.addi %mul3A_506, %add3A_563 : vector<16xi32>
    %gather3A_565 = tpu.vector_load_idx %arg7[%add3A_564] : memref<65536xf32, #tpu.memory_space<vmem>>[vector<16xi32>], vector<16xf32>,
    %add3A_566 = arith.constant 7 : i32
    %add3A_567 = vector.broadcast %add3A_566 : i32 to vector<16xi32>
    %add3A_568 = arith.addi %mul3A_512, %add3A_567 : vector<16xi32>
    tpu.vector_store_idx %arg10[%add3A_568], %gather3A_565 : memref<1024xf32, #tpu.memory_space<vmem>>[vector<16xi32>], vector<16xf32>,
    %scan3A = arith.constant 0 : i32
    %scan3A_569 = arith.constant 0 : i32
    %scan3A_570 = arith.constant 256 : i32
    %scan3A_571 = arith.addi %scan3A_569, %scan3A_570 : i32
    %scan3A_572 = arith.constant 1 : i32
    scf.for %scan3A_580 = %scan3A_569 to %scan3A_571 step %scan3A_572  : i32 {
      %mul3A_581 = arith.constant 16 : i32
      %mul3A_582 = arith.muli %scan3A_580, %mul3A_581 : i32
      %get3A_583 = arith.index_cast %mul3A_582 : i32 to index
      %get3A_584 = tpu.vector_load %arg9[%get3A_583] {strides = array<i32>} : memref<4096xi32, #tpu.memory_space<vmem>>, vector<16xi32>,
      %mul3A_585 = arith.constant 8 : i32
      %mul3A_586 = vector.broadcast %mul3A_585 : i32 to vector<16xi32>
      %mul3A_587 = arith.muli %get3A_584, %mul3A_586 : vector<16xi32>
      %add3A_588 = vector.broadcast %mul3A_582 : i32 to vector<16xi32>
      %add3A_589 = arith.addi %iota3A, %add3A_588 : vector<16xi32>
      %mul3A_590 = arith.constant 8 : i32
      %mul3A_591 = vector.broadcast %mul3A_590 : i32 to vector<16xi32>
      %mul3A_592 = arith.muli %add3A_589, %mul3A_591 : vector<16xi32>
      %add3A_593 = vector.broadcast %mul3A_582 : i32 to vector<16xi32>
      %add3A_594 = arith.addi %iota3A, %add3A_593 : vector<16xi32>
      %shift_right_logical3A = arith.constant 5 : i32
      %shift_right_logical3A_595 = vector.broadcast %shift_right_logical3A : i32 to vector<16xi32>
      %shift_right_logical3A_596 = arith.shrui %add3A_594, %shift_right_logical3A_595 : vector<16xi32>
      %mul3A_597 = arith.constant 8 : i32
      %mul3A_598 = vector.broadcast %mul3A_597 : i32 to vector<16xi32>
      %mul3A_599 = arith.muli %shift_right_logical3A_596, %mul3A_598 : vector<16xi32>
      %add3A_600 = arith.constant 0 : i32
      %add3A_601 = vector.broadcast %add3A_600 : i32 to vector<16xi32>
      %add3A_602 = arith.addi %mul3A_587, %add3A_601 : vector<16xi32>
      %gather3A_603 = tpu.vector_load_idx %arg7[%add3A_602] : memref<65536xf32, #tpu.memory_space<vmem>>[vector<16xi32>], vector<16xf32>,
      %add3A_604 = arith.constant 0 : i32
      %add3A_605 = vector.broadcast %add3A_604 : i32 to vector<16xi32>
      %add3A_606 = arith.addi %mul3A_599, %add3A_605 : vector<16xi32>
      %gather3A_607 = tpu.vector_load_idx %arg10[%add3A_606] : memref<1024xf32, #tpu.memory_space<vmem>>[vector<16xi32>], vector<16xf32>,
      %sub3A_608 = arith.subf %gather3A_603, %gather3A_607 : vector<16xf32>
      %add3A_609 = arith.constant 0 : i32
      %add3A_610 = vector.broadcast %add3A_609 : i32 to vector<16xi32>
      %add3A_611 = arith.addi %mul3A_592, %add3A_610 : vector<16xi32>
      tpu.vector_store_idx %arg11[%add3A_611], %sub3A_608 : memref<32768xf32, #tpu.memory_space<vmem>>[vector<16xi32>], vector<16xf32>,
      %add3A_612 = arith.constant 1 : i32
      %add3A_613 = vector.broadcast %add3A_612 : i32 to vector<16xi32>
      %add3A_614 = arith.addi %mul3A_587, %add3A_613 : vector<16xi32>
      %gather3A_615 = tpu.vector_load_idx %arg7[%add3A_614] : memref<65536xf32, #tpu.memory_space<vmem>>[vector<16xi32>], vector<16xf32>,
      %add3A_616 = arith.constant 1 : i32
      %add3A_617 = vector.broadcast %add3A_616 : i32 to vector<16xi32>
      %add3A_618 = arith.addi %mul3A_599, %add3A_617 : vector<16xi32>
      %gather3A_619 = tpu.vector_load_idx %arg10[%add3A_618] : memref<1024xf32, #tpu.memory_space<vmem>>[vector<16xi32>], vector<16xf32>,
      %sub3A_620 = arith.subf %gather3A_615, %gather3A_619 : vector<16xf32>
      %add3A_621 = arith.constant 1 : i32
      %add3A_622 = vector.broadcast %add3A_621 : i32 to vector<16xi32>
      %add3A_623 = arith.addi %mul3A_592, %add3A_622 : vector<16xi32>
      tpu.vector_store_idx %arg11[%add3A_623], %sub3A_620 : memref<32768xf32, #tpu.memory_space<vmem>>[vector<16xi32>], vector<16xf32>,
      %add3A_624 = arith.constant 2 : i32
      %add3A_625 = vector.broadcast %add3A_624 : i32 to vector<16xi32>
      %add3A_626 = arith.addi %mul3A_587, %add3A_625 : vector<16xi32>
      %gather3A_627 = tpu.vector_load_idx %arg7[%add3A_626] : memref<65536xf32, #tpu.memory_space<vmem>>[vector<16xi32>], vector<16xf32>,
      %add3A_628 = arith.constant 2 : i32
      %add3A_629 = vector.broadcast %add3A_628 : i32 to vector<16xi32>
      %add3A_630 = arith.addi %mul3A_599, %add3A_629 : vector<16xi32>
      %gather3A_631 = tpu.vector_load_idx %arg10[%add3A_630] : memref<1024xf32, #tpu.memory_space<vmem>>[vector<16xi32>], vector<16xf32>,
      %sub3A_632 = arith.subf %gather3A_627, %gather3A_631 : vector<16xf32>
      %add3A_633 = arith.constant 2 : i32
      %add3A_634 = vector.broadcast %add3A_633 : i32 to vector<16xi32>
      %add3A_635 = arith.addi %mul3A_592, %add3A_634 : vector<16xi32>
      tpu.vector_store_idx %arg11[%add3A_635], %sub3A_632 : memref<32768xf32, #tpu.memory_space<vmem>>[vector<16xi32>], vector<16xf32>,
      %add3A_636 = arith.constant 3 : i32
      %add3A_637 = vector.broadcast %add3A_636 : i32 to vector<16xi32>
      %add3A_638 = arith.addi %mul3A_587, %add3A_637 : vector<16xi32>
      %gather3A_639 = tpu.vector_load_idx %arg7[%add3A_638] : memref<65536xf32, #tpu.memory_space<vmem>>[vector<16xi32>], vector<16xf32>,
      %add3A_640 = arith.constant 3 : i32
      %add3A_641 = vector.broadcast %add3A_640 : i32 to vector<16xi32>
      %add3A_642 = arith.addi %mul3A_592, %add3A_641 : vector<16xi32>
      tpu.vector_store_idx %arg11[%add3A_642], %gather3A_639 : memref<32768xf32, #tpu.memory_space<vmem>>[vector<16xi32>], vector<16xf32>,
      %add3A_643 = arith.constant 4 : i32
      %add3A_644 = vector.broadcast %add3A_643 : i32 to vector<16xi32>
      %add3A_645 = arith.addi %mul3A_587, %add3A_644 : vector<16xi32>
      %gather3A_646 = tpu.vector_load_idx %arg7[%add3A_645] : memref<65536xf32, #tpu.memory_space<vmem>>[vector<16xi32>], vector<16xf32>,
      %add3A_647 = arith.constant 4 : i32
      %add3A_648 = vector.broadcast %add3A_647 : i32 to vector<16xi32>
      %add3A_649 = arith.addi %mul3A_592, %add3A_648 : vector<16xi32>
      tpu.vector_store_idx %arg11[%add3A_649], %gather3A_646 : memref<32768xf32, #tpu.memory_space<vmem>>[vector<16xi32>], vector<16xf32>,
      %add3A_650 = arith.constant 5 : i32
      %add3A_651 = vector.broadcast %add3A_650 : i32 to vector<16xi32>
      %add3A_652 = arith.addi %mul3A_587, %add3A_651 : vector<16xi32>
      %gather3A_653 = tpu.vector_load_idx %arg7[%add3A_652] : memref<65536xf32, #tpu.memory_space<vmem>>[vector<16xi32>], vector<16xf32>,
      %add3A_654 = arith.constant 5 : i32
      %add3A_655 = vector.broadcast %add3A_654 : i32 to vector<16xi32>
      %add3A_656 = arith.addi %mul3A_592, %add3A_655 : vector<16xi32>
      tpu.vector_store_idx %arg11[%add3A_656], %gather3A_653 : memref<32768xf32, #tpu.memory_space<vmem>>[vector<16xi32>], vector<16xf32>,
      %add3A_657 = arith.constant 6 : i32
      %add3A_658 = vector.broadcast %add3A_657 : i32 to vector<16xi32>
      %add3A_659 = arith.addi %mul3A_587, %add3A_658 : vector<16xi32>
      %gather3A_660 = tpu.vector_load_idx %arg7[%add3A_659] : memref<65536xf32, #tpu.memory_space<vmem>>[vector<16xi32>], vector<16xf32>,
      %add3A_661 = arith.constant 6 : i32
      %add3A_662 = vector.broadcast %add3A_661 : i32 to vector<16xi32>
      %add3A_663 = arith.addi %mul3A_592, %add3A_662 : vector<16xi32>
      tpu.vector_store_idx %arg11[%add3A_663], %gather3A_660 : memref<32768xf32, #tpu.memory_space<vmem>>[vector<16xi32>], vector<16xf32>,
      %add3A_664 = arith.constant 7 : i32
      %add3A_665 = vector.broadcast %add3A_664 : i32 to vector<16xi32>
      %add3A_666 = arith.addi %mul3A_587, %add3A_665 : vector<16xi32>
      %gather3A_667 = tpu.vector_load_idx %arg7[%add3A_666] : memref<65536xf32, #tpu.memory_space<vmem>>[vector<16xi32>], vector<16xf32>,
      %add3A_668 = arith.constant 7 : i32
      %add3A_669 = vector.broadcast %add3A_668 : i32 to vector<16xi32>
      %add3A_670 = arith.addi %mul3A_592, %add3A_669 : vector<16xi32>
      tpu.vector_store_idx %arg11[%add3A_670], %gather3A_667 : memref<32768xf32, #tpu.memory_space<vmem>>[vector<16xi32>], vector<16xf32>,
    }
    %scan3A_573 = arith.constant 256 : i32
    %mul3A_574 = arith.constant 8 : i32
    %mul3A_575 = arith.muli %mul3A_32, %mul3A_574 : i32
    "tpu.region"() ({
      %run_scoped3A = tpu.sem_alloc : memref<!tpu.dma_semaphore, #tpu.memory_space<semaphore_mem>>
      %dma_start3A = tpu.memref_slice %arg5[%select_n3A, %mul3A_575] : memref<8x4096xf32, #tpu.memory_space<hbm>> -> memref<1x1024xf32, #tpu.memory_space<hbm>>
      %dma_start3A_580 = tpu.memref_squeeze %dma_start3A : memref<1x1024xf32, #tpu.memory_space<hbm>> -> memref<1024xf32, #tpu.memory_space<hbm>>
      %dma_start3A_581 = tpu.memref_slice %arg5[%select_n3A, %mul3A_575] : memref<8x4096xf32, #tpu.memory_space<hbm>> -> memref<1x1024xf32, #tpu.memory_space<hbm>>
      %dma_start3A_582 = tpu.memref_squeeze %dma_start3A_581 : memref<1x1024xf32, #tpu.memory_space<hbm>> -> memref<1024xf32, #tpu.memory_space<hbm>>
      tpu.enqueue_dma source(%arg10 : memref<1024xf32, #tpu.memory_space<vmem>>) target(%dma_start3A_582 : memref<1024xf32, #tpu.memory_space<hbm>>) target_semaphore(%run_scoped3A : memref<!tpu.dma_semaphore, #tpu.memory_space<semaphore_mem>>)
      %dma_wait3A = tpu.memref_slice %arg5[%select_n3A, %mul3A_575] : memref<8x4096xf32, #tpu.memory_space<hbm>> -> memref<1x1024xf32, #tpu.memory_space<hbm>>
      %dma_wait3A_583 = tpu.memref_squeeze %dma_wait3A : memref<1x1024xf32, #tpu.memory_space<hbm>> -> memref<1024xf32, #tpu.memory_space<hbm>>
      %dma_wait3A_584 = tpu.memref_slice %arg5[%select_n3A, %mul3A_575] : memref<8x4096xf32, #tpu.memory_space<hbm>> -> memref<1x1024xf32, #tpu.memory_space<hbm>>
      %dma_wait3A_585 = tpu.memref_squeeze %dma_wait3A_584 : memref<1x1024xf32, #tpu.memory_space<hbm>> -> memref<1024xf32, #tpu.memory_space<hbm>>
      tpu.wait_dma2 semaphore(%run_scoped3A : memref<!tpu.dma_semaphore, #tpu.memory_space<semaphore_mem>>) src(%arg10 : memref<1024xf32, #tpu.memory_space<vmem>>) dst(%dma_wait3A_585 : memref<1024xf32, #tpu.memory_space<hbm>>)
      tpu.yield
    }) : () -> ()
    %mul3A_576 = arith.constant 32 : i32
    %mul3A_577 = arith.muli %mul3A_32, %mul3A_576 : i32
    %mul3A_578 = arith.constant 8 : i32
    %mul3A_579 = arith.muli %mul3A_577, %mul3A_578 : i32
    "tpu.region"() ({
      %run_scoped3A = tpu.sem_alloc : memref<!tpu.dma_semaphore, #tpu.memory_space<semaphore_mem>>
      %dma_start3A = tpu.memref_slice %arg6[%select_n3A, %mul3A_579] : memref<8x131072xf32, #tpu.memory_space<hbm>> -> memref<1x32768xf32, #tpu.memory_space<hbm>>
      %dma_start3A_580 = tpu.memref_squeeze %dma_start3A : memref<1x32768xf32, #tpu.memory_space<hbm>> -> memref<32768xf32, #tpu.memory_space<hbm>>
      %dma_start3A_581 = tpu.memref_slice %arg6[%select_n3A, %mul3A_579] : memref<8x131072xf32, #tpu.memory_space<hbm>> -> memref<1x32768xf32, #tpu.memory_space<hbm>>
      %dma_start3A_582 = tpu.memref_squeeze %dma_start3A_581 : memref<1x32768xf32, #tpu.memory_space<hbm>> -> memref<32768xf32, #tpu.memory_space<hbm>>
      tpu.enqueue_dma source(%arg11 : memref<32768xf32, #tpu.memory_space<vmem>>) target(%dma_start3A_582 : memref<32768xf32, #tpu.memory_space<hbm>>) target_semaphore(%run_scoped3A : memref<!tpu.dma_semaphore, #tpu.memory_space<semaphore_mem>>)
      %dma_wait3A = tpu.memref_slice %arg6[%select_n3A, %mul3A_579] : memref<8x131072xf32, #tpu.memory_space<hbm>> -> memref<1x32768xf32, #tpu.memory_space<hbm>>
      %dma_wait3A_583 = tpu.memref_squeeze %dma_wait3A : memref<1x32768xf32, #tpu.memory_space<hbm>> -> memref<32768xf32, #tpu.memory_space<hbm>>
      %dma_wait3A_584 = tpu.memref_slice %arg6[%select_n3A, %mul3A_579] : memref<8x131072xf32, #tpu.memory_space<hbm>> -> memref<1x32768xf32, #tpu.memory_space<hbm>>
      %dma_wait3A_585 = tpu.memref_squeeze %dma_wait3A_584 : memref<1x32768xf32, #tpu.memory_space<hbm>> -> memref<32768xf32, #tpu.memory_space<hbm>>
      tpu.wait_dma2 semaphore(%run_scoped3A : memref<!tpu.dma_semaphore, #tpu.memory_space<semaphore_mem>>) src(%arg11 : memref<32768xf32, #tpu.memory_space<vmem>>) dst(%dma_wait3A_585 : memref<32768xf32, #tpu.memory_space<hbm>>)
      tpu.yield
    }) : () -> ()
    return
  }
}

module attributes {stable_mosaic.version = 14 : i64} {
  func.func @_fps_body(%arg0: memref<3x8x8192xf32, #tpu.memory_space<vmem>>, %arg1: memref<512x8x1xi32, #tpu.memory_space<vmem>>, %arg2: memref<512x8x1xf32, #tpu.memory_space<vmem>>, %arg3: memref<512x8x1xf32, #tpu.memory_space<vmem>>, %arg4: memref<512x8x1xf32, #tpu.memory_space<vmem>>, %arg5: memref<8x8192xf32, #tpu.memory_space<vmem>>) attributes {dimension_semantics = [], scalar_prefetch = 0 : i64, scratch_operands = 1 : i64, tpu.core_type = #tpu.core_type<tc>} {
    %get3A = arith.constant 0 : index
    %get3A_0 = arith.constant 0 : index
    %get3A_1 = arith.constant 0 : index
    %get3A_2 = vector.load %arg0[%get3A, %get3A_0, %get3A_1] : memref<3x8x8192xf32, #tpu.memory_space<vmem>>, vector<1x8x8192xf32>
    %get3A_3 = vector.shape_cast %get3A_2 : vector<1x8x8192xf32> to vector<8x8192xf32>
    %get3A_4 = arith.constant 1 : index
    %get3A_5 = arith.constant 0 : index
    %get3A_6 = arith.constant 0 : index
    %get3A_7 = vector.load %arg0[%get3A_4, %get3A_5, %get3A_6] : memref<3x8x8192xf32, #tpu.memory_space<vmem>>, vector<1x8x8192xf32>
    %get3A_8 = vector.shape_cast %get3A_7 : vector<1x8x8192xf32> to vector<8x8192xf32>
    %get3A_9 = arith.constant 2 : index
    %get3A_10 = arith.constant 0 : index
    %get3A_11 = arith.constant 0 : index
    %get3A_12 = vector.load %arg0[%get3A_9, %get3A_10, %get3A_11] : memref<3x8x8192xf32, #tpu.memory_space<vmem>>, vector<1x8x8192xf32>
    %get3A_13 = vector.shape_cast %get3A_12 : vector<1x8x8192xf32> to vector<8x8192xf32>
    %iota3A = tpu.iota {dimensions = array<i32: 1>} : vector<8x8192xi32>
    %slice3A = vector.extract_strided_slice %get3A_3 {offsets = [0, 0], sizes = [8, 1], strides = [1, 1]} : vector<8x8192xf32> to vector<8x1xf32>
    %slice3A_14 = vector.extract_strided_slice %get3A_8 {offsets = [0, 0], sizes = [8, 1], strides = [1, 1]} : vector<8x8192xf32> to vector<8x1xf32>
    %slice3A_15 = vector.extract_strided_slice %get3A_13 {offsets = [0, 0], sizes = [8, 1], strides = [1, 1]} : vector<8x8192xf32> to vector<8x1xf32>
    %sub3A = vector.broadcast %slice3A : vector<8x1xf32> to vector<8x8192xf32>
    %sub3A_16 = arith.subf %get3A_3, %sub3A : vector<8x8192xf32>
    %sub3A_17 = vector.broadcast %slice3A_14 : vector<8x1xf32> to vector<8x8192xf32>
    %sub3A_18 = arith.subf %get3A_8, %sub3A_17 : vector<8x8192xf32>
    %sub3A_19 = vector.broadcast %slice3A_15 : vector<8x1xf32> to vector<8x8192xf32>
    %sub3A_20 = arith.subf %get3A_13, %sub3A_19 : vector<8x8192xf32>
    %mul3A = arith.mulf %sub3A_16, %sub3A_16 : vector<8x8192xf32>
    %mul3A_21 = arith.mulf %sub3A_18, %sub3A_18 : vector<8x8192xf32>
    %add3A = arith.addf %mul3A, %mul3A_21 : vector<8x8192xf32>
    %mul3A_22 = arith.mulf %sub3A_20, %sub3A_20 : vector<8x8192xf32>
    %add3A_23 = arith.addf %add3A, %mul3A_22 : vector<8x8192xf32>
    %swap3A = arith.constant 0 : index
    %swap3A_24 = arith.constant 0 : index
    %swap3A_25 = vector.load %arg5[%swap3A, %swap3A_24] : memref<8x8192xf32, #tpu.memory_space<vmem>>, vector<8x8192xf32>
    tpu.vector_store %arg5[%swap3A, %swap3A_24], %add3A_23 {strides = array<i32>} : memref<8x8192xf32, #tpu.memory_space<vmem>>, vector<8x8192xf32>,
    %broadcast_in_dim3A = arith.constant 0 : i32
    %broadcast_in_dim3A_26 = vector.broadcast %broadcast_in_dim3A : i32 to vector<8x1xi32>
    %swap3A_27 = arith.constant 0 : index
    %swap3A_28 = arith.constant 0 : index
    %swap3A_29 = arith.constant 0 : index
    %swap3A_30 = vector.load %arg1[%swap3A_27, %swap3A_28, %swap3A_29] : memref<512x8x1xi32, #tpu.memory_space<vmem>>, vector<1x8x1xi32>
    %swap3A_31 = vector.shape_cast %swap3A_30 : vector<1x8x1xi32> to vector<8x1xi32>
    %swap3A_32 = vector.shape_cast %broadcast_in_dim3A_26 : vector<8x1xi32> to vector<1x8x1xi32>
    tpu.vector_store %arg1[%swap3A_27, %swap3A_28, %swap3A_29], %swap3A_32 {strides = array<i32>} : memref<512x8x1xi32, #tpu.memory_space<vmem>>, vector<1x8x1xi32>,
    %swap3A_33 = arith.constant 0 : index
    %swap3A_34 = arith.constant 0 : index
    %swap3A_35 = arith.constant 0 : index
    %swap3A_36 = vector.load %arg2[%swap3A_33, %swap3A_34, %swap3A_35] : memref<512x8x1xf32, #tpu.memory_space<vmem>>, vector<1x8x1xf32>
    %swap3A_37 = vector.shape_cast %swap3A_36 : vector<1x8x1xf32> to vector<8x1xf32>
    %swap3A_38 = vector.shape_cast %slice3A : vector<8x1xf32> to vector<1x8x1xf32>
    tpu.vector_store %arg2[%swap3A_33, %swap3A_34, %swap3A_35], %swap3A_38 {strides = array<i32>} : memref<512x8x1xf32, #tpu.memory_space<vmem>>, vector<1x8x1xf32>,
    %swap3A_39 = arith.constant 0 : index
    %swap3A_40 = arith.constant 0 : index
    %swap3A_41 = arith.constant 0 : index
    %swap3A_42 = vector.load %arg3[%swap3A_39, %swap3A_40, %swap3A_41] : memref<512x8x1xf32, #tpu.memory_space<vmem>>, vector<1x8x1xf32>
    %swap3A_43 = vector.shape_cast %swap3A_42 : vector<1x8x1xf32> to vector<8x1xf32>
    %swap3A_44 = vector.shape_cast %slice3A_14 : vector<8x1xf32> to vector<1x8x1xf32>
    tpu.vector_store %arg3[%swap3A_39, %swap3A_40, %swap3A_41], %swap3A_44 {strides = array<i32>} : memref<512x8x1xf32, #tpu.memory_space<vmem>>, vector<1x8x1xf32>,
    %swap3A_45 = arith.constant 0 : index
    %swap3A_46 = arith.constant 0 : index
    %swap3A_47 = arith.constant 0 : index
    %swap3A_48 = vector.load %arg4[%swap3A_45, %swap3A_46, %swap3A_47] : memref<512x8x1xf32, #tpu.memory_space<vmem>>, vector<1x8x1xf32>
    %swap3A_49 = vector.shape_cast %swap3A_48 : vector<1x8x1xf32> to vector<8x1xf32>
    %swap3A_50 = vector.shape_cast %slice3A_15 : vector<8x1xf32> to vector<1x8x1xf32>
    tpu.vector_store %arg4[%swap3A_45, %swap3A_46, %swap3A_47], %swap3A_50 {strides = array<i32>} : memref<512x8x1xf32, #tpu.memory_space<vmem>>, vector<1x8x1xf32>,
    %scan3A = arith.constant 1 : i32
    %scan3A_51 = arith.constant 511 : i32
    %scan3A_52 = arith.addi %scan3A, %scan3A_51 : i32
    %scan3A_53 = arith.constant 1 : i32
    scf.for %scan3A_55 = %scan3A to %scan3A_52 step %scan3A_53  : i32 {
      %get3A_56 = arith.constant 0 : index
      %get3A_57 = arith.constant 0 : index
      %get3A_58 = vector.load %arg5[%get3A_56, %get3A_57] : memref<8x8192xf32, #tpu.memory_space<vmem>>, vector<8x8192xf32>
      %reduce_max3A = arith.constant dense<0xFF800000> : vector<8xf32>
      %reduce_max3A_59 = vector.multi_reduction <maximumf>, %get3A_58, %reduce_max3A [1] : vector<8x8192xf32> to vector<8xf32>
      %broadcast_in_dim3A_60 = vector.shape_cast %reduce_max3A_59 : vector<8xf32> to vector<8x1xf32>
      %eq3A = vector.broadcast %broadcast_in_dim3A_60 : vector<8x1xf32> to vector<8x8192xf32>
      %eq3A_61 = arith.cmpf oeq, %get3A_58, %eq3A : vector<8x8192xf32>
      %jit3A = arith.constant 8192 : i32
      %broadcast_in_dim3A_62 = vector.broadcast %jit3A : i32 to vector<8x8192xi32>
      %select_n3A = arith.select %eq3A_61, %iota3A, %broadcast_in_dim3A_62 : vector<8x8192xi1>, vector<8x8192xi32>
      %reduce_min3A = arith.constant dense<2147483647> : vector<8xi32>
      %reduce_min3A_63 = vector.multi_reduction <minsi>, %select_n3A, %reduce_min3A [1] : vector<8x8192xi32> to vector<8xi32>
      %broadcast_in_dim3A_64 = vector.shape_cast %reduce_min3A_63 : vector<8xi32> to vector<8x1xi32>
      %eq3A_65 = vector.broadcast %broadcast_in_dim3A_64 : vector<8x1xi32> to vector<8x8192xi32>
      %eq3A_66 = arith.cmpi eq, %iota3A, %eq3A_65 : vector<8x8192xi32>
      %jit3A_67 = arith.constant 0.000000e+00 : f32
      %broadcast_in_dim3A_68 = vector.broadcast %jit3A_67 : f32 to vector<8x8192xf32>
      %select_n3A_69 = arith.select %eq3A_66, %get3A_3, %broadcast_in_dim3A_68 : vector<8x8192xi1>, vector<8x8192xf32>
      %reduce_sum3A = arith.constant dense<0.000000e+00> : vector<8xf32>
      %reduce_sum3A_70 = vector.multi_reduction <add>, %select_n3A_69, %reduce_sum3A [1] : vector<8x8192xf32> to vector<8xf32>
      %broadcast_in_dim3A_71 = vector.shape_cast %reduce_sum3A_70 : vector<8xf32> to vector<8x1xf32>
      %jit3A_72 = arith.constant 0.000000e+00 : f32
      %broadcast_in_dim3A_73 = vector.broadcast %jit3A_72 : f32 to vector<8x8192xf32>
      %select_n3A_74 = arith.select %eq3A_66, %get3A_8, %broadcast_in_dim3A_73 : vector<8x8192xi1>, vector<8x8192xf32>
      %reduce_sum3A_75 = arith.constant dense<0.000000e+00> : vector<8xf32>
      %reduce_sum3A_76 = vector.multi_reduction <add>, %select_n3A_74, %reduce_sum3A_75 [1] : vector<8x8192xf32> to vector<8xf32>
      %broadcast_in_dim3A_77 = vector.shape_cast %reduce_sum3A_76 : vector<8xf32> to vector<8x1xf32>
      %jit3A_78 = arith.constant 0.000000e+00 : f32
      %broadcast_in_dim3A_79 = vector.broadcast %jit3A_78 : f32 to vector<8x8192xf32>
      %select_n3A_80 = arith.select %eq3A_66, %get3A_13, %broadcast_in_dim3A_79 : vector<8x8192xi1>, vector<8x8192xf32>
      %reduce_sum3A_81 = arith.constant dense<0.000000e+00> : vector<8xf32>
      %reduce_sum3A_82 = vector.multi_reduction <add>, %select_n3A_80, %reduce_sum3A_81 [1] : vector<8x8192xf32> to vector<8xf32>
      %broadcast_in_dim3A_83 = vector.shape_cast %reduce_sum3A_82 : vector<8xf32> to vector<8x1xf32>
      %broadcast_in_dim3A_84 = vector.shape_cast %broadcast_in_dim3A_64 : vector<8x1xi32> to vector<1x8x1xi32>
      %swap3A_85 = arith.index_cast %scan3A_55 : i32 to index
      %swap3A_86 = arith.constant 0 : index
      %swap3A_87 = arith.constant 0 : index
      %swap3A_88 = vector.load %arg1[%swap3A_85, %swap3A_86, %swap3A_87] : memref<512x8x1xi32, #tpu.memory_space<vmem>>, vector<1x8x1xi32>
      tpu.vector_store %arg1[%swap3A_85, %swap3A_86, %swap3A_87], %broadcast_in_dim3A_84 {strides = array<i32>} : memref<512x8x1xi32, #tpu.memory_space<vmem>>, vector<1x8x1xi32>,
      %broadcast_in_dim3A_89 = vector.shape_cast %broadcast_in_dim3A_71 : vector<8x1xf32> to vector<1x8x1xf32>
      %swap3A_90 = arith.index_cast %scan3A_55 : i32 to index
      %swap3A_91 = arith.constant 0 : index
      %swap3A_92 = arith.constant 0 : index
      %swap3A_93 = vector.load %arg2[%swap3A_90, %swap3A_91, %swap3A_92] : memref<512x8x1xf32, #tpu.memory_space<vmem>>, vector<1x8x1xf32>
      tpu.vector_store %arg2[%swap3A_90, %swap3A_91, %swap3A_92], %broadcast_in_dim3A_89 {strides = array<i32>} : memref<512x8x1xf32, #tpu.memory_space<vmem>>, vector<1x8x1xf32>,
      %broadcast_in_dim3A_94 = vector.shape_cast %broadcast_in_dim3A_77 : vector<8x1xf32> to vector<1x8x1xf32>
      %swap3A_95 = arith.index_cast %scan3A_55 : i32 to index
      %swap3A_96 = arith.constant 0 : index
      %swap3A_97 = arith.constant 0 : index
      %swap3A_98 = vector.load %arg3[%swap3A_95, %swap3A_96, %swap3A_97] : memref<512x8x1xf32, #tpu.memory_space<vmem>>, vector<1x8x1xf32>
      tpu.vector_store %arg3[%swap3A_95, %swap3A_96, %swap3A_97], %broadcast_in_dim3A_94 {strides = array<i32>} : memref<512x8x1xf32, #tpu.memory_space<vmem>>, vector<1x8x1xf32>,
      %broadcast_in_dim3A_99 = vector.shape_cast %broadcast_in_dim3A_83 : vector<8x1xf32> to vector<1x8x1xf32>
      %swap3A_100 = arith.index_cast %scan3A_55 : i32 to index
      %swap3A_101 = arith.constant 0 : index
      %swap3A_102 = arith.constant 0 : index
      %swap3A_103 = vector.load %arg4[%swap3A_100, %swap3A_101, %swap3A_102] : memref<512x8x1xf32, #tpu.memory_space<vmem>>, vector<1x8x1xf32>
      tpu.vector_store %arg4[%swap3A_100, %swap3A_101, %swap3A_102], %broadcast_in_dim3A_99 {strides = array<i32>} : memref<512x8x1xf32, #tpu.memory_space<vmem>>, vector<1x8x1xf32>,
      %sub3A_104 = vector.broadcast %broadcast_in_dim3A_71 : vector<8x1xf32> to vector<8x8192xf32>
      %sub3A_105 = arith.subf %get3A_3, %sub3A_104 : vector<8x8192xf32>
      %sub3A_106 = vector.broadcast %broadcast_in_dim3A_77 : vector<8x1xf32> to vector<8x8192xf32>
      %sub3A_107 = arith.subf %get3A_8, %sub3A_106 : vector<8x8192xf32>
      %sub3A_108 = vector.broadcast %broadcast_in_dim3A_83 : vector<8x1xf32> to vector<8x8192xf32>
      %sub3A_109 = arith.subf %get3A_13, %sub3A_108 : vector<8x8192xf32>
      %mul3A_110 = arith.mulf %sub3A_105, %sub3A_105 : vector<8x8192xf32>
      %mul3A_111 = arith.mulf %sub3A_107, %sub3A_107 : vector<8x8192xf32>
      %add3A_112 = arith.addf %mul3A_110, %mul3A_111 : vector<8x8192xf32>
      %mul3A_113 = arith.mulf %sub3A_109, %sub3A_109 : vector<8x8192xf32>
      %add3A_114 = arith.addf %add3A_112, %mul3A_113 : vector<8x8192xf32>
      %min3A = arith.minimumf %get3A_58, %add3A_114 : vector<8x8192xf32>
      %swap3A_115 = arith.constant 0 : index
      %swap3A_116 = arith.constant 0 : index
      %swap3A_117 = vector.load %arg5[%swap3A_115, %swap3A_116] : memref<8x8192xf32, #tpu.memory_space<vmem>>, vector<8x8192xf32>
      tpu.vector_store %arg5[%swap3A_115, %swap3A_116], %min3A {strides = array<i32>} : memref<8x8192xf32, #tpu.memory_space<vmem>>, vector<8x8192xf32>,
    }
    %scan3A_54 = arith.constant 511 : i32
    return
  }
}

module attributes {stable_mosaic.version = 14 : i64} {
  func.func @_knn_body(%arg0: i32, %arg1: i32, %arg2: memref<1x3x8192xf32, #tpu.memory_space<vmem>>, %arg3: memref<1x128x3xf32, #tpu.memory_space<vmem>>, %arg4: memref<1x128x32xi32, #tpu.memory_space<vmem>>, %arg5: memref<16x128x512xf32, #tpu.memory_space<vmem>>, %arg6: memref<32x128x1xi32, #tpu.memory_space<vmem>>, %arg7: memref<128x512xf32, #tpu.memory_space<vmem>>, %arg8: memref<128x512xi32, #tpu.memory_space<vmem>>, %arg9: memref<128x512xf32, #tpu.memory_space<vmem>>, %arg10: memref<128x512xi32, #tpu.memory_space<vmem>>, %arg11: memref<128x512xf32, #tpu.memory_space<vmem>>, %arg12: memref<128x512xi32, #tpu.memory_space<vmem>>, %arg13: memref<128x512xi32, #tpu.memory_space<vmem>>) attributes {dimension_semantics = [#tpu.dimension_semantics<arbitrary>, #tpu.dimension_semantics<arbitrary>], iteration_bounds = array<i64: 8, 4>, scalar_prefetch = 0 : i64, scratch_operands = 9 : i64, tpu.core_type = #tpu.core_type<tc>, window_params = [{transform_indices = @transform_0, window_bounds = array<i64: 1, 3, 8192>}, {transform_indices = @transform_1, window_bounds = array<i64: 1, 128, 3>}, {transform_indices = @transform_2, window_bounds = array<i64: 1, 128, 32>}]} {
    %get3A = arith.constant 0 : index
    %get3A_0 = arith.constant 0 : index
    %get3A_1 = arith.constant 0 : index
    %get3A_2 = vector.load %arg2[%get3A, %get3A_0, %get3A_1] : memref<1x3x8192xf32, #tpu.memory_space<vmem>>, vector<1x3x8192xf32>
    %get3A_3 = vector.shape_cast %get3A_2 : vector<1x3x8192xf32> to vector<3x8192xf32>
    %get3A_4 = arith.constant 0 : index
    %get3A_5 = arith.constant 0 : index
    %get3A_6 = arith.constant 0 : index
    %get3A_7 = vector.load %arg3[%get3A_4, %get3A_5, %get3A_6] : memref<1x128x3xf32, #tpu.memory_space<vmem>>, vector<1x128x3xf32>
    %get3A_8 = vector.shape_cast %get3A_7 : vector<1x128x3xf32> to vector<128x3xf32>
    %slice3A = vector.extract_strided_slice %get3A_3 {offsets = [0, 0], sizes = [1, 8192], strides = [1, 1]} : vector<3x8192xf32> to vector<1x8192xf32>
    %slice3A_9 = vector.extract_strided_slice %get3A_3 {offsets = [1, 0], sizes = [1, 8192], strides = [1, 1]} : vector<3x8192xf32> to vector<1x8192xf32>
    %slice3A_10 = vector.extract_strided_slice %get3A_3 {offsets = [2, 0], sizes = [1, 8192], strides = [1, 1]} : vector<3x8192xf32> to vector<1x8192xf32>
    %slice3A_11 = vector.extract_strided_slice %get3A_8 {offsets = [0, 0], sizes = [128, 1], strides = [1, 1]} : vector<128x3xf32> to vector<128x1xf32>
    %slice3A_12 = vector.extract_strided_slice %get3A_8 {offsets = [0, 1], sizes = [128, 1], strides = [1, 1]} : vector<128x3xf32> to vector<128x1xf32>
    %slice3A_13 = vector.extract_strided_slice %get3A_8 {offsets = [0, 2], sizes = [128, 1], strides = [1, 1]} : vector<128x3xf32> to vector<128x1xf32>
    %mul3A = arith.mulf %slice3A, %slice3A : vector<1x8192xf32>
    %mul3A_14 = arith.mulf %slice3A_9, %slice3A_9 : vector<1x8192xf32>
    %add3A = arith.addf %mul3A, %mul3A_14 : vector<1x8192xf32>
    %mul3A_15 = arith.mulf %slice3A_10, %slice3A_10 : vector<1x8192xf32>
    %add3A_16 = arith.addf %add3A, %mul3A_15 : vector<1x8192xf32>
    %mul3A_17 = arith.mulf %slice3A_11, %slice3A_11 : vector<128x1xf32>
    %mul3A_18 = arith.mulf %slice3A_12, %slice3A_12 : vector<128x1xf32>
    %add3A_19 = arith.addf %mul3A_17, %mul3A_18 : vector<128x1xf32>
    %mul3A_20 = arith.mulf %slice3A_13, %slice3A_13 : vector<128x1xf32>
    %add3A_21 = arith.addf %add3A_19, %mul3A_20 : vector<128x1xf32>
    %dot_general3A = arith.constant dense<0.000000e+00> : vector<128x8192xf32>
    %dot_general3A_22 = tpu.matmul %get3A_8, %get3A_3, %dot_general3A {dimension_numbers = #tpu.dot_dimension_numbers<[1], [0], [0], [1], [0, 0, 1, 1], [], []>, transpose_lhs_hint = false} : vector<128x3xf32>, vector<3x8192xf32>, vector<128x8192xf32> -> vector<128x8192xf32>
    %add3A_23 = vector.broadcast %add3A_21 : vector<128x1xf32> to vector<128x8192xf32>
    %add3A_24 = vector.broadcast %add3A_16 : vector<1x8192xf32> to vector<128x8192xf32>
    %add3A_25 = arith.addf %add3A_23, %add3A_24 : vector<128x8192xf32>
    %mul3A_26 = arith.constant 2.000000e+00 : f32
    %mul3A_27 = vector.broadcast %mul3A_26 : f32 to vector<128x8192xf32>
    %mul3A_28 = arith.mulf %mul3A_27, %dot_general3A_22 : vector<128x8192xf32>
    %sub3A = arith.subf %add3A_25, %mul3A_28 : vector<128x8192xf32>
    %max3A = arith.constant 0.000000e+00 : f32
    %max3A_29 = vector.broadcast %max3A : f32 to vector<128x8192xf32>
    %max3A_30 = arith.maximumf %sub3A, %max3A_29 : vector<128x8192xf32>
    %sqrt3A = math.sqrt %max3A_30 : vector<128x8192xf32>
    %slice3A_31 = vector.extract_strided_slice %sqrt3A {offsets = [0, 0], sizes = [128, 512], strides = [1, 1]} : vector<128x8192xf32> to vector<128x512xf32>
    %swap3A = arith.constant 0 : index
    %swap3A_32 = arith.constant 0 : index
    %swap3A_33 = arith.constant 0 : index
    %swap3A_34 = vector.load %arg5[%swap3A, %swap3A_32, %swap3A_33] : memref<16x128x512xf32, #tpu.memory_space<vmem>>, vector<1x128x512xf32>
    %swap3A_35 = vector.shape_cast %swap3A_34 : vector<1x128x512xf32> to vector<128x512xf32>
    %swap3A_36 = vector.shape_cast %slice3A_31 : vector<128x512xf32> to vector<1x128x512xf32>
    tpu.vector_store %arg5[%swap3A, %swap3A_32, %swap3A_33], %swap3A_36 {strides = array<i32>} : memref<16x128x512xf32, #tpu.memory_space<vmem>>, vector<1x128x512xf32>,
    %slice3A_37 = vector.extract_strided_slice %sqrt3A {offsets = [0, 512], sizes = [128, 512], strides = [1, 1]} : vector<128x8192xf32> to vector<128x512xf32>
    %swap3A_38 = arith.constant 1 : index
    %swap3A_39 = arith.constant 0 : index
    %swap3A_40 = arith.constant 0 : index
    %swap3A_41 = vector.load %arg5[%swap3A_38, %swap3A_39, %swap3A_40] : memref<16x128x512xf32, #tpu.memory_space<vmem>>, vector<1x128x512xf32>
    %swap3A_42 = vector.shape_cast %swap3A_41 : vector<1x128x512xf32> to vector<128x512xf32>
    %swap3A_43 = vector.shape_cast %slice3A_37 : vector<128x512xf32> to vector<1x128x512xf32>
    tpu.vector_store %arg5[%swap3A_38, %swap3A_39, %swap3A_40], %swap3A_43 {strides = array<i32>} : memref<16x128x512xf32, #tpu.memory_space<vmem>>, vector<1x128x512xf32>,
    %slice3A_44 = vector.extract_strided_slice %sqrt3A {offsets = [0, 1024], sizes = [128, 512], strides = [1, 1]} : vector<128x8192xf32> to vector<128x512xf32>
    %swap3A_45 = arith.constant 2 : index
    %swap3A_46 = arith.constant 0 : index
    %swap3A_47 = arith.constant 0 : index
    %swap3A_48 = vector.load %arg5[%swap3A_45, %swap3A_46, %swap3A_47] : memref<16x128x512xf32, #tpu.memory_space<vmem>>, vector<1x128x512xf32>
    %swap3A_49 = vector.shape_cast %swap3A_48 : vector<1x128x512xf32> to vector<128x512xf32>
    %swap3A_50 = vector.shape_cast %slice3A_44 : vector<128x512xf32> to vector<1x128x512xf32>
    tpu.vector_store %arg5[%swap3A_45, %swap3A_46, %swap3A_47], %swap3A_50 {strides = array<i32>} : memref<16x128x512xf32, #tpu.memory_space<vmem>>, vector<1x128x512xf32>,
    %slice3A_51 = vector.extract_strided_slice %sqrt3A {offsets = [0, 1536], sizes = [128, 512], strides = [1, 1]} : vector<128x8192xf32> to vector<128x512xf32>
    %swap3A_52 = arith.constant 3 : index
    %swap3A_53 = arith.constant 0 : index
    %swap3A_54 = arith.constant 0 : index
    %swap3A_55 = vector.load %arg5[%swap3A_52, %swap3A_53, %swap3A_54] : memref<16x128x512xf32, #tpu.memory_space<vmem>>, vector<1x128x512xf32>
    %swap3A_56 = vector.shape_cast %swap3A_55 : vector<1x128x512xf32> to vector<128x512xf32>
    %swap3A_57 = vector.shape_cast %slice3A_51 : vector<128x512xf32> to vector<1x128x512xf32>
    tpu.vector_store %arg5[%swap3A_52, %swap3A_53, %swap3A_54], %swap3A_57 {strides = array<i32>} : memref<16x128x512xf32, #tpu.memory_space<vmem>>, vector<1x128x512xf32>,
    %slice3A_58 = vector.extract_strided_slice %sqrt3A {offsets = [0, 2048], sizes = [128, 512], strides = [1, 1]} : vector<128x8192xf32> to vector<128x512xf32>
    %swap3A_59 = arith.constant 4 : index
    %swap3A_60 = arith.constant 0 : index
    %swap3A_61 = arith.constant 0 : index
    %swap3A_62 = vector.load %arg5[%swap3A_59, %swap3A_60, %swap3A_61] : memref<16x128x512xf32, #tpu.memory_space<vmem>>, vector<1x128x512xf32>
    %swap3A_63 = vector.shape_cast %swap3A_62 : vector<1x128x512xf32> to vector<128x512xf32>
    %swap3A_64 = vector.shape_cast %slice3A_58 : vector<128x512xf32> to vector<1x128x512xf32>
    tpu.vector_store %arg5[%swap3A_59, %swap3A_60, %swap3A_61], %swap3A_64 {strides = array<i32>} : memref<16x128x512xf32, #tpu.memory_space<vmem>>, vector<1x128x512xf32>,
    %slice3A_65 = vector.extract_strided_slice %sqrt3A {offsets = [0, 2560], sizes = [128, 512], strides = [1, 1]} : vector<128x8192xf32> to vector<128x512xf32>
    %swap3A_66 = arith.constant 5 : index
    %swap3A_67 = arith.constant 0 : index
    %swap3A_68 = arith.constant 0 : index
    %swap3A_69 = vector.load %arg5[%swap3A_66, %swap3A_67, %swap3A_68] : memref<16x128x512xf32, #tpu.memory_space<vmem>>, vector<1x128x512xf32>
    %swap3A_70 = vector.shape_cast %swap3A_69 : vector<1x128x512xf32> to vector<128x512xf32>
    %swap3A_71 = vector.shape_cast %slice3A_65 : vector<128x512xf32> to vector<1x128x512xf32>
    tpu.vector_store %arg5[%swap3A_66, %swap3A_67, %swap3A_68], %swap3A_71 {strides = array<i32>} : memref<16x128x512xf32, #tpu.memory_space<vmem>>, vector<1x128x512xf32>,
    %slice3A_72 = vector.extract_strided_slice %sqrt3A {offsets = [0, 3072], sizes = [128, 512], strides = [1, 1]} : vector<128x8192xf32> to vector<128x512xf32>
    %swap3A_73 = arith.constant 6 : index
    %swap3A_74 = arith.constant 0 : index
    %swap3A_75 = arith.constant 0 : index
    %swap3A_76 = vector.load %arg5[%swap3A_73, %swap3A_74, %swap3A_75] : memref<16x128x512xf32, #tpu.memory_space<vmem>>, vector<1x128x512xf32>
    %swap3A_77 = vector.shape_cast %swap3A_76 : vector<1x128x512xf32> to vector<128x512xf32>
    %swap3A_78 = vector.shape_cast %slice3A_72 : vector<128x512xf32> to vector<1x128x512xf32>
    tpu.vector_store %arg5[%swap3A_73, %swap3A_74, %swap3A_75], %swap3A_78 {strides = array<i32>} : memref<16x128x512xf32, #tpu.memory_space<vmem>>, vector<1x128x512xf32>,
    %slice3A_79 = vector.extract_strided_slice %sqrt3A {offsets = [0, 3584], sizes = [128, 512], strides = [1, 1]} : vector<128x8192xf32> to vector<128x512xf32>
    %swap3A_80 = arith.constant 7 : index
    %swap3A_81 = arith.constant 0 : index
    %swap3A_82 = arith.constant 0 : index
    %swap3A_83 = vector.load %arg5[%swap3A_80, %swap3A_81, %swap3A_82] : memref<16x128x512xf32, #tpu.memory_space<vmem>>, vector<1x128x512xf32>
    %swap3A_84 = vector.shape_cast %swap3A_83 : vector<1x128x512xf32> to vector<128x512xf32>
    %swap3A_85 = vector.shape_cast %slice3A_79 : vector<128x512xf32> to vector<1x128x512xf32>
    tpu.vector_store %arg5[%swap3A_80, %swap3A_81, %swap3A_82], %swap3A_85 {strides = array<i32>} : memref<16x128x512xf32, #tpu.memory_space<vmem>>, vector<1x128x512xf32>,
    %slice3A_86 = vector.extract_strided_slice %sqrt3A {offsets = [0, 4096], sizes = [128, 512], strides = [1, 1]} : vector<128x8192xf32> to vector<128x512xf32>
    %swap3A_87 = arith.constant 8 : index
    %swap3A_88 = arith.constant 0 : index
    %swap3A_89 = arith.constant 0 : index
    %swap3A_90 = vector.load %arg5[%swap3A_87, %swap3A_88, %swap3A_89] : memref<16x128x512xf32, #tpu.memory_space<vmem>>, vector<1x128x512xf32>
    %swap3A_91 = vector.shape_cast %swap3A_90 : vector<1x128x512xf32> to vector<128x512xf32>
    %swap3A_92 = vector.shape_cast %slice3A_86 : vector<128x512xf32> to vector<1x128x512xf32>
    tpu.vector_store %arg5[%swap3A_87, %swap3A_88, %swap3A_89], %swap3A_92 {strides = array<i32>} : memref<16x128x512xf32, #tpu.memory_space<vmem>>, vector<1x128x512xf32>,
    %slice3A_93 = vector.extract_strided_slice %sqrt3A {offsets = [0, 4608], sizes = [128, 512], strides = [1, 1]} : vector<128x8192xf32> to vector<128x512xf32>
    %swap3A_94 = arith.constant 9 : index
    %swap3A_95 = arith.constant 0 : index
    %swap3A_96 = arith.constant 0 : index
    %swap3A_97 = vector.load %arg5[%swap3A_94, %swap3A_95, %swap3A_96] : memref<16x128x512xf32, #tpu.memory_space<vmem>>, vector<1x128x512xf32>
    %swap3A_98 = vector.shape_cast %swap3A_97 : vector<1x128x512xf32> to vector<128x512xf32>
    %swap3A_99 = vector.shape_cast %slice3A_93 : vector<128x512xf32> to vector<1x128x512xf32>
    tpu.vector_store %arg5[%swap3A_94, %swap3A_95, %swap3A_96], %swap3A_99 {strides = array<i32>} : memref<16x128x512xf32, #tpu.memory_space<vmem>>, vector<1x128x512xf32>,
    %slice3A_100 = vector.extract_strided_slice %sqrt3A {offsets = [0, 5120], sizes = [128, 512], strides = [1, 1]} : vector<128x8192xf32> to vector<128x512xf32>
    %swap3A_101 = arith.constant 10 : index
    %swap3A_102 = arith.constant 0 : index
    %swap3A_103 = arith.constant 0 : index
    %swap3A_104 = vector.load %arg5[%swap3A_101, %swap3A_102, %swap3A_103] : memref<16x128x512xf32, #tpu.memory_space<vmem>>, vector<1x128x512xf32>
    %swap3A_105 = vector.shape_cast %swap3A_104 : vector<1x128x512xf32> to vector<128x512xf32>
    %swap3A_106 = vector.shape_cast %slice3A_100 : vector<128x512xf32> to vector<1x128x512xf32>
    tpu.vector_store %arg5[%swap3A_101, %swap3A_102, %swap3A_103], %swap3A_106 {strides = array<i32>} : memref<16x128x512xf32, #tpu.memory_space<vmem>>, vector<1x128x512xf32>,
    %slice3A_107 = vector.extract_strided_slice %sqrt3A {offsets = [0, 5632], sizes = [128, 512], strides = [1, 1]} : vector<128x8192xf32> to vector<128x512xf32>
    %swap3A_108 = arith.constant 11 : index
    %swap3A_109 = arith.constant 0 : index
    %swap3A_110 = arith.constant 0 : index
    %swap3A_111 = vector.load %arg5[%swap3A_108, %swap3A_109, %swap3A_110] : memref<16x128x512xf32, #tpu.memory_space<vmem>>, vector<1x128x512xf32>
    %swap3A_112 = vector.shape_cast %swap3A_111 : vector<1x128x512xf32> to vector<128x512xf32>
    %swap3A_113 = vector.shape_cast %slice3A_107 : vector<128x512xf32> to vector<1x128x512xf32>
    tpu.vector_store %arg5[%swap3A_108, %swap3A_109, %swap3A_110], %swap3A_113 {strides = array<i32>} : memref<16x128x512xf32, #tpu.memory_space<vmem>>, vector<1x128x512xf32>,
    %slice3A_114 = vector.extract_strided_slice %sqrt3A {offsets = [0, 6144], sizes = [128, 512], strides = [1, 1]} : vector<128x8192xf32> to vector<128x512xf32>
    %swap3A_115 = arith.constant 12 : index
    %swap3A_116 = arith.constant 0 : index
    %swap3A_117 = arith.constant 0 : index
    %swap3A_118 = vector.load %arg5[%swap3A_115, %swap3A_116, %swap3A_117] : memref<16x128x512xf32, #tpu.memory_space<vmem>>, vector<1x128x512xf32>
    %swap3A_119 = vector.shape_cast %swap3A_118 : vector<1x128x512xf32> to vector<128x512xf32>
    %swap3A_120 = vector.shape_cast %slice3A_114 : vector<128x512xf32> to vector<1x128x512xf32>
    tpu.vector_store %arg5[%swap3A_115, %swap3A_116, %swap3A_117], %swap3A_120 {strides = array<i32>} : memref<16x128x512xf32, #tpu.memory_space<vmem>>, vector<1x128x512xf32>,
    %slice3A_121 = vector.extract_strided_slice %sqrt3A {offsets = [0, 6656], sizes = [128, 512], strides = [1, 1]} : vector<128x8192xf32> to vector<128x512xf32>
    %swap3A_122 = arith.constant 13 : index
    %swap3A_123 = arith.constant 0 : index
    %swap3A_124 = arith.constant 0 : index
    %swap3A_125 = vector.load %arg5[%swap3A_122, %swap3A_123, %swap3A_124] : memref<16x128x512xf32, #tpu.memory_space<vmem>>, vector<1x128x512xf32>
    %swap3A_126 = vector.shape_cast %swap3A_125 : vector<1x128x512xf32> to vector<128x512xf32>
    %swap3A_127 = vector.shape_cast %slice3A_121 : vector<128x512xf32> to vector<1x128x512xf32>
    tpu.vector_store %arg5[%swap3A_122, %swap3A_123, %swap3A_124], %swap3A_127 {strides = array<i32>} : memref<16x128x512xf32, #tpu.memory_space<vmem>>, vector<1x128x512xf32>,
    %slice3A_128 = vector.extract_strided_slice %sqrt3A {offsets = [0, 7168], sizes = [128, 512], strides = [1, 1]} : vector<128x8192xf32> to vector<128x512xf32>
    %swap3A_129 = arith.constant 14 : index
    %swap3A_130 = arith.constant 0 : index
    %swap3A_131 = arith.constant 0 : index
    %swap3A_132 = vector.load %arg5[%swap3A_129, %swap3A_130, %swap3A_131] : memref<16x128x512xf32, #tpu.memory_space<vmem>>, vector<1x128x512xf32>
    %swap3A_133 = vector.shape_cast %swap3A_132 : vector<1x128x512xf32> to vector<128x512xf32>
    %swap3A_134 = vector.shape_cast %slice3A_128 : vector<128x512xf32> to vector<1x128x512xf32>
    tpu.vector_store %arg5[%swap3A_129, %swap3A_130, %swap3A_131], %swap3A_134 {strides = array<i32>} : memref<16x128x512xf32, #tpu.memory_space<vmem>>, vector<1x128x512xf32>,
    %slice3A_135 = vector.extract_strided_slice %sqrt3A {offsets = [0, 7680], sizes = [128, 512], strides = [1, 1]} : vector<128x8192xf32> to vector<128x512xf32>
    %swap3A_136 = arith.constant 15 : index
    %swap3A_137 = arith.constant 0 : index
    %swap3A_138 = arith.constant 0 : index
    %swap3A_139 = vector.load %arg5[%swap3A_136, %swap3A_137, %swap3A_138] : memref<16x128x512xf32, #tpu.memory_space<vmem>>, vector<1x128x512xf32>
    %swap3A_140 = vector.shape_cast %swap3A_139 : vector<1x128x512xf32> to vector<128x512xf32>
    %swap3A_141 = vector.shape_cast %slice3A_135 : vector<128x512xf32> to vector<1x128x512xf32>
    tpu.vector_store %arg5[%swap3A_136, %swap3A_137, %swap3A_138], %swap3A_141 {strides = array<i32>} : memref<16x128x512xf32, #tpu.memory_space<vmem>>, vector<1x128x512xf32>,
    %iota3A = tpu.iota {dimensions = array<i32: 1>} : vector<128x512xi32>
    %get3A_142 = arith.constant 0 : index
    %get3A_143 = arith.constant 0 : index
    %get3A_144 = arith.constant 0 : index
    %get3A_145 = vector.load %arg5[%get3A_142, %get3A_143, %get3A_144] : memref<16x128x512xf32, #tpu.memory_space<vmem>>, vector<1x128x512xf32>
    %get3A_146 = vector.shape_cast %get3A_145 : vector<1x128x512xf32> to vector<128x512xf32>
    %get3A_147 = arith.constant 1 : index
    %get3A_148 = arith.constant 0 : index
    %get3A_149 = arith.constant 0 : index
    %get3A_150 = vector.load %arg5[%get3A_147, %get3A_148, %get3A_149] : memref<16x128x512xf32, #tpu.memory_space<vmem>>, vector<1x128x512xf32>
    %get3A_151 = vector.shape_cast %get3A_150 : vector<1x128x512xf32> to vector<128x512xf32>
    %min3A = arith.minimumf %get3A_146, %get3A_151 : vector<128x512xf32>
    %get3A_152 = arith.constant 2 : index
    %get3A_153 = arith.constant 0 : index
    %get3A_154 = arith.constant 0 : index
    %get3A_155 = vector.load %arg5[%get3A_152, %get3A_153, %get3A_154] : memref<16x128x512xf32, #tpu.memory_space<vmem>>, vector<1x128x512xf32>
    %get3A_156 = vector.shape_cast %get3A_155 : vector<1x128x512xf32> to vector<128x512xf32>
    %min3A_157 = arith.minimumf %min3A, %get3A_156 : vector<128x512xf32>
    %get3A_158 = arith.constant 3 : index
    %get3A_159 = arith.constant 0 : index
    %get3A_160 = arith.constant 0 : index
    %get3A_161 = vector.load %arg5[%get3A_158, %get3A_159, %get3A_160] : memref<16x128x512xf32, #tpu.memory_space<vmem>>, vector<1x128x512xf32>
    %get3A_162 = vector.shape_cast %get3A_161 : vector<1x128x512xf32> to vector<128x512xf32>
    %min3A_163 = arith.minimumf %min3A_157, %get3A_162 : vector<128x512xf32>
    %get3A_164 = arith.constant 4 : index
    %get3A_165 = arith.constant 0 : index
    %get3A_166 = arith.constant 0 : index
    %get3A_167 = vector.load %arg5[%get3A_164, %get3A_165, %get3A_166] : memref<16x128x512xf32, #tpu.memory_space<vmem>>, vector<1x128x512xf32>
    %get3A_168 = vector.shape_cast %get3A_167 : vector<1x128x512xf32> to vector<128x512xf32>
    %min3A_169 = arith.minimumf %min3A_163, %get3A_168 : vector<128x512xf32>
    %get3A_170 = arith.constant 5 : index
    %get3A_171 = arith.constant 0 : index
    %get3A_172 = arith.constant 0 : index
    %get3A_173 = vector.load %arg5[%get3A_170, %get3A_171, %get3A_172] : memref<16x128x512xf32, #tpu.memory_space<vmem>>, vector<1x128x512xf32>
    %get3A_174 = vector.shape_cast %get3A_173 : vector<1x128x512xf32> to vector<128x512xf32>
    %min3A_175 = arith.minimumf %min3A_169, %get3A_174 : vector<128x512xf32>
    %get3A_176 = arith.constant 6 : index
    %get3A_177 = arith.constant 0 : index
    %get3A_178 = arith.constant 0 : index
    %get3A_179 = vector.load %arg5[%get3A_176, %get3A_177, %get3A_178] : memref<16x128x512xf32, #tpu.memory_space<vmem>>, vector<1x128x512xf32>
    %get3A_180 = vector.shape_cast %get3A_179 : vector<1x128x512xf32> to vector<128x512xf32>
    %min3A_181 = arith.minimumf %min3A_175, %get3A_180 : vector<128x512xf32>
    %get3A_182 = arith.constant 7 : index
    %get3A_183 = arith.constant 0 : index
    %get3A_184 = arith.constant 0 : index
    %get3A_185 = vector.load %arg5[%get3A_182, %get3A_183, %get3A_184] : memref<16x128x512xf32, #tpu.memory_space<vmem>>, vector<1x128x512xf32>
    %get3A_186 = vector.shape_cast %get3A_185 : vector<1x128x512xf32> to vector<128x512xf32>
    %min3A_187 = arith.minimumf %min3A_181, %get3A_186 : vector<128x512xf32>
    %get3A_188 = arith.constant 8 : index
    %get3A_189 = arith.constant 0 : index
    %get3A_190 = arith.constant 0 : index
    %get3A_191 = vector.load %arg5[%get3A_188, %get3A_189, %get3A_190] : memref<16x128x512xf32, #tpu.memory_space<vmem>>, vector<1x128x512xf32>
    %get3A_192 = vector.shape_cast %get3A_191 : vector<1x128x512xf32> to vector<128x512xf32>
    %min3A_193 = arith.minimumf %min3A_187, %get3A_192 : vector<128x512xf32>
    %get3A_194 = arith.constant 9 : index
    %get3A_195 = arith.constant 0 : index
    %get3A_196 = arith.constant 0 : index
    %get3A_197 = vector.load %arg5[%get3A_194, %get3A_195, %get3A_196] : memref<16x128x512xf32, #tpu.memory_space<vmem>>, vector<1x128x512xf32>
    %get3A_198 = vector.shape_cast %get3A_197 : vector<1x128x512xf32> to vector<128x512xf32>
    %min3A_199 = arith.minimumf %min3A_193, %get3A_198 : vector<128x512xf32>
    %get3A_200 = arith.constant 10 : index
    %get3A_201 = arith.constant 0 : index
    %get3A_202 = arith.constant 0 : index
    %get3A_203 = vector.load %arg5[%get3A_200, %get3A_201, %get3A_202] : memref<16x128x512xf32, #tpu.memory_space<vmem>>, vector<1x128x512xf32>
    %get3A_204 = vector.shape_cast %get3A_203 : vector<1x128x512xf32> to vector<128x512xf32>
    %min3A_205 = arith.minimumf %min3A_199, %get3A_204 : vector<128x512xf32>
    %get3A_206 = arith.constant 11 : index
    %get3A_207 = arith.constant 0 : index
    %get3A_208 = arith.constant 0 : index
    %get3A_209 = vector.load %arg5[%get3A_206, %get3A_207, %get3A_208] : memref<16x128x512xf32, #tpu.memory_space<vmem>>, vector<1x128x512xf32>
    %get3A_210 = vector.shape_cast %get3A_209 : vector<1x128x512xf32> to vector<128x512xf32>
    %min3A_211 = arith.minimumf %min3A_205, %get3A_210 : vector<128x512xf32>
    %get3A_212 = arith.constant 12 : index
    %get3A_213 = arith.constant 0 : index
    %get3A_214 = arith.constant 0 : index
    %get3A_215 = vector.load %arg5[%get3A_212, %get3A_213, %get3A_214] : memref<16x128x512xf32, #tpu.memory_space<vmem>>, vector<1x128x512xf32>
    %get3A_216 = vector.shape_cast %get3A_215 : vector<1x128x512xf32> to vector<128x512xf32>
    %min3A_217 = arith.minimumf %min3A_211, %get3A_216 : vector<128x512xf32>
    %get3A_218 = arith.constant 13 : index
    %get3A_219 = arith.constant 0 : index
    %get3A_220 = arith.constant 0 : index
    %get3A_221 = vector.load %arg5[%get3A_218, %get3A_219, %get3A_220] : memref<16x128x512xf32, #tpu.memory_space<vmem>>, vector<1x128x512xf32>
    %get3A_222 = vector.shape_cast %get3A_221 : vector<1x128x512xf32> to vector<128x512xf32>
    %min3A_223 = arith.minimumf %min3A_217, %get3A_222 : vector<128x512xf32>
    %get3A_224 = arith.constant 14 : index
    %get3A_225 = arith.constant 0 : index
    %get3A_226 = arith.constant 0 : index
    %get3A_227 = vector.load %arg5[%get3A_224, %get3A_225, %get3A_226] : memref<16x128x512xf32, #tpu.memory_space<vmem>>, vector<1x128x512xf32>
    %get3A_228 = vector.shape_cast %get3A_227 : vector<1x128x512xf32> to vector<128x512xf32>
    %min3A_229 = arith.minimumf %min3A_223, %get3A_228 : vector<128x512xf32>
    %get3A_230 = arith.constant 15 : index
    %get3A_231 = arith.constant 0 : index
    %get3A_232 = arith.constant 0 : index
    %get3A_233 = vector.load %arg5[%get3A_230, %get3A_231, %get3A_232] : memref<16x128x512xf32, #tpu.memory_space<vmem>>, vector<1x128x512xf32>
    %get3A_234 = vector.shape_cast %get3A_233 : vector<1x128x512xf32> to vector<128x512xf32>
    %min3A_235 = arith.minimumf %min3A_229, %get3A_234 : vector<128x512xf32>
    %broadcast_in_dim3A = arith.constant 16 : i32
    %broadcast_in_dim3A_236 = vector.broadcast %broadcast_in_dim3A : i32 to vector<128x512xi32>
    %get3A_237 = arith.constant 15 : index
    %get3A_238 = arith.constant 0 : index
    %get3A_239 = arith.constant 0 : index
    %get3A_240 = vector.load %arg5[%get3A_237, %get3A_238, %get3A_239] : memref<16x128x512xf32, #tpu.memory_space<vmem>>, vector<1x128x512xf32>
    %get3A_241 = vector.shape_cast %get3A_240 : vector<1x128x512xf32> to vector<128x512xf32>
    %eq3A = arith.cmpf oeq, %get3A_241, %min3A_235 : vector<128x512xf32>
    %jit3A = arith.constant 15 : i32
    %broadcast_in_dim3A_242 = vector.broadcast %jit3A : i32 to vector<128x512xi32>
    %select_n3A = arith.select %eq3A, %broadcast_in_dim3A_242, %broadcast_in_dim3A_236 : vector<128x512xi1>, vector<128x512xi32>
    %get3A_243 = arith.constant 14 : index
    %get3A_244 = arith.constant 0 : index
    %get3A_245 = arith.constant 0 : index
    %get3A_246 = vector.load %arg5[%get3A_243, %get3A_244, %get3A_245] : memref<16x128x512xf32, #tpu.memory_space<vmem>>, vector<1x128x512xf32>
    %get3A_247 = vector.shape_cast %get3A_246 : vector<1x128x512xf32> to vector<128x512xf32>
    %eq3A_248 = arith.cmpf oeq, %get3A_247, %min3A_235 : vector<128x512xf32>
    %jit3A_249 = arith.constant 14 : i32
    %broadcast_in_dim3A_250 = vector.broadcast %jit3A_249 : i32 to vector<128x512xi32>
    %select_n3A_251 = arith.select %eq3A_248, %broadcast_in_dim3A_250, %select_n3A : vector<128x512xi1>, vector<128x512xi32>
    %get3A_252 = arith.constant 13 : index
    %get3A_253 = arith.constant 0 : index
    %get3A_254 = arith.constant 0 : index
    %get3A_255 = vector.load %arg5[%get3A_252, %get3A_253, %get3A_254] : memref<16x128x512xf32, #tpu.memory_space<vmem>>, vector<1x128x512xf32>
    %get3A_256 = vector.shape_cast %get3A_255 : vector<1x128x512xf32> to vector<128x512xf32>
    %eq3A_257 = arith.cmpf oeq, %get3A_256, %min3A_235 : vector<128x512xf32>
    %jit3A_258 = arith.constant 13 : i32
    %broadcast_in_dim3A_259 = vector.broadcast %jit3A_258 : i32 to vector<128x512xi32>
    %select_n3A_260 = arith.select %eq3A_257, %broadcast_in_dim3A_259, %select_n3A_251 : vector<128x512xi1>, vector<128x512xi32>
    %get3A_261 = arith.constant 12 : index
    %get3A_262 = arith.constant 0 : index
    %get3A_263 = arith.constant 0 : index
    %get3A_264 = vector.load %arg5[%get3A_261, %get3A_262, %get3A_263] : memref<16x128x512xf32, #tpu.memory_space<vmem>>, vector<1x128x512xf32>
    %get3A_265 = vector.shape_cast %get3A_264 : vector<1x128x512xf32> to vector<128x512xf32>
    %eq3A_266 = arith.cmpf oeq, %get3A_265, %min3A_235 : vector<128x512xf32>
    %jit3A_267 = arith.constant 12 : i32
    %broadcast_in_dim3A_268 = vector.broadcast %jit3A_267 : i32 to vector<128x512xi32>
    %select_n3A_269 = arith.select %eq3A_266, %broadcast_in_dim3A_268, %select_n3A_260 : vector<128x512xi1>, vector<128x512xi32>
    %get3A_270 = arith.constant 11 : index
    %get3A_271 = arith.constant 0 : index
    %get3A_272 = arith.constant 0 : index
    %get3A_273 = vector.load %arg5[%get3A_270, %get3A_271, %get3A_272] : memref<16x128x512xf32, #tpu.memory_space<vmem>>, vector<1x128x512xf32>
    %get3A_274 = vector.shape_cast %get3A_273 : vector<1x128x512xf32> to vector<128x512xf32>
    %eq3A_275 = arith.cmpf oeq, %get3A_274, %min3A_235 : vector<128x512xf32>
    %jit3A_276 = arith.constant 11 : i32
    %broadcast_in_dim3A_277 = vector.broadcast %jit3A_276 : i32 to vector<128x512xi32>
    %select_n3A_278 = arith.select %eq3A_275, %broadcast_in_dim3A_277, %select_n3A_269 : vector<128x512xi1>, vector<128x512xi32>
    %get3A_279 = arith.constant 10 : index
    %get3A_280 = arith.constant 0 : index
    %get3A_281 = arith.constant 0 : index
    %get3A_282 = vector.load %arg5[%get3A_279, %get3A_280, %get3A_281] : memref<16x128x512xf32, #tpu.memory_space<vmem>>, vector<1x128x512xf32>
    %get3A_283 = vector.shape_cast %get3A_282 : vector<1x128x512xf32> to vector<128x512xf32>
    %eq3A_284 = arith.cmpf oeq, %get3A_283, %min3A_235 : vector<128x512xf32>
    %jit3A_285 = arith.constant 10 : i32
    %broadcast_in_dim3A_286 = vector.broadcast %jit3A_285 : i32 to vector<128x512xi32>
    %select_n3A_287 = arith.select %eq3A_284, %broadcast_in_dim3A_286, %select_n3A_278 : vector<128x512xi1>, vector<128x512xi32>
    %get3A_288 = arith.constant 9 : index
    %get3A_289 = arith.constant 0 : index
    %get3A_290 = arith.constant 0 : index
    %get3A_291 = vector.load %arg5[%get3A_288, %get3A_289, %get3A_290] : memref<16x128x512xf32, #tpu.memory_space<vmem>>, vector<1x128x512xf32>
    %get3A_292 = vector.shape_cast %get3A_291 : vector<1x128x512xf32> to vector<128x512xf32>
    %eq3A_293 = arith.cmpf oeq, %get3A_292, %min3A_235 : vector<128x512xf32>
    %jit3A_294 = arith.constant 9 : i32
    %broadcast_in_dim3A_295 = vector.broadcast %jit3A_294 : i32 to vector<128x512xi32>
    %select_n3A_296 = arith.select %eq3A_293, %broadcast_in_dim3A_295, %select_n3A_287 : vector<128x512xi1>, vector<128x512xi32>
    %get3A_297 = arith.constant 8 : index
    %get3A_298 = arith.constant 0 : index
    %get3A_299 = arith.constant 0 : index
    %get3A_300 = vector.load %arg5[%get3A_297, %get3A_298, %get3A_299] : memref<16x128x512xf32, #tpu.memory_space<vmem>>, vector<1x128x512xf32>
    %get3A_301 = vector.shape_cast %get3A_300 : vector<1x128x512xf32> to vector<128x512xf32>
    %eq3A_302 = arith.cmpf oeq, %get3A_301, %min3A_235 : vector<128x512xf32>
    %jit3A_303 = arith.constant 8 : i32
    %broadcast_in_dim3A_304 = vector.broadcast %jit3A_303 : i32 to vector<128x512xi32>
    %select_n3A_305 = arith.select %eq3A_302, %broadcast_in_dim3A_304, %select_n3A_296 : vector<128x512xi1>, vector<128x512xi32>
    %get3A_306 = arith.constant 7 : index
    %get3A_307 = arith.constant 0 : index
    %get3A_308 = arith.constant 0 : index
    %get3A_309 = vector.load %arg5[%get3A_306, %get3A_307, %get3A_308] : memref<16x128x512xf32, #tpu.memory_space<vmem>>, vector<1x128x512xf32>
    %get3A_310 = vector.shape_cast %get3A_309 : vector<1x128x512xf32> to vector<128x512xf32>
    %eq3A_311 = arith.cmpf oeq, %get3A_310, %min3A_235 : vector<128x512xf32>
    %jit3A_312 = arith.constant 7 : i32
    %broadcast_in_dim3A_313 = vector.broadcast %jit3A_312 : i32 to vector<128x512xi32>
    %select_n3A_314 = arith.select %eq3A_311, %broadcast_in_dim3A_313, %select_n3A_305 : vector<128x512xi1>, vector<128x512xi32>
    %get3A_315 = arith.constant 6 : index
    %get3A_316 = arith.constant 0 : index
    %get3A_317 = arith.constant 0 : index
    %get3A_318 = vector.load %arg5[%get3A_315, %get3A_316, %get3A_317] : memref<16x128x512xf32, #tpu.memory_space<vmem>>, vector<1x128x512xf32>
    %get3A_319 = vector.shape_cast %get3A_318 : vector<1x128x512xf32> to vector<128x512xf32>
    %eq3A_320 = arith.cmpf oeq, %get3A_319, %min3A_235 : vector<128x512xf32>
    %jit3A_321 = arith.constant 6 : i32
    %broadcast_in_dim3A_322 = vector.broadcast %jit3A_321 : i32 to vector<128x512xi32>
    %select_n3A_323 = arith.select %eq3A_320, %broadcast_in_dim3A_322, %select_n3A_314 : vector<128x512xi1>, vector<128x512xi32>
    %get3A_324 = arith.constant 5 : index
    %get3A_325 = arith.constant 0 : index
    %get3A_326 = arith.constant 0 : index
    %get3A_327 = vector.load %arg5[%get3A_324, %get3A_325, %get3A_326] : memref<16x128x512xf32, #tpu.memory_space<vmem>>, vector<1x128x512xf32>
    %get3A_328 = vector.shape_cast %get3A_327 : vector<1x128x512xf32> to vector<128x512xf32>
    %eq3A_329 = arith.cmpf oeq, %get3A_328, %min3A_235 : vector<128x512xf32>
    %jit3A_330 = arith.constant 5 : i32
    %broadcast_in_dim3A_331 = vector.broadcast %jit3A_330 : i32 to vector<128x512xi32>
    %select_n3A_332 = arith.select %eq3A_329, %broadcast_in_dim3A_331, %select_n3A_323 : vector<128x512xi1>, vector<128x512xi32>
    %get3A_333 = arith.constant 4 : index
    %get3A_334 = arith.constant 0 : index
    %get3A_335 = arith.constant 0 : index
    %get3A_336 = vector.load %arg5[%get3A_333, %get3A_334, %get3A_335] : memref<16x128x512xf32, #tpu.memory_space<vmem>>, vector<1x128x512xf32>
    %get3A_337 = vector.shape_cast %get3A_336 : vector<1x128x512xf32> to vector<128x512xf32>
    %eq3A_338 = arith.cmpf oeq, %get3A_337, %min3A_235 : vector<128x512xf32>
    %jit3A_339 = arith.constant 4 : i32
    %broadcast_in_dim3A_340 = vector.broadcast %jit3A_339 : i32 to vector<128x512xi32>
    %select_n3A_341 = arith.select %eq3A_338, %broadcast_in_dim3A_340, %select_n3A_332 : vector<128x512xi1>, vector<128x512xi32>
    %get3A_342 = arith.constant 3 : index
    %get3A_343 = arith.constant 0 : index
    %get3A_344 = arith.constant 0 : index
    %get3A_345 = vector.load %arg5[%get3A_342, %get3A_343, %get3A_344] : memref<16x128x512xf32, #tpu.memory_space<vmem>>, vector<1x128x512xf32>
    %get3A_346 = vector.shape_cast %get3A_345 : vector<1x128x512xf32> to vector<128x512xf32>
    %eq3A_347 = arith.cmpf oeq, %get3A_346, %min3A_235 : vector<128x512xf32>
    %jit3A_348 = arith.constant 3 : i32
    %broadcast_in_dim3A_349 = vector.broadcast %jit3A_348 : i32 to vector<128x512xi32>
    %select_n3A_350 = arith.select %eq3A_347, %broadcast_in_dim3A_349, %select_n3A_341 : vector<128x512xi1>, vector<128x512xi32>
    %get3A_351 = arith.constant 2 : index
    %get3A_352 = arith.constant 0 : index
    %get3A_353 = arith.constant 0 : index
    %get3A_354 = vector.load %arg5[%get3A_351, %get3A_352, %get3A_353] : memref<16x128x512xf32, #tpu.memory_space<vmem>>, vector<1x128x512xf32>
    %get3A_355 = vector.shape_cast %get3A_354 : vector<1x128x512xf32> to vector<128x512xf32>
    %eq3A_356 = arith.cmpf oeq, %get3A_355, %min3A_235 : vector<128x512xf32>
    %jit3A_357 = arith.constant 2 : i32
    %broadcast_in_dim3A_358 = vector.broadcast %jit3A_357 : i32 to vector<128x512xi32>
    %select_n3A_359 = arith.select %eq3A_356, %broadcast_in_dim3A_358, %select_n3A_350 : vector<128x512xi1>, vector<128x512xi32>
    %get3A_360 = arith.constant 1 : index
    %get3A_361 = arith.constant 0 : index
    %get3A_362 = arith.constant 0 : index
    %get3A_363 = vector.load %arg5[%get3A_360, %get3A_361, %get3A_362] : memref<16x128x512xf32, #tpu.memory_space<vmem>>, vector<1x128x512xf32>
    %get3A_364 = vector.shape_cast %get3A_363 : vector<1x128x512xf32> to vector<128x512xf32>
    %eq3A_365 = arith.cmpf oeq, %get3A_364, %min3A_235 : vector<128x512xf32>
    %jit3A_366 = arith.constant 1 : i32
    %broadcast_in_dim3A_367 = vector.broadcast %jit3A_366 : i32 to vector<128x512xi32>
    %select_n3A_368 = arith.select %eq3A_365, %broadcast_in_dim3A_367, %select_n3A_359 : vector<128x512xi1>, vector<128x512xi32>
    %get3A_369 = arith.constant 0 : index
    %get3A_370 = arith.constant 0 : index
    %get3A_371 = arith.constant 0 : index
    %get3A_372 = vector.load %arg5[%get3A_369, %get3A_370, %get3A_371] : memref<16x128x512xf32, #tpu.memory_space<vmem>>, vector<1x128x512xf32>
    %get3A_373 = vector.shape_cast %get3A_372 : vector<1x128x512xf32> to vector<128x512xf32>
    %eq3A_374 = arith.cmpf oeq, %get3A_373, %min3A_235 : vector<128x512xf32>
    %jit3A_375 = arith.constant 0 : i32
    %broadcast_in_dim3A_376 = vector.broadcast %jit3A_375 : i32 to vector<128x512xi32>
    %select_n3A_377 = arith.select %eq3A_374, %broadcast_in_dim3A_376, %select_n3A_368 : vector<128x512xi1>, vector<128x512xi32>
    %eq3A_378 = arith.constant 0 : i32
    %eq3A_379 = vector.broadcast %eq3A_378 : i32 to vector<128x512xi32>
    %eq3A_380 = arith.cmpi eq, %select_n3A_377, %eq3A_379 : vector<128x512xi32>
    %get3A_381 = arith.constant 0 : index
    %get3A_382 = arith.constant 0 : index
    %get3A_383 = arith.constant 0 : index
    %get3A_384 = vector.load %arg5[%get3A_381, %get3A_382, %get3A_383] : memref<16x128x512xf32, #tpu.memory_space<vmem>>, vector<1x128x512xf32>
    %get3A_385 = vector.shape_cast %get3A_384 : vector<1x128x512xf32> to vector<128x512xf32>
    %jit3A_386 = arith.constant 0x7F800000 : f32
    %broadcast_in_dim3A_387 = vector.broadcast %jit3A_386 : f32 to vector<128x512xf32>
    %select_n3A_388 = arith.select %eq3A_380, %broadcast_in_dim3A_387, %get3A_385 : vector<128x512xi1>, vector<128x512xf32>
    %swap3A_389 = arith.constant 0 : index
    %swap3A_390 = arith.constant 0 : index
    %swap3A_391 = arith.constant 0 : index
    %swap3A_392 = vector.load %arg5[%swap3A_389, %swap3A_390, %swap3A_391] : memref<16x128x512xf32, #tpu.memory_space<vmem>>, vector<1x128x512xf32>
    %swap3A_393 = vector.shape_cast %swap3A_392 : vector<1x128x512xf32> to vector<128x512xf32>
    %swap3A_394 = vector.shape_cast %select_n3A_388 : vector<128x512xf32> to vector<1x128x512xf32>
    tpu.vector_store %arg5[%swap3A_389, %swap3A_390, %swap3A_391], %swap3A_394 {strides = array<i32>} : memref<16x128x512xf32, #tpu.memory_space<vmem>>, vector<1x128x512xf32>,
    %eq3A_395 = arith.constant 1 : i32
    %eq3A_396 = vector.broadcast %eq3A_395 : i32 to vector<128x512xi32>
    %eq3A_397 = arith.cmpi eq, %select_n3A_377, %eq3A_396 : vector<128x512xi32>
    %get3A_398 = arith.constant 1 : index
    %get3A_399 = arith.constant 0 : index
    %get3A_400 = arith.constant 0 : index
    %get3A_401 = vector.load %arg5[%get3A_398, %get3A_399, %get3A_400] : memref<16x128x512xf32, #tpu.memory_space<vmem>>, vector<1x128x512xf32>
    %get3A_402 = vector.shape_cast %get3A_401 : vector<1x128x512xf32> to vector<128x512xf32>
    %jit3A_403 = arith.constant 0x7F800000 : f32
    %broadcast_in_dim3A_404 = vector.broadcast %jit3A_403 : f32 to vector<128x512xf32>
    %select_n3A_405 = arith.select %eq3A_397, %broadcast_in_dim3A_404, %get3A_402 : vector<128x512xi1>, vector<128x512xf32>
    %swap3A_406 = arith.constant 1 : index
    %swap3A_407 = arith.constant 0 : index
    %swap3A_408 = arith.constant 0 : index
    %swap3A_409 = vector.load %arg5[%swap3A_406, %swap3A_407, %swap3A_408] : memref<16x128x512xf32, #tpu.memory_space<vmem>>, vector<1x128x512xf32>
    %swap3A_410 = vector.shape_cast %swap3A_409 : vector<1x128x512xf32> to vector<128x512xf32>
    %swap3A_411 = vector.shape_cast %select_n3A_405 : vector<128x512xf32> to vector<1x128x512xf32>
    tpu.vector_store %arg5[%swap3A_406, %swap3A_407, %swap3A_408], %swap3A_411 {strides = array<i32>} : memref<16x128x512xf32, #tpu.memory_space<vmem>>, vector<1x128x512xf32>,
    %eq3A_412 = arith.constant 2 : i32
    %eq3A_413 = vector.broadcast %eq3A_412 : i32 to vector<128x512xi32>
    %eq3A_414 = arith.cmpi eq, %select_n3A_377, %eq3A_413 : vector<128x512xi32>
    %get3A_415 = arith.constant 2 : index
    %get3A_416 = arith.constant 0 : index
    %get3A_417 = arith.constant 0 : index
    %get3A_418 = vector.load %arg5[%get3A_415, %get3A_416, %get3A_417] : memref<16x128x512xf32, #tpu.memory_space<vmem>>, vector<1x128x512xf32>
    %get3A_419 = vector.shape_cast %get3A_418 : vector<1x128x512xf32> to vector<128x512xf32>
    %jit3A_420 = arith.constant 0x7F800000 : f32
    %broadcast_in_dim3A_421 = vector.broadcast %jit3A_420 : f32 to vector<128x512xf32>
    %select_n3A_422 = arith.select %eq3A_414, %broadcast_in_dim3A_421, %get3A_419 : vector<128x512xi1>, vector<128x512xf32>
    %swap3A_423 = arith.constant 2 : index
    %swap3A_424 = arith.constant 0 : index
    %swap3A_425 = arith.constant 0 : index
    %swap3A_426 = vector.load %arg5[%swap3A_423, %swap3A_424, %swap3A_425] : memref<16x128x512xf32, #tpu.memory_space<vmem>>, vector<1x128x512xf32>
    %swap3A_427 = vector.shape_cast %swap3A_426 : vector<1x128x512xf32> to vector<128x512xf32>
    %swap3A_428 = vector.shape_cast %select_n3A_422 : vector<128x512xf32> to vector<1x128x512xf32>
    tpu.vector_store %arg5[%swap3A_423, %swap3A_424, %swap3A_425], %swap3A_428 {strides = array<i32>} : memref<16x128x512xf32, #tpu.memory_space<vmem>>, vector<1x128x512xf32>,
    %eq3A_429 = arith.constant 3 : i32
    %eq3A_430 = vector.broadcast %eq3A_429 : i32 to vector<128x512xi32>
    %eq3A_431 = arith.cmpi eq, %select_n3A_377, %eq3A_430 : vector<128x512xi32>
    %get3A_432 = arith.constant 3 : index
    %get3A_433 = arith.constant 0 : index
    %get3A_434 = arith.constant 0 : index
    %get3A_435 = vector.load %arg5[%get3A_432, %get3A_433, %get3A_434] : memref<16x128x512xf32, #tpu.memory_space<vmem>>, vector<1x128x512xf32>
    %get3A_436 = vector.shape_cast %get3A_435 : vector<1x128x512xf32> to vector<128x512xf32>
    %jit3A_437 = arith.constant 0x7F800000 : f32
    %broadcast_in_dim3A_438 = vector.broadcast %jit3A_437 : f32 to vector<128x512xf32>
    %select_n3A_439 = arith.select %eq3A_431, %broadcast_in_dim3A_438, %get3A_436 : vector<128x512xi1>, vector<128x512xf32>
    %swap3A_440 = arith.constant 3 : index
    %swap3A_441 = arith.constant 0 : index
    %swap3A_442 = arith.constant 0 : index
    %swap3A_443 = vector.load %arg5[%swap3A_440, %swap3A_441, %swap3A_442] : memref<16x128x512xf32, #tpu.memory_space<vmem>>, vector<1x128x512xf32>
    %swap3A_444 = vector.shape_cast %swap3A_443 : vector<1x128x512xf32> to vector<128x512xf32>
    %swap3A_445 = vector.shape_cast %select_n3A_439 : vector<128x512xf32> to vector<1x128x512xf32>
    tpu.vector_store %arg5[%swap3A_440, %swap3A_441, %swap3A_442], %swap3A_445 {strides = array<i32>} : memref<16x128x512xf32, #tpu.memory_space<vmem>>, vector<1x128x512xf32>,
    %eq3A_446 = arith.constant 4 : i32
    %eq3A_447 = vector.broadcast %eq3A_446 : i32 to vector<128x512xi32>
    %eq3A_448 = arith.cmpi eq, %select_n3A_377, %eq3A_447 : vector<128x512xi32>
    %get3A_449 = arith.constant 4 : index
    %get3A_450 = arith.constant 0 : index
    %get3A_451 = arith.constant 0 : index
    %get3A_452 = vector.load %arg5[%get3A_449, %get3A_450, %get3A_451] : memref<16x128x512xf32, #tpu.memory_space<vmem>>, vector<1x128x512xf32>
    %get3A_453 = vector.shape_cast %get3A_452 : vector<1x128x512xf32> to vector<128x512xf32>
    %jit3A_454 = arith.constant 0x7F800000 : f32
    %broadcast_in_dim3A_455 = vector.broadcast %jit3A_454 : f32 to vector<128x512xf32>
    %select_n3A_456 = arith.select %eq3A_448, %broadcast_in_dim3A_455, %get3A_453 : vector<128x512xi1>, vector<128x512xf32>
    %swap3A_457 = arith.constant 4 : index
    %swap3A_458 = arith.constant 0 : index
    %swap3A_459 = arith.constant 0 : index
    %swap3A_460 = vector.load %arg5[%swap3A_457, %swap3A_458, %swap3A_459] : memref<16x128x512xf32, #tpu.memory_space<vmem>>, vector<1x128x512xf32>
    %swap3A_461 = vector.shape_cast %swap3A_460 : vector<1x128x512xf32> to vector<128x512xf32>
    %swap3A_462 = vector.shape_cast %select_n3A_456 : vector<128x512xf32> to vector<1x128x512xf32>
    tpu.vector_store %arg5[%swap3A_457, %swap3A_458, %swap3A_459], %swap3A_462 {strides = array<i32>} : memref<16x128x512xf32, #tpu.memory_space<vmem>>, vector<1x128x512xf32>,
    %eq3A_463 = arith.constant 5 : i32
    %eq3A_464 = vector.broadcast %eq3A_463 : i32 to vector<128x512xi32>
    %eq3A_465 = arith.cmpi eq, %select_n3A_377, %eq3A_464 : vector<128x512xi32>
    %get3A_466 = arith.constant 5 : index
    %get3A_467 = arith.constant 0 : index
    %get3A_468 = arith.constant 0 : index
    %get3A_469 = vector.load %arg5[%get3A_466, %get3A_467, %get3A_468] : memref<16x128x512xf32, #tpu.memory_space<vmem>>, vector<1x128x512xf32>
    %get3A_470 = vector.shape_cast %get3A_469 : vector<1x128x512xf32> to vector<128x512xf32>
    %jit3A_471 = arith.constant 0x7F800000 : f32
    %broadcast_in_dim3A_472 = vector.broadcast %jit3A_471 : f32 to vector<128x512xf32>
    %select_n3A_473 = arith.select %eq3A_465, %broadcast_in_dim3A_472, %get3A_470 : vector<128x512xi1>, vector<128x512xf32>
    %swap3A_474 = arith.constant 5 : index
    %swap3A_475 = arith.constant 0 : index
    %swap3A_476 = arith.constant 0 : index
    %swap3A_477 = vector.load %arg5[%swap3A_474, %swap3A_475, %swap3A_476] : memref<16x128x512xf32, #tpu.memory_space<vmem>>, vector<1x128x512xf32>
    %swap3A_478 = vector.shape_cast %swap3A_477 : vector<1x128x512xf32> to vector<128x512xf32>
    %swap3A_479 = vector.shape_cast %select_n3A_473 : vector<128x512xf32> to vector<1x128x512xf32>
    tpu.vector_store %arg5[%swap3A_474, %swap3A_475, %swap3A_476], %swap3A_479 {strides = array<i32>} : memref<16x128x512xf32, #tpu.memory_space<vmem>>, vector<1x128x512xf32>,
    %eq3A_480 = arith.constant 6 : i32
    %eq3A_481 = vector.broadcast %eq3A_480 : i32 to vector<128x512xi32>
    %eq3A_482 = arith.cmpi eq, %select_n3A_377, %eq3A_481 : vector<128x512xi32>
    %get3A_483 = arith.constant 6 : index
    %get3A_484 = arith.constant 0 : index
    %get3A_485 = arith.constant 0 : index
    %get3A_486 = vector.load %arg5[%get3A_483, %get3A_484, %get3A_485] : memref<16x128x512xf32, #tpu.memory_space<vmem>>, vector<1x128x512xf32>
    %get3A_487 = vector.shape_cast %get3A_486 : vector<1x128x512xf32> to vector<128x512xf32>
    %jit3A_488 = arith.constant 0x7F800000 : f32
    %broadcast_in_dim3A_489 = vector.broadcast %jit3A_488 : f32 to vector<128x512xf32>
    %select_n3A_490 = arith.select %eq3A_482, %broadcast_in_dim3A_489, %get3A_487 : vector<128x512xi1>, vector<128x512xf32>
    %swap3A_491 = arith.constant 6 : index
    %swap3A_492 = arith.constant 0 : index
    %swap3A_493 = arith.constant 0 : index
    %swap3A_494 = vector.load %arg5[%swap3A_491, %swap3A_492, %swap3A_493] : memref<16x128x512xf32, #tpu.memory_space<vmem>>, vector<1x128x512xf32>
    %swap3A_495 = vector.shape_cast %swap3A_494 : vector<1x128x512xf32> to vector<128x512xf32>
    %swap3A_496 = vector.shape_cast %select_n3A_490 : vector<128x512xf32> to vector<1x128x512xf32>
    tpu.vector_store %arg5[%swap3A_491, %swap3A_492, %swap3A_493], %swap3A_496 {strides = array<i32>} : memref<16x128x512xf32, #tpu.memory_space<vmem>>, vector<1x128x512xf32>,
    %eq3A_497 = arith.constant 7 : i32
    %eq3A_498 = vector.broadcast %eq3A_497 : i32 to vector<128x512xi32>
    %eq3A_499 = arith.cmpi eq, %select_n3A_377, %eq3A_498 : vector<128x512xi32>
    %get3A_500 = arith.constant 7 : index
    %get3A_501 = arith.constant 0 : index
    %get3A_502 = arith.constant 0 : index
    %get3A_503 = vector.load %arg5[%get3A_500, %get3A_501, %get3A_502] : memref<16x128x512xf32, #tpu.memory_space<vmem>>, vector<1x128x512xf32>
    %get3A_504 = vector.shape_cast %get3A_503 : vector<1x128x512xf32> to vector<128x512xf32>
    %jit3A_505 = arith.constant 0x7F800000 : f32
    %broadcast_in_dim3A_506 = vector.broadcast %jit3A_505 : f32 to vector<128x512xf32>
    %select_n3A_507 = arith.select %eq3A_499, %broadcast_in_dim3A_506, %get3A_504 : vector<128x512xi1>, vector<128x512xf32>
    %swap3A_508 = arith.constant 7 : index
    %swap3A_509 = arith.constant 0 : index
    %swap3A_510 = arith.constant 0 : index
    %swap3A_511 = vector.load %arg5[%swap3A_508, %swap3A_509, %swap3A_510] : memref<16x128x512xf32, #tpu.memory_space<vmem>>, vector<1x128x512xf32>
    %swap3A_512 = vector.shape_cast %swap3A_511 : vector<1x128x512xf32> to vector<128x512xf32>
    %swap3A_513 = vector.shape_cast %select_n3A_507 : vector<128x512xf32> to vector<1x128x512xf32>
    tpu.vector_store %arg5[%swap3A_508, %swap3A_509, %swap3A_510], %swap3A_513 {strides = array<i32>} : memref<16x128x512xf32, #tpu.memory_space<vmem>>, vector<1x128x512xf32>,
    %eq3A_514 = arith.constant 8 : i32
    %eq3A_515 = vector.broadcast %eq3A_514 : i32 to vector<128x512xi32>
    %eq3A_516 = arith.cmpi eq, %select_n3A_377, %eq3A_515 : vector<128x512xi32>
    %get3A_517 = arith.constant 8 : index
    %get3A_518 = arith.constant 0 : index
    %get3A_519 = arith.constant 0 : index
    %get3A_520 = vector.load %arg5[%get3A_517, %get3A_518, %get3A_519] : memref<16x128x512xf32, #tpu.memory_space<vmem>>, vector<1x128x512xf32>
    %get3A_521 = vector.shape_cast %get3A_520 : vector<1x128x512xf32> to vector<128x512xf32>
    %jit3A_522 = arith.constant 0x7F800000 : f32
    %broadcast_in_dim3A_523 = vector.broadcast %jit3A_522 : f32 to vector<128x512xf32>
    %select_n3A_524 = arith.select %eq3A_516, %broadcast_in_dim3A_523, %get3A_521 : vector<128x512xi1>, vector<128x512xf32>
    %swap3A_525 = arith.constant 8 : index
    %swap3A_526 = arith.constant 0 : index
    %swap3A_527 = arith.constant 0 : index
    %swap3A_528 = vector.load %arg5[%swap3A_525, %swap3A_526, %swap3A_527] : memref<16x128x512xf32, #tpu.memory_space<vmem>>, vector<1x128x512xf32>
    %swap3A_529 = vector.shape_cast %swap3A_528 : vector<1x128x512xf32> to vector<128x512xf32>
    %swap3A_530 = vector.shape_cast %select_n3A_524 : vector<128x512xf32> to vector<1x128x512xf32>
    tpu.vector_store %arg5[%swap3A_525, %swap3A_526, %swap3A_527], %swap3A_530 {strides = array<i32>} : memref<16x128x512xf32, #tpu.memory_space<vmem>>, vector<1x128x512xf32>,
    %eq3A_531 = arith.constant 9 : i32
    %eq3A_532 = vector.broadcast %eq3A_531 : i32 to vector<128x512xi32>
    %eq3A_533 = arith.cmpi eq, %select_n3A_377, %eq3A_532 : vector<128x512xi32>
    %get3A_534 = arith.constant 9 : index
    %get3A_535 = arith.constant 0 : index
    %get3A_536 = arith.constant 0 : index
    %get3A_537 = vector.load %arg5[%get3A_534, %get3A_535, %get3A_536] : memref<16x128x512xf32, #tpu.memory_space<vmem>>, vector<1x128x512xf32>
    %get3A_538 = vector.shape_cast %get3A_537 : vector<1x128x512xf32> to vector<128x512xf32>
    %jit3A_539 = arith.constant 0x7F800000 : f32
    %broadcast_in_dim3A_540 = vector.broadcast %jit3A_539 : f32 to vector<128x512xf32>
    %select_n3A_541 = arith.select %eq3A_533, %broadcast_in_dim3A_540, %get3A_538 : vector<128x512xi1>, vector<128x512xf32>
    %swap3A_542 = arith.constant 9 : index
    %swap3A_543 = arith.constant 0 : index
    %swap3A_544 = arith.constant 0 : index
    %swap3A_545 = vector.load %arg5[%swap3A_542, %swap3A_543, %swap3A_544] : memref<16x128x512xf32, #tpu.memory_space<vmem>>, vector<1x128x512xf32>
    %swap3A_546 = vector.shape_cast %swap3A_545 : vector<1x128x512xf32> to vector<128x512xf32>
    %swap3A_547 = vector.shape_cast %select_n3A_541 : vector<128x512xf32> to vector<1x128x512xf32>
    tpu.vector_store %arg5[%swap3A_542, %swap3A_543, %swap3A_544], %swap3A_547 {strides = array<i32>} : memref<16x128x512xf32, #tpu.memory_space<vmem>>, vector<1x128x512xf32>,
    %eq3A_548 = arith.constant 10 : i32
    %eq3A_549 = vector.broadcast %eq3A_548 : i32 to vector<128x512xi32>
    %eq3A_550 = arith.cmpi eq, %select_n3A_377, %eq3A_549 : vector<128x512xi32>
    %get3A_551 = arith.constant 10 : index
    %get3A_552 = arith.constant 0 : index
    %get3A_553 = arith.constant 0 : index
    %get3A_554 = vector.load %arg5[%get3A_551, %get3A_552, %get3A_553] : memref<16x128x512xf32, #tpu.memory_space<vmem>>, vector<1x128x512xf32>
    %get3A_555 = vector.shape_cast %get3A_554 : vector<1x128x512xf32> to vector<128x512xf32>
    %jit3A_556 = arith.constant 0x7F800000 : f32
    %broadcast_in_dim3A_557 = vector.broadcast %jit3A_556 : f32 to vector<128x512xf32>
    %select_n3A_558 = arith.select %eq3A_550, %broadcast_in_dim3A_557, %get3A_555 : vector<128x512xi1>, vector<128x512xf32>
    %swap3A_559 = arith.constant 10 : index
    %swap3A_560 = arith.constant 0 : index
    %swap3A_561 = arith.constant 0 : index
    %swap3A_562 = vector.load %arg5[%swap3A_559, %swap3A_560, %swap3A_561] : memref<16x128x512xf32, #tpu.memory_space<vmem>>, vector<1x128x512xf32>
    %swap3A_563 = vector.shape_cast %swap3A_562 : vector<1x128x512xf32> to vector<128x512xf32>
    %swap3A_564 = vector.shape_cast %select_n3A_558 : vector<128x512xf32> to vector<1x128x512xf32>
    tpu.vector_store %arg5[%swap3A_559, %swap3A_560, %swap3A_561], %swap3A_564 {strides = array<i32>} : memref<16x128x512xf32, #tpu.memory_space<vmem>>, vector<1x128x512xf32>,
    %eq3A_565 = arith.constant 11 : i32
    %eq3A_566 = vector.broadcast %eq3A_565 : i32 to vector<128x512xi32>
    %eq3A_567 = arith.cmpi eq, %select_n3A_377, %eq3A_566 : vector<128x512xi32>
    %get3A_568 = arith.constant 11 : index
    %get3A_569 = arith.constant 0 : index
    %get3A_570 = arith.constant 0 : index
    %get3A_571 = vector.load %arg5[%get3A_568, %get3A_569, %get3A_570] : memref<16x128x512xf32, #tpu.memory_space<vmem>>, vector<1x128x512xf32>
    %get3A_572 = vector.shape_cast %get3A_571 : vector<1x128x512xf32> to vector<128x512xf32>
    %jit3A_573 = arith.constant 0x7F800000 : f32
    %broadcast_in_dim3A_574 = vector.broadcast %jit3A_573 : f32 to vector<128x512xf32>
    %select_n3A_575 = arith.select %eq3A_567, %broadcast_in_dim3A_574, %get3A_572 : vector<128x512xi1>, vector<128x512xf32>
    %swap3A_576 = arith.constant 11 : index
    %swap3A_577 = arith.constant 0 : index
    %swap3A_578 = arith.constant 0 : index
    %swap3A_579 = vector.load %arg5[%swap3A_576, %swap3A_577, %swap3A_578] : memref<16x128x512xf32, #tpu.memory_space<vmem>>, vector<1x128x512xf32>
    %swap3A_580 = vector.shape_cast %swap3A_579 : vector<1x128x512xf32> to vector<128x512xf32>
    %swap3A_581 = vector.shape_cast %select_n3A_575 : vector<128x512xf32> to vector<1x128x512xf32>
    tpu.vector_store %arg5[%swap3A_576, %swap3A_577, %swap3A_578], %swap3A_581 {strides = array<i32>} : memref<16x128x512xf32, #tpu.memory_space<vmem>>, vector<1x128x512xf32>,
    %eq3A_582 = arith.constant 12 : i32
    %eq3A_583 = vector.broadcast %eq3A_582 : i32 to vector<128x512xi32>
    %eq3A_584 = arith.cmpi eq, %select_n3A_377, %eq3A_583 : vector<128x512xi32>
    %get3A_585 = arith.constant 12 : index
    %get3A_586 = arith.constant 0 : index
    %get3A_587 = arith.constant 0 : index
    %get3A_588 = vector.load %arg5[%get3A_585, %get3A_586, %get3A_587] : memref<16x128x512xf32, #tpu.memory_space<vmem>>, vector<1x128x512xf32>
    %get3A_589 = vector.shape_cast %get3A_588 : vector<1x128x512xf32> to vector<128x512xf32>
    %jit3A_590 = arith.constant 0x7F800000 : f32
    %broadcast_in_dim3A_591 = vector.broadcast %jit3A_590 : f32 to vector<128x512xf32>
    %select_n3A_592 = arith.select %eq3A_584, %broadcast_in_dim3A_591, %get3A_589 : vector<128x512xi1>, vector<128x512xf32>
    %swap3A_593 = arith.constant 12 : index
    %swap3A_594 = arith.constant 0 : index
    %swap3A_595 = arith.constant 0 : index
    %swap3A_596 = vector.load %arg5[%swap3A_593, %swap3A_594, %swap3A_595] : memref<16x128x512xf32, #tpu.memory_space<vmem>>, vector<1x128x512xf32>
    %swap3A_597 = vector.shape_cast %swap3A_596 : vector<1x128x512xf32> to vector<128x512xf32>
    %swap3A_598 = vector.shape_cast %select_n3A_592 : vector<128x512xf32> to vector<1x128x512xf32>
    tpu.vector_store %arg5[%swap3A_593, %swap3A_594, %swap3A_595], %swap3A_598 {strides = array<i32>} : memref<16x128x512xf32, #tpu.memory_space<vmem>>, vector<1x128x512xf32>,
    %eq3A_599 = arith.constant 13 : i32
    %eq3A_600 = vector.broadcast %eq3A_599 : i32 to vector<128x512xi32>
    %eq3A_601 = arith.cmpi eq, %select_n3A_377, %eq3A_600 : vector<128x512xi32>
    %get3A_602 = arith.constant 13 : index
    %get3A_603 = arith.constant 0 : index
    %get3A_604 = arith.constant 0 : index
    %get3A_605 = vector.load %arg5[%get3A_602, %get3A_603, %get3A_604] : memref<16x128x512xf32, #tpu.memory_space<vmem>>, vector<1x128x512xf32>
    %get3A_606 = vector.shape_cast %get3A_605 : vector<1x128x512xf32> to vector<128x512xf32>
    %jit3A_607 = arith.constant 0x7F800000 : f32
    %broadcast_in_dim3A_608 = vector.broadcast %jit3A_607 : f32 to vector<128x512xf32>
    %select_n3A_609 = arith.select %eq3A_601, %broadcast_in_dim3A_608, %get3A_606 : vector<128x512xi1>, vector<128x512xf32>
    %swap3A_610 = arith.constant 13 : index
    %swap3A_611 = arith.constant 0 : index
    %swap3A_612 = arith.constant 0 : index
    %swap3A_613 = vector.load %arg5[%swap3A_610, %swap3A_611, %swap3A_612] : memref<16x128x512xf32, #tpu.memory_space<vmem>>, vector<1x128x512xf32>
    %swap3A_614 = vector.shape_cast %swap3A_613 : vector<1x128x512xf32> to vector<128x512xf32>
    %swap3A_615 = vector.shape_cast %select_n3A_609 : vector<128x512xf32> to vector<1x128x512xf32>
    tpu.vector_store %arg5[%swap3A_610, %swap3A_611, %swap3A_612], %swap3A_615 {strides = array<i32>} : memref<16x128x512xf32, #tpu.memory_space<vmem>>, vector<1x128x512xf32>,
    %eq3A_616 = arith.constant 14 : i32
    %eq3A_617 = vector.broadcast %eq3A_616 : i32 to vector<128x512xi32>
    %eq3A_618 = arith.cmpi eq, %select_n3A_377, %eq3A_617 : vector<128x512xi32>
    %get3A_619 = arith.constant 14 : index
    %get3A_620 = arith.constant 0 : index
    %get3A_621 = arith.constant 0 : index
    %get3A_622 = vector.load %arg5[%get3A_619, %get3A_620, %get3A_621] : memref<16x128x512xf32, #tpu.memory_space<vmem>>, vector<1x128x512xf32>
    %get3A_623 = vector.shape_cast %get3A_622 : vector<1x128x512xf32> to vector<128x512xf32>
    %jit3A_624 = arith.constant 0x7F800000 : f32
    %broadcast_in_dim3A_625 = vector.broadcast %jit3A_624 : f32 to vector<128x512xf32>
    %select_n3A_626 = arith.select %eq3A_618, %broadcast_in_dim3A_625, %get3A_623 : vector<128x512xi1>, vector<128x512xf32>
    %swap3A_627 = arith.constant 14 : index
    %swap3A_628 = arith.constant 0 : index
    %swap3A_629 = arith.constant 0 : index
    %swap3A_630 = vector.load %arg5[%swap3A_627, %swap3A_628, %swap3A_629] : memref<16x128x512xf32, #tpu.memory_space<vmem>>, vector<1x128x512xf32>
    %swap3A_631 = vector.shape_cast %swap3A_630 : vector<1x128x512xf32> to vector<128x512xf32>
    %swap3A_632 = vector.shape_cast %select_n3A_626 : vector<128x512xf32> to vector<1x128x512xf32>
    tpu.vector_store %arg5[%swap3A_627, %swap3A_628, %swap3A_629], %swap3A_632 {strides = array<i32>} : memref<16x128x512xf32, #tpu.memory_space<vmem>>, vector<1x128x512xf32>,
    %eq3A_633 = arith.constant 15 : i32
    %eq3A_634 = vector.broadcast %eq3A_633 : i32 to vector<128x512xi32>
    %eq3A_635 = arith.cmpi eq, %select_n3A_377, %eq3A_634 : vector<128x512xi32>
    %get3A_636 = arith.constant 15 : index
    %get3A_637 = arith.constant 0 : index
    %get3A_638 = arith.constant 0 : index
    %get3A_639 = vector.load %arg5[%get3A_636, %get3A_637, %get3A_638] : memref<16x128x512xf32, #tpu.memory_space<vmem>>, vector<1x128x512xf32>
    %get3A_640 = vector.shape_cast %get3A_639 : vector<1x128x512xf32> to vector<128x512xf32>
    %jit3A_641 = arith.constant 0x7F800000 : f32
    %broadcast_in_dim3A_642 = vector.broadcast %jit3A_641 : f32 to vector<128x512xf32>
    %select_n3A_643 = arith.select %eq3A_635, %broadcast_in_dim3A_642, %get3A_640 : vector<128x512xi1>, vector<128x512xf32>
    %swap3A_644 = arith.constant 15 : index
    %swap3A_645 = arith.constant 0 : index
    %swap3A_646 = arith.constant 0 : index
    %swap3A_647 = vector.load %arg5[%swap3A_644, %swap3A_645, %swap3A_646] : memref<16x128x512xf32, #tpu.memory_space<vmem>>, vector<1x128x512xf32>
    %swap3A_648 = vector.shape_cast %swap3A_647 : vector<1x128x512xf32> to vector<128x512xf32>
    %swap3A_649 = vector.shape_cast %select_n3A_643 : vector<128x512xf32> to vector<1x128x512xf32>
    tpu.vector_store %arg5[%swap3A_644, %swap3A_645, %swap3A_646], %swap3A_649 {strides = array<i32>} : memref<16x128x512xf32, #tpu.memory_space<vmem>>, vector<1x128x512xf32>,
    %mul3A_650 = arith.constant 512 : i32
    %mul3A_651 = vector.broadcast %mul3A_650 : i32 to vector<128x512xi32>
    %mul3A_652 = arith.muli %select_n3A_377, %mul3A_651 : vector<128x512xi32>
    %add3A_653 = arith.addi %mul3A_652, %iota3A : vector<128x512xi32>
    %swap3A_654 = arith.constant 0 : index
    %swap3A_655 = arith.constant 0 : index
    %swap3A_656 = vector.load %arg7[%swap3A_654, %swap3A_655] : memref<128x512xf32, #tpu.memory_space<vmem>>, vector<128x512xf32>
    tpu.vector_store %arg7[%swap3A_654, %swap3A_655], %min3A_235 {strides = array<i32>} : memref<128x512xf32, #tpu.memory_space<vmem>>, vector<128x512xf32>,
    %swap3A_657 = arith.constant 0 : index
    %swap3A_658 = arith.constant 0 : index
    %swap3A_659 = vector.load %arg8[%swap3A_657, %swap3A_658] : memref<128x512xi32, #tpu.memory_space<vmem>>, vector<128x512xi32>
    tpu.vector_store %arg8[%swap3A_657, %swap3A_658], %add3A_653 {strides = array<i32>} : memref<128x512xi32, #tpu.memory_space<vmem>>, vector<128x512xi32>,
    %get3A_660 = arith.constant 0 : index
    %get3A_661 = arith.constant 0 : index
    %get3A_662 = arith.constant 0 : index
    %get3A_663 = vector.load %arg5[%get3A_660, %get3A_661, %get3A_662] : memref<16x128x512xf32, #tpu.memory_space<vmem>>, vector<1x128x512xf32>
    %get3A_664 = vector.shape_cast %get3A_663 : vector<1x128x512xf32> to vector<128x512xf32>
    %get3A_665 = arith.constant 1 : index
    %get3A_666 = arith.constant 0 : index
    %get3A_667 = arith.constant 0 : index
    %get3A_668 = vector.load %arg5[%get3A_665, %get3A_666, %get3A_667] : memref<16x128x512xf32, #tpu.memory_space<vmem>>, vector<1x128x512xf32>
    %get3A_669 = vector.shape_cast %get3A_668 : vector<1x128x512xf32> to vector<128x512xf32>
    %min3A_670 = arith.minimumf %get3A_664, %get3A_669 : vector<128x512xf32>
    %get3A_671 = arith.constant 2 : index
    %get3A_672 = arith.constant 0 : index
    %get3A_673 = arith.constant 0 : index
    %get3A_674 = vector.load %arg5[%get3A_671, %get3A_672, %get3A_673] : memref<16x128x512xf32, #tpu.memory_space<vmem>>, vector<1x128x512xf32>
    %get3A_675 = vector.shape_cast %get3A_674 : vector<1x128x512xf32> to vector<128x512xf32>
    %min3A_676 = arith.minimumf %min3A_670, %get3A_675 : vector<128x512xf32>
    %get3A_677 = arith.constant 3 : index
    %get3A_678 = arith.constant 0 : index
    %get3A_679 = arith.constant 0 : index
    %get3A_680 = vector.load %arg5[%get3A_677, %get3A_678, %get3A_679] : memref<16x128x512xf32, #tpu.memory_space<vmem>>, vector<1x128x512xf32>
    %get3A_681 = vector.shape_cast %get3A_680 : vector<1x128x512xf32> to vector<128x512xf32>
    %min3A_682 = arith.minimumf %min3A_676, %get3A_681 : vector<128x512xf32>
    %get3A_683 = arith.constant 4 : index
    %get3A_684 = arith.constant 0 : index
    %get3A_685 = arith.constant 0 : index
    %get3A_686 = vector.load %arg5[%get3A_683, %get3A_684, %get3A_685] : memref<16x128x512xf32, #tpu.memory_space<vmem>>, vector<1x128x512xf32>
    %get3A_687 = vector.shape_cast %get3A_686 : vector<1x128x512xf32> to vector<128x512xf32>
    %min3A_688 = arith.minimumf %min3A_682, %get3A_687 : vector<128x512xf32>
    %get3A_689 = arith.constant 5 : index
    %get3A_690 = arith.constant 0 : index
    %get3A_691 = arith.constant 0 : index
    %get3A_692 = vector.load %arg5[%get3A_689, %get3A_690, %get3A_691] : memref<16x128x512xf32, #tpu.memory_space<vmem>>, vector<1x128x512xf32>
    %get3A_693 = vector.shape_cast %get3A_692 : vector<1x128x512xf32> to vector<128x512xf32>
    %min3A_694 = arith.minimumf %min3A_688, %get3A_693 : vector<128x512xf32>
    %get3A_695 = arith.constant 6 : index
    %get3A_696 = arith.constant 0 : index
    %get3A_697 = arith.constant 0 : index
    %get3A_698 = vector.load %arg5[%get3A_695, %get3A_696, %get3A_697] : memref<16x128x512xf32, #tpu.memory_space<vmem>>, vector<1x128x512xf32>
    %get3A_699 = vector.shape_cast %get3A_698 : vector<1x128x512xf32> to vector<128x512xf32>
    %min3A_700 = arith.minimumf %min3A_694, %get3A_699 : vector<128x512xf32>
    %get3A_701 = arith.constant 7 : index
    %get3A_702 = arith.constant 0 : index
    %get3A_703 = arith.constant 0 : index
    %get3A_704 = vector.load %arg5[%get3A_701, %get3A_702, %get3A_703] : memref<16x128x512xf32, #tpu.memory_space<vmem>>, vector<1x128x512xf32>
    %get3A_705 = vector.shape_cast %get3A_704 : vector<1x128x512xf32> to vector<128x512xf32>
    %min3A_706 = arith.minimumf %min3A_700, %get3A_705 : vector<128x512xf32>
    %get3A_707 = arith.constant 8 : index
    %get3A_708 = arith.constant 0 : index
    %get3A_709 = arith.constant 0 : index
    %get3A_710 = vector.load %arg5[%get3A_707, %get3A_708, %get3A_709] : memref<16x128x512xf32, #tpu.memory_space<vmem>>, vector<1x128x512xf32>
    %get3A_711 = vector.shape_cast %get3A_710 : vector<1x128x512xf32> to vector<128x512xf32>
    %min3A_712 = arith.minimumf %min3A_706, %get3A_711 : vector<128x512xf32>
    %get3A_713 = arith.constant 9 : index
    %get3A_714 = arith.constant 0 : index
    %get3A_715 = arith.constant 0 : index
    %get3A_716 = vector.load %arg5[%get3A_713, %get3A_714, %get3A_715] : memref<16x128x512xf32, #tpu.memory_space<vmem>>, vector<1x128x512xf32>
    %get3A_717 = vector.shape_cast %get3A_716 : vector<1x128x512xf32> to vector<128x512xf32>
    %min3A_718 = arith.minimumf %min3A_712, %get3A_717 : vector<128x512xf32>
    %get3A_719 = arith.constant 10 : index
    %get3A_720 = arith.constant 0 : index
    %get3A_721 = arith.constant 0 : index
    %get3A_722 = vector.load %arg5[%get3A_719, %get3A_720, %get3A_721] : memref<16x128x512xf32, #tpu.memory_space<vmem>>, vector<1x128x512xf32>
    %get3A_723 = vector.shape_cast %get3A_722 : vector<1x128x512xf32> to vector<128x512xf32>
    %min3A_724 = arith.minimumf %min3A_718, %get3A_723 : vector<128x512xf32>
    %get3A_725 = arith.constant 11 : index
    %get3A_726 = arith.constant 0 : index
    %get3A_727 = arith.constant 0 : index
    %get3A_728 = vector.load %arg5[%get3A_725, %get3A_726, %get3A_727] : memref<16x128x512xf32, #tpu.memory_space<vmem>>, vector<1x128x512xf32>
    %get3A_729 = vector.shape_cast %get3A_728 : vector<1x128x512xf32> to vector<128x512xf32>
    %min3A_730 = arith.minimumf %min3A_724, %get3A_729 : vector<128x512xf32>
    %get3A_731 = arith.constant 12 : index
    %get3A_732 = arith.constant 0 : index
    %get3A_733 = arith.constant 0 : index
    %get3A_734 = vector.load %arg5[%get3A_731, %get3A_732, %get3A_733] : memref<16x128x512xf32, #tpu.memory_space<vmem>>, vector<1x128x512xf32>
    %get3A_735 = vector.shape_cast %get3A_734 : vector<1x128x512xf32> to vector<128x512xf32>
    %min3A_736 = arith.minimumf %min3A_730, %get3A_735 : vector<128x512xf32>
    %get3A_737 = arith.constant 13 : index
    %get3A_738 = arith.constant 0 : index
    %get3A_739 = arith.constant 0 : index
    %get3A_740 = vector.load %arg5[%get3A_737, %get3A_738, %get3A_739] : memref<16x128x512xf32, #tpu.memory_space<vmem>>, vector<1x128x512xf32>
    %get3A_741 = vector.shape_cast %get3A_740 : vector<1x128x512xf32> to vector<128x512xf32>
    %min3A_742 = arith.minimumf %min3A_736, %get3A_741 : vector<128x512xf32>
    %get3A_743 = arith.constant 14 : index
    %get3A_744 = arith.constant 0 : index
    %get3A_745 = arith.constant 0 : index
    %get3A_746 = vector.load %arg5[%get3A_743, %get3A_744, %get3A_745] : memref<16x128x512xf32, #tpu.memory_space<vmem>>, vector<1x128x512xf32>
    %get3A_747 = vector.shape_cast %get3A_746 : vector<1x128x512xf32> to vector<128x512xf32>
    %min3A_748 = arith.minimumf %min3A_742, %get3A_747 : vector<128x512xf32>
    %get3A_749 = arith.constant 15 : index
    %get3A_750 = arith.constant 0 : index
    %get3A_751 = arith.constant 0 : index
    %get3A_752 = vector.load %arg5[%get3A_749, %get3A_750, %get3A_751] : memref<16x128x512xf32, #tpu.memory_space<vmem>>, vector<1x128x512xf32>
    %get3A_753 = vector.shape_cast %get3A_752 : vector<1x128x512xf32> to vector<128x512xf32>
    %min3A_754 = arith.minimumf %min3A_748, %get3A_753 : vector<128x512xf32>
    %broadcast_in_dim3A_755 = arith.constant 16 : i32
    %broadcast_in_dim3A_756 = vector.broadcast %broadcast_in_dim3A_755 : i32 to vector<128x512xi32>
    %get3A_757 = arith.constant 15 : index
    %get3A_758 = arith.constant 0 : index
    %get3A_759 = arith.constant 0 : index
    %get3A_760 = vector.load %arg5[%get3A_757, %get3A_758, %get3A_759] : memref<16x128x512xf32, #tpu.memory_space<vmem>>, vector<1x128x512xf32>
    %get3A_761 = vector.shape_cast %get3A_760 : vector<1x128x512xf32> to vector<128x512xf32>
    %eq3A_762 = arith.cmpf oeq, %get3A_761, %min3A_754 : vector<128x512xf32>
    %jit3A_763 = arith.constant 15 : i32
    %broadcast_in_dim3A_764 = vector.broadcast %jit3A_763 : i32 to vector<128x512xi32>
    %select_n3A_765 = arith.select %eq3A_762, %broadcast_in_dim3A_764, %broadcast_in_dim3A_756 : vector<128x512xi1>, vector<128x512xi32>
    %get3A_766 = arith.constant 14 : index
    %get3A_767 = arith.constant 0 : index
    %get3A_768 = arith.constant 0 : index
    %get3A_769 = vector.load %arg5[%get3A_766, %get3A_767, %get3A_768] : memref<16x128x512xf32, #tpu.memory_space<vmem>>, vector<1x128x512xf32>
    %get3A_770 = vector.shape_cast %get3A_769 : vector<1x128x512xf32> to vector<128x512xf32>
    %eq3A_771 = arith.cmpf oeq, %get3A_770, %min3A_754 : vector<128x512xf32>
    %jit3A_772 = arith.constant 14 : i32
    %broadcast_in_dim3A_773 = vector.broadcast %jit3A_772 : i32 to vector<128x512xi32>
    %select_n3A_774 = arith.select %eq3A_771, %broadcast_in_dim3A_773, %select_n3A_765 : vector<128x512xi1>, vector<128x512xi32>
    %get3A_775 = arith.constant 13 : index
    %get3A_776 = arith.constant 0 : index
    %get3A_777 = arith.constant 0 : index
    %get3A_778 = vector.load %arg5[%get3A_775, %get3A_776, %get3A_777] : memref<16x128x512xf32, #tpu.memory_space<vmem>>, vector<1x128x512xf32>
    %get3A_779 = vector.shape_cast %get3A_778 : vector<1x128x512xf32> to vector<128x512xf32>
    %eq3A_780 = arith.cmpf oeq, %get3A_779, %min3A_754 : vector<128x512xf32>
    %jit3A_781 = arith.constant 13 : i32
    %broadcast_in_dim3A_782 = vector.broadcast %jit3A_781 : i32 to vector<128x512xi32>
    %select_n3A_783 = arith.select %eq3A_780, %broadcast_in_dim3A_782, %select_n3A_774 : vector<128x512xi1>, vector<128x512xi32>
    %get3A_784 = arith.constant 12 : index
    %get3A_785 = arith.constant 0 : index
    %get3A_786 = arith.constant 0 : index
    %get3A_787 = vector.load %arg5[%get3A_784, %get3A_785, %get3A_786] : memref<16x128x512xf32, #tpu.memory_space<vmem>>, vector<1x128x512xf32>
    %get3A_788 = vector.shape_cast %get3A_787 : vector<1x128x512xf32> to vector<128x512xf32>
    %eq3A_789 = arith.cmpf oeq, %get3A_788, %min3A_754 : vector<128x512xf32>
    %jit3A_790 = arith.constant 12 : i32
    %broadcast_in_dim3A_791 = vector.broadcast %jit3A_790 : i32 to vector<128x512xi32>
    %select_n3A_792 = arith.select %eq3A_789, %broadcast_in_dim3A_791, %select_n3A_783 : vector<128x512xi1>, vector<128x512xi32>
    %get3A_793 = arith.constant 11 : index
    %get3A_794 = arith.constant 0 : index
    %get3A_795 = arith.constant 0 : index
    %get3A_796 = vector.load %arg5[%get3A_793, %get3A_794, %get3A_795] : memref<16x128x512xf32, #tpu.memory_space<vmem>>, vector<1x128x512xf32>
    %get3A_797 = vector.shape_cast %get3A_796 : vector<1x128x512xf32> to vector<128x512xf32>
    %eq3A_798 = arith.cmpf oeq, %get3A_797, %min3A_754 : vector<128x512xf32>
    %jit3A_799 = arith.constant 11 : i32
    %broadcast_in_dim3A_800 = vector.broadcast %jit3A_799 : i32 to vector<128x512xi32>
    %select_n3A_801 = arith.select %eq3A_798, %broadcast_in_dim3A_800, %select_n3A_792 : vector<128x512xi1>, vector<128x512xi32>
    %get3A_802 = arith.constant 10 : index
    %get3A_803 = arith.constant 0 : index
    %get3A_804 = arith.constant 0 : index
    %get3A_805 = vector.load %arg5[%get3A_802, %get3A_803, %get3A_804] : memref<16x128x512xf32, #tpu.memory_space<vmem>>, vector<1x128x512xf32>
    %get3A_806 = vector.shape_cast %get3A_805 : vector<1x128x512xf32> to vector<128x512xf32>
    %eq3A_807 = arith.cmpf oeq, %get3A_806, %min3A_754 : vector<128x512xf32>
    %jit3A_808 = arith.constant 10 : i32
    %broadcast_in_dim3A_809 = vector.broadcast %jit3A_808 : i32 to vector<128x512xi32>
    %select_n3A_810 = arith.select %eq3A_807, %broadcast_in_dim3A_809, %select_n3A_801 : vector<128x512xi1>, vector<128x512xi32>
    %get3A_811 = arith.constant 9 : index
    %get3A_812 = arith.constant 0 : index
    %get3A_813 = arith.constant 0 : index
    %get3A_814 = vector.load %arg5[%get3A_811, %get3A_812, %get3A_813] : memref<16x128x512xf32, #tpu.memory_space<vmem>>, vector<1x128x512xf32>
    %get3A_815 = vector.shape_cast %get3A_814 : vector<1x128x512xf32> to vector<128x512xf32>
    %eq3A_816 = arith.cmpf oeq, %get3A_815, %min3A_754 : vector<128x512xf32>
    %jit3A_817 = arith.constant 9 : i32
    %broadcast_in_dim3A_818 = vector.broadcast %jit3A_817 : i32 to vector<128x512xi32>
    %select_n3A_819 = arith.select %eq3A_816, %broadcast_in_dim3A_818, %select_n3A_810 : vector<128x512xi1>, vector<128x512xi32>
    %get3A_820 = arith.constant 8 : index
    %get3A_821 = arith.constant 0 : index
    %get3A_822 = arith.constant 0 : index
    %get3A_823 = vector.load %arg5[%get3A_820, %get3A_821, %get3A_822] : memref<16x128x512xf32, #tpu.memory_space<vmem>>, vector<1x128x512xf32>
    %get3A_824 = vector.shape_cast %get3A_823 : vector<1x128x512xf32> to vector<128x512xf32>
    %eq3A_825 = arith.cmpf oeq, %get3A_824, %min3A_754 : vector<128x512xf32>
    %jit3A_826 = arith.constant 8 : i32
    %broadcast_in_dim3A_827 = vector.broadcast %jit3A_826 : i32 to vector<128x512xi32>
    %select_n3A_828 = arith.select %eq3A_825, %broadcast_in_dim3A_827, %select_n3A_819 : vector<128x512xi1>, vector<128x512xi32>
    %get3A_829 = arith.constant 7 : index
    %get3A_830 = arith.constant 0 : index
    %get3A_831 = arith.constant 0 : index
    %get3A_832 = vector.load %arg5[%get3A_829, %get3A_830, %get3A_831] : memref<16x128x512xf32, #tpu.memory_space<vmem>>, vector<1x128x512xf32>
    %get3A_833 = vector.shape_cast %get3A_832 : vector<1x128x512xf32> to vector<128x512xf32>
    %eq3A_834 = arith.cmpf oeq, %get3A_833, %min3A_754 : vector<128x512xf32>
    %jit3A_835 = arith.constant 7 : i32
    %broadcast_in_dim3A_836 = vector.broadcast %jit3A_835 : i32 to vector<128x512xi32>
    %select_n3A_837 = arith.select %eq3A_834, %broadcast_in_dim3A_836, %select_n3A_828 : vector<128x512xi1>, vector<128x512xi32>
    %get3A_838 = arith.constant 6 : index
    %get3A_839 = arith.constant 0 : index
    %get3A_840 = arith.constant 0 : index
    %get3A_841 = vector.load %arg5[%get3A_838, %get3A_839, %get3A_840] : memref<16x128x512xf32, #tpu.memory_space<vmem>>, vector<1x128x512xf32>
    %get3A_842 = vector.shape_cast %get3A_841 : vector<1x128x512xf32> to vector<128x512xf32>
    %eq3A_843 = arith.cmpf oeq, %get3A_842, %min3A_754 : vector<128x512xf32>
    %jit3A_844 = arith.constant 6 : i32
    %broadcast_in_dim3A_845 = vector.broadcast %jit3A_844 : i32 to vector<128x512xi32>
    %select_n3A_846 = arith.select %eq3A_843, %broadcast_in_dim3A_845, %select_n3A_837 : vector<128x512xi1>, vector<128x512xi32>
    %get3A_847 = arith.constant 5 : index
    %get3A_848 = arith.constant 0 : index
    %get3A_849 = arith.constant 0 : index
    %get3A_850 = vector.load %arg5[%get3A_847, %get3A_848, %get3A_849] : memref<16x128x512xf32, #tpu.memory_space<vmem>>, vector<1x128x512xf32>
    %get3A_851 = vector.shape_cast %get3A_850 : vector<1x128x512xf32> to vector<128x512xf32>
    %eq3A_852 = arith.cmpf oeq, %get3A_851, %min3A_754 : vector<128x512xf32>
    %jit3A_853 = arith.constant 5 : i32
    %broadcast_in_dim3A_854 = vector.broadcast %jit3A_853 : i32 to vector<128x512xi32>
    %select_n3A_855 = arith.select %eq3A_852, %broadcast_in_dim3A_854, %select_n3A_846 : vector<128x512xi1>, vector<128x512xi32>
    %get3A_856 = arith.constant 4 : index
    %get3A_857 = arith.constant 0 : index
    %get3A_858 = arith.constant 0 : index
    %get3A_859 = vector.load %arg5[%get3A_856, %get3A_857, %get3A_858] : memref<16x128x512xf32, #tpu.memory_space<vmem>>, vector<1x128x512xf32>
    %get3A_860 = vector.shape_cast %get3A_859 : vector<1x128x512xf32> to vector<128x512xf32>
    %eq3A_861 = arith.cmpf oeq, %get3A_860, %min3A_754 : vector<128x512xf32>
    %jit3A_862 = arith.constant 4 : i32
    %broadcast_in_dim3A_863 = vector.broadcast %jit3A_862 : i32 to vector<128x512xi32>
    %select_n3A_864 = arith.select %eq3A_861, %broadcast_in_dim3A_863, %select_n3A_855 : vector<128x512xi1>, vector<128x512xi32>
    %get3A_865 = arith.constant 3 : index
    %get3A_866 = arith.constant 0 : index
    %get3A_867 = arith.constant 0 : index
    %get3A_868 = vector.load %arg5[%get3A_865, %get3A_866, %get3A_867] : memref<16x128x512xf32, #tpu.memory_space<vmem>>, vector<1x128x512xf32>
    %get3A_869 = vector.shape_cast %get3A_868 : vector<1x128x512xf32> to vector<128x512xf32>
    %eq3A_870 = arith.cmpf oeq, %get3A_869, %min3A_754 : vector<128x512xf32>
    %jit3A_871 = arith.constant 3 : i32
    %broadcast_in_dim3A_872 = vector.broadcast %jit3A_871 : i32 to vector<128x512xi32>
    %select_n3A_873 = arith.select %eq3A_870, %broadcast_in_dim3A_872, %select_n3A_864 : vector<128x512xi1>, vector<128x512xi32>
    %get3A_874 = arith.constant 2 : index
    %get3A_875 = arith.constant 0 : index
    %get3A_876 = arith.constant 0 : index
    %get3A_877 = vector.load %arg5[%get3A_874, %get3A_875, %get3A_876] : memref<16x128x512xf32, #tpu.memory_space<vmem>>, vector<1x128x512xf32>
    %get3A_878 = vector.shape_cast %get3A_877 : vector<1x128x512xf32> to vector<128x512xf32>
    %eq3A_879 = arith.cmpf oeq, %get3A_878, %min3A_754 : vector<128x512xf32>
    %jit3A_880 = arith.constant 2 : i32
    %broadcast_in_dim3A_881 = vector.broadcast %jit3A_880 : i32 to vector<128x512xi32>
    %select_n3A_882 = arith.select %eq3A_879, %broadcast_in_dim3A_881, %select_n3A_873 : vector<128x512xi1>, vector<128x512xi32>
    %get3A_883 = arith.constant 1 : index
    %get3A_884 = arith.constant 0 : index
    %get3A_885 = arith.constant 0 : index
    %get3A_886 = vector.load %arg5[%get3A_883, %get3A_884, %get3A_885] : memref<16x128x512xf32, #tpu.memory_space<vmem>>, vector<1x128x512xf32>
    %get3A_887 = vector.shape_cast %get3A_886 : vector<1x128x512xf32> to vector<128x512xf32>
    %eq3A_888 = arith.cmpf oeq, %get3A_887, %min3A_754 : vector<128x512xf32>
    %jit3A_889 = arith.constant 1 : i32
    %broadcast_in_dim3A_890 = vector.broadcast %jit3A_889 : i32 to vector<128x512xi32>
    %select_n3A_891 = arith.select %eq3A_888, %broadcast_in_dim3A_890, %select_n3A_882 : vector<128x512xi1>, vector<128x512xi32>
    %get3A_892 = arith.constant 0 : index
    %get3A_893 = arith.constant 0 : index
    %get3A_894 = arith.constant 0 : index
    %get3A_895 = vector.load %arg5[%get3A_892, %get3A_893, %get3A_894] : memref<16x128x512xf32, #tpu.memory_space<vmem>>, vector<1x128x512xf32>
    %get3A_896 = vector.shape_cast %get3A_895 : vector<1x128x512xf32> to vector<128x512xf32>
    %eq3A_897 = arith.cmpf oeq, %get3A_896, %min3A_754 : vector<128x512xf32>
    %jit3A_898 = arith.constant 0 : i32
    %broadcast_in_dim3A_899 = vector.broadcast %jit3A_898 : i32 to vector<128x512xi32>
    %select_n3A_900 = arith.select %eq3A_897, %broadcast_in_dim3A_899, %select_n3A_891 : vector<128x512xi1>, vector<128x512xi32>
    %eq3A_901 = arith.constant 0 : i32
    %eq3A_902 = vector.broadcast %eq3A_901 : i32 to vector<128x512xi32>
    %eq3A_903 = arith.cmpi eq, %select_n3A_900, %eq3A_902 : vector<128x512xi32>
    %get3A_904 = arith.constant 0 : index
    %get3A_905 = arith.constant 0 : index
    %get3A_906 = arith.constant 0 : index
    %get3A_907 = vector.load %arg5[%get3A_904, %get3A_905, %get3A_906] : memref<16x128x512xf32, #tpu.memory_space<vmem>>, vector<1x128x512xf32>
    %get3A_908 = vector.shape_cast %get3A_907 : vector<1x128x512xf32> to vector<128x512xf32>
    %jit3A_909 = arith.constant 0x7F800000 : f32
    %broadcast_in_dim3A_910 = vector.broadcast %jit3A_909 : f32 to vector<128x512xf32>
    %select_n3A_911 = arith.select %eq3A_903, %broadcast_in_dim3A_910, %get3A_908 : vector<128x512xi1>, vector<128x512xf32>
    %swap3A_912 = arith.constant 0 : index
    %swap3A_913 = arith.constant 0 : index
    %swap3A_914 = arith.constant 0 : index
    %swap3A_915 = vector.load %arg5[%swap3A_912, %swap3A_913, %swap3A_914] : memref<16x128x512xf32, #tpu.memory_space<vmem>>, vector<1x128x512xf32>
    %swap3A_916 = vector.shape_cast %swap3A_915 : vector<1x128x512xf32> to vector<128x512xf32>
    %swap3A_917 = vector.shape_cast %select_n3A_911 : vector<128x512xf32> to vector<1x128x512xf32>
    tpu.vector_store %arg5[%swap3A_912, %swap3A_913, %swap3A_914], %swap3A_917 {strides = array<i32>} : memref<16x128x512xf32, #tpu.memory_space<vmem>>, vector<1x128x512xf32>,
    %eq3A_918 = arith.constant 1 : i32
    %eq3A_919 = vector.broadcast %eq3A_918 : i32 to vector<128x512xi32>
    %eq3A_920 = arith.cmpi eq, %select_n3A_900, %eq3A_919 : vector<128x512xi32>
    %get3A_921 = arith.constant 1 : index
    %get3A_922 = arith.constant 0 : index
    %get3A_923 = arith.constant 0 : index
    %get3A_924 = vector.load %arg5[%get3A_921, %get3A_922, %get3A_923] : memref<16x128x512xf32, #tpu.memory_space<vmem>>, vector<1x128x512xf32>
    %get3A_925 = vector.shape_cast %get3A_924 : vector<1x128x512xf32> to vector<128x512xf32>
    %jit3A_926 = arith.constant 0x7F800000 : f32
    %broadcast_in_dim3A_927 = vector.broadcast %jit3A_926 : f32 to vector<128x512xf32>
    %select_n3A_928 = arith.select %eq3A_920, %broadcast_in_dim3A_927, %get3A_925 : vector<128x512xi1>, vector<128x512xf32>
    %swap3A_929 = arith.constant 1 : index
    %swap3A_930 = arith.constant 0 : index
    %swap3A_931 = arith.constant 0 : index
    %swap3A_932 = vector.load %arg5[%swap3A_929, %swap3A_930, %swap3A_931] : memref<16x128x512xf32, #tpu.memory_space<vmem>>, vector<1x128x512xf32>
    %swap3A_933 = vector.shape_cast %swap3A_932 : vector<1x128x512xf32> to vector<128x512xf32>
    %swap3A_934 = vector.shape_cast %select_n3A_928 : vector<128x512xf32> to vector<1x128x512xf32>
    tpu.vector_store %arg5[%swap3A_929, %swap3A_930, %swap3A_931], %swap3A_934 {strides = array<i32>} : memref<16x128x512xf32, #tpu.memory_space<vmem>>, vector<1x128x512xf32>,
    %eq3A_935 = arith.constant 2 : i32
    %eq3A_936 = vector.broadcast %eq3A_935 : i32 to vector<128x512xi32>
    %eq3A_937 = arith.cmpi eq, %select_n3A_900, %eq3A_936 : vector<128x512xi32>
    %get3A_938 = arith.constant 2 : index
    %get3A_939 = arith.constant 0 : index
    %get3A_940 = arith.constant 0 : index
    %get3A_941 = vector.load %arg5[%get3A_938, %get3A_939, %get3A_940] : memref<16x128x512xf32, #tpu.memory_space<vmem>>, vector<1x128x512xf32>
    %get3A_942 = vector.shape_cast %get3A_941 : vector<1x128x512xf32> to vector<128x512xf32>
    %jit3A_943 = arith.constant 0x7F800000 : f32
    %broadcast_in_dim3A_944 = vector.broadcast %jit3A_943 : f32 to vector<128x512xf32>
    %select_n3A_945 = arith.select %eq3A_937, %broadcast_in_dim3A_944, %get3A_942 : vector<128x512xi1>, vector<128x512xf32>
    %swap3A_946 = arith.constant 2 : index
    %swap3A_947 = arith.constant 0 : index
    %swap3A_948 = arith.constant 0 : index
    %swap3A_949 = vector.load %arg5[%swap3A_946, %swap3A_947, %swap3A_948] : memref<16x128x512xf32, #tpu.memory_space<vmem>>, vector<1x128x512xf32>
    %swap3A_950 = vector.shape_cast %swap3A_949 : vector<1x128x512xf32> to vector<128x512xf32>
    %swap3A_951 = vector.shape_cast %select_n3A_945 : vector<128x512xf32> to vector<1x128x512xf32>
    tpu.vector_store %arg5[%swap3A_946, %swap3A_947, %swap3A_948], %swap3A_951 {strides = array<i32>} : memref<16x128x512xf32, #tpu.memory_space<vmem>>, vector<1x128x512xf32>,
    %eq3A_952 = arith.constant 3 : i32
    %eq3A_953 = vector.broadcast %eq3A_952 : i32 to vector<128x512xi32>
    %eq3A_954 = arith.cmpi eq, %select_n3A_900, %eq3A_953 : vector<128x512xi32>
    %get3A_955 = arith.constant 3 : index
    %get3A_956 = arith.constant 0 : index
    %get3A_957 = arith.constant 0 : index
    %get3A_958 = vector.load %arg5[%get3A_955, %get3A_956, %get3A_957] : memref<16x128x512xf32, #tpu.memory_space<vmem>>, vector<1x128x512xf32>
    %get3A_959 = vector.shape_cast %get3A_958 : vector<1x128x512xf32> to vector<128x512xf32>
    %jit3A_960 = arith.constant 0x7F800000 : f32
    %broadcast_in_dim3A_961 = vector.broadcast %jit3A_960 : f32 to vector<128x512xf32>
    %select_n3A_962 = arith.select %eq3A_954, %broadcast_in_dim3A_961, %get3A_959 : vector<128x512xi1>, vector<128x512xf32>
    %swap3A_963 = arith.constant 3 : index
    %swap3A_964 = arith.constant 0 : index
    %swap3A_965 = arith.constant 0 : index
    %swap3A_966 = vector.load %arg5[%swap3A_963, %swap3A_964, %swap3A_965] : memref<16x128x512xf32, #tpu.memory_space<vmem>>, vector<1x128x512xf32>
    %swap3A_967 = vector.shape_cast %swap3A_966 : vector<1x128x512xf32> to vector<128x512xf32>
    %swap3A_968 = vector.shape_cast %select_n3A_962 : vector<128x512xf32> to vector<1x128x512xf32>
    tpu.vector_store %arg5[%swap3A_963, %swap3A_964, %swap3A_965], %swap3A_968 {strides = array<i32>} : memref<16x128x512xf32, #tpu.memory_space<vmem>>, vector<1x128x512xf32>,
    %eq3A_969 = arith.constant 4 : i32
    %eq3A_970 = vector.broadcast %eq3A_969 : i32 to vector<128x512xi32>
    %eq3A_971 = arith.cmpi eq, %select_n3A_900, %eq3A_970 : vector<128x512xi32>
    %get3A_972 = arith.constant 4 : index
    %get3A_973 = arith.constant 0 : index
    %get3A_974 = arith.constant 0 : index
    %get3A_975 = vector.load %arg5[%get3A_972, %get3A_973, %get3A_974] : memref<16x128x512xf32, #tpu.memory_space<vmem>>, vector<1x128x512xf32>
    %get3A_976 = vector.shape_cast %get3A_975 : vector<1x128x512xf32> to vector<128x512xf32>
    %jit3A_977 = arith.constant 0x7F800000 : f32
    %broadcast_in_dim3A_978 = vector.broadcast %jit3A_977 : f32 to vector<128x512xf32>
    %select_n3A_979 = arith.select %eq3A_971, %broadcast_in_dim3A_978, %get3A_976 : vector<128x512xi1>, vector<128x512xf32>
    %swap3A_980 = arith.constant 4 : index
    %swap3A_981 = arith.constant 0 : index
    %swap3A_982 = arith.constant 0 : index
    %swap3A_983 = vector.load %arg5[%swap3A_980, %swap3A_981, %swap3A_982] : memref<16x128x512xf32, #tpu.memory_space<vmem>>, vector<1x128x512xf32>
    %swap3A_984 = vector.shape_cast %swap3A_983 : vector<1x128x512xf32> to vector<128x512xf32>
    %swap3A_985 = vector.shape_cast %select_n3A_979 : vector<128x512xf32> to vector<1x128x512xf32>
    tpu.vector_store %arg5[%swap3A_980, %swap3A_981, %swap3A_982], %swap3A_985 {strides = array<i32>} : memref<16x128x512xf32, #tpu.memory_space<vmem>>, vector<1x128x512xf32>,
    %eq3A_986 = arith.constant 5 : i32
    %eq3A_987 = vector.broadcast %eq3A_986 : i32 to vector<128x512xi32>
    %eq3A_988 = arith.cmpi eq, %select_n3A_900, %eq3A_987 : vector<128x512xi32>
    %get3A_989 = arith.constant 5 : index
    %get3A_990 = arith.constant 0 : index
    %get3A_991 = arith.constant 0 : index
    %get3A_992 = vector.load %arg5[%get3A_989, %get3A_990, %get3A_991] : memref<16x128x512xf32, #tpu.memory_space<vmem>>, vector<1x128x512xf32>
    %get3A_993 = vector.shape_cast %get3A_992 : vector<1x128x512xf32> to vector<128x512xf32>
    %jit3A_994 = arith.constant 0x7F800000 : f32
    %broadcast_in_dim3A_995 = vector.broadcast %jit3A_994 : f32 to vector<128x512xf32>
    %select_n3A_996 = arith.select %eq3A_988, %broadcast_in_dim3A_995, %get3A_993 : vector<128x512xi1>, vector<128x512xf32>
    %swap3A_997 = arith.constant 5 : index
    %swap3A_998 = arith.constant 0 : index
    %swap3A_999 = arith.constant 0 : index
    %swap3A_1000 = vector.load %arg5[%swap3A_997, %swap3A_998, %swap3A_999] : memref<16x128x512xf32, #tpu.memory_space<vmem>>, vector<1x128x512xf32>
    %swap3A_1001 = vector.shape_cast %swap3A_1000 : vector<1x128x512xf32> to vector<128x512xf32>
    %swap3A_1002 = vector.shape_cast %select_n3A_996 : vector<128x512xf32> to vector<1x128x512xf32>
    tpu.vector_store %arg5[%swap3A_997, %swap3A_998, %swap3A_999], %swap3A_1002 {strides = array<i32>} : memref<16x128x512xf32, #tpu.memory_space<vmem>>, vector<1x128x512xf32>,
    %eq3A_1003 = arith.constant 6 : i32
    %eq3A_1004 = vector.broadcast %eq3A_1003 : i32 to vector<128x512xi32>
    %eq3A_1005 = arith.cmpi eq, %select_n3A_900, %eq3A_1004 : vector<128x512xi32>
    %get3A_1006 = arith.constant 6 : index
    %get3A_1007 = arith.constant 0 : index
    %get3A_1008 = arith.constant 0 : index
    %get3A_1009 = vector.load %arg5[%get3A_1006, %get3A_1007, %get3A_1008] : memref<16x128x512xf32, #tpu.memory_space<vmem>>, vector<1x128x512xf32>
    %get3A_1010 = vector.shape_cast %get3A_1009 : vector<1x128x512xf32> to vector<128x512xf32>
    %jit3A_1011 = arith.constant 0x7F800000 : f32
    %broadcast_in_dim3A_1012 = vector.broadcast %jit3A_1011 : f32 to vector<128x512xf32>
    %select_n3A_1013 = arith.select %eq3A_1005, %broadcast_in_dim3A_1012, %get3A_1010 : vector<128x512xi1>, vector<128x512xf32>
    %swap3A_1014 = arith.constant 6 : index
    %swap3A_1015 = arith.constant 0 : index
    %swap3A_1016 = arith.constant 0 : index
    %swap3A_1017 = vector.load %arg5[%swap3A_1014, %swap3A_1015, %swap3A_1016] : memref<16x128x512xf32, #tpu.memory_space<vmem>>, vector<1x128x512xf32>
    %swap3A_1018 = vector.shape_cast %swap3A_1017 : vector<1x128x512xf32> to vector<128x512xf32>
    %swap3A_1019 = vector.shape_cast %select_n3A_1013 : vector<128x512xf32> to vector<1x128x512xf32>
    tpu.vector_store %arg5[%swap3A_1014, %swap3A_1015, %swap3A_1016], %swap3A_1019 {strides = array<i32>} : memref<16x128x512xf32, #tpu.memory_space<vmem>>, vector<1x128x512xf32>,
    %eq3A_1020 = arith.constant 7 : i32
    %eq3A_1021 = vector.broadcast %eq3A_1020 : i32 to vector<128x512xi32>
    %eq3A_1022 = arith.cmpi eq, %select_n3A_900, %eq3A_1021 : vector<128x512xi32>
    %get3A_1023 = arith.constant 7 : index
    %get3A_1024 = arith.constant 0 : index
    %get3A_1025 = arith.constant 0 : index
    %get3A_1026 = vector.load %arg5[%get3A_1023, %get3A_1024, %get3A_1025] : memref<16x128x512xf32, #tpu.memory_space<vmem>>, vector<1x128x512xf32>
    %get3A_1027 = vector.shape_cast %get3A_1026 : vector<1x128x512xf32> to vector<128x512xf32>
    %jit3A_1028 = arith.constant 0x7F800000 : f32
    %broadcast_in_dim3A_1029 = vector.broadcast %jit3A_1028 : f32 to vector<128x512xf32>
    %select_n3A_1030 = arith.select %eq3A_1022, %broadcast_in_dim3A_1029, %get3A_1027 : vector<128x512xi1>, vector<128x512xf32>
    %swap3A_1031 = arith.constant 7 : index
    %swap3A_1032 = arith.constant 0 : index
    %swap3A_1033 = arith.constant 0 : index
    %swap3A_1034 = vector.load %arg5[%swap3A_1031, %swap3A_1032, %swap3A_1033] : memref<16x128x512xf32, #tpu.memory_space<vmem>>, vector<1x128x512xf32>
    %swap3A_1035 = vector.shape_cast %swap3A_1034 : vector<1x128x512xf32> to vector<128x512xf32>
    %swap3A_1036 = vector.shape_cast %select_n3A_1030 : vector<128x512xf32> to vector<1x128x512xf32>
    tpu.vector_store %arg5[%swap3A_1031, %swap3A_1032, %swap3A_1033], %swap3A_1036 {strides = array<i32>} : memref<16x128x512xf32, #tpu.memory_space<vmem>>, vector<1x128x512xf32>,
    %eq3A_1037 = arith.constant 8 : i32
    %eq3A_1038 = vector.broadcast %eq3A_1037 : i32 to vector<128x512xi32>
    %eq3A_1039 = arith.cmpi eq, %select_n3A_900, %eq3A_1038 : vector<128x512xi32>
    %get3A_1040 = arith.constant 8 : index
    %get3A_1041 = arith.constant 0 : index
    %get3A_1042 = arith.constant 0 : index
    %get3A_1043 = vector.load %arg5[%get3A_1040, %get3A_1041, %get3A_1042] : memref<16x128x512xf32, #tpu.memory_space<vmem>>, vector<1x128x512xf32>
    %get3A_1044 = vector.shape_cast %get3A_1043 : vector<1x128x512xf32> to vector<128x512xf32>
    %jit3A_1045 = arith.constant 0x7F800000 : f32
    %broadcast_in_dim3A_1046 = vector.broadcast %jit3A_1045 : f32 to vector<128x512xf32>
    %select_n3A_1047 = arith.select %eq3A_1039, %broadcast_in_dim3A_1046, %get3A_1044 : vector<128x512xi1>, vector<128x512xf32>
    %swap3A_1048 = arith.constant 8 : index
    %swap3A_1049 = arith.constant 0 : index
    %swap3A_1050 = arith.constant 0 : index
    %swap3A_1051 = vector.load %arg5[%swap3A_1048, %swap3A_1049, %swap3A_1050] : memref<16x128x512xf32, #tpu.memory_space<vmem>>, vector<1x128x512xf32>
    %swap3A_1052 = vector.shape_cast %swap3A_1051 : vector<1x128x512xf32> to vector<128x512xf32>
    %swap3A_1053 = vector.shape_cast %select_n3A_1047 : vector<128x512xf32> to vector<1x128x512xf32>
    tpu.vector_store %arg5[%swap3A_1048, %swap3A_1049, %swap3A_1050], %swap3A_1053 {strides = array<i32>} : memref<16x128x512xf32, #tpu.memory_space<vmem>>, vector<1x128x512xf32>,
    %eq3A_1054 = arith.constant 9 : i32
    %eq3A_1055 = vector.broadcast %eq3A_1054 : i32 to vector<128x512xi32>
    %eq3A_1056 = arith.cmpi eq, %select_n3A_900, %eq3A_1055 : vector<128x512xi32>
    %get3A_1057 = arith.constant 9 : index
    %get3A_1058 = arith.constant 0 : index
    %get3A_1059 = arith.constant 0 : index
    %get3A_1060 = vector.load %arg5[%get3A_1057, %get3A_1058, %get3A_1059] : memref<16x128x512xf32, #tpu.memory_space<vmem>>, vector<1x128x512xf32>
    %get3A_1061 = vector.shape_cast %get3A_1060 : vector<1x128x512xf32> to vector<128x512xf32>
    %jit3A_1062 = arith.constant 0x7F800000 : f32
    %broadcast_in_dim3A_1063 = vector.broadcast %jit3A_1062 : f32 to vector<128x512xf32>
    %select_n3A_1064 = arith.select %eq3A_1056, %broadcast_in_dim3A_1063, %get3A_1061 : vector<128x512xi1>, vector<128x512xf32>
    %swap3A_1065 = arith.constant 9 : index
    %swap3A_1066 = arith.constant 0 : index
    %swap3A_1067 = arith.constant 0 : index
    %swap3A_1068 = vector.load %arg5[%swap3A_1065, %swap3A_1066, %swap3A_1067] : memref<16x128x512xf32, #tpu.memory_space<vmem>>, vector<1x128x512xf32>
    %swap3A_1069 = vector.shape_cast %swap3A_1068 : vector<1x128x512xf32> to vector<128x512xf32>
    %swap3A_1070 = vector.shape_cast %select_n3A_1064 : vector<128x512xf32> to vector<1x128x512xf32>
    tpu.vector_store %arg5[%swap3A_1065, %swap3A_1066, %swap3A_1067], %swap3A_1070 {strides = array<i32>} : memref<16x128x512xf32, #tpu.memory_space<vmem>>, vector<1x128x512xf32>,
    %eq3A_1071 = arith.constant 10 : i32
    %eq3A_1072 = vector.broadcast %eq3A_1071 : i32 to vector<128x512xi32>
    %eq3A_1073 = arith.cmpi eq, %select_n3A_900, %eq3A_1072 : vector<128x512xi32>
    %get3A_1074 = arith.constant 10 : index
    %get3A_1075 = arith.constant 0 : index
    %get3A_1076 = arith.constant 0 : index
    %get3A_1077 = vector.load %arg5[%get3A_1074, %get3A_1075, %get3A_1076] : memref<16x128x512xf32, #tpu.memory_space<vmem>>, vector<1x128x512xf32>
    %get3A_1078 = vector.shape_cast %get3A_1077 : vector<1x128x512xf32> to vector<128x512xf32>
    %jit3A_1079 = arith.constant 0x7F800000 : f32
    %broadcast_in_dim3A_1080 = vector.broadcast %jit3A_1079 : f32 to vector<128x512xf32>
    %select_n3A_1081 = arith.select %eq3A_1073, %broadcast_in_dim3A_1080, %get3A_1078 : vector<128x512xi1>, vector<128x512xf32>
    %swap3A_1082 = arith.constant 10 : index
    %swap3A_1083 = arith.constant 0 : index
    %swap3A_1084 = arith.constant 0 : index
    %swap3A_1085 = vector.load %arg5[%swap3A_1082, %swap3A_1083, %swap3A_1084] : memref<16x128x512xf32, #tpu.memory_space<vmem>>, vector<1x128x512xf32>
    %swap3A_1086 = vector.shape_cast %swap3A_1085 : vector<1x128x512xf32> to vector<128x512xf32>
    %swap3A_1087 = vector.shape_cast %select_n3A_1081 : vector<128x512xf32> to vector<1x128x512xf32>
    tpu.vector_store %arg5[%swap3A_1082, %swap3A_1083, %swap3A_1084], %swap3A_1087 {strides = array<i32>} : memref<16x128x512xf32, #tpu.memory_space<vmem>>, vector<1x128x512xf32>,
    %eq3A_1088 = arith.constant 11 : i32
    %eq3A_1089 = vector.broadcast %eq3A_1088 : i32 to vector<128x512xi32>
    %eq3A_1090 = arith.cmpi eq, %select_n3A_900, %eq3A_1089 : vector<128x512xi32>
    %get3A_1091 = arith.constant 11 : index
    %get3A_1092 = arith.constant 0 : index
    %get3A_1093 = arith.constant 0 : index
    %get3A_1094 = vector.load %arg5[%get3A_1091, %get3A_1092, %get3A_1093] : memref<16x128x512xf32, #tpu.memory_space<vmem>>, vector<1x128x512xf32>
    %get3A_1095 = vector.shape_cast %get3A_1094 : vector<1x128x512xf32> to vector<128x512xf32>
    %jit3A_1096 = arith.constant 0x7F800000 : f32
    %broadcast_in_dim3A_1097 = vector.broadcast %jit3A_1096 : f32 to vector<128x512xf32>
    %select_n3A_1098 = arith.select %eq3A_1090, %broadcast_in_dim3A_1097, %get3A_1095 : vector<128x512xi1>, vector<128x512xf32>
    %swap3A_1099 = arith.constant 11 : index
    %swap3A_1100 = arith.constant 0 : index
    %swap3A_1101 = arith.constant 0 : index
    %swap3A_1102 = vector.load %arg5[%swap3A_1099, %swap3A_1100, %swap3A_1101] : memref<16x128x512xf32, #tpu.memory_space<vmem>>, vector<1x128x512xf32>
    %swap3A_1103 = vector.shape_cast %swap3A_1102 : vector<1x128x512xf32> to vector<128x512xf32>
    %swap3A_1104 = vector.shape_cast %select_n3A_1098 : vector<128x512xf32> to vector<1x128x512xf32>
    tpu.vector_store %arg5[%swap3A_1099, %swap3A_1100, %swap3A_1101], %swap3A_1104 {strides = array<i32>} : memref<16x128x512xf32, #tpu.memory_space<vmem>>, vector<1x128x512xf32>,
    %eq3A_1105 = arith.constant 12 : i32
    %eq3A_1106 = vector.broadcast %eq3A_1105 : i32 to vector<128x512xi32>
    %eq3A_1107 = arith.cmpi eq, %select_n3A_900, %eq3A_1106 : vector<128x512xi32>
    %get3A_1108 = arith.constant 12 : index
    %get3A_1109 = arith.constant 0 : index
    %get3A_1110 = arith.constant 0 : index
    %get3A_1111 = vector.load %arg5[%get3A_1108, %get3A_1109, %get3A_1110] : memref<16x128x512xf32, #tpu.memory_space<vmem>>, vector<1x128x512xf32>
    %get3A_1112 = vector.shape_cast %get3A_1111 : vector<1x128x512xf32> to vector<128x512xf32>
    %jit3A_1113 = arith.constant 0x7F800000 : f32
    %broadcast_in_dim3A_1114 = vector.broadcast %jit3A_1113 : f32 to vector<128x512xf32>
    %select_n3A_1115 = arith.select %eq3A_1107, %broadcast_in_dim3A_1114, %get3A_1112 : vector<128x512xi1>, vector<128x512xf32>
    %swap3A_1116 = arith.constant 12 : index
    %swap3A_1117 = arith.constant 0 : index
    %swap3A_1118 = arith.constant 0 : index
    %swap3A_1119 = vector.load %arg5[%swap3A_1116, %swap3A_1117, %swap3A_1118] : memref<16x128x512xf32, #tpu.memory_space<vmem>>, vector<1x128x512xf32>
    %swap3A_1120 = vector.shape_cast %swap3A_1119 : vector<1x128x512xf32> to vector<128x512xf32>
    %swap3A_1121 = vector.shape_cast %select_n3A_1115 : vector<128x512xf32> to vector<1x128x512xf32>
    tpu.vector_store %arg5[%swap3A_1116, %swap3A_1117, %swap3A_1118], %swap3A_1121 {strides = array<i32>} : memref<16x128x512xf32, #tpu.memory_space<vmem>>, vector<1x128x512xf32>,
    %eq3A_1122 = arith.constant 13 : i32
    %eq3A_1123 = vector.broadcast %eq3A_1122 : i32 to vector<128x512xi32>
    %eq3A_1124 = arith.cmpi eq, %select_n3A_900, %eq3A_1123 : vector<128x512xi32>
    %get3A_1125 = arith.constant 13 : index
    %get3A_1126 = arith.constant 0 : index
    %get3A_1127 = arith.constant 0 : index
    %get3A_1128 = vector.load %arg5[%get3A_1125, %get3A_1126, %get3A_1127] : memref<16x128x512xf32, #tpu.memory_space<vmem>>, vector<1x128x512xf32>
    %get3A_1129 = vector.shape_cast %get3A_1128 : vector<1x128x512xf32> to vector<128x512xf32>
    %jit3A_1130 = arith.constant 0x7F800000 : f32
    %broadcast_in_dim3A_1131 = vector.broadcast %jit3A_1130 : f32 to vector<128x512xf32>
    %select_n3A_1132 = arith.select %eq3A_1124, %broadcast_in_dim3A_1131, %get3A_1129 : vector<128x512xi1>, vector<128x512xf32>
    %swap3A_1133 = arith.constant 13 : index
    %swap3A_1134 = arith.constant 0 : index
    %swap3A_1135 = arith.constant 0 : index
    %swap3A_1136 = vector.load %arg5[%swap3A_1133, %swap3A_1134, %swap3A_1135] : memref<16x128x512xf32, #tpu.memory_space<vmem>>, vector<1x128x512xf32>
    %swap3A_1137 = vector.shape_cast %swap3A_1136 : vector<1x128x512xf32> to vector<128x512xf32>
    %swap3A_1138 = vector.shape_cast %select_n3A_1132 : vector<128x512xf32> to vector<1x128x512xf32>
    tpu.vector_store %arg5[%swap3A_1133, %swap3A_1134, %swap3A_1135], %swap3A_1138 {strides = array<i32>} : memref<16x128x512xf32, #tpu.memory_space<vmem>>, vector<1x128x512xf32>,
    %eq3A_1139 = arith.constant 14 : i32
    %eq3A_1140 = vector.broadcast %eq3A_1139 : i32 to vector<128x512xi32>
    %eq3A_1141 = arith.cmpi eq, %select_n3A_900, %eq3A_1140 : vector<128x512xi32>
    %get3A_1142 = arith.constant 14 : index
    %get3A_1143 = arith.constant 0 : index
    %get3A_1144 = arith.constant 0 : index
    %get3A_1145 = vector.load %arg5[%get3A_1142, %get3A_1143, %get3A_1144] : memref<16x128x512xf32, #tpu.memory_space<vmem>>, vector<1x128x512xf32>
    %get3A_1146 = vector.shape_cast %get3A_1145 : vector<1x128x512xf32> to vector<128x512xf32>
    %jit3A_1147 = arith.constant 0x7F800000 : f32
    %broadcast_in_dim3A_1148 = vector.broadcast %jit3A_1147 : f32 to vector<128x512xf32>
    %select_n3A_1149 = arith.select %eq3A_1141, %broadcast_in_dim3A_1148, %get3A_1146 : vector<128x512xi1>, vector<128x512xf32>
    %swap3A_1150 = arith.constant 14 : index
    %swap3A_1151 = arith.constant 0 : index
    %swap3A_1152 = arith.constant 0 : index
    %swap3A_1153 = vector.load %arg5[%swap3A_1150, %swap3A_1151, %swap3A_1152] : memref<16x128x512xf32, #tpu.memory_space<vmem>>, vector<1x128x512xf32>
    %swap3A_1154 = vector.shape_cast %swap3A_1153 : vector<1x128x512xf32> to vector<128x512xf32>
    %swap3A_1155 = vector.shape_cast %select_n3A_1149 : vector<128x512xf32> to vector<1x128x512xf32>
    tpu.vector_store %arg5[%swap3A_1150, %swap3A_1151, %swap3A_1152], %swap3A_1155 {strides = array<i32>} : memref<16x128x512xf32, #tpu.memory_space<vmem>>, vector<1x128x512xf32>,
    %eq3A_1156 = arith.constant 15 : i32
    %eq3A_1157 = vector.broadcast %eq3A_1156 : i32 to vector<128x512xi32>
    %eq3A_1158 = arith.cmpi eq, %select_n3A_900, %eq3A_1157 : vector<128x512xi32>
    %get3A_1159 = arith.constant 15 : index
    %get3A_1160 = arith.constant 0 : index
    %get3A_1161 = arith.constant 0 : index
    %get3A_1162 = vector.load %arg5[%get3A_1159, %get3A_1160, %get3A_1161] : memref<16x128x512xf32, #tpu.memory_space<vmem>>, vector<1x128x512xf32>
    %get3A_1163 = vector.shape_cast %get3A_1162 : vector<1x128x512xf32> to vector<128x512xf32>
    %jit3A_1164 = arith.constant 0x7F800000 : f32
    %broadcast_in_dim3A_1165 = vector.broadcast %jit3A_1164 : f32 to vector<128x512xf32>
    %select_n3A_1166 = arith.select %eq3A_1158, %broadcast_in_dim3A_1165, %get3A_1163 : vector<128x512xi1>, vector<128x512xf32>
    %swap3A_1167 = arith.constant 15 : index
    %swap3A_1168 = arith.constant 0 : index
    %swap3A_1169 = arith.constant 0 : index
    %swap3A_1170 = vector.load %arg5[%swap3A_1167, %swap3A_1168, %swap3A_1169] : memref<16x128x512xf32, #tpu.memory_space<vmem>>, vector<1x128x512xf32>
    %swap3A_1171 = vector.shape_cast %swap3A_1170 : vector<1x128x512xf32> to vector<128x512xf32>
    %swap3A_1172 = vector.shape_cast %select_n3A_1166 : vector<128x512xf32> to vector<1x128x512xf32>
    tpu.vector_store %arg5[%swap3A_1167, %swap3A_1168, %swap3A_1169], %swap3A_1172 {strides = array<i32>} : memref<16x128x512xf32, #tpu.memory_space<vmem>>, vector<1x128x512xf32>,
    %mul3A_1173 = arith.constant 512 : i32
    %mul3A_1174 = vector.broadcast %mul3A_1173 : i32 to vector<128x512xi32>
    %mul3A_1175 = arith.muli %select_n3A_900, %mul3A_1174 : vector<128x512xi32>
    %add3A_1176 = arith.addi %mul3A_1175, %iota3A : vector<128x512xi32>
    %swap3A_1177 = arith.constant 0 : index
    %swap3A_1178 = arith.constant 0 : index
    %swap3A_1179 = vector.load %arg9[%swap3A_1177, %swap3A_1178] : memref<128x512xf32, #tpu.memory_space<vmem>>, vector<128x512xf32>
    tpu.vector_store %arg9[%swap3A_1177, %swap3A_1178], %min3A_754 {strides = array<i32>} : memref<128x512xf32, #tpu.memory_space<vmem>>, vector<128x512xf32>,
    %swap3A_1180 = arith.constant 0 : index
    %swap3A_1181 = arith.constant 0 : index
    %swap3A_1182 = vector.load %arg10[%swap3A_1180, %swap3A_1181] : memref<128x512xi32, #tpu.memory_space<vmem>>, vector<128x512xi32>
    tpu.vector_store %arg10[%swap3A_1180, %swap3A_1181], %add3A_1176 {strides = array<i32>} : memref<128x512xi32, #tpu.memory_space<vmem>>, vector<128x512xi32>,
    %get3A_1183 = arith.constant 0 : index
    %get3A_1184 = arith.constant 0 : index
    %get3A_1185 = arith.constant 0 : index
    %get3A_1186 = vector.load %arg5[%get3A_1183, %get3A_1184, %get3A_1185] : memref<16x128x512xf32, #tpu.memory_space<vmem>>, vector<1x128x512xf32>
    %get3A_1187 = vector.shape_cast %get3A_1186 : vector<1x128x512xf32> to vector<128x512xf32>
    %get3A_1188 = arith.constant 1 : index
    %get3A_1189 = arith.constant 0 : index
    %get3A_1190 = arith.constant 0 : index
    %get3A_1191 = vector.load %arg5[%get3A_1188, %get3A_1189, %get3A_1190] : memref<16x128x512xf32, #tpu.memory_space<vmem>>, vector<1x128x512xf32>
    %get3A_1192 = vector.shape_cast %get3A_1191 : vector<1x128x512xf32> to vector<128x512xf32>
    %min3A_1193 = arith.minimumf %get3A_1187, %get3A_1192 : vector<128x512xf32>
    %get3A_1194 = arith.constant 2 : index
    %get3A_1195 = arith.constant 0 : index
    %get3A_1196 = arith.constant 0 : index
    %get3A_1197 = vector.load %arg5[%get3A_1194, %get3A_1195, %get3A_1196] : memref<16x128x512xf32, #tpu.memory_space<vmem>>, vector<1x128x512xf32>
    %get3A_1198 = vector.shape_cast %get3A_1197 : vector<1x128x512xf32> to vector<128x512xf32>
    %min3A_1199 = arith.minimumf %min3A_1193, %get3A_1198 : vector<128x512xf32>
    %get3A_1200 = arith.constant 3 : index
    %get3A_1201 = arith.constant 0 : index
    %get3A_1202 = arith.constant 0 : index
    %get3A_1203 = vector.load %arg5[%get3A_1200, %get3A_1201, %get3A_1202] : memref<16x128x512xf32, #tpu.memory_space<vmem>>, vector<1x128x512xf32>
    %get3A_1204 = vector.shape_cast %get3A_1203 : vector<1x128x512xf32> to vector<128x512xf32>
    %min3A_1205 = arith.minimumf %min3A_1199, %get3A_1204 : vector<128x512xf32>
    %get3A_1206 = arith.constant 4 : index
    %get3A_1207 = arith.constant 0 : index
    %get3A_1208 = arith.constant 0 : index
    %get3A_1209 = vector.load %arg5[%get3A_1206, %get3A_1207, %get3A_1208] : memref<16x128x512xf32, #tpu.memory_space<vmem>>, vector<1x128x512xf32>
    %get3A_1210 = vector.shape_cast %get3A_1209 : vector<1x128x512xf32> to vector<128x512xf32>
    %min3A_1211 = arith.minimumf %min3A_1205, %get3A_1210 : vector<128x512xf32>
    %get3A_1212 = arith.constant 5 : index
    %get3A_1213 = arith.constant 0 : index
    %get3A_1214 = arith.constant 0 : index
    %get3A_1215 = vector.load %arg5[%get3A_1212, %get3A_1213, %get3A_1214] : memref<16x128x512xf32, #tpu.memory_space<vmem>>, vector<1x128x512xf32>
    %get3A_1216 = vector.shape_cast %get3A_1215 : vector<1x128x512xf32> to vector<128x512xf32>
    %min3A_1217 = arith.minimumf %min3A_1211, %get3A_1216 : vector<128x512xf32>
    %get3A_1218 = arith.constant 6 : index
    %get3A_1219 = arith.constant 0 : index
    %get3A_1220 = arith.constant 0 : index
    %get3A_1221 = vector.load %arg5[%get3A_1218, %get3A_1219, %get3A_1220] : memref<16x128x512xf32, #tpu.memory_space<vmem>>, vector<1x128x512xf32>
    %get3A_1222 = vector.shape_cast %get3A_1221 : vector<1x128x512xf32> to vector<128x512xf32>
    %min3A_1223 = arith.minimumf %min3A_1217, %get3A_1222 : vector<128x512xf32>
    %get3A_1224 = arith.constant 7 : index
    %get3A_1225 = arith.constant 0 : index
    %get3A_1226 = arith.constant 0 : index
    %get3A_1227 = vector.load %arg5[%get3A_1224, %get3A_1225, %get3A_1226] : memref<16x128x512xf32, #tpu.memory_space<vmem>>, vector<1x128x512xf32>
    %get3A_1228 = vector.shape_cast %get3A_1227 : vector<1x128x512xf32> to vector<128x512xf32>
    %min3A_1229 = arith.minimumf %min3A_1223, %get3A_1228 : vector<128x512xf32>
    %get3A_1230 = arith.constant 8 : index
    %get3A_1231 = arith.constant 0 : index
    %get3A_1232 = arith.constant 0 : index
    %get3A_1233 = vector.load %arg5[%get3A_1230, %get3A_1231, %get3A_1232] : memref<16x128x512xf32, #tpu.memory_space<vmem>>, vector<1x128x512xf32>
    %get3A_1234 = vector.shape_cast %get3A_1233 : vector<1x128x512xf32> to vector<128x512xf32>
    %min3A_1235 = arith.minimumf %min3A_1229, %get3A_1234 : vector<128x512xf32>
    %get3A_1236 = arith.constant 9 : index
    %get3A_1237 = arith.constant 0 : index
    %get3A_1238 = arith.constant 0 : index
    %get3A_1239 = vector.load %arg5[%get3A_1236, %get3A_1237, %get3A_1238] : memref<16x128x512xf32, #tpu.memory_space<vmem>>, vector<1x128x512xf32>
    %get3A_1240 = vector.shape_cast %get3A_1239 : vector<1x128x512xf32> to vector<128x512xf32>
    %min3A_1241 = arith.minimumf %min3A_1235, %get3A_1240 : vector<128x512xf32>
    %get3A_1242 = arith.constant 10 : index
    %get3A_1243 = arith.constant 0 : index
    %get3A_1244 = arith.constant 0 : index
    %get3A_1245 = vector.load %arg5[%get3A_1242, %get3A_1243, %get3A_1244] : memref<16x128x512xf32, #tpu.memory_space<vmem>>, vector<1x128x512xf32>
    %get3A_1246 = vector.shape_cast %get3A_1245 : vector<1x128x512xf32> to vector<128x512xf32>
    %min3A_1247 = arith.minimumf %min3A_1241, %get3A_1246 : vector<128x512xf32>
    %get3A_1248 = arith.constant 11 : index
    %get3A_1249 = arith.constant 0 : index
    %get3A_1250 = arith.constant 0 : index
    %get3A_1251 = vector.load %arg5[%get3A_1248, %get3A_1249, %get3A_1250] : memref<16x128x512xf32, #tpu.memory_space<vmem>>, vector<1x128x512xf32>
    %get3A_1252 = vector.shape_cast %get3A_1251 : vector<1x128x512xf32> to vector<128x512xf32>
    %min3A_1253 = arith.minimumf %min3A_1247, %get3A_1252 : vector<128x512xf32>
    %get3A_1254 = arith.constant 12 : index
    %get3A_1255 = arith.constant 0 : index
    %get3A_1256 = arith.constant 0 : index
    %get3A_1257 = vector.load %arg5[%get3A_1254, %get3A_1255, %get3A_1256] : memref<16x128x512xf32, #tpu.memory_space<vmem>>, vector<1x128x512xf32>
    %get3A_1258 = vector.shape_cast %get3A_1257 : vector<1x128x512xf32> to vector<128x512xf32>
    %min3A_1259 = arith.minimumf %min3A_1253, %get3A_1258 : vector<128x512xf32>
    %get3A_1260 = arith.constant 13 : index
    %get3A_1261 = arith.constant 0 : index
    %get3A_1262 = arith.constant 0 : index
    %get3A_1263 = vector.load %arg5[%get3A_1260, %get3A_1261, %get3A_1262] : memref<16x128x512xf32, #tpu.memory_space<vmem>>, vector<1x128x512xf32>
    %get3A_1264 = vector.shape_cast %get3A_1263 : vector<1x128x512xf32> to vector<128x512xf32>
    %min3A_1265 = arith.minimumf %min3A_1259, %get3A_1264 : vector<128x512xf32>
    %get3A_1266 = arith.constant 14 : index
    %get3A_1267 = arith.constant 0 : index
    %get3A_1268 = arith.constant 0 : index
    %get3A_1269 = vector.load %arg5[%get3A_1266, %get3A_1267, %get3A_1268] : memref<16x128x512xf32, #tpu.memory_space<vmem>>, vector<1x128x512xf32>
    %get3A_1270 = vector.shape_cast %get3A_1269 : vector<1x128x512xf32> to vector<128x512xf32>
    %min3A_1271 = arith.minimumf %min3A_1265, %get3A_1270 : vector<128x512xf32>
    %get3A_1272 = arith.constant 15 : index
    %get3A_1273 = arith.constant 0 : index
    %get3A_1274 = arith.constant 0 : index
    %get3A_1275 = vector.load %arg5[%get3A_1272, %get3A_1273, %get3A_1274] : memref<16x128x512xf32, #tpu.memory_space<vmem>>, vector<1x128x512xf32>
    %get3A_1276 = vector.shape_cast %get3A_1275 : vector<1x128x512xf32> to vector<128x512xf32>
    %min3A_1277 = arith.minimumf %min3A_1271, %get3A_1276 : vector<128x512xf32>
    %broadcast_in_dim3A_1278 = arith.constant 16 : i32
    %broadcast_in_dim3A_1279 = vector.broadcast %broadcast_in_dim3A_1278 : i32 to vector<128x512xi32>
    %get3A_1280 = arith.constant 15 : index
    %get3A_1281 = arith.constant 0 : index
    %get3A_1282 = arith.constant 0 : index
    %get3A_1283 = vector.load %arg5[%get3A_1280, %get3A_1281, %get3A_1282] : memref<16x128x512xf32, #tpu.memory_space<vmem>>, vector<1x128x512xf32>
    %get3A_1284 = vector.shape_cast %get3A_1283 : vector<1x128x512xf32> to vector<128x512xf32>
    %eq3A_1285 = arith.cmpf oeq, %get3A_1284, %min3A_1277 : vector<128x512xf32>
    %jit3A_1286 = arith.constant 15 : i32
    %broadcast_in_dim3A_1287 = vector.broadcast %jit3A_1286 : i32 to vector<128x512xi32>
    %select_n3A_1288 = arith.select %eq3A_1285, %broadcast_in_dim3A_1287, %broadcast_in_dim3A_1279 : vector<128x512xi1>, vector<128x512xi32>
    %get3A_1289 = arith.constant 14 : index
    %get3A_1290 = arith.constant 0 : index
    %get3A_1291 = arith.constant 0 : index
    %get3A_1292 = vector.load %arg5[%get3A_1289, %get3A_1290, %get3A_1291] : memref<16x128x512xf32, #tpu.memory_space<vmem>>, vector<1x128x512xf32>
    %get3A_1293 = vector.shape_cast %get3A_1292 : vector<1x128x512xf32> to vector<128x512xf32>
    %eq3A_1294 = arith.cmpf oeq, %get3A_1293, %min3A_1277 : vector<128x512xf32>
    %jit3A_1295 = arith.constant 14 : i32
    %broadcast_in_dim3A_1296 = vector.broadcast %jit3A_1295 : i32 to vector<128x512xi32>
    %select_n3A_1297 = arith.select %eq3A_1294, %broadcast_in_dim3A_1296, %select_n3A_1288 : vector<128x512xi1>, vector<128x512xi32>
    %get3A_1298 = arith.constant 13 : index
    %get3A_1299 = arith.constant 0 : index
    %get3A_1300 = arith.constant 0 : index
    %get3A_1301 = vector.load %arg5[%get3A_1298, %get3A_1299, %get3A_1300] : memref<16x128x512xf32, #tpu.memory_space<vmem>>, vector<1x128x512xf32>
    %get3A_1302 = vector.shape_cast %get3A_1301 : vector<1x128x512xf32> to vector<128x512xf32>
    %eq3A_1303 = arith.cmpf oeq, %get3A_1302, %min3A_1277 : vector<128x512xf32>
    %jit3A_1304 = arith.constant 13 : i32
    %broadcast_in_dim3A_1305 = vector.broadcast %jit3A_1304 : i32 to vector<128x512xi32>
    %select_n3A_1306 = arith.select %eq3A_1303, %broadcast_in_dim3A_1305, %select_n3A_1297 : vector<128x512xi1>, vector<128x512xi32>
    %get3A_1307 = arith.constant 12 : index
    %get3A_1308 = arith.constant 0 : index
    %get3A_1309 = arith.constant 0 : index
    %get3A_1310 = vector.load %arg5[%get3A_1307, %get3A_1308, %get3A_1309] : memref<16x128x512xf32, #tpu.memory_space<vmem>>, vector<1x128x512xf32>
    %get3A_1311 = vector.shape_cast %get3A_1310 : vector<1x128x512xf32> to vector<128x512xf32>
    %eq3A_1312 = arith.cmpf oeq, %get3A_1311, %min3A_1277 : vector<128x512xf32>
    %jit3A_1313 = arith.constant 12 : i32
    %broadcast_in_dim3A_1314 = vector.broadcast %jit3A_1313 : i32 to vector<128x512xi32>
    %select_n3A_1315 = arith.select %eq3A_1312, %broadcast_in_dim3A_1314, %select_n3A_1306 : vector<128x512xi1>, vector<128x512xi32>
    %get3A_1316 = arith.constant 11 : index
    %get3A_1317 = arith.constant 0 : index
    %get3A_1318 = arith.constant 0 : index
    %get3A_1319 = vector.load %arg5[%get3A_1316, %get3A_1317, %get3A_1318] : memref<16x128x512xf32, #tpu.memory_space<vmem>>, vector<1x128x512xf32>
    %get3A_1320 = vector.shape_cast %get3A_1319 : vector<1x128x512xf32> to vector<128x512xf32>
    %eq3A_1321 = arith.cmpf oeq, %get3A_1320, %min3A_1277 : vector<128x512xf32>
    %jit3A_1322 = arith.constant 11 : i32
    %broadcast_in_dim3A_1323 = vector.broadcast %jit3A_1322 : i32 to vector<128x512xi32>
    %select_n3A_1324 = arith.select %eq3A_1321, %broadcast_in_dim3A_1323, %select_n3A_1315 : vector<128x512xi1>, vector<128x512xi32>
    %get3A_1325 = arith.constant 10 : index
    %get3A_1326 = arith.constant 0 : index
    %get3A_1327 = arith.constant 0 : index
    %get3A_1328 = vector.load %arg5[%get3A_1325, %get3A_1326, %get3A_1327] : memref<16x128x512xf32, #tpu.memory_space<vmem>>, vector<1x128x512xf32>
    %get3A_1329 = vector.shape_cast %get3A_1328 : vector<1x128x512xf32> to vector<128x512xf32>
    %eq3A_1330 = arith.cmpf oeq, %get3A_1329, %min3A_1277 : vector<128x512xf32>
    %jit3A_1331 = arith.constant 10 : i32
    %broadcast_in_dim3A_1332 = vector.broadcast %jit3A_1331 : i32 to vector<128x512xi32>
    %select_n3A_1333 = arith.select %eq3A_1330, %broadcast_in_dim3A_1332, %select_n3A_1324 : vector<128x512xi1>, vector<128x512xi32>
    %get3A_1334 = arith.constant 9 : index
    %get3A_1335 = arith.constant 0 : index
    %get3A_1336 = arith.constant 0 : index
    %get3A_1337 = vector.load %arg5[%get3A_1334, %get3A_1335, %get3A_1336] : memref<16x128x512xf32, #tpu.memory_space<vmem>>, vector<1x128x512xf32>
    %get3A_1338 = vector.shape_cast %get3A_1337 : vector<1x128x512xf32> to vector<128x512xf32>
    %eq3A_1339 = arith.cmpf oeq, %get3A_1338, %min3A_1277 : vector<128x512xf32>
    %jit3A_1340 = arith.constant 9 : i32
    %broadcast_in_dim3A_1341 = vector.broadcast %jit3A_1340 : i32 to vector<128x512xi32>
    %select_n3A_1342 = arith.select %eq3A_1339, %broadcast_in_dim3A_1341, %select_n3A_1333 : vector<128x512xi1>, vector<128x512xi32>
    %get3A_1343 = arith.constant 8 : index
    %get3A_1344 = arith.constant 0 : index
    %get3A_1345 = arith.constant 0 : index
    %get3A_1346 = vector.load %arg5[%get3A_1343, %get3A_1344, %get3A_1345] : memref<16x128x512xf32, #tpu.memory_space<vmem>>, vector<1x128x512xf32>
    %get3A_1347 = vector.shape_cast %get3A_1346 : vector<1x128x512xf32> to vector<128x512xf32>
    %eq3A_1348 = arith.cmpf oeq, %get3A_1347, %min3A_1277 : vector<128x512xf32>
    %jit3A_1349 = arith.constant 8 : i32
    %broadcast_in_dim3A_1350 = vector.broadcast %jit3A_1349 : i32 to vector<128x512xi32>
    %select_n3A_1351 = arith.select %eq3A_1348, %broadcast_in_dim3A_1350, %select_n3A_1342 : vector<128x512xi1>, vector<128x512xi32>
    %get3A_1352 = arith.constant 7 : index
    %get3A_1353 = arith.constant 0 : index
    %get3A_1354 = arith.constant 0 : index
    %get3A_1355 = vector.load %arg5[%get3A_1352, %get3A_1353, %get3A_1354] : memref<16x128x512xf32, #tpu.memory_space<vmem>>, vector<1x128x512xf32>
    %get3A_1356 = vector.shape_cast %get3A_1355 : vector<1x128x512xf32> to vector<128x512xf32>
    %eq3A_1357 = arith.cmpf oeq, %get3A_1356, %min3A_1277 : vector<128x512xf32>
    %jit3A_1358 = arith.constant 7 : i32
    %broadcast_in_dim3A_1359 = vector.broadcast %jit3A_1358 : i32 to vector<128x512xi32>
    %select_n3A_1360 = arith.select %eq3A_1357, %broadcast_in_dim3A_1359, %select_n3A_1351 : vector<128x512xi1>, vector<128x512xi32>
    %get3A_1361 = arith.constant 6 : index
    %get3A_1362 = arith.constant 0 : index
    %get3A_1363 = arith.constant 0 : index
    %get3A_1364 = vector.load %arg5[%get3A_1361, %get3A_1362, %get3A_1363] : memref<16x128x512xf32, #tpu.memory_space<vmem>>, vector<1x128x512xf32>
    %get3A_1365 = vector.shape_cast %get3A_1364 : vector<1x128x512xf32> to vector<128x512xf32>
    %eq3A_1366 = arith.cmpf oeq, %get3A_1365, %min3A_1277 : vector<128x512xf32>
    %jit3A_1367 = arith.constant 6 : i32
    %broadcast_in_dim3A_1368 = vector.broadcast %jit3A_1367 : i32 to vector<128x512xi32>
    %select_n3A_1369 = arith.select %eq3A_1366, %broadcast_in_dim3A_1368, %select_n3A_1360 : vector<128x512xi1>, vector<128x512xi32>
    %get3A_1370 = arith.constant 5 : index
    %get3A_1371 = arith.constant 0 : index
    %get3A_1372 = arith.constant 0 : index
    %get3A_1373 = vector.load %arg5[%get3A_1370, %get3A_1371, %get3A_1372] : memref<16x128x512xf32, #tpu.memory_space<vmem>>, vector<1x128x512xf32>
    %get3A_1374 = vector.shape_cast %get3A_1373 : vector<1x128x512xf32> to vector<128x512xf32>
    %eq3A_1375 = arith.cmpf oeq, %get3A_1374, %min3A_1277 : vector<128x512xf32>
    %jit3A_1376 = arith.constant 5 : i32
    %broadcast_in_dim3A_1377 = vector.broadcast %jit3A_1376 : i32 to vector<128x512xi32>
    %select_n3A_1378 = arith.select %eq3A_1375, %broadcast_in_dim3A_1377, %select_n3A_1369 : vector<128x512xi1>, vector<128x512xi32>
    %get3A_1379 = arith.constant 4 : index
    %get3A_1380 = arith.constant 0 : index
    %get3A_1381 = arith.constant 0 : index
    %get3A_1382 = vector.load %arg5[%get3A_1379, %get3A_1380, %get3A_1381] : memref<16x128x512xf32, #tpu.memory_space<vmem>>, vector<1x128x512xf32>
    %get3A_1383 = vector.shape_cast %get3A_1382 : vector<1x128x512xf32> to vector<128x512xf32>
    %eq3A_1384 = arith.cmpf oeq, %get3A_1383, %min3A_1277 : vector<128x512xf32>
    %jit3A_1385 = arith.constant 4 : i32
    %broadcast_in_dim3A_1386 = vector.broadcast %jit3A_1385 : i32 to vector<128x512xi32>
    %select_n3A_1387 = arith.select %eq3A_1384, %broadcast_in_dim3A_1386, %select_n3A_1378 : vector<128x512xi1>, vector<128x512xi32>
    %get3A_1388 = arith.constant 3 : index
    %get3A_1389 = arith.constant 0 : index
    %get3A_1390 = arith.constant 0 : index
    %get3A_1391 = vector.load %arg5[%get3A_1388, %get3A_1389, %get3A_1390] : memref<16x128x512xf32, #tpu.memory_space<vmem>>, vector<1x128x512xf32>
    %get3A_1392 = vector.shape_cast %get3A_1391 : vector<1x128x512xf32> to vector<128x512xf32>
    %eq3A_1393 = arith.cmpf oeq, %get3A_1392, %min3A_1277 : vector<128x512xf32>
    %jit3A_1394 = arith.constant 3 : i32
    %broadcast_in_dim3A_1395 = vector.broadcast %jit3A_1394 : i32 to vector<128x512xi32>
    %select_n3A_1396 = arith.select %eq3A_1393, %broadcast_in_dim3A_1395, %select_n3A_1387 : vector<128x512xi1>, vector<128x512xi32>
    %get3A_1397 = arith.constant 2 : index
    %get3A_1398 = arith.constant 0 : index
    %get3A_1399 = arith.constant 0 : index
    %get3A_1400 = vector.load %arg5[%get3A_1397, %get3A_1398, %get3A_1399] : memref<16x128x512xf32, #tpu.memory_space<vmem>>, vector<1x128x512xf32>
    %get3A_1401 = vector.shape_cast %get3A_1400 : vector<1x128x512xf32> to vector<128x512xf32>
    %eq3A_1402 = arith.cmpf oeq, %get3A_1401, %min3A_1277 : vector<128x512xf32>
    %jit3A_1403 = arith.constant 2 : i32
    %broadcast_in_dim3A_1404 = vector.broadcast %jit3A_1403 : i32 to vector<128x512xi32>
    %select_n3A_1405 = arith.select %eq3A_1402, %broadcast_in_dim3A_1404, %select_n3A_1396 : vector<128x512xi1>, vector<128x512xi32>
    %get3A_1406 = arith.constant 1 : index
    %get3A_1407 = arith.constant 0 : index
    %get3A_1408 = arith.constant 0 : index
    %get3A_1409 = vector.load %arg5[%get3A_1406, %get3A_1407, %get3A_1408] : memref<16x128x512xf32, #tpu.memory_space<vmem>>, vector<1x128x512xf32>
    %get3A_1410 = vector.shape_cast %get3A_1409 : vector<1x128x512xf32> to vector<128x512xf32>
    %eq3A_1411 = arith.cmpf oeq, %get3A_1410, %min3A_1277 : vector<128x512xf32>
    %jit3A_1412 = arith.constant 1 : i32
    %broadcast_in_dim3A_1413 = vector.broadcast %jit3A_1412 : i32 to vector<128x512xi32>
    %select_n3A_1414 = arith.select %eq3A_1411, %broadcast_in_dim3A_1413, %select_n3A_1405 : vector<128x512xi1>, vector<128x512xi32>
    %get3A_1415 = arith.constant 0 : index
    %get3A_1416 = arith.constant 0 : index
    %get3A_1417 = arith.constant 0 : index
    %get3A_1418 = vector.load %arg5[%get3A_1415, %get3A_1416, %get3A_1417] : memref<16x128x512xf32, #tpu.memory_space<vmem>>, vector<1x128x512xf32>
    %get3A_1419 = vector.shape_cast %get3A_1418 : vector<1x128x512xf32> to vector<128x512xf32>
    %eq3A_1420 = arith.cmpf oeq, %get3A_1419, %min3A_1277 : vector<128x512xf32>
    %jit3A_1421 = arith.constant 0 : i32
    %broadcast_in_dim3A_1422 = vector.broadcast %jit3A_1421 : i32 to vector<128x512xi32>
    %select_n3A_1423 = arith.select %eq3A_1420, %broadcast_in_dim3A_1422, %select_n3A_1414 : vector<128x512xi1>, vector<128x512xi32>
    %eq3A_1424 = arith.constant 0 : i32
    %eq3A_1425 = vector.broadcast %eq3A_1424 : i32 to vector<128x512xi32>
    %eq3A_1426 = arith.cmpi eq, %select_n3A_1423, %eq3A_1425 : vector<128x512xi32>
    %get3A_1427 = arith.constant 0 : index
    %get3A_1428 = arith.constant 0 : index
    %get3A_1429 = arith.constant 0 : index
    %get3A_1430 = vector.load %arg5[%get3A_1427, %get3A_1428, %get3A_1429] : memref<16x128x512xf32, #tpu.memory_space<vmem>>, vector<1x128x512xf32>
    %get3A_1431 = vector.shape_cast %get3A_1430 : vector<1x128x512xf32> to vector<128x512xf32>
    %jit3A_1432 = arith.constant 0x7F800000 : f32
    %broadcast_in_dim3A_1433 = vector.broadcast %jit3A_1432 : f32 to vector<128x512xf32>
    %select_n3A_1434 = arith.select %eq3A_1426, %broadcast_in_dim3A_1433, %get3A_1431 : vector<128x512xi1>, vector<128x512xf32>
    %swap3A_1435 = arith.constant 0 : index
    %swap3A_1436 = arith.constant 0 : index
    %swap3A_1437 = arith.constant 0 : index
    %swap3A_1438 = vector.load %arg5[%swap3A_1435, %swap3A_1436, %swap3A_1437] : memref<16x128x512xf32, #tpu.memory_space<vmem>>, vector<1x128x512xf32>
    %swap3A_1439 = vector.shape_cast %swap3A_1438 : vector<1x128x512xf32> to vector<128x512xf32>
    %swap3A_1440 = vector.shape_cast %select_n3A_1434 : vector<128x512xf32> to vector<1x128x512xf32>
    tpu.vector_store %arg5[%swap3A_1435, %swap3A_1436, %swap3A_1437], %swap3A_1440 {strides = array<i32>} : memref<16x128x512xf32, #tpu.memory_space<vmem>>, vector<1x128x512xf32>,
    %eq3A_1441 = arith.constant 1 : i32
    %eq3A_1442 = vector.broadcast %eq3A_1441 : i32 to vector<128x512xi32>
    %eq3A_1443 = arith.cmpi eq, %select_n3A_1423, %eq3A_1442 : vector<128x512xi32>
    %get3A_1444 = arith.constant 1 : index
    %get3A_1445 = arith.constant 0 : index
    %get3A_1446 = arith.constant 0 : index
    %get3A_1447 = vector.load %arg5[%get3A_1444, %get3A_1445, %get3A_1446] : memref<16x128x512xf32, #tpu.memory_space<vmem>>, vector<1x128x512xf32>
    %get3A_1448 = vector.shape_cast %get3A_1447 : vector<1x128x512xf32> to vector<128x512xf32>
    %jit3A_1449 = arith.constant 0x7F800000 : f32
    %broadcast_in_dim3A_1450 = vector.broadcast %jit3A_1449 : f32 to vector<128x512xf32>
    %select_n3A_1451 = arith.select %eq3A_1443, %broadcast_in_dim3A_1450, %get3A_1448 : vector<128x512xi1>, vector<128x512xf32>
    %swap3A_1452 = arith.constant 1 : index
    %swap3A_1453 = arith.constant 0 : index
    %swap3A_1454 = arith.constant 0 : index
    %swap3A_1455 = vector.load %arg5[%swap3A_1452, %swap3A_1453, %swap3A_1454] : memref<16x128x512xf32, #tpu.memory_space<vmem>>, vector<1x128x512xf32>
    %swap3A_1456 = vector.shape_cast %swap3A_1455 : vector<1x128x512xf32> to vector<128x512xf32>
    %swap3A_1457 = vector.shape_cast %select_n3A_1451 : vector<128x512xf32> to vector<1x128x512xf32>
    tpu.vector_store %arg5[%swap3A_1452, %swap3A_1453, %swap3A_1454], %swap3A_1457 {strides = array<i32>} : memref<16x128x512xf32, #tpu.memory_space<vmem>>, vector<1x128x512xf32>,
    %eq3A_1458 = arith.constant 2 : i32
    %eq3A_1459 = vector.broadcast %eq3A_1458 : i32 to vector<128x512xi32>
    %eq3A_1460 = arith.cmpi eq, %select_n3A_1423, %eq3A_1459 : vector<128x512xi32>
    %get3A_1461 = arith.constant 2 : index
    %get3A_1462 = arith.constant 0 : index
    %get3A_1463 = arith.constant 0 : index
    %get3A_1464 = vector.load %arg5[%get3A_1461, %get3A_1462, %get3A_1463] : memref<16x128x512xf32, #tpu.memory_space<vmem>>, vector<1x128x512xf32>
    %get3A_1465 = vector.shape_cast %get3A_1464 : vector<1x128x512xf32> to vector<128x512xf32>
    %jit3A_1466 = arith.constant 0x7F800000 : f32
    %broadcast_in_dim3A_1467 = vector.broadcast %jit3A_1466 : f32 to vector<128x512xf32>
    %select_n3A_1468 = arith.select %eq3A_1460, %broadcast_in_dim3A_1467, %get3A_1465 : vector<128x512xi1>, vector<128x512xf32>
    %swap3A_1469 = arith.constant 2 : index
    %swap3A_1470 = arith.constant 0 : index
    %swap3A_1471 = arith.constant 0 : index
    %swap3A_1472 = vector.load %arg5[%swap3A_1469, %swap3A_1470, %swap3A_1471] : memref<16x128x512xf32, #tpu.memory_space<vmem>>, vector<1x128x512xf32>
    %swap3A_1473 = vector.shape_cast %swap3A_1472 : vector<1x128x512xf32> to vector<128x512xf32>
    %swap3A_1474 = vector.shape_cast %select_n3A_1468 : vector<128x512xf32> to vector<1x128x512xf32>
    tpu.vector_store %arg5[%swap3A_1469, %swap3A_1470, %swap3A_1471], %swap3A_1474 {strides = array<i32>} : memref<16x128x512xf32, #tpu.memory_space<vmem>>, vector<1x128x512xf32>,
    %eq3A_1475 = arith.constant 3 : i32
    %eq3A_1476 = vector.broadcast %eq3A_1475 : i32 to vector<128x512xi32>
    %eq3A_1477 = arith.cmpi eq, %select_n3A_1423, %eq3A_1476 : vector<128x512xi32>
    %get3A_1478 = arith.constant 3 : index
    %get3A_1479 = arith.constant 0 : index
    %get3A_1480 = arith.constant 0 : index
    %get3A_1481 = vector.load %arg5[%get3A_1478, %get3A_1479, %get3A_1480] : memref<16x128x512xf32, #tpu.memory_space<vmem>>, vector<1x128x512xf32>
    %get3A_1482 = vector.shape_cast %get3A_1481 : vector<1x128x512xf32> to vector<128x512xf32>
    %jit3A_1483 = arith.constant 0x7F800000 : f32
    %broadcast_in_dim3A_1484 = vector.broadcast %jit3A_1483 : f32 to vector<128x512xf32>
    %select_n3A_1485 = arith.select %eq3A_1477, %broadcast_in_dim3A_1484, %get3A_1482 : vector<128x512xi1>, vector<128x512xf32>
    %swap3A_1486 = arith.constant 3 : index
    %swap3A_1487 = arith.constant 0 : index
    %swap3A_1488 = arith.constant 0 : index
    %swap3A_1489 = vector.load %arg5[%swap3A_1486, %swap3A_1487, %swap3A_1488] : memref<16x128x512xf32, #tpu.memory_space<vmem>>, vector<1x128x512xf32>
    %swap3A_1490 = vector.shape_cast %swap3A_1489 : vector<1x128x512xf32> to vector<128x512xf32>
    %swap3A_1491 = vector.shape_cast %select_n3A_1485 : vector<128x512xf32> to vector<1x128x512xf32>
    tpu.vector_store %arg5[%swap3A_1486, %swap3A_1487, %swap3A_1488], %swap3A_1491 {strides = array<i32>} : memref<16x128x512xf32, #tpu.memory_space<vmem>>, vector<1x128x512xf32>,
    %eq3A_1492 = arith.constant 4 : i32
    %eq3A_1493 = vector.broadcast %eq3A_1492 : i32 to vector<128x512xi32>
    %eq3A_1494 = arith.cmpi eq, %select_n3A_1423, %eq3A_1493 : vector<128x512xi32>
    %get3A_1495 = arith.constant 4 : index
    %get3A_1496 = arith.constant 0 : index
    %get3A_1497 = arith.constant 0 : index
    %get3A_1498 = vector.load %arg5[%get3A_1495, %get3A_1496, %get3A_1497] : memref<16x128x512xf32, #tpu.memory_space<vmem>>, vector<1x128x512xf32>
    %get3A_1499 = vector.shape_cast %get3A_1498 : vector<1x128x512xf32> to vector<128x512xf32>
    %jit3A_1500 = arith.constant 0x7F800000 : f32
    %broadcast_in_dim3A_1501 = vector.broadcast %jit3A_1500 : f32 to vector<128x512xf32>
    %select_n3A_1502 = arith.select %eq3A_1494, %broadcast_in_dim3A_1501, %get3A_1499 : vector<128x512xi1>, vector<128x512xf32>
    %swap3A_1503 = arith.constant 4 : index
    %swap3A_1504 = arith.constant 0 : index
    %swap3A_1505 = arith.constant 0 : index
    %swap3A_1506 = vector.load %arg5[%swap3A_1503, %swap3A_1504, %swap3A_1505] : memref<16x128x512xf32, #tpu.memory_space<vmem>>, vector<1x128x512xf32>
    %swap3A_1507 = vector.shape_cast %swap3A_1506 : vector<1x128x512xf32> to vector<128x512xf32>
    %swap3A_1508 = vector.shape_cast %select_n3A_1502 : vector<128x512xf32> to vector<1x128x512xf32>
    tpu.vector_store %arg5[%swap3A_1503, %swap3A_1504, %swap3A_1505], %swap3A_1508 {strides = array<i32>} : memref<16x128x512xf32, #tpu.memory_space<vmem>>, vector<1x128x512xf32>,
    %eq3A_1509 = arith.constant 5 : i32
    %eq3A_1510 = vector.broadcast %eq3A_1509 : i32 to vector<128x512xi32>
    %eq3A_1511 = arith.cmpi eq, %select_n3A_1423, %eq3A_1510 : vector<128x512xi32>
    %get3A_1512 = arith.constant 5 : index
    %get3A_1513 = arith.constant 0 : index
    %get3A_1514 = arith.constant 0 : index
    %get3A_1515 = vector.load %arg5[%get3A_1512, %get3A_1513, %get3A_1514] : memref<16x128x512xf32, #tpu.memory_space<vmem>>, vector<1x128x512xf32>
    %get3A_1516 = vector.shape_cast %get3A_1515 : vector<1x128x512xf32> to vector<128x512xf32>
    %jit3A_1517 = arith.constant 0x7F800000 : f32
    %broadcast_in_dim3A_1518 = vector.broadcast %jit3A_1517 : f32 to vector<128x512xf32>
    %select_n3A_1519 = arith.select %eq3A_1511, %broadcast_in_dim3A_1518, %get3A_1516 : vector<128x512xi1>, vector<128x512xf32>
    %swap3A_1520 = arith.constant 5 : index
    %swap3A_1521 = arith.constant 0 : index
    %swap3A_1522 = arith.constant 0 : index
    %swap3A_1523 = vector.load %arg5[%swap3A_1520, %swap3A_1521, %swap3A_1522] : memref<16x128x512xf32, #tpu.memory_space<vmem>>, vector<1x128x512xf32>
    %swap3A_1524 = vector.shape_cast %swap3A_1523 : vector<1x128x512xf32> to vector<128x512xf32>
    %swap3A_1525 = vector.shape_cast %select_n3A_1519 : vector<128x512xf32> to vector<1x128x512xf32>
    tpu.vector_store %arg5[%swap3A_1520, %swap3A_1521, %swap3A_1522], %swap3A_1525 {strides = array<i32>} : memref<16x128x512xf32, #tpu.memory_space<vmem>>, vector<1x128x512xf32>,
    %eq3A_1526 = arith.constant 6 : i32
    %eq3A_1527 = vector.broadcast %eq3A_1526 : i32 to vector<128x512xi32>
    %eq3A_1528 = arith.cmpi eq, %select_n3A_1423, %eq3A_1527 : vector<128x512xi32>
    %get3A_1529 = arith.constant 6 : index
    %get3A_1530 = arith.constant 0 : index
    %get3A_1531 = arith.constant 0 : index
    %get3A_1532 = vector.load %arg5[%get3A_1529, %get3A_1530, %get3A_1531] : memref<16x128x512xf32, #tpu.memory_space<vmem>>, vector<1x128x512xf32>
    %get3A_1533 = vector.shape_cast %get3A_1532 : vector<1x128x512xf32> to vector<128x512xf32>
    %jit3A_1534 = arith.constant 0x7F800000 : f32
    %broadcast_in_dim3A_1535 = vector.broadcast %jit3A_1534 : f32 to vector<128x512xf32>
    %select_n3A_1536 = arith.select %eq3A_1528, %broadcast_in_dim3A_1535, %get3A_1533 : vector<128x512xi1>, vector<128x512xf32>
    %swap3A_1537 = arith.constant 6 : index
    %swap3A_1538 = arith.constant 0 : index
    %swap3A_1539 = arith.constant 0 : index
    %swap3A_1540 = vector.load %arg5[%swap3A_1537, %swap3A_1538, %swap3A_1539] : memref<16x128x512xf32, #tpu.memory_space<vmem>>, vector<1x128x512xf32>
    %swap3A_1541 = vector.shape_cast %swap3A_1540 : vector<1x128x512xf32> to vector<128x512xf32>
    %swap3A_1542 = vector.shape_cast %select_n3A_1536 : vector<128x512xf32> to vector<1x128x512xf32>
    tpu.vector_store %arg5[%swap3A_1537, %swap3A_1538, %swap3A_1539], %swap3A_1542 {strides = array<i32>} : memref<16x128x512xf32, #tpu.memory_space<vmem>>, vector<1x128x512xf32>,
    %eq3A_1543 = arith.constant 7 : i32
    %eq3A_1544 = vector.broadcast %eq3A_1543 : i32 to vector<128x512xi32>
    %eq3A_1545 = arith.cmpi eq, %select_n3A_1423, %eq3A_1544 : vector<128x512xi32>
    %get3A_1546 = arith.constant 7 : index
    %get3A_1547 = arith.constant 0 : index
    %get3A_1548 = arith.constant 0 : index
    %get3A_1549 = vector.load %arg5[%get3A_1546, %get3A_1547, %get3A_1548] : memref<16x128x512xf32, #tpu.memory_space<vmem>>, vector<1x128x512xf32>
    %get3A_1550 = vector.shape_cast %get3A_1549 : vector<1x128x512xf32> to vector<128x512xf32>
    %jit3A_1551 = arith.constant 0x7F800000 : f32
    %broadcast_in_dim3A_1552 = vector.broadcast %jit3A_1551 : f32 to vector<128x512xf32>
    %select_n3A_1553 = arith.select %eq3A_1545, %broadcast_in_dim3A_1552, %get3A_1550 : vector<128x512xi1>, vector<128x512xf32>
    %swap3A_1554 = arith.constant 7 : index
    %swap3A_1555 = arith.constant 0 : index
    %swap3A_1556 = arith.constant 0 : index
    %swap3A_1557 = vector.load %arg5[%swap3A_1554, %swap3A_1555, %swap3A_1556] : memref<16x128x512xf32, #tpu.memory_space<vmem>>, vector<1x128x512xf32>
    %swap3A_1558 = vector.shape_cast %swap3A_1557 : vector<1x128x512xf32> to vector<128x512xf32>
    %swap3A_1559 = vector.shape_cast %select_n3A_1553 : vector<128x512xf32> to vector<1x128x512xf32>
    tpu.vector_store %arg5[%swap3A_1554, %swap3A_1555, %swap3A_1556], %swap3A_1559 {strides = array<i32>} : memref<16x128x512xf32, #tpu.memory_space<vmem>>, vector<1x128x512xf32>,
    %eq3A_1560 = arith.constant 8 : i32
    %eq3A_1561 = vector.broadcast %eq3A_1560 : i32 to vector<128x512xi32>
    %eq3A_1562 = arith.cmpi eq, %select_n3A_1423, %eq3A_1561 : vector<128x512xi32>
    %get3A_1563 = arith.constant 8 : index
    %get3A_1564 = arith.constant 0 : index
    %get3A_1565 = arith.constant 0 : index
    %get3A_1566 = vector.load %arg5[%get3A_1563, %get3A_1564, %get3A_1565] : memref<16x128x512xf32, #tpu.memory_space<vmem>>, vector<1x128x512xf32>
    %get3A_1567 = vector.shape_cast %get3A_1566 : vector<1x128x512xf32> to vector<128x512xf32>
    %jit3A_1568 = arith.constant 0x7F800000 : f32
    %broadcast_in_dim3A_1569 = vector.broadcast %jit3A_1568 : f32 to vector<128x512xf32>
    %select_n3A_1570 = arith.select %eq3A_1562, %broadcast_in_dim3A_1569, %get3A_1567 : vector<128x512xi1>, vector<128x512xf32>
    %swap3A_1571 = arith.constant 8 : index
    %swap3A_1572 = arith.constant 0 : index
    %swap3A_1573 = arith.constant 0 : index
    %swap3A_1574 = vector.load %arg5[%swap3A_1571, %swap3A_1572, %swap3A_1573] : memref<16x128x512xf32, #tpu.memory_space<vmem>>, vector<1x128x512xf32>
    %swap3A_1575 = vector.shape_cast %swap3A_1574 : vector<1x128x512xf32> to vector<128x512xf32>
    %swap3A_1576 = vector.shape_cast %select_n3A_1570 : vector<128x512xf32> to vector<1x128x512xf32>
    tpu.vector_store %arg5[%swap3A_1571, %swap3A_1572, %swap3A_1573], %swap3A_1576 {strides = array<i32>} : memref<16x128x512xf32, #tpu.memory_space<vmem>>, vector<1x128x512xf32>,
    %eq3A_1577 = arith.constant 9 : i32
    %eq3A_1578 = vector.broadcast %eq3A_1577 : i32 to vector<128x512xi32>
    %eq3A_1579 = arith.cmpi eq, %select_n3A_1423, %eq3A_1578 : vector<128x512xi32>
    %get3A_1580 = arith.constant 9 : index
    %get3A_1581 = arith.constant 0 : index
    %get3A_1582 = arith.constant 0 : index
    %get3A_1583 = vector.load %arg5[%get3A_1580, %get3A_1581, %get3A_1582] : memref<16x128x512xf32, #tpu.memory_space<vmem>>, vector<1x128x512xf32>
    %get3A_1584 = vector.shape_cast %get3A_1583 : vector<1x128x512xf32> to vector<128x512xf32>
    %jit3A_1585 = arith.constant 0x7F800000 : f32
    %broadcast_in_dim3A_1586 = vector.broadcast %jit3A_1585 : f32 to vector<128x512xf32>
    %select_n3A_1587 = arith.select %eq3A_1579, %broadcast_in_dim3A_1586, %get3A_1584 : vector<128x512xi1>, vector<128x512xf32>
    %swap3A_1588 = arith.constant 9 : index
    %swap3A_1589 = arith.constant 0 : index
    %swap3A_1590 = arith.constant 0 : index
    %swap3A_1591 = vector.load %arg5[%swap3A_1588, %swap3A_1589, %swap3A_1590] : memref<16x128x512xf32, #tpu.memory_space<vmem>>, vector<1x128x512xf32>
    %swap3A_1592 = vector.shape_cast %swap3A_1591 : vector<1x128x512xf32> to vector<128x512xf32>
    %swap3A_1593 = vector.shape_cast %select_n3A_1587 : vector<128x512xf32> to vector<1x128x512xf32>
    tpu.vector_store %arg5[%swap3A_1588, %swap3A_1589, %swap3A_1590], %swap3A_1593 {strides = array<i32>} : memref<16x128x512xf32, #tpu.memory_space<vmem>>, vector<1x128x512xf32>,
    %eq3A_1594 = arith.constant 10 : i32
    %eq3A_1595 = vector.broadcast %eq3A_1594 : i32 to vector<128x512xi32>
    %eq3A_1596 = arith.cmpi eq, %select_n3A_1423, %eq3A_1595 : vector<128x512xi32>
    %get3A_1597 = arith.constant 10 : index
    %get3A_1598 = arith.constant 0 : index
    %get3A_1599 = arith.constant 0 : index
    %get3A_1600 = vector.load %arg5[%get3A_1597, %get3A_1598, %get3A_1599] : memref<16x128x512xf32, #tpu.memory_space<vmem>>, vector<1x128x512xf32>
    %get3A_1601 = vector.shape_cast %get3A_1600 : vector<1x128x512xf32> to vector<128x512xf32>
    %jit3A_1602 = arith.constant 0x7F800000 : f32
    %broadcast_in_dim3A_1603 = vector.broadcast %jit3A_1602 : f32 to vector<128x512xf32>
    %select_n3A_1604 = arith.select %eq3A_1596, %broadcast_in_dim3A_1603, %get3A_1601 : vector<128x512xi1>, vector<128x512xf32>
    %swap3A_1605 = arith.constant 10 : index
    %swap3A_1606 = arith.constant 0 : index
    %swap3A_1607 = arith.constant 0 : index
    %swap3A_1608 = vector.load %arg5[%swap3A_1605, %swap3A_1606, %swap3A_1607] : memref<16x128x512xf32, #tpu.memory_space<vmem>>, vector<1x128x512xf32>
    %swap3A_1609 = vector.shape_cast %swap3A_1608 : vector<1x128x512xf32> to vector<128x512xf32>
    %swap3A_1610 = vector.shape_cast %select_n3A_1604 : vector<128x512xf32> to vector<1x128x512xf32>
    tpu.vector_store %arg5[%swap3A_1605, %swap3A_1606, %swap3A_1607], %swap3A_1610 {strides = array<i32>} : memref<16x128x512xf32, #tpu.memory_space<vmem>>, vector<1x128x512xf32>,
    %eq3A_1611 = arith.constant 11 : i32
    %eq3A_1612 = vector.broadcast %eq3A_1611 : i32 to vector<128x512xi32>
    %eq3A_1613 = arith.cmpi eq, %select_n3A_1423, %eq3A_1612 : vector<128x512xi32>
    %get3A_1614 = arith.constant 11 : index
    %get3A_1615 = arith.constant 0 : index
    %get3A_1616 = arith.constant 0 : index
    %get3A_1617 = vector.load %arg5[%get3A_1614, %get3A_1615, %get3A_1616] : memref<16x128x512xf32, #tpu.memory_space<vmem>>, vector<1x128x512xf32>
    %get3A_1618 = vector.shape_cast %get3A_1617 : vector<1x128x512xf32> to vector<128x512xf32>
    %jit3A_1619 = arith.constant 0x7F800000 : f32
    %broadcast_in_dim3A_1620 = vector.broadcast %jit3A_1619 : f32 to vector<128x512xf32>
    %select_n3A_1621 = arith.select %eq3A_1613, %broadcast_in_dim3A_1620, %get3A_1618 : vector<128x512xi1>, vector<128x512xf32>
    %swap3A_1622 = arith.constant 11 : index
    %swap3A_1623 = arith.constant 0 : index
    %swap3A_1624 = arith.constant 0 : index
    %swap3A_1625 = vector.load %arg5[%swap3A_1622, %swap3A_1623, %swap3A_1624] : memref<16x128x512xf32, #tpu.memory_space<vmem>>, vector<1x128x512xf32>
    %swap3A_1626 = vector.shape_cast %swap3A_1625 : vector<1x128x512xf32> to vector<128x512xf32>
    %swap3A_1627 = vector.shape_cast %select_n3A_1621 : vector<128x512xf32> to vector<1x128x512xf32>
    tpu.vector_store %arg5[%swap3A_1622, %swap3A_1623, %swap3A_1624], %swap3A_1627 {strides = array<i32>} : memref<16x128x512xf32, #tpu.memory_space<vmem>>, vector<1x128x512xf32>,
    %eq3A_1628 = arith.constant 12 : i32
    %eq3A_1629 = vector.broadcast %eq3A_1628 : i32 to vector<128x512xi32>
    %eq3A_1630 = arith.cmpi eq, %select_n3A_1423, %eq3A_1629 : vector<128x512xi32>
    %get3A_1631 = arith.constant 12 : index
    %get3A_1632 = arith.constant 0 : index
    %get3A_1633 = arith.constant 0 : index
    %get3A_1634 = vector.load %arg5[%get3A_1631, %get3A_1632, %get3A_1633] : memref<16x128x512xf32, #tpu.memory_space<vmem>>, vector<1x128x512xf32>
    %get3A_1635 = vector.shape_cast %get3A_1634 : vector<1x128x512xf32> to vector<128x512xf32>
    %jit3A_1636 = arith.constant 0x7F800000 : f32
    %broadcast_in_dim3A_1637 = vector.broadcast %jit3A_1636 : f32 to vector<128x512xf32>
    %select_n3A_1638 = arith.select %eq3A_1630, %broadcast_in_dim3A_1637, %get3A_1635 : vector<128x512xi1>, vector<128x512xf32>
    %swap3A_1639 = arith.constant 12 : index
    %swap3A_1640 = arith.constant 0 : index
    %swap3A_1641 = arith.constant 0 : index
    %swap3A_1642 = vector.load %arg5[%swap3A_1639, %swap3A_1640, %swap3A_1641] : memref<16x128x512xf32, #tpu.memory_space<vmem>>, vector<1x128x512xf32>
    %swap3A_1643 = vector.shape_cast %swap3A_1642 : vector<1x128x512xf32> to vector<128x512xf32>
    %swap3A_1644 = vector.shape_cast %select_n3A_1638 : vector<128x512xf32> to vector<1x128x512xf32>
    tpu.vector_store %arg5[%swap3A_1639, %swap3A_1640, %swap3A_1641], %swap3A_1644 {strides = array<i32>} : memref<16x128x512xf32, #tpu.memory_space<vmem>>, vector<1x128x512xf32>,
    %eq3A_1645 = arith.constant 13 : i32
    %eq3A_1646 = vector.broadcast %eq3A_1645 : i32 to vector<128x512xi32>
    %eq3A_1647 = arith.cmpi eq, %select_n3A_1423, %eq3A_1646 : vector<128x512xi32>
    %get3A_1648 = arith.constant 13 : index
    %get3A_1649 = arith.constant 0 : index
    %get3A_1650 = arith.constant 0 : index
    %get3A_1651 = vector.load %arg5[%get3A_1648, %get3A_1649, %get3A_1650] : memref<16x128x512xf32, #tpu.memory_space<vmem>>, vector<1x128x512xf32>
    %get3A_1652 = vector.shape_cast %get3A_1651 : vector<1x128x512xf32> to vector<128x512xf32>
    %jit3A_1653 = arith.constant 0x7F800000 : f32
    %broadcast_in_dim3A_1654 = vector.broadcast %jit3A_1653 : f32 to vector<128x512xf32>
    %select_n3A_1655 = arith.select %eq3A_1647, %broadcast_in_dim3A_1654, %get3A_1652 : vector<128x512xi1>, vector<128x512xf32>
    %swap3A_1656 = arith.constant 13 : index
    %swap3A_1657 = arith.constant 0 : index
    %swap3A_1658 = arith.constant 0 : index
    %swap3A_1659 = vector.load %arg5[%swap3A_1656, %swap3A_1657, %swap3A_1658] : memref<16x128x512xf32, #tpu.memory_space<vmem>>, vector<1x128x512xf32>
    %swap3A_1660 = vector.shape_cast %swap3A_1659 : vector<1x128x512xf32> to vector<128x512xf32>
    %swap3A_1661 = vector.shape_cast %select_n3A_1655 : vector<128x512xf32> to vector<1x128x512xf32>
    tpu.vector_store %arg5[%swap3A_1656, %swap3A_1657, %swap3A_1658], %swap3A_1661 {strides = array<i32>} : memref<16x128x512xf32, #tpu.memory_space<vmem>>, vector<1x128x512xf32>,
    %eq3A_1662 = arith.constant 14 : i32
    %eq3A_1663 = vector.broadcast %eq3A_1662 : i32 to vector<128x512xi32>
    %eq3A_1664 = arith.cmpi eq, %select_n3A_1423, %eq3A_1663 : vector<128x512xi32>
    %get3A_1665 = arith.constant 14 : index
    %get3A_1666 = arith.constant 0 : index
    %get3A_1667 = arith.constant 0 : index
    %get3A_1668 = vector.load %arg5[%get3A_1665, %get3A_1666, %get3A_1667] : memref<16x128x512xf32, #tpu.memory_space<vmem>>, vector<1x128x512xf32>
    %get3A_1669 = vector.shape_cast %get3A_1668 : vector<1x128x512xf32> to vector<128x512xf32>
    %jit3A_1670 = arith.constant 0x7F800000 : f32
    %broadcast_in_dim3A_1671 = vector.broadcast %jit3A_1670 : f32 to vector<128x512xf32>
    %select_n3A_1672 = arith.select %eq3A_1664, %broadcast_in_dim3A_1671, %get3A_1669 : vector<128x512xi1>, vector<128x512xf32>
    %swap3A_1673 = arith.constant 14 : index
    %swap3A_1674 = arith.constant 0 : index
    %swap3A_1675 = arith.constant 0 : index
    %swap3A_1676 = vector.load %arg5[%swap3A_1673, %swap3A_1674, %swap3A_1675] : memref<16x128x512xf32, #tpu.memory_space<vmem>>, vector<1x128x512xf32>
    %swap3A_1677 = vector.shape_cast %swap3A_1676 : vector<1x128x512xf32> to vector<128x512xf32>
    %swap3A_1678 = vector.shape_cast %select_n3A_1672 : vector<128x512xf32> to vector<1x128x512xf32>
    tpu.vector_store %arg5[%swap3A_1673, %swap3A_1674, %swap3A_1675], %swap3A_1678 {strides = array<i32>} : memref<16x128x512xf32, #tpu.memory_space<vmem>>, vector<1x128x512xf32>,
    %eq3A_1679 = arith.constant 15 : i32
    %eq3A_1680 = vector.broadcast %eq3A_1679 : i32 to vector<128x512xi32>
    %eq3A_1681 = arith.cmpi eq, %select_n3A_1423, %eq3A_1680 : vector<128x512xi32>
    %get3A_1682 = arith.constant 15 : index
    %get3A_1683 = arith.constant 0 : index
    %get3A_1684 = arith.constant 0 : index
    %get3A_1685 = vector.load %arg5[%get3A_1682, %get3A_1683, %get3A_1684] : memref<16x128x512xf32, #tpu.memory_space<vmem>>, vector<1x128x512xf32>
    %get3A_1686 = vector.shape_cast %get3A_1685 : vector<1x128x512xf32> to vector<128x512xf32>
    %jit3A_1687 = arith.constant 0x7F800000 : f32
    %broadcast_in_dim3A_1688 = vector.broadcast %jit3A_1687 : f32 to vector<128x512xf32>
    %select_n3A_1689 = arith.select %eq3A_1681, %broadcast_in_dim3A_1688, %get3A_1686 : vector<128x512xi1>, vector<128x512xf32>
    %swap3A_1690 = arith.constant 15 : index
    %swap3A_1691 = arith.constant 0 : index
    %swap3A_1692 = arith.constant 0 : index
    %swap3A_1693 = vector.load %arg5[%swap3A_1690, %swap3A_1691, %swap3A_1692] : memref<16x128x512xf32, #tpu.memory_space<vmem>>, vector<1x128x512xf32>
    %swap3A_1694 = vector.shape_cast %swap3A_1693 : vector<1x128x512xf32> to vector<128x512xf32>
    %swap3A_1695 = vector.shape_cast %select_n3A_1689 : vector<128x512xf32> to vector<1x128x512xf32>
    tpu.vector_store %arg5[%swap3A_1690, %swap3A_1691, %swap3A_1692], %swap3A_1695 {strides = array<i32>} : memref<16x128x512xf32, #tpu.memory_space<vmem>>, vector<1x128x512xf32>,
    %mul3A_1696 = arith.constant 512 : i32
    %mul3A_1697 = vector.broadcast %mul3A_1696 : i32 to vector<128x512xi32>
    %mul3A_1698 = arith.muli %select_n3A_1423, %mul3A_1697 : vector<128x512xi32>
    %add3A_1699 = arith.addi %mul3A_1698, %iota3A : vector<128x512xi32>
    %swap3A_1700 = arith.constant 0 : index
    %swap3A_1701 = arith.constant 0 : index
    %swap3A_1702 = vector.load %arg11[%swap3A_1700, %swap3A_1701] : memref<128x512xf32, #tpu.memory_space<vmem>>, vector<128x512xf32>
    tpu.vector_store %arg11[%swap3A_1700, %swap3A_1701], %min3A_1277 {strides = array<i32>} : memref<128x512xf32, #tpu.memory_space<vmem>>, vector<128x512xf32>,
    %swap3A_1703 = arith.constant 0 : index
    %swap3A_1704 = arith.constant 0 : index
    %swap3A_1705 = vector.load %arg12[%swap3A_1703, %swap3A_1704] : memref<128x512xi32, #tpu.memory_space<vmem>>, vector<128x512xi32>
    tpu.vector_store %arg12[%swap3A_1703, %swap3A_1704], %add3A_1699 {strides = array<i32>} : memref<128x512xi32, #tpu.memory_space<vmem>>, vector<128x512xi32>,
    %broadcast_in_dim3A_1706 = arith.constant 0 : i32
    %broadcast_in_dim3A_1707 = vector.broadcast %broadcast_in_dim3A_1706 : i32 to vector<128x512xi32>
    %swap3A_1708 = arith.constant 0 : index
    %swap3A_1709 = arith.constant 0 : index
    %swap3A_1710 = vector.load %arg13[%swap3A_1708, %swap3A_1709] : memref<128x512xi32, #tpu.memory_space<vmem>>, vector<128x512xi32>
    tpu.vector_store %arg13[%swap3A_1708, %swap3A_1709], %broadcast_in_dim3A_1707 {strides = array<i32>} : memref<128x512xi32, #tpu.memory_space<vmem>>, vector<128x512xi32>,
    %scan3A = arith.constant 16384 : i32
    %scan3A_1711 = arith.constant 0 : i32
    %scan3A_1712 = arith.constant 32 : i32
    %scan3A_1713 = arith.addi %scan3A_1711, %scan3A_1712 : i32
    %scan3A_1714 = arith.constant 1 : i32
    scf.for %scan3A_1727 = %scan3A_1711 to %scan3A_1713 step %scan3A_1714  : i32 {
      %get3A_1728 = arith.constant 0 : index
      %get3A_1729 = arith.constant 0 : index
      %get3A_1730 = vector.load %arg7[%get3A_1728, %get3A_1729] : memref<128x512xf32, #tpu.memory_space<vmem>>, vector<128x512xf32>
      %get3A_1731 = arith.constant 0 : index
      %get3A_1732 = arith.constant 0 : index
      %get3A_1733 = vector.load %arg8[%get3A_1731, %get3A_1732] : memref<128x512xi32, #tpu.memory_space<vmem>>, vector<128x512xi32>
      %reduce_min3A = arith.constant dense<0x7F800000> : vector<128xf32>
      %reduce_min3A_1734 = vector.multi_reduction <minimumf>, %get3A_1730, %reduce_min3A [1] : vector<128x512xf32> to vector<128xf32>
      %broadcast_in_dim3A_1735 = vector.shape_cast %reduce_min3A_1734 : vector<128xf32> to vector<128x1xf32>
      %eq3A_1736 = vector.broadcast %broadcast_in_dim3A_1735 : vector<128x1xf32> to vector<128x512xf32>
      %eq3A_1737 = arith.cmpf oeq, %get3A_1730, %eq3A_1736 : vector<128x512xf32>
      %broadcast_in_dim3A_1738 = vector.broadcast %scan3A : i32 to vector<128x512xi32>
      %select_n3A_1739 = arith.select %eq3A_1737, %get3A_1733, %broadcast_in_dim3A_1738 : vector<128x512xi1>, vector<128x512xi32>
      %reduce_min3A_1740 = arith.constant dense<2147483647> : vector<128xi32>
      %reduce_min3A_1741 = vector.multi_reduction <minsi>, %select_n3A_1739, %reduce_min3A_1740 [1] : vector<128x512xi32> to vector<128xi32>
      %broadcast_in_dim3A_1742 = vector.shape_cast %reduce_min3A_1741 : vector<128xi32> to vector<128x1xi32>
      %broadcast_in_dim3A_1743 = vector.shape_cast %broadcast_in_dim3A_1742 : vector<128x1xi32> to vector<1x128x1xi32>
      %swap3A_1744 = arith.index_cast %scan3A_1727 : i32 to index
      %swap3A_1745 = arith.constant 0 : index
      %swap3A_1746 = arith.constant 0 : index
      %swap3A_1747 = vector.load %arg6[%swap3A_1744, %swap3A_1745, %swap3A_1746] : memref<32x128x1xi32, #tpu.memory_space<vmem>>, vector<1x128x1xi32>
      tpu.vector_store %arg6[%swap3A_1744, %swap3A_1745, %swap3A_1746], %broadcast_in_dim3A_1743 {strides = array<i32>} : memref<32x128x1xi32, #tpu.memory_space<vmem>>, vector<1x128x1xi32>,
      %eq3A_1748 = vector.broadcast %broadcast_in_dim3A_1742 : vector<128x1xi32> to vector<128x512xi32>
      %eq3A_1749 = arith.cmpi eq, %get3A_1733, %eq3A_1748 : vector<128x512xi32>
      %get3A_1750 = arith.constant 0 : index
      %get3A_1751 = arith.constant 0 : index
      %get3A_1752 = vector.load %arg13[%get3A_1750, %get3A_1751] : memref<128x512xi32, #tpu.memory_space<vmem>>, vector<128x512xi32>
      %convert_element_type3A = arith.extui %eq3A_1749 : vector<128x512xi1> to vector<128x512xi32>
      %add3A_1753 = arith.addi %get3A_1752, %convert_element_type3A : vector<128x512xi32>
      %swap3A_1754 = arith.constant 0 : index
      %swap3A_1755 = arith.constant 0 : index
      %swap3A_1756 = vector.load %arg13[%swap3A_1754, %swap3A_1755] : memref<128x512xi32, #tpu.memory_space<vmem>>, vector<128x512xi32>
      tpu.vector_store %arg13[%swap3A_1754, %swap3A_1755], %add3A_1753 {strides = array<i32>} : memref<128x512xi32, #tpu.memory_space<vmem>>, vector<128x512xi32>,
      %eq3A_1757 = arith.constant 1 : i32
      %eq3A_1758 = vector.broadcast %eq3A_1757 : i32 to vector<128x512xi32>
      %eq3A_1759 = arith.cmpi eq, %add3A_1753, %eq3A_1758 : vector<128x512xi32>
      %get3A_1760 = arith.constant 0 : index
      %get3A_1761 = arith.constant 0 : index
      %get3A_1762 = vector.load %arg9[%get3A_1760, %get3A_1761] : memref<128x512xf32, #tpu.memory_space<vmem>>, vector<128x512xf32>
      %eq3A_1763 = arith.constant 2 : i32
      %eq3A_1764 = vector.broadcast %eq3A_1763 : i32 to vector<128x512xi32>
      %eq3A_1765 = arith.cmpi eq, %add3A_1753, %eq3A_1764 : vector<128x512xi32>
      %get3A_1766 = arith.constant 0 : index
      %get3A_1767 = arith.constant 0 : index
      %get3A_1768 = vector.load %arg11[%get3A_1766, %get3A_1767] : memref<128x512xf32, #tpu.memory_space<vmem>>, vector<128x512xf32>
      %jit3A_1769 = arith.constant 0x7F800000 : f32
      %broadcast_in_dim3A_1770 = vector.broadcast %jit3A_1769 : f32 to vector<128x512xf32>
      %select_n3A_1771 = arith.select %eq3A_1765, %get3A_1768, %broadcast_in_dim3A_1770 : vector<128x512xi1>, vector<128x512xf32>
      %select_n3A_1772 = arith.select %eq3A_1759, %get3A_1762, %select_n3A_1771 : vector<128x512xi1>, vector<128x512xf32>
      %eq3A_1773 = arith.constant 1 : i32
      %eq3A_1774 = vector.broadcast %eq3A_1773 : i32 to vector<128x512xi32>
      %eq3A_1775 = arith.cmpi eq, %add3A_1753, %eq3A_1774 : vector<128x512xi32>
      %get3A_1776 = arith.constant 0 : index
      %get3A_1777 = arith.constant 0 : index
      %get3A_1778 = vector.load %arg10[%get3A_1776, %get3A_1777] : memref<128x512xi32, #tpu.memory_space<vmem>>, vector<128x512xi32>
      %eq3A_1779 = arith.constant 2 : i32
      %eq3A_1780 = vector.broadcast %eq3A_1779 : i32 to vector<128x512xi32>
      %eq3A_1781 = arith.cmpi eq, %add3A_1753, %eq3A_1780 : vector<128x512xi32>
      %get3A_1782 = arith.constant 0 : index
      %get3A_1783 = arith.constant 0 : index
      %get3A_1784 = vector.load %arg12[%get3A_1782, %get3A_1783] : memref<128x512xi32, #tpu.memory_space<vmem>>, vector<128x512xi32>
      %broadcast_in_dim3A_1785 = vector.broadcast %scan3A : i32 to vector<128x512xi32>
      %select_n3A_1786 = arith.select %eq3A_1781, %get3A_1784, %broadcast_in_dim3A_1785 : vector<128x512xi1>, vector<128x512xi32>
      %select_n3A_1787 = arith.select %eq3A_1775, %get3A_1778, %select_n3A_1786 : vector<128x512xi1>, vector<128x512xi32>
      %select_n3A_1788 = arith.select %eq3A_1749, %select_n3A_1772, %get3A_1730 : vector<128x512xi1>, vector<128x512xf32>
      %swap3A_1789 = arith.constant 0 : index
      %swap3A_1790 = arith.constant 0 : index
      %swap3A_1791 = vector.load %arg7[%swap3A_1789, %swap3A_1790] : memref<128x512xf32, #tpu.memory_space<vmem>>, vector<128x512xf32>
      tpu.vector_store %arg7[%swap3A_1789, %swap3A_1790], %select_n3A_1788 {strides = array<i32>} : memref<128x512xf32, #tpu.memory_space<vmem>>, vector<128x512xf32>,
      %select_n3A_1792 = arith.select %eq3A_1749, %select_n3A_1787, %get3A_1733 : vector<128x512xi1>, vector<128x512xi32>
      %swap3A_1793 = arith.constant 0 : index
      %swap3A_1794 = arith.constant 0 : index
      %swap3A_1795 = vector.load %arg8[%swap3A_1793, %swap3A_1794] : memref<128x512xi32, #tpu.memory_space<vmem>>, vector<128x512xi32>
      tpu.vector_store %arg8[%swap3A_1793, %swap3A_1794], %select_n3A_1792 {strides = array<i32>} : memref<128x512xi32, #tpu.memory_space<vmem>>, vector<128x512xi32>,
      %ge3A = arith.constant 3 : i32
      %ge3A_1796 = vector.broadcast %ge3A : i32 to vector<128x512xi32>
      %ge3A_1797 = arith.cmpi sge, %add3A_1753, %ge3A_1796 : vector<128x512xi32>
      %and3A = arith.andi %eq3A_1749, %ge3A_1797 : vector<128x512xi1>
      %jit3A_1798 = arith.constant 1 : i32
      %jit3A_1799 = arith.constant 0 : i32
      %broadcast_in_dim3A_1800 = vector.broadcast %jit3A_1798 : i32 to vector<128x512xi32>
      %broadcast_in_dim3A_1801 = vector.broadcast %jit3A_1799 : i32 to vector<128x512xi32>
      %select_n3A_1802 = arith.select %and3A, %broadcast_in_dim3A_1800, %broadcast_in_dim3A_1801 : vector<128x512xi1>, vector<128x512xi32>
      %reduce_max3A = arith.constant dense<-2147483648> : vector<128xi32>
      %reduce_max3A_1803 = vector.multi_reduction <maxsi>, %select_n3A_1802, %reduce_max3A [1] : vector<128x512xi32> to vector<128xi32>
      %broadcast_in_dim3A_1804 = vector.shape_cast %reduce_max3A_1803 : vector<128xi32> to vector<128x1xi32>
      %reduce_max3A_1805 = vector.shape_cast %broadcast_in_dim3A_1804 : vector<128x1xi32> to vector<1x128x1xi32>
      %reduce_max3A_1806 = arith.constant dense<-2147483648> : vector<1xi32>
      %reduce_max3A_1807 = vector.multi_reduction <maxsi>, %reduce_max3A_1805, %reduce_max3A_1806 [1, 2] : vector<1x128x1xi32> to vector<1xi32>
      %reduce_max3A_1808 = vector.shape_cast %reduce_max3A_1807 : vector<1xi32> to vector<1x1x1xi32>
      %reduce_max3A_1809 = vector.extract %reduce_max3A_1808[0, 0, 0] : i32 from vector<1x1x1xi32>
      %gt3A = arith.constant 0 : i32
      %gt3A_1810 = arith.cmpi sgt, %reduce_max3A_1809, %gt3A : i32
      %convert_element_type3A_1811 = arith.extui %gt3A_1810 : i1 to i32
      %cond3A = arith.constant 0 : i32
      %cond3A_1812 = arith.cmpi ne, %convert_element_type3A_1811, %cond3A : i32
      scf.if %cond3A_1812 {
        %gt3A_1813 = arith.constant 0 : i32
        %gt3A_1814 = vector.broadcast %gt3A_1813 : i32 to vector<128x1xi32>
        %gt3A_1815 = arith.cmpi sgt, %broadcast_in_dim3A_1804, %gt3A_1814 : vector<128x1xi32>
        %and3A_1816 = arith.constant 511 : i32
        %and3A_1817 = vector.broadcast %and3A_1816 : i32 to vector<128x1xi32>
        %and3A_1818 = arith.andi %broadcast_in_dim3A_1742, %and3A_1817 : vector<128x1xi32>
        %jit3A_1819 = arith.constant -1 : i32
        %broadcast_in_dim3A_1820 = vector.broadcast %jit3A_1819 : i32 to vector<128x1xi32>
        %select_n3A_1821 = arith.select %gt3A_1815, %and3A_1818, %broadcast_in_dim3A_1820 : vector<128x1xi1>, vector<128x1xi32>
        %shift_right_logical3A = arith.constant 9 : i32
        %shift_right_logical3A_1822 = vector.broadcast %shift_right_logical3A : i32 to vector<128x1xi32>
        %shift_right_logical3A_1823 = arith.shrui %broadcast_in_dim3A_1742, %shift_right_logical3A_1822 : vector<128x1xi32>
        %eq3A_1824 = vector.broadcast %select_n3A_1821 : vector<128x1xi32> to vector<128x512xi32>
        %eq3A_1825 = arith.cmpi eq, %iota3A, %eq3A_1824 : vector<128x512xi32>
        %eq3A_1826 = arith.constant 0 : i32
        %eq3A_1827 = vector.broadcast %eq3A_1826 : i32 to vector<128x1xi32>
        %eq3A_1828 = arith.cmpi eq, %shift_right_logical3A_1823, %eq3A_1827 : vector<128x1xi32>
        %and3A_1829 = vector.broadcast %eq3A_1828 : vector<128x1xi1> to vector<128x512xi1>
        %and3A_1830 = arith.andi %eq3A_1825, %and3A_1829 : vector<128x512xi1>
        %get3A_1831 = arith.constant 0 : index
        %get3A_1832 = arith.constant 0 : index
        %get3A_1833 = arith.constant 0 : index
        %get3A_1834 = vector.load %arg5[%get3A_1831, %get3A_1832, %get3A_1833] : memref<16x128x512xf32, #tpu.memory_space<vmem>>, vector<1x128x512xf32>
        %get3A_1835 = vector.shape_cast %get3A_1834 : vector<1x128x512xf32> to vector<128x512xf32>
        %jit3A_1836 = arith.constant 0x7F800000 : f32
        %broadcast_in_dim3A_1837 = vector.broadcast %jit3A_1836 : f32 to vector<128x512xf32>
        %select_n3A_1838 = arith.select %and3A_1830, %broadcast_in_dim3A_1837, %get3A_1835 : vector<128x512xi1>, vector<128x512xf32>
        %swap3A_1839 = arith.constant 0 : index
        %swap3A_1840 = arith.constant 0 : index
        %swap3A_1841 = arith.constant 0 : index
        %swap3A_1842 = vector.load %arg5[%swap3A_1839, %swap3A_1840, %swap3A_1841] : memref<16x128x512xf32, #tpu.memory_space<vmem>>, vector<1x128x512xf32>
        %swap3A_1843 = vector.shape_cast %swap3A_1842 : vector<1x128x512xf32> to vector<128x512xf32>
        %swap3A_1844 = vector.shape_cast %select_n3A_1838 : vector<128x512xf32> to vector<1x128x512xf32>
        tpu.vector_store %arg5[%swap3A_1839, %swap3A_1840, %swap3A_1841], %swap3A_1844 {strides = array<i32>} : memref<16x128x512xf32, #tpu.memory_space<vmem>>, vector<1x128x512xf32>,
        %eq3A_1845 = arith.constant 1 : i32
        %eq3A_1846 = vector.broadcast %eq3A_1845 : i32 to vector<128x1xi32>
        %eq3A_1847 = arith.cmpi eq, %shift_right_logical3A_1823, %eq3A_1846 : vector<128x1xi32>
        %and3A_1848 = vector.broadcast %eq3A_1847 : vector<128x1xi1> to vector<128x512xi1>
        %and3A_1849 = arith.andi %eq3A_1825, %and3A_1848 : vector<128x512xi1>
        %get3A_1850 = arith.constant 1 : index
        %get3A_1851 = arith.constant 0 : index
        %get3A_1852 = arith.constant 0 : index
        %get3A_1853 = vector.load %arg5[%get3A_1850, %get3A_1851, %get3A_1852] : memref<16x128x512xf32, #tpu.memory_space<vmem>>, vector<1x128x512xf32>
        %get3A_1854 = vector.shape_cast %get3A_1853 : vector<1x128x512xf32> to vector<128x512xf32>
        %jit3A_1855 = arith.constant 0x7F800000 : f32
        %broadcast_in_dim3A_1856 = vector.broadcast %jit3A_1855 : f32 to vector<128x512xf32>
        %select_n3A_1857 = arith.select %and3A_1849, %broadcast_in_dim3A_1856, %get3A_1854 : vector<128x512xi1>, vector<128x512xf32>
        %swap3A_1858 = arith.constant 1 : index
        %swap3A_1859 = arith.constant 0 : index
        %swap3A_1860 = arith.constant 0 : index
        %swap3A_1861 = vector.load %arg5[%swap3A_1858, %swap3A_1859, %swap3A_1860] : memref<16x128x512xf32, #tpu.memory_space<vmem>>, vector<1x128x512xf32>
        %swap3A_1862 = vector.shape_cast %swap3A_1861 : vector<1x128x512xf32> to vector<128x512xf32>
        %swap3A_1863 = vector.shape_cast %select_n3A_1857 : vector<128x512xf32> to vector<1x128x512xf32>
        tpu.vector_store %arg5[%swap3A_1858, %swap3A_1859, %swap3A_1860], %swap3A_1863 {strides = array<i32>} : memref<16x128x512xf32, #tpu.memory_space<vmem>>, vector<1x128x512xf32>,
        %min3A_1864 = arith.minimumf %select_n3A_1838, %select_n3A_1857 : vector<128x512xf32>
        %eq3A_1865 = arith.constant 2 : i32
        %eq3A_1866 = vector.broadcast %eq3A_1865 : i32 to vector<128x1xi32>
        %eq3A_1867 = arith.cmpi eq, %shift_right_logical3A_1823, %eq3A_1866 : vector<128x1xi32>
        %and3A_1868 = vector.broadcast %eq3A_1867 : vector<128x1xi1> to vector<128x512xi1>
        %and3A_1869 = arith.andi %eq3A_1825, %and3A_1868 : vector<128x512xi1>
        %get3A_1870 = arith.constant 2 : index
        %get3A_1871 = arith.constant 0 : index
        %get3A_1872 = arith.constant 0 : index
        %get3A_1873 = vector.load %arg5[%get3A_1870, %get3A_1871, %get3A_1872] : memref<16x128x512xf32, #tpu.memory_space<vmem>>, vector<1x128x512xf32>
        %get3A_1874 = vector.shape_cast %get3A_1873 : vector<1x128x512xf32> to vector<128x512xf32>
        %jit3A_1875 = arith.constant 0x7F800000 : f32
        %broadcast_in_dim3A_1876 = vector.broadcast %jit3A_1875 : f32 to vector<128x512xf32>
        %select_n3A_1877 = arith.select %and3A_1869, %broadcast_in_dim3A_1876, %get3A_1874 : vector<128x512xi1>, vector<128x512xf32>
        %swap3A_1878 = arith.constant 2 : index
        %swap3A_1879 = arith.constant 0 : index
        %swap3A_1880 = arith.constant 0 : index
        %swap3A_1881 = vector.load %arg5[%swap3A_1878, %swap3A_1879, %swap3A_1880] : memref<16x128x512xf32, #tpu.memory_space<vmem>>, vector<1x128x512xf32>
        %swap3A_1882 = vector.shape_cast %swap3A_1881 : vector<1x128x512xf32> to vector<128x512xf32>
        %swap3A_1883 = vector.shape_cast %select_n3A_1877 : vector<128x512xf32> to vector<1x128x512xf32>
        tpu.vector_store %arg5[%swap3A_1878, %swap3A_1879, %swap3A_1880], %swap3A_1883 {strides = array<i32>} : memref<16x128x512xf32, #tpu.memory_space<vmem>>, vector<1x128x512xf32>,
        %min3A_1884 = arith.minimumf %min3A_1864, %select_n3A_1877 : vector<128x512xf32>
        %eq3A_1885 = arith.constant 3 : i32
        %eq3A_1886 = vector.broadcast %eq3A_1885 : i32 to vector<128x1xi32>
        %eq3A_1887 = arith.cmpi eq, %shift_right_logical3A_1823, %eq3A_1886 : vector<128x1xi32>
        %and3A_1888 = vector.broadcast %eq3A_1887 : vector<128x1xi1> to vector<128x512xi1>
        %and3A_1889 = arith.andi %eq3A_1825, %and3A_1888 : vector<128x512xi1>
        %get3A_1890 = arith.constant 3 : index
        %get3A_1891 = arith.constant 0 : index
        %get3A_1892 = arith.constant 0 : index
        %get3A_1893 = vector.load %arg5[%get3A_1890, %get3A_1891, %get3A_1892] : memref<16x128x512xf32, #tpu.memory_space<vmem>>, vector<1x128x512xf32>
        %get3A_1894 = vector.shape_cast %get3A_1893 : vector<1x128x512xf32> to vector<128x512xf32>
        %jit3A_1895 = arith.constant 0x7F800000 : f32
        %broadcast_in_dim3A_1896 = vector.broadcast %jit3A_1895 : f32 to vector<128x512xf32>
        %select_n3A_1897 = arith.select %and3A_1889, %broadcast_in_dim3A_1896, %get3A_1894 : vector<128x512xi1>, vector<128x512xf32>
        %swap3A_1898 = arith.constant 3 : index
        %swap3A_1899 = arith.constant 0 : index
        %swap3A_1900 = arith.constant 0 : index
        %swap3A_1901 = vector.load %arg5[%swap3A_1898, %swap3A_1899, %swap3A_1900] : memref<16x128x512xf32, #tpu.memory_space<vmem>>, vector<1x128x512xf32>
        %swap3A_1902 = vector.shape_cast %swap3A_1901 : vector<1x128x512xf32> to vector<128x512xf32>
        %swap3A_1903 = vector.shape_cast %select_n3A_1897 : vector<128x512xf32> to vector<1x128x512xf32>
        tpu.vector_store %arg5[%swap3A_1898, %swap3A_1899, %swap3A_1900], %swap3A_1903 {strides = array<i32>} : memref<16x128x512xf32, #tpu.memory_space<vmem>>, vector<1x128x512xf32>,
        %min3A_1904 = arith.minimumf %min3A_1884, %select_n3A_1897 : vector<128x512xf32>
        %eq3A_1905 = arith.constant 4 : i32
        %eq3A_1906 = vector.broadcast %eq3A_1905 : i32 to vector<128x1xi32>
        %eq3A_1907 = arith.cmpi eq, %shift_right_logical3A_1823, %eq3A_1906 : vector<128x1xi32>
        %and3A_1908 = vector.broadcast %eq3A_1907 : vector<128x1xi1> to vector<128x512xi1>
        %and3A_1909 = arith.andi %eq3A_1825, %and3A_1908 : vector<128x512xi1>
        %get3A_1910 = arith.constant 4 : index
        %get3A_1911 = arith.constant 0 : index
        %get3A_1912 = arith.constant 0 : index
        %get3A_1913 = vector.load %arg5[%get3A_1910, %get3A_1911, %get3A_1912] : memref<16x128x512xf32, #tpu.memory_space<vmem>>, vector<1x128x512xf32>
        %get3A_1914 = vector.shape_cast %get3A_1913 : vector<1x128x512xf32> to vector<128x512xf32>
        %jit3A_1915 = arith.constant 0x7F800000 : f32
        %broadcast_in_dim3A_1916 = vector.broadcast %jit3A_1915 : f32 to vector<128x512xf32>
        %select_n3A_1917 = arith.select %and3A_1909, %broadcast_in_dim3A_1916, %get3A_1914 : vector<128x512xi1>, vector<128x512xf32>
        %swap3A_1918 = arith.constant 4 : index
        %swap3A_1919 = arith.constant 0 : index
        %swap3A_1920 = arith.constant 0 : index
        %swap3A_1921 = vector.load %arg5[%swap3A_1918, %swap3A_1919, %swap3A_1920] : memref<16x128x512xf32, #tpu.memory_space<vmem>>, vector<1x128x512xf32>
        %swap3A_1922 = vector.shape_cast %swap3A_1921 : vector<1x128x512xf32> to vector<128x512xf32>
        %swap3A_1923 = vector.shape_cast %select_n3A_1917 : vector<128x512xf32> to vector<1x128x512xf32>
        tpu.vector_store %arg5[%swap3A_1918, %swap3A_1919, %swap3A_1920], %swap3A_1923 {strides = array<i32>} : memref<16x128x512xf32, #tpu.memory_space<vmem>>, vector<1x128x512xf32>,
        %min3A_1924 = arith.minimumf %min3A_1904, %select_n3A_1917 : vector<128x512xf32>
        %eq3A_1925 = arith.constant 5 : i32
        %eq3A_1926 = vector.broadcast %eq3A_1925 : i32 to vector<128x1xi32>
        %eq3A_1927 = arith.cmpi eq, %shift_right_logical3A_1823, %eq3A_1926 : vector<128x1xi32>
        %and3A_1928 = vector.broadcast %eq3A_1927 : vector<128x1xi1> to vector<128x512xi1>
        %and3A_1929 = arith.andi %eq3A_1825, %and3A_1928 : vector<128x512xi1>
        %get3A_1930 = arith.constant 5 : index
        %get3A_1931 = arith.constant 0 : index
        %get3A_1932 = arith.constant 0 : index
        %get3A_1933 = vector.load %arg5[%get3A_1930, %get3A_1931, %get3A_1932] : memref<16x128x512xf32, #tpu.memory_space<vmem>>, vector<1x128x512xf32>
        %get3A_1934 = vector.shape_cast %get3A_1933 : vector<1x128x512xf32> to vector<128x512xf32>
        %jit3A_1935 = arith.constant 0x7F800000 : f32
        %broadcast_in_dim3A_1936 = vector.broadcast %jit3A_1935 : f32 to vector<128x512xf32>
        %select_n3A_1937 = arith.select %and3A_1929, %broadcast_in_dim3A_1936, %get3A_1934 : vector<128x512xi1>, vector<128x512xf32>
        %swap3A_1938 = arith.constant 5 : index
        %swap3A_1939 = arith.constant 0 : index
        %swap3A_1940 = arith.constant 0 : index
        %swap3A_1941 = vector.load %arg5[%swap3A_1938, %swap3A_1939, %swap3A_1940] : memref<16x128x512xf32, #tpu.memory_space<vmem>>, vector<1x128x512xf32>
        %swap3A_1942 = vector.shape_cast %swap3A_1941 : vector<1x128x512xf32> to vector<128x512xf32>
        %swap3A_1943 = vector.shape_cast %select_n3A_1937 : vector<128x512xf32> to vector<1x128x512xf32>
        tpu.vector_store %arg5[%swap3A_1938, %swap3A_1939, %swap3A_1940], %swap3A_1943 {strides = array<i32>} : memref<16x128x512xf32, #tpu.memory_space<vmem>>, vector<1x128x512xf32>,
        %min3A_1944 = arith.minimumf %min3A_1924, %select_n3A_1937 : vector<128x512xf32>
        %eq3A_1945 = arith.constant 6 : i32
        %eq3A_1946 = vector.broadcast %eq3A_1945 : i32 to vector<128x1xi32>
        %eq3A_1947 = arith.cmpi eq, %shift_right_logical3A_1823, %eq3A_1946 : vector<128x1xi32>
        %and3A_1948 = vector.broadcast %eq3A_1947 : vector<128x1xi1> to vector<128x512xi1>
        %and3A_1949 = arith.andi %eq3A_1825, %and3A_1948 : vector<128x512xi1>
        %get3A_1950 = arith.constant 6 : index
        %get3A_1951 = arith.constant 0 : index
        %get3A_1952 = arith.constant 0 : index
        %get3A_1953 = vector.load %arg5[%get3A_1950, %get3A_1951, %get3A_1952] : memref<16x128x512xf32, #tpu.memory_space<vmem>>, vector<1x128x512xf32>
        %get3A_1954 = vector.shape_cast %get3A_1953 : vector<1x128x512xf32> to vector<128x512xf32>
        %jit3A_1955 = arith.constant 0x7F800000 : f32
        %broadcast_in_dim3A_1956 = vector.broadcast %jit3A_1955 : f32 to vector<128x512xf32>
        %select_n3A_1957 = arith.select %and3A_1949, %broadcast_in_dim3A_1956, %get3A_1954 : vector<128x512xi1>, vector<128x512xf32>
        %swap3A_1958 = arith.constant 6 : index
        %swap3A_1959 = arith.constant 0 : index
        %swap3A_1960 = arith.constant 0 : index
        %swap3A_1961 = vector.load %arg5[%swap3A_1958, %swap3A_1959, %swap3A_1960] : memref<16x128x512xf32, #tpu.memory_space<vmem>>, vector<1x128x512xf32>
        %swap3A_1962 = vector.shape_cast %swap3A_1961 : vector<1x128x512xf32> to vector<128x512xf32>
        %swap3A_1963 = vector.shape_cast %select_n3A_1957 : vector<128x512xf32> to vector<1x128x512xf32>
        tpu.vector_store %arg5[%swap3A_1958, %swap3A_1959, %swap3A_1960], %swap3A_1963 {strides = array<i32>} : memref<16x128x512xf32, #tpu.memory_space<vmem>>, vector<1x128x512xf32>,
        %min3A_1964 = arith.minimumf %min3A_1944, %select_n3A_1957 : vector<128x512xf32>
        %eq3A_1965 = arith.constant 7 : i32
        %eq3A_1966 = vector.broadcast %eq3A_1965 : i32 to vector<128x1xi32>
        %eq3A_1967 = arith.cmpi eq, %shift_right_logical3A_1823, %eq3A_1966 : vector<128x1xi32>
        %and3A_1968 = vector.broadcast %eq3A_1967 : vector<128x1xi1> to vector<128x512xi1>
        %and3A_1969 = arith.andi %eq3A_1825, %and3A_1968 : vector<128x512xi1>
        %get3A_1970 = arith.constant 7 : index
        %get3A_1971 = arith.constant 0 : index
        %get3A_1972 = arith.constant 0 : index
        %get3A_1973 = vector.load %arg5[%get3A_1970, %get3A_1971, %get3A_1972] : memref<16x128x512xf32, #tpu.memory_space<vmem>>, vector<1x128x512xf32>
        %get3A_1974 = vector.shape_cast %get3A_1973 : vector<1x128x512xf32> to vector<128x512xf32>
        %jit3A_1975 = arith.constant 0x7F800000 : f32
        %broadcast_in_dim3A_1976 = vector.broadcast %jit3A_1975 : f32 to vector<128x512xf32>
        %select_n3A_1977 = arith.select %and3A_1969, %broadcast_in_dim3A_1976, %get3A_1974 : vector<128x512xi1>, vector<128x512xf32>
        %swap3A_1978 = arith.constant 7 : index
        %swap3A_1979 = arith.constant 0 : index
        %swap3A_1980 = arith.constant 0 : index
        %swap3A_1981 = vector.load %arg5[%swap3A_1978, %swap3A_1979, %swap3A_1980] : memref<16x128x512xf32, #tpu.memory_space<vmem>>, vector<1x128x512xf32>
        %swap3A_1982 = vector.shape_cast %swap3A_1981 : vector<1x128x512xf32> to vector<128x512xf32>
        %swap3A_1983 = vector.shape_cast %select_n3A_1977 : vector<128x512xf32> to vector<1x128x512xf32>
        tpu.vector_store %arg5[%swap3A_1978, %swap3A_1979, %swap3A_1980], %swap3A_1983 {strides = array<i32>} : memref<16x128x512xf32, #tpu.memory_space<vmem>>, vector<1x128x512xf32>,
        %min3A_1984 = arith.minimumf %min3A_1964, %select_n3A_1977 : vector<128x512xf32>
        %eq3A_1985 = arith.constant 8 : i32
        %eq3A_1986 = vector.broadcast %eq3A_1985 : i32 to vector<128x1xi32>
        %eq3A_1987 = arith.cmpi eq, %shift_right_logical3A_1823, %eq3A_1986 : vector<128x1xi32>
        %and3A_1988 = vector.broadcast %eq3A_1987 : vector<128x1xi1> to vector<128x512xi1>
        %and3A_1989 = arith.andi %eq3A_1825, %and3A_1988 : vector<128x512xi1>
        %get3A_1990 = arith.constant 8 : index
        %get3A_1991 = arith.constant 0 : index
        %get3A_1992 = arith.constant 0 : index
        %get3A_1993 = vector.load %arg5[%get3A_1990, %get3A_1991, %get3A_1992] : memref<16x128x512xf32, #tpu.memory_space<vmem>>, vector<1x128x512xf32>
        %get3A_1994 = vector.shape_cast %get3A_1993 : vector<1x128x512xf32> to vector<128x512xf32>
        %jit3A_1995 = arith.constant 0x7F800000 : f32
        %broadcast_in_dim3A_1996 = vector.broadcast %jit3A_1995 : f32 to vector<128x512xf32>
        %select_n3A_1997 = arith.select %and3A_1989, %broadcast_in_dim3A_1996, %get3A_1994 : vector<128x512xi1>, vector<128x512xf32>
        %swap3A_1998 = arith.constant 8 : index
        %swap3A_1999 = arith.constant 0 : index
        %swap3A_2000 = arith.constant 0 : index
        %swap3A_2001 = vector.load %arg5[%swap3A_1998, %swap3A_1999, %swap3A_2000] : memref<16x128x512xf32, #tpu.memory_space<vmem>>, vector<1x128x512xf32>
        %swap3A_2002 = vector.shape_cast %swap3A_2001 : vector<1x128x512xf32> to vector<128x512xf32>
        %swap3A_2003 = vector.shape_cast %select_n3A_1997 : vector<128x512xf32> to vector<1x128x512xf32>
        tpu.vector_store %arg5[%swap3A_1998, %swap3A_1999, %swap3A_2000], %swap3A_2003 {strides = array<i32>} : memref<16x128x512xf32, #tpu.memory_space<vmem>>, vector<1x128x512xf32>,
        %min3A_2004 = arith.minimumf %min3A_1984, %select_n3A_1997 : vector<128x512xf32>
        %eq3A_2005 = arith.constant 9 : i32
        %eq3A_2006 = vector.broadcast %eq3A_2005 : i32 to vector<128x1xi32>
        %eq3A_2007 = arith.cmpi eq, %shift_right_logical3A_1823, %eq3A_2006 : vector<128x1xi32>
        %and3A_2008 = vector.broadcast %eq3A_2007 : vector<128x1xi1> to vector<128x512xi1>
        %and3A_2009 = arith.andi %eq3A_1825, %and3A_2008 : vector<128x512xi1>
        %get3A_2010 = arith.constant 9 : index
        %get3A_2011 = arith.constant 0 : index
        %get3A_2012 = arith.constant 0 : index
        %get3A_2013 = vector.load %arg5[%get3A_2010, %get3A_2011, %get3A_2012] : memref<16x128x512xf32, #tpu.memory_space<vmem>>, vector<1x128x512xf32>
        %get3A_2014 = vector.shape_cast %get3A_2013 : vector<1x128x512xf32> to vector<128x512xf32>
        %jit3A_2015 = arith.constant 0x7F800000 : f32
        %broadcast_in_dim3A_2016 = vector.broadcast %jit3A_2015 : f32 to vector<128x512xf32>
        %select_n3A_2017 = arith.select %and3A_2009, %broadcast_in_dim3A_2016, %get3A_2014 : vector<128x512xi1>, vector<128x512xf32>
        %swap3A_2018 = arith.constant 9 : index
        %swap3A_2019 = arith.constant 0 : index
        %swap3A_2020 = arith.constant 0 : index
        %swap3A_2021 = vector.load %arg5[%swap3A_2018, %swap3A_2019, %swap3A_2020] : memref<16x128x512xf32, #tpu.memory_space<vmem>>, vector<1x128x512xf32>
        %swap3A_2022 = vector.shape_cast %swap3A_2021 : vector<1x128x512xf32> to vector<128x512xf32>
        %swap3A_2023 = vector.shape_cast %select_n3A_2017 : vector<128x512xf32> to vector<1x128x512xf32>
        tpu.vector_store %arg5[%swap3A_2018, %swap3A_2019, %swap3A_2020], %swap3A_2023 {strides = array<i32>} : memref<16x128x512xf32, #tpu.memory_space<vmem>>, vector<1x128x512xf32>,
        %min3A_2024 = arith.minimumf %min3A_2004, %select_n3A_2017 : vector<128x512xf32>
        %eq3A_2025 = arith.constant 10 : i32
        %eq3A_2026 = vector.broadcast %eq3A_2025 : i32 to vector<128x1xi32>
        %eq3A_2027 = arith.cmpi eq, %shift_right_logical3A_1823, %eq3A_2026 : vector<128x1xi32>
        %and3A_2028 = vector.broadcast %eq3A_2027 : vector<128x1xi1> to vector<128x512xi1>
        %and3A_2029 = arith.andi %eq3A_1825, %and3A_2028 : vector<128x512xi1>
        %get3A_2030 = arith.constant 10 : index
        %get3A_2031 = arith.constant 0 : index
        %get3A_2032 = arith.constant 0 : index
        %get3A_2033 = vector.load %arg5[%get3A_2030, %get3A_2031, %get3A_2032] : memref<16x128x512xf32, #tpu.memory_space<vmem>>, vector<1x128x512xf32>
        %get3A_2034 = vector.shape_cast %get3A_2033 : vector<1x128x512xf32> to vector<128x512xf32>
        %jit3A_2035 = arith.constant 0x7F800000 : f32
        %broadcast_in_dim3A_2036 = vector.broadcast %jit3A_2035 : f32 to vector<128x512xf32>
        %select_n3A_2037 = arith.select %and3A_2029, %broadcast_in_dim3A_2036, %get3A_2034 : vector<128x512xi1>, vector<128x512xf32>
        %swap3A_2038 = arith.constant 10 : index
        %swap3A_2039 = arith.constant 0 : index
        %swap3A_2040 = arith.constant 0 : index
        %swap3A_2041 = vector.load %arg5[%swap3A_2038, %swap3A_2039, %swap3A_2040] : memref<16x128x512xf32, #tpu.memory_space<vmem>>, vector<1x128x512xf32>
        %swap3A_2042 = vector.shape_cast %swap3A_2041 : vector<1x128x512xf32> to vector<128x512xf32>
        %swap3A_2043 = vector.shape_cast %select_n3A_2037 : vector<128x512xf32> to vector<1x128x512xf32>
        tpu.vector_store %arg5[%swap3A_2038, %swap3A_2039, %swap3A_2040], %swap3A_2043 {strides = array<i32>} : memref<16x128x512xf32, #tpu.memory_space<vmem>>, vector<1x128x512xf32>,
        %min3A_2044 = arith.minimumf %min3A_2024, %select_n3A_2037 : vector<128x512xf32>
        %eq3A_2045 = arith.constant 11 : i32
        %eq3A_2046 = vector.broadcast %eq3A_2045 : i32 to vector<128x1xi32>
        %eq3A_2047 = arith.cmpi eq, %shift_right_logical3A_1823, %eq3A_2046 : vector<128x1xi32>
        %and3A_2048 = vector.broadcast %eq3A_2047 : vector<128x1xi1> to vector<128x512xi1>
        %and3A_2049 = arith.andi %eq3A_1825, %and3A_2048 : vector<128x512xi1>
        %get3A_2050 = arith.constant 11 : index
        %get3A_2051 = arith.constant 0 : index
        %get3A_2052 = arith.constant 0 : index
        %get3A_2053 = vector.load %arg5[%get3A_2050, %get3A_2051, %get3A_2052] : memref<16x128x512xf32, #tpu.memory_space<vmem>>, vector<1x128x512xf32>
        %get3A_2054 = vector.shape_cast %get3A_2053 : vector<1x128x512xf32> to vector<128x512xf32>
        %jit3A_2055 = arith.constant 0x7F800000 : f32
        %broadcast_in_dim3A_2056 = vector.broadcast %jit3A_2055 : f32 to vector<128x512xf32>
        %select_n3A_2057 = arith.select %and3A_2049, %broadcast_in_dim3A_2056, %get3A_2054 : vector<128x512xi1>, vector<128x512xf32>
        %swap3A_2058 = arith.constant 11 : index
        %swap3A_2059 = arith.constant 0 : index
        %swap3A_2060 = arith.constant 0 : index
        %swap3A_2061 = vector.load %arg5[%swap3A_2058, %swap3A_2059, %swap3A_2060] : memref<16x128x512xf32, #tpu.memory_space<vmem>>, vector<1x128x512xf32>
        %swap3A_2062 = vector.shape_cast %swap3A_2061 : vector<1x128x512xf32> to vector<128x512xf32>
        %swap3A_2063 = vector.shape_cast %select_n3A_2057 : vector<128x512xf32> to vector<1x128x512xf32>
        tpu.vector_store %arg5[%swap3A_2058, %swap3A_2059, %swap3A_2060], %swap3A_2063 {strides = array<i32>} : memref<16x128x512xf32, #tpu.memory_space<vmem>>, vector<1x128x512xf32>,
        %min3A_2064 = arith.minimumf %min3A_2044, %select_n3A_2057 : vector<128x512xf32>
        %eq3A_2065 = arith.constant 12 : i32
        %eq3A_2066 = vector.broadcast %eq3A_2065 : i32 to vector<128x1xi32>
        %eq3A_2067 = arith.cmpi eq, %shift_right_logical3A_1823, %eq3A_2066 : vector<128x1xi32>
        %and3A_2068 = vector.broadcast %eq3A_2067 : vector<128x1xi1> to vector<128x512xi1>
        %and3A_2069 = arith.andi %eq3A_1825, %and3A_2068 : vector<128x512xi1>
        %get3A_2070 = arith.constant 12 : index
        %get3A_2071 = arith.constant 0 : index
        %get3A_2072 = arith.constant 0 : index
        %get3A_2073 = vector.load %arg5[%get3A_2070, %get3A_2071, %get3A_2072] : memref<16x128x512xf32, #tpu.memory_space<vmem>>, vector<1x128x512xf32>
        %get3A_2074 = vector.shape_cast %get3A_2073 : vector<1x128x512xf32> to vector<128x512xf32>
        %jit3A_2075 = arith.constant 0x7F800000 : f32
        %broadcast_in_dim3A_2076 = vector.broadcast %jit3A_2075 : f32 to vector<128x512xf32>
        %select_n3A_2077 = arith.select %and3A_2069, %broadcast_in_dim3A_2076, %get3A_2074 : vector<128x512xi1>, vector<128x512xf32>
        %swap3A_2078 = arith.constant 12 : index
        %swap3A_2079 = arith.constant 0 : index
        %swap3A_2080 = arith.constant 0 : index
        %swap3A_2081 = vector.load %arg5[%swap3A_2078, %swap3A_2079, %swap3A_2080] : memref<16x128x512xf32, #tpu.memory_space<vmem>>, vector<1x128x512xf32>
        %swap3A_2082 = vector.shape_cast %swap3A_2081 : vector<1x128x512xf32> to vector<128x512xf32>
        %swap3A_2083 = vector.shape_cast %select_n3A_2077 : vector<128x512xf32> to vector<1x128x512xf32>
        tpu.vector_store %arg5[%swap3A_2078, %swap3A_2079, %swap3A_2080], %swap3A_2083 {strides = array<i32>} : memref<16x128x512xf32, #tpu.memory_space<vmem>>, vector<1x128x512xf32>,
        %min3A_2084 = arith.minimumf %min3A_2064, %select_n3A_2077 : vector<128x512xf32>
        %eq3A_2085 = arith.constant 13 : i32
        %eq3A_2086 = vector.broadcast %eq3A_2085 : i32 to vector<128x1xi32>
        %eq3A_2087 = arith.cmpi eq, %shift_right_logical3A_1823, %eq3A_2086 : vector<128x1xi32>
        %and3A_2088 = vector.broadcast %eq3A_2087 : vector<128x1xi1> to vector<128x512xi1>
        %and3A_2089 = arith.andi %eq3A_1825, %and3A_2088 : vector<128x512xi1>
        %get3A_2090 = arith.constant 13 : index
        %get3A_2091 = arith.constant 0 : index
        %get3A_2092 = arith.constant 0 : index
        %get3A_2093 = vector.load %arg5[%get3A_2090, %get3A_2091, %get3A_2092] : memref<16x128x512xf32, #tpu.memory_space<vmem>>, vector<1x128x512xf32>
        %get3A_2094 = vector.shape_cast %get3A_2093 : vector<1x128x512xf32> to vector<128x512xf32>
        %jit3A_2095 = arith.constant 0x7F800000 : f32
        %broadcast_in_dim3A_2096 = vector.broadcast %jit3A_2095 : f32 to vector<128x512xf32>
        %select_n3A_2097 = arith.select %and3A_2089, %broadcast_in_dim3A_2096, %get3A_2094 : vector<128x512xi1>, vector<128x512xf32>
        %swap3A_2098 = arith.constant 13 : index
        %swap3A_2099 = arith.constant 0 : index
        %swap3A_2100 = arith.constant 0 : index
        %swap3A_2101 = vector.load %arg5[%swap3A_2098, %swap3A_2099, %swap3A_2100] : memref<16x128x512xf32, #tpu.memory_space<vmem>>, vector<1x128x512xf32>
        %swap3A_2102 = vector.shape_cast %swap3A_2101 : vector<1x128x512xf32> to vector<128x512xf32>
        %swap3A_2103 = vector.shape_cast %select_n3A_2097 : vector<128x512xf32> to vector<1x128x512xf32>
        tpu.vector_store %arg5[%swap3A_2098, %swap3A_2099, %swap3A_2100], %swap3A_2103 {strides = array<i32>} : memref<16x128x512xf32, #tpu.memory_space<vmem>>, vector<1x128x512xf32>,
        %min3A_2104 = arith.minimumf %min3A_2084, %select_n3A_2097 : vector<128x512xf32>
        %eq3A_2105 = arith.constant 14 : i32
        %eq3A_2106 = vector.broadcast %eq3A_2105 : i32 to vector<128x1xi32>
        %eq3A_2107 = arith.cmpi eq, %shift_right_logical3A_1823, %eq3A_2106 : vector<128x1xi32>
        %and3A_2108 = vector.broadcast %eq3A_2107 : vector<128x1xi1> to vector<128x512xi1>
        %and3A_2109 = arith.andi %eq3A_1825, %and3A_2108 : vector<128x512xi1>
        %get3A_2110 = arith.constant 14 : index
        %get3A_2111 = arith.constant 0 : index
        %get3A_2112 = arith.constant 0 : index
        %get3A_2113 = vector.load %arg5[%get3A_2110, %get3A_2111, %get3A_2112] : memref<16x128x512xf32, #tpu.memory_space<vmem>>, vector<1x128x512xf32>
        %get3A_2114 = vector.shape_cast %get3A_2113 : vector<1x128x512xf32> to vector<128x512xf32>
        %jit3A_2115 = arith.constant 0x7F800000 : f32
        %broadcast_in_dim3A_2116 = vector.broadcast %jit3A_2115 : f32 to vector<128x512xf32>
        %select_n3A_2117 = arith.select %and3A_2109, %broadcast_in_dim3A_2116, %get3A_2114 : vector<128x512xi1>, vector<128x512xf32>
        %swap3A_2118 = arith.constant 14 : index
        %swap3A_2119 = arith.constant 0 : index
        %swap3A_2120 = arith.constant 0 : index
        %swap3A_2121 = vector.load %arg5[%swap3A_2118, %swap3A_2119, %swap3A_2120] : memref<16x128x512xf32, #tpu.memory_space<vmem>>, vector<1x128x512xf32>
        %swap3A_2122 = vector.shape_cast %swap3A_2121 : vector<1x128x512xf32> to vector<128x512xf32>
        %swap3A_2123 = vector.shape_cast %select_n3A_2117 : vector<128x512xf32> to vector<1x128x512xf32>
        tpu.vector_store %arg5[%swap3A_2118, %swap3A_2119, %swap3A_2120], %swap3A_2123 {strides = array<i32>} : memref<16x128x512xf32, #tpu.memory_space<vmem>>, vector<1x128x512xf32>,
        %min3A_2124 = arith.minimumf %min3A_2104, %select_n3A_2117 : vector<128x512xf32>
        %eq3A_2125 = arith.constant 15 : i32
        %eq3A_2126 = vector.broadcast %eq3A_2125 : i32 to vector<128x1xi32>
        %eq3A_2127 = arith.cmpi eq, %shift_right_logical3A_1823, %eq3A_2126 : vector<128x1xi32>
        %and3A_2128 = vector.broadcast %eq3A_2127 : vector<128x1xi1> to vector<128x512xi1>
        %and3A_2129 = arith.andi %eq3A_1825, %and3A_2128 : vector<128x512xi1>
        %get3A_2130 = arith.constant 15 : index
        %get3A_2131 = arith.constant 0 : index
        %get3A_2132 = arith.constant 0 : index
        %get3A_2133 = vector.load %arg5[%get3A_2130, %get3A_2131, %get3A_2132] : memref<16x128x512xf32, #tpu.memory_space<vmem>>, vector<1x128x512xf32>
        %get3A_2134 = vector.shape_cast %get3A_2133 : vector<1x128x512xf32> to vector<128x512xf32>
        %jit3A_2135 = arith.constant 0x7F800000 : f32
        %broadcast_in_dim3A_2136 = vector.broadcast %jit3A_2135 : f32 to vector<128x512xf32>
        %select_n3A_2137 = arith.select %and3A_2129, %broadcast_in_dim3A_2136, %get3A_2134 : vector<128x512xi1>, vector<128x512xf32>
        %swap3A_2138 = arith.constant 15 : index
        %swap3A_2139 = arith.constant 0 : index
        %swap3A_2140 = arith.constant 0 : index
        %swap3A_2141 = vector.load %arg5[%swap3A_2138, %swap3A_2139, %swap3A_2140] : memref<16x128x512xf32, #tpu.memory_space<vmem>>, vector<1x128x512xf32>
        %swap3A_2142 = vector.shape_cast %swap3A_2141 : vector<1x128x512xf32> to vector<128x512xf32>
        %swap3A_2143 = vector.shape_cast %select_n3A_2137 : vector<128x512xf32> to vector<1x128x512xf32>
        tpu.vector_store %arg5[%swap3A_2138, %swap3A_2139, %swap3A_2140], %swap3A_2143 {strides = array<i32>} : memref<16x128x512xf32, #tpu.memory_space<vmem>>, vector<1x128x512xf32>,
        %min3A_2144 = arith.minimumf %min3A_2124, %select_n3A_2137 : vector<128x512xf32>
        %jit3A_2145 = arith.constant 0x7F800000 : f32
        %broadcast_in_dim3A_2146 = vector.broadcast %jit3A_2145 : f32 to vector<128x512xf32>
        %select_n3A_2147 = arith.select %eq3A_1825, %min3A_2144, %broadcast_in_dim3A_2146 : vector<128x512xi1>, vector<128x512xf32>
        %reduce_min3A_2148 = arith.constant dense<0x7F800000> : vector<128xf32>
        %reduce_min3A_2149 = vector.multi_reduction <minimumf>, %select_n3A_2147, %reduce_min3A_2148 [1] : vector<128x512xf32> to vector<128xf32>
        %broadcast_in_dim3A_2150 = vector.shape_cast %reduce_min3A_2149 : vector<128xf32> to vector<128x1xf32>
        %broadcast_in_dim3A_2151 = arith.constant 16 : i32
        %broadcast_in_dim3A_2152 = vector.broadcast %broadcast_in_dim3A_2151 : i32 to vector<128x1xi32>
        %get3A_2153 = arith.constant 15 : index
        %get3A_2154 = arith.constant 0 : index
        %get3A_2155 = arith.constant 0 : index
        %get3A_2156 = vector.load %arg5[%get3A_2153, %get3A_2154, %get3A_2155] : memref<16x128x512xf32, #tpu.memory_space<vmem>>, vector<1x128x512xf32>
        %get3A_2157 = vector.shape_cast %get3A_2156 : vector<1x128x512xf32> to vector<128x512xf32>
        %eq3A_2158 = vector.broadcast %broadcast_in_dim3A_2150 : vector<128x1xf32> to vector<128x512xf32>
        %eq3A_2159 = arith.cmpf oeq, %get3A_2157, %eq3A_2158 : vector<128x512xf32>
        %and3A_2160 = arith.andi %eq3A_1825, %eq3A_2159 : vector<128x512xi1>
        %jit3A_2161 = arith.constant 1 : i32
        %jit3A_2162 = arith.constant 0 : i32
        %broadcast_in_dim3A_2163 = vector.broadcast %jit3A_2161 : i32 to vector<128x512xi32>
        %broadcast_in_dim3A_2164 = vector.broadcast %jit3A_2162 : i32 to vector<128x512xi32>
        %select_n3A_2165 = arith.select %and3A_2160, %broadcast_in_dim3A_2163, %broadcast_in_dim3A_2164 : vector<128x512xi1>, vector<128x512xi32>
        %reduce_max3A_2166 = arith.constant dense<-2147483648> : vector<128xi32>
        %reduce_max3A_2167 = vector.multi_reduction <maxsi>, %select_n3A_2165, %reduce_max3A_2166 [1] : vector<128x512xi32> to vector<128xi32>
        %broadcast_in_dim3A_2168 = vector.shape_cast %reduce_max3A_2167 : vector<128xi32> to vector<128x1xi32>
        %gt3A_2169 = arith.constant 0 : i32
        %gt3A_2170 = vector.broadcast %gt3A_2169 : i32 to vector<128x1xi32>
        %gt3A_2171 = arith.cmpi sgt, %broadcast_in_dim3A_2168, %gt3A_2170 : vector<128x1xi32>
        %jit3A_2172 = arith.constant 15 : i32
        %broadcast_in_dim3A_2173 = vector.broadcast %jit3A_2172 : i32 to vector<128x1xi32>
        %select_n3A_2174 = arith.select %gt3A_2171, %broadcast_in_dim3A_2173, %broadcast_in_dim3A_2152 : vector<128x1xi1>, vector<128x1xi32>
        %get3A_2175 = arith.constant 14 : index
        %get3A_2176 = arith.constant 0 : index
        %get3A_2177 = arith.constant 0 : index
        %get3A_2178 = vector.load %arg5[%get3A_2175, %get3A_2176, %get3A_2177] : memref<16x128x512xf32, #tpu.memory_space<vmem>>, vector<1x128x512xf32>
        %get3A_2179 = vector.shape_cast %get3A_2178 : vector<1x128x512xf32> to vector<128x512xf32>
        %eq3A_2180 = vector.broadcast %broadcast_in_dim3A_2150 : vector<128x1xf32> to vector<128x512xf32>
        %eq3A_2181 = arith.cmpf oeq, %get3A_2179, %eq3A_2180 : vector<128x512xf32>
        %and3A_2182 = arith.andi %eq3A_1825, %eq3A_2181 : vector<128x512xi1>
        %jit3A_2183 = arith.constant 1 : i32
        %jit3A_2184 = arith.constant 0 : i32
        %broadcast_in_dim3A_2185 = vector.broadcast %jit3A_2183 : i32 to vector<128x512xi32>
        %broadcast_in_dim3A_2186 = vector.broadcast %jit3A_2184 : i32 to vector<128x512xi32>
        %select_n3A_2187 = arith.select %and3A_2182, %broadcast_in_dim3A_2185, %broadcast_in_dim3A_2186 : vector<128x512xi1>, vector<128x512xi32>
        %reduce_max3A_2188 = arith.constant dense<-2147483648> : vector<128xi32>
        %reduce_max3A_2189 = vector.multi_reduction <maxsi>, %select_n3A_2187, %reduce_max3A_2188 [1] : vector<128x512xi32> to vector<128xi32>
        %broadcast_in_dim3A_2190 = vector.shape_cast %reduce_max3A_2189 : vector<128xi32> to vector<128x1xi32>
        %gt3A_2191 = arith.constant 0 : i32
        %gt3A_2192 = vector.broadcast %gt3A_2191 : i32 to vector<128x1xi32>
        %gt3A_2193 = arith.cmpi sgt, %broadcast_in_dim3A_2190, %gt3A_2192 : vector<128x1xi32>
        %jit3A_2194 = arith.constant 14 : i32
        %broadcast_in_dim3A_2195 = vector.broadcast %jit3A_2194 : i32 to vector<128x1xi32>
        %select_n3A_2196 = arith.select %gt3A_2193, %broadcast_in_dim3A_2195, %select_n3A_2174 : vector<128x1xi1>, vector<128x1xi32>
        %get3A_2197 = arith.constant 13 : index
        %get3A_2198 = arith.constant 0 : index
        %get3A_2199 = arith.constant 0 : index
        %get3A_2200 = vector.load %arg5[%get3A_2197, %get3A_2198, %get3A_2199] : memref<16x128x512xf32, #tpu.memory_space<vmem>>, vector<1x128x512xf32>
        %get3A_2201 = vector.shape_cast %get3A_2200 : vector<1x128x512xf32> to vector<128x512xf32>
        %eq3A_2202 = vector.broadcast %broadcast_in_dim3A_2150 : vector<128x1xf32> to vector<128x512xf32>
        %eq3A_2203 = arith.cmpf oeq, %get3A_2201, %eq3A_2202 : vector<128x512xf32>
        %and3A_2204 = arith.andi %eq3A_1825, %eq3A_2203 : vector<128x512xi1>
        %jit3A_2205 = arith.constant 1 : i32
        %jit3A_2206 = arith.constant 0 : i32
        %broadcast_in_dim3A_2207 = vector.broadcast %jit3A_2205 : i32 to vector<128x512xi32>
        %broadcast_in_dim3A_2208 = vector.broadcast %jit3A_2206 : i32 to vector<128x512xi32>
        %select_n3A_2209 = arith.select %and3A_2204, %broadcast_in_dim3A_2207, %broadcast_in_dim3A_2208 : vector<128x512xi1>, vector<128x512xi32>
        %reduce_max3A_2210 = arith.constant dense<-2147483648> : vector<128xi32>
        %reduce_max3A_2211 = vector.multi_reduction <maxsi>, %select_n3A_2209, %reduce_max3A_2210 [1] : vector<128x512xi32> to vector<128xi32>
        %broadcast_in_dim3A_2212 = vector.shape_cast %reduce_max3A_2211 : vector<128xi32> to vector<128x1xi32>
        %gt3A_2213 = arith.constant 0 : i32
        %gt3A_2214 = vector.broadcast %gt3A_2213 : i32 to vector<128x1xi32>
        %gt3A_2215 = arith.cmpi sgt, %broadcast_in_dim3A_2212, %gt3A_2214 : vector<128x1xi32>
        %jit3A_2216 = arith.constant 13 : i32
        %broadcast_in_dim3A_2217 = vector.broadcast %jit3A_2216 : i32 to vector<128x1xi32>
        %select_n3A_2218 = arith.select %gt3A_2215, %broadcast_in_dim3A_2217, %select_n3A_2196 : vector<128x1xi1>, vector<128x1xi32>
        %get3A_2219 = arith.constant 12 : index
        %get3A_2220 = arith.constant 0 : index
        %get3A_2221 = arith.constant 0 : index
        %get3A_2222 = vector.load %arg5[%get3A_2219, %get3A_2220, %get3A_2221] : memref<16x128x512xf32, #tpu.memory_space<vmem>>, vector<1x128x512xf32>
        %get3A_2223 = vector.shape_cast %get3A_2222 : vector<1x128x512xf32> to vector<128x512xf32>
        %eq3A_2224 = vector.broadcast %broadcast_in_dim3A_2150 : vector<128x1xf32> to vector<128x512xf32>
        %eq3A_2225 = arith.cmpf oeq, %get3A_2223, %eq3A_2224 : vector<128x512xf32>
        %and3A_2226 = arith.andi %eq3A_1825, %eq3A_2225 : vector<128x512xi1>
        %jit3A_2227 = arith.constant 1 : i32
        %jit3A_2228 = arith.constant 0 : i32
        %broadcast_in_dim3A_2229 = vector.broadcast %jit3A_2227 : i32 to vector<128x512xi32>
        %broadcast_in_dim3A_2230 = vector.broadcast %jit3A_2228 : i32 to vector<128x512xi32>
        %select_n3A_2231 = arith.select %and3A_2226, %broadcast_in_dim3A_2229, %broadcast_in_dim3A_2230 : vector<128x512xi1>, vector<128x512xi32>
        %reduce_max3A_2232 = arith.constant dense<-2147483648> : vector<128xi32>
        %reduce_max3A_2233 = vector.multi_reduction <maxsi>, %select_n3A_2231, %reduce_max3A_2232 [1] : vector<128x512xi32> to vector<128xi32>
        %broadcast_in_dim3A_2234 = vector.shape_cast %reduce_max3A_2233 : vector<128xi32> to vector<128x1xi32>
        %gt3A_2235 = arith.constant 0 : i32
        %gt3A_2236 = vector.broadcast %gt3A_2235 : i32 to vector<128x1xi32>
        %gt3A_2237 = arith.cmpi sgt, %broadcast_in_dim3A_2234, %gt3A_2236 : vector<128x1xi32>
        %jit3A_2238 = arith.constant 12 : i32
        %broadcast_in_dim3A_2239 = vector.broadcast %jit3A_2238 : i32 to vector<128x1xi32>
        %select_n3A_2240 = arith.select %gt3A_2237, %broadcast_in_dim3A_2239, %select_n3A_2218 : vector<128x1xi1>, vector<128x1xi32>
        %get3A_2241 = arith.constant 11 : index
        %get3A_2242 = arith.constant 0 : index
        %get3A_2243 = arith.constant 0 : index
        %get3A_2244 = vector.load %arg5[%get3A_2241, %get3A_2242, %get3A_2243] : memref<16x128x512xf32, #tpu.memory_space<vmem>>, vector<1x128x512xf32>
        %get3A_2245 = vector.shape_cast %get3A_2244 : vector<1x128x512xf32> to vector<128x512xf32>
        %eq3A_2246 = vector.broadcast %broadcast_in_dim3A_2150 : vector<128x1xf32> to vector<128x512xf32>
        %eq3A_2247 = arith.cmpf oeq, %get3A_2245, %eq3A_2246 : vector<128x512xf32>
        %and3A_2248 = arith.andi %eq3A_1825, %eq3A_2247 : vector<128x512xi1>
        %jit3A_2249 = arith.constant 1 : i32
        %jit3A_2250 = arith.constant 0 : i32
        %broadcast_in_dim3A_2251 = vector.broadcast %jit3A_2249 : i32 to vector<128x512xi32>
        %broadcast_in_dim3A_2252 = vector.broadcast %jit3A_2250 : i32 to vector<128x512xi32>
        %select_n3A_2253 = arith.select %and3A_2248, %broadcast_in_dim3A_2251, %broadcast_in_dim3A_2252 : vector<128x512xi1>, vector<128x512xi32>
        %reduce_max3A_2254 = arith.constant dense<-2147483648> : vector<128xi32>
        %reduce_max3A_2255 = vector.multi_reduction <maxsi>, %select_n3A_2253, %reduce_max3A_2254 [1] : vector<128x512xi32> to vector<128xi32>
        %broadcast_in_dim3A_2256 = vector.shape_cast %reduce_max3A_2255 : vector<128xi32> to vector<128x1xi32>
        %gt3A_2257 = arith.constant 0 : i32
        %gt3A_2258 = vector.broadcast %gt3A_2257 : i32 to vector<128x1xi32>
        %gt3A_2259 = arith.cmpi sgt, %broadcast_in_dim3A_2256, %gt3A_2258 : vector<128x1xi32>
        %jit3A_2260 = arith.constant 11 : i32
        %broadcast_in_dim3A_2261 = vector.broadcast %jit3A_2260 : i32 to vector<128x1xi32>
        %select_n3A_2262 = arith.select %gt3A_2259, %broadcast_in_dim3A_2261, %select_n3A_2240 : vector<128x1xi1>, vector<128x1xi32>
        %get3A_2263 = arith.constant 10 : index
        %get3A_2264 = arith.constant 0 : index
        %get3A_2265 = arith.constant 0 : index
        %get3A_2266 = vector.load %arg5[%get3A_2263, %get3A_2264, %get3A_2265] : memref<16x128x512xf32, #tpu.memory_space<vmem>>, vector<1x128x512xf32>
        %get3A_2267 = vector.shape_cast %get3A_2266 : vector<1x128x512xf32> to vector<128x512xf32>
        %eq3A_2268 = vector.broadcast %broadcast_in_dim3A_2150 : vector<128x1xf32> to vector<128x512xf32>
        %eq3A_2269 = arith.cmpf oeq, %get3A_2267, %eq3A_2268 : vector<128x512xf32>
        %and3A_2270 = arith.andi %eq3A_1825, %eq3A_2269 : vector<128x512xi1>
        %jit3A_2271 = arith.constant 1 : i32
        %jit3A_2272 = arith.constant 0 : i32
        %broadcast_in_dim3A_2273 = vector.broadcast %jit3A_2271 : i32 to vector<128x512xi32>
        %broadcast_in_dim3A_2274 = vector.broadcast %jit3A_2272 : i32 to vector<128x512xi32>
        %select_n3A_2275 = arith.select %and3A_2270, %broadcast_in_dim3A_2273, %broadcast_in_dim3A_2274 : vector<128x512xi1>, vector<128x512xi32>
        %reduce_max3A_2276 = arith.constant dense<-2147483648> : vector<128xi32>
        %reduce_max3A_2277 = vector.multi_reduction <maxsi>, %select_n3A_2275, %reduce_max3A_2276 [1] : vector<128x512xi32> to vector<128xi32>
        %broadcast_in_dim3A_2278 = vector.shape_cast %reduce_max3A_2277 : vector<128xi32> to vector<128x1xi32>
        %gt3A_2279 = arith.constant 0 : i32
        %gt3A_2280 = vector.broadcast %gt3A_2279 : i32 to vector<128x1xi32>
        %gt3A_2281 = arith.cmpi sgt, %broadcast_in_dim3A_2278, %gt3A_2280 : vector<128x1xi32>
        %jit3A_2282 = arith.constant 10 : i32
        %broadcast_in_dim3A_2283 = vector.broadcast %jit3A_2282 : i32 to vector<128x1xi32>
        %select_n3A_2284 = arith.select %gt3A_2281, %broadcast_in_dim3A_2283, %select_n3A_2262 : vector<128x1xi1>, vector<128x1xi32>
        %get3A_2285 = arith.constant 9 : index
        %get3A_2286 = arith.constant 0 : index
        %get3A_2287 = arith.constant 0 : index
        %get3A_2288 = vector.load %arg5[%get3A_2285, %get3A_2286, %get3A_2287] : memref<16x128x512xf32, #tpu.memory_space<vmem>>, vector<1x128x512xf32>
        %get3A_2289 = vector.shape_cast %get3A_2288 : vector<1x128x512xf32> to vector<128x512xf32>
        %eq3A_2290 = vector.broadcast %broadcast_in_dim3A_2150 : vector<128x1xf32> to vector<128x512xf32>
        %eq3A_2291 = arith.cmpf oeq, %get3A_2289, %eq3A_2290 : vector<128x512xf32>
        %and3A_2292 = arith.andi %eq3A_1825, %eq3A_2291 : vector<128x512xi1>
        %jit3A_2293 = arith.constant 1 : i32
        %jit3A_2294 = arith.constant 0 : i32
        %broadcast_in_dim3A_2295 = vector.broadcast %jit3A_2293 : i32 to vector<128x512xi32>
        %broadcast_in_dim3A_2296 = vector.broadcast %jit3A_2294 : i32 to vector<128x512xi32>
        %select_n3A_2297 = arith.select %and3A_2292, %broadcast_in_dim3A_2295, %broadcast_in_dim3A_2296 : vector<128x512xi1>, vector<128x512xi32>
        %reduce_max3A_2298 = arith.constant dense<-2147483648> : vector<128xi32>
        %reduce_max3A_2299 = vector.multi_reduction <maxsi>, %select_n3A_2297, %reduce_max3A_2298 [1] : vector<128x512xi32> to vector<128xi32>
        %broadcast_in_dim3A_2300 = vector.shape_cast %reduce_max3A_2299 : vector<128xi32> to vector<128x1xi32>
        %gt3A_2301 = arith.constant 0 : i32
        %gt3A_2302 = vector.broadcast %gt3A_2301 : i32 to vector<128x1xi32>
        %gt3A_2303 = arith.cmpi sgt, %broadcast_in_dim3A_2300, %gt3A_2302 : vector<128x1xi32>
        %jit3A_2304 = arith.constant 9 : i32
        %broadcast_in_dim3A_2305 = vector.broadcast %jit3A_2304 : i32 to vector<128x1xi32>
        %select_n3A_2306 = arith.select %gt3A_2303, %broadcast_in_dim3A_2305, %select_n3A_2284 : vector<128x1xi1>, vector<128x1xi32>
        %get3A_2307 = arith.constant 8 : index
        %get3A_2308 = arith.constant 0 : index
        %get3A_2309 = arith.constant 0 : index
        %get3A_2310 = vector.load %arg5[%get3A_2307, %get3A_2308, %get3A_2309] : memref<16x128x512xf32, #tpu.memory_space<vmem>>, vector<1x128x512xf32>
        %get3A_2311 = vector.shape_cast %get3A_2310 : vector<1x128x512xf32> to vector<128x512xf32>
        %eq3A_2312 = vector.broadcast %broadcast_in_dim3A_2150 : vector<128x1xf32> to vector<128x512xf32>
        %eq3A_2313 = arith.cmpf oeq, %get3A_2311, %eq3A_2312 : vector<128x512xf32>
        %and3A_2314 = arith.andi %eq3A_1825, %eq3A_2313 : vector<128x512xi1>
        %jit3A_2315 = arith.constant 1 : i32
        %jit3A_2316 = arith.constant 0 : i32
        %broadcast_in_dim3A_2317 = vector.broadcast %jit3A_2315 : i32 to vector<128x512xi32>
        %broadcast_in_dim3A_2318 = vector.broadcast %jit3A_2316 : i32 to vector<128x512xi32>
        %select_n3A_2319 = arith.select %and3A_2314, %broadcast_in_dim3A_2317, %broadcast_in_dim3A_2318 : vector<128x512xi1>, vector<128x512xi32>
        %reduce_max3A_2320 = arith.constant dense<-2147483648> : vector<128xi32>
        %reduce_max3A_2321 = vector.multi_reduction <maxsi>, %select_n3A_2319, %reduce_max3A_2320 [1] : vector<128x512xi32> to vector<128xi32>
        %broadcast_in_dim3A_2322 = vector.shape_cast %reduce_max3A_2321 : vector<128xi32> to vector<128x1xi32>
        %gt3A_2323 = arith.constant 0 : i32
        %gt3A_2324 = vector.broadcast %gt3A_2323 : i32 to vector<128x1xi32>
        %gt3A_2325 = arith.cmpi sgt, %broadcast_in_dim3A_2322, %gt3A_2324 : vector<128x1xi32>
        %jit3A_2326 = arith.constant 8 : i32
        %broadcast_in_dim3A_2327 = vector.broadcast %jit3A_2326 : i32 to vector<128x1xi32>
        %select_n3A_2328 = arith.select %gt3A_2325, %broadcast_in_dim3A_2327, %select_n3A_2306 : vector<128x1xi1>, vector<128x1xi32>
        %get3A_2329 = arith.constant 7 : index
        %get3A_2330 = arith.constant 0 : index
        %get3A_2331 = arith.constant 0 : index
        %get3A_2332 = vector.load %arg5[%get3A_2329, %get3A_2330, %get3A_2331] : memref<16x128x512xf32, #tpu.memory_space<vmem>>, vector<1x128x512xf32>
        %get3A_2333 = vector.shape_cast %get3A_2332 : vector<1x128x512xf32> to vector<128x512xf32>
        %eq3A_2334 = vector.broadcast %broadcast_in_dim3A_2150 : vector<128x1xf32> to vector<128x512xf32>
        %eq3A_2335 = arith.cmpf oeq, %get3A_2333, %eq3A_2334 : vector<128x512xf32>
        %and3A_2336 = arith.andi %eq3A_1825, %eq3A_2335 : vector<128x512xi1>
        %jit3A_2337 = arith.constant 1 : i32
        %jit3A_2338 = arith.constant 0 : i32
        %broadcast_in_dim3A_2339 = vector.broadcast %jit3A_2337 : i32 to vector<128x512xi32>
        %broadcast_in_dim3A_2340 = vector.broadcast %jit3A_2338 : i32 to vector<128x512xi32>
        %select_n3A_2341 = arith.select %and3A_2336, %broadcast_in_dim3A_2339, %broadcast_in_dim3A_2340 : vector<128x512xi1>, vector<128x512xi32>
        %reduce_max3A_2342 = arith.constant dense<-2147483648> : vector<128xi32>
        %reduce_max3A_2343 = vector.multi_reduction <maxsi>, %select_n3A_2341, %reduce_max3A_2342 [1] : vector<128x512xi32> to vector<128xi32>
        %broadcast_in_dim3A_2344 = vector.shape_cast %reduce_max3A_2343 : vector<128xi32> to vector<128x1xi32>
        %gt3A_2345 = arith.constant 0 : i32
        %gt3A_2346 = vector.broadcast %gt3A_2345 : i32 to vector<128x1xi32>
        %gt3A_2347 = arith.cmpi sgt, %broadcast_in_dim3A_2344, %gt3A_2346 : vector<128x1xi32>
        %jit3A_2348 = arith.constant 7 : i32
        %broadcast_in_dim3A_2349 = vector.broadcast %jit3A_2348 : i32 to vector<128x1xi32>
        %select_n3A_2350 = arith.select %gt3A_2347, %broadcast_in_dim3A_2349, %select_n3A_2328 : vector<128x1xi1>, vector<128x1xi32>
        %get3A_2351 = arith.constant 6 : index
        %get3A_2352 = arith.constant 0 : index
        %get3A_2353 = arith.constant 0 : index
        %get3A_2354 = vector.load %arg5[%get3A_2351, %get3A_2352, %get3A_2353] : memref<16x128x512xf32, #tpu.memory_space<vmem>>, vector<1x128x512xf32>
        %get3A_2355 = vector.shape_cast %get3A_2354 : vector<1x128x512xf32> to vector<128x512xf32>
        %eq3A_2356 = vector.broadcast %broadcast_in_dim3A_2150 : vector<128x1xf32> to vector<128x512xf32>
        %eq3A_2357 = arith.cmpf oeq, %get3A_2355, %eq3A_2356 : vector<128x512xf32>
        %and3A_2358 = arith.andi %eq3A_1825, %eq3A_2357 : vector<128x512xi1>
        %jit3A_2359 = arith.constant 1 : i32
        %jit3A_2360 = arith.constant 0 : i32
        %broadcast_in_dim3A_2361 = vector.broadcast %jit3A_2359 : i32 to vector<128x512xi32>
        %broadcast_in_dim3A_2362 = vector.broadcast %jit3A_2360 : i32 to vector<128x512xi32>
        %select_n3A_2363 = arith.select %and3A_2358, %broadcast_in_dim3A_2361, %broadcast_in_dim3A_2362 : vector<128x512xi1>, vector<128x512xi32>
        %reduce_max3A_2364 = arith.constant dense<-2147483648> : vector<128xi32>
        %reduce_max3A_2365 = vector.multi_reduction <maxsi>, %select_n3A_2363, %reduce_max3A_2364 [1] : vector<128x512xi32> to vector<128xi32>
        %broadcast_in_dim3A_2366 = vector.shape_cast %reduce_max3A_2365 : vector<128xi32> to vector<128x1xi32>
        %gt3A_2367 = arith.constant 0 : i32
        %gt3A_2368 = vector.broadcast %gt3A_2367 : i32 to vector<128x1xi32>
        %gt3A_2369 = arith.cmpi sgt, %broadcast_in_dim3A_2366, %gt3A_2368 : vector<128x1xi32>
        %jit3A_2370 = arith.constant 6 : i32
        %broadcast_in_dim3A_2371 = vector.broadcast %jit3A_2370 : i32 to vector<128x1xi32>
        %select_n3A_2372 = arith.select %gt3A_2369, %broadcast_in_dim3A_2371, %select_n3A_2350 : vector<128x1xi1>, vector<128x1xi32>
        %get3A_2373 = arith.constant 5 : index
        %get3A_2374 = arith.constant 0 : index
        %get3A_2375 = arith.constant 0 : index
        %get3A_2376 = vector.load %arg5[%get3A_2373, %get3A_2374, %get3A_2375] : memref<16x128x512xf32, #tpu.memory_space<vmem>>, vector<1x128x512xf32>
        %get3A_2377 = vector.shape_cast %get3A_2376 : vector<1x128x512xf32> to vector<128x512xf32>
        %eq3A_2378 = vector.broadcast %broadcast_in_dim3A_2150 : vector<128x1xf32> to vector<128x512xf32>
        %eq3A_2379 = arith.cmpf oeq, %get3A_2377, %eq3A_2378 : vector<128x512xf32>
        %and3A_2380 = arith.andi %eq3A_1825, %eq3A_2379 : vector<128x512xi1>
        %jit3A_2381 = arith.constant 1 : i32
        %jit3A_2382 = arith.constant 0 : i32
        %broadcast_in_dim3A_2383 = vector.broadcast %jit3A_2381 : i32 to vector<128x512xi32>
        %broadcast_in_dim3A_2384 = vector.broadcast %jit3A_2382 : i32 to vector<128x512xi32>
        %select_n3A_2385 = arith.select %and3A_2380, %broadcast_in_dim3A_2383, %broadcast_in_dim3A_2384 : vector<128x512xi1>, vector<128x512xi32>
        %reduce_max3A_2386 = arith.constant dense<-2147483648> : vector<128xi32>
        %reduce_max3A_2387 = vector.multi_reduction <maxsi>, %select_n3A_2385, %reduce_max3A_2386 [1] : vector<128x512xi32> to vector<128xi32>
        %broadcast_in_dim3A_2388 = vector.shape_cast %reduce_max3A_2387 : vector<128xi32> to vector<128x1xi32>
        %gt3A_2389 = arith.constant 0 : i32
        %gt3A_2390 = vector.broadcast %gt3A_2389 : i32 to vector<128x1xi32>
        %gt3A_2391 = arith.cmpi sgt, %broadcast_in_dim3A_2388, %gt3A_2390 : vector<128x1xi32>
        %jit3A_2392 = arith.constant 5 : i32
        %broadcast_in_dim3A_2393 = vector.broadcast %jit3A_2392 : i32 to vector<128x1xi32>
        %select_n3A_2394 = arith.select %gt3A_2391, %broadcast_in_dim3A_2393, %select_n3A_2372 : vector<128x1xi1>, vector<128x1xi32>
        %get3A_2395 = arith.constant 4 : index
        %get3A_2396 = arith.constant 0 : index
        %get3A_2397 = arith.constant 0 : index
        %get3A_2398 = vector.load %arg5[%get3A_2395, %get3A_2396, %get3A_2397] : memref<16x128x512xf32, #tpu.memory_space<vmem>>, vector<1x128x512xf32>
        %get3A_2399 = vector.shape_cast %get3A_2398 : vector<1x128x512xf32> to vector<128x512xf32>
        %eq3A_2400 = vector.broadcast %broadcast_in_dim3A_2150 : vector<128x1xf32> to vector<128x512xf32>
        %eq3A_2401 = arith.cmpf oeq, %get3A_2399, %eq3A_2400 : vector<128x512xf32>
        %and3A_2402 = arith.andi %eq3A_1825, %eq3A_2401 : vector<128x512xi1>
        %jit3A_2403 = arith.constant 1 : i32
        %jit3A_2404 = arith.constant 0 : i32
        %broadcast_in_dim3A_2405 = vector.broadcast %jit3A_2403 : i32 to vector<128x512xi32>
        %broadcast_in_dim3A_2406 = vector.broadcast %jit3A_2404 : i32 to vector<128x512xi32>
        %select_n3A_2407 = arith.select %and3A_2402, %broadcast_in_dim3A_2405, %broadcast_in_dim3A_2406 : vector<128x512xi1>, vector<128x512xi32>
        %reduce_max3A_2408 = arith.constant dense<-2147483648> : vector<128xi32>
        %reduce_max3A_2409 = vector.multi_reduction <maxsi>, %select_n3A_2407, %reduce_max3A_2408 [1] : vector<128x512xi32> to vector<128xi32>
        %broadcast_in_dim3A_2410 = vector.shape_cast %reduce_max3A_2409 : vector<128xi32> to vector<128x1xi32>
        %gt3A_2411 = arith.constant 0 : i32
        %gt3A_2412 = vector.broadcast %gt3A_2411 : i32 to vector<128x1xi32>
        %gt3A_2413 = arith.cmpi sgt, %broadcast_in_dim3A_2410, %gt3A_2412 : vector<128x1xi32>
        %jit3A_2414 = arith.constant 4 : i32
        %broadcast_in_dim3A_2415 = vector.broadcast %jit3A_2414 : i32 to vector<128x1xi32>
        %select_n3A_2416 = arith.select %gt3A_2413, %broadcast_in_dim3A_2415, %select_n3A_2394 : vector<128x1xi1>, vector<128x1xi32>
        %get3A_2417 = arith.constant 3 : index
        %get3A_2418 = arith.constant 0 : index
        %get3A_2419 = arith.constant 0 : index
        %get3A_2420 = vector.load %arg5[%get3A_2417, %get3A_2418, %get3A_2419] : memref<16x128x512xf32, #tpu.memory_space<vmem>>, vector<1x128x512xf32>
        %get3A_2421 = vector.shape_cast %get3A_2420 : vector<1x128x512xf32> to vector<128x512xf32>
        %eq3A_2422 = vector.broadcast %broadcast_in_dim3A_2150 : vector<128x1xf32> to vector<128x512xf32>
        %eq3A_2423 = arith.cmpf oeq, %get3A_2421, %eq3A_2422 : vector<128x512xf32>
        %and3A_2424 = arith.andi %eq3A_1825, %eq3A_2423 : vector<128x512xi1>
        %jit3A_2425 = arith.constant 1 : i32
        %jit3A_2426 = arith.constant 0 : i32
        %broadcast_in_dim3A_2427 = vector.broadcast %jit3A_2425 : i32 to vector<128x512xi32>
        %broadcast_in_dim3A_2428 = vector.broadcast %jit3A_2426 : i32 to vector<128x512xi32>
        %select_n3A_2429 = arith.select %and3A_2424, %broadcast_in_dim3A_2427, %broadcast_in_dim3A_2428 : vector<128x512xi1>, vector<128x512xi32>
        %reduce_max3A_2430 = arith.constant dense<-2147483648> : vector<128xi32>
        %reduce_max3A_2431 = vector.multi_reduction <maxsi>, %select_n3A_2429, %reduce_max3A_2430 [1] : vector<128x512xi32> to vector<128xi32>
        %broadcast_in_dim3A_2432 = vector.shape_cast %reduce_max3A_2431 : vector<128xi32> to vector<128x1xi32>
        %gt3A_2433 = arith.constant 0 : i32
        %gt3A_2434 = vector.broadcast %gt3A_2433 : i32 to vector<128x1xi32>
        %gt3A_2435 = arith.cmpi sgt, %broadcast_in_dim3A_2432, %gt3A_2434 : vector<128x1xi32>
        %jit3A_2436 = arith.constant 3 : i32
        %broadcast_in_dim3A_2437 = vector.broadcast %jit3A_2436 : i32 to vector<128x1xi32>
        %select_n3A_2438 = arith.select %gt3A_2435, %broadcast_in_dim3A_2437, %select_n3A_2416 : vector<128x1xi1>, vector<128x1xi32>
        %get3A_2439 = arith.constant 2 : index
        %get3A_2440 = arith.constant 0 : index
        %get3A_2441 = arith.constant 0 : index
        %get3A_2442 = vector.load %arg5[%get3A_2439, %get3A_2440, %get3A_2441] : memref<16x128x512xf32, #tpu.memory_space<vmem>>, vector<1x128x512xf32>
        %get3A_2443 = vector.shape_cast %get3A_2442 : vector<1x128x512xf32> to vector<128x512xf32>
        %eq3A_2444 = vector.broadcast %broadcast_in_dim3A_2150 : vector<128x1xf32> to vector<128x512xf32>
        %eq3A_2445 = arith.cmpf oeq, %get3A_2443, %eq3A_2444 : vector<128x512xf32>
        %and3A_2446 = arith.andi %eq3A_1825, %eq3A_2445 : vector<128x512xi1>
        %jit3A_2447 = arith.constant 1 : i32
        %jit3A_2448 = arith.constant 0 : i32
        %broadcast_in_dim3A_2449 = vector.broadcast %jit3A_2447 : i32 to vector<128x512xi32>
        %broadcast_in_dim3A_2450 = vector.broadcast %jit3A_2448 : i32 to vector<128x512xi32>
        %select_n3A_2451 = arith.select %and3A_2446, %broadcast_in_dim3A_2449, %broadcast_in_dim3A_2450 : vector<128x512xi1>, vector<128x512xi32>
        %reduce_max3A_2452 = arith.constant dense<-2147483648> : vector<128xi32>
        %reduce_max3A_2453 = vector.multi_reduction <maxsi>, %select_n3A_2451, %reduce_max3A_2452 [1] : vector<128x512xi32> to vector<128xi32>
        %broadcast_in_dim3A_2454 = vector.shape_cast %reduce_max3A_2453 : vector<128xi32> to vector<128x1xi32>
        %gt3A_2455 = arith.constant 0 : i32
        %gt3A_2456 = vector.broadcast %gt3A_2455 : i32 to vector<128x1xi32>
        %gt3A_2457 = arith.cmpi sgt, %broadcast_in_dim3A_2454, %gt3A_2456 : vector<128x1xi32>
        %jit3A_2458 = arith.constant 2 : i32
        %broadcast_in_dim3A_2459 = vector.broadcast %jit3A_2458 : i32 to vector<128x1xi32>
        %select_n3A_2460 = arith.select %gt3A_2457, %broadcast_in_dim3A_2459, %select_n3A_2438 : vector<128x1xi1>, vector<128x1xi32>
        %get3A_2461 = arith.constant 1 : index
        %get3A_2462 = arith.constant 0 : index
        %get3A_2463 = arith.constant 0 : index
        %get3A_2464 = vector.load %arg5[%get3A_2461, %get3A_2462, %get3A_2463] : memref<16x128x512xf32, #tpu.memory_space<vmem>>, vector<1x128x512xf32>
        %get3A_2465 = vector.shape_cast %get3A_2464 : vector<1x128x512xf32> to vector<128x512xf32>
        %eq3A_2466 = vector.broadcast %broadcast_in_dim3A_2150 : vector<128x1xf32> to vector<128x512xf32>
        %eq3A_2467 = arith.cmpf oeq, %get3A_2465, %eq3A_2466 : vector<128x512xf32>
        %and3A_2468 = arith.andi %eq3A_1825, %eq3A_2467 : vector<128x512xi1>
        %jit3A_2469 = arith.constant 1 : i32
        %jit3A_2470 = arith.constant 0 : i32
        %broadcast_in_dim3A_2471 = vector.broadcast %jit3A_2469 : i32 to vector<128x512xi32>
        %broadcast_in_dim3A_2472 = vector.broadcast %jit3A_2470 : i32 to vector<128x512xi32>
        %select_n3A_2473 = arith.select %and3A_2468, %broadcast_in_dim3A_2471, %broadcast_in_dim3A_2472 : vector<128x512xi1>, vector<128x512xi32>
        %reduce_max3A_2474 = arith.constant dense<-2147483648> : vector<128xi32>
        %reduce_max3A_2475 = vector.multi_reduction <maxsi>, %select_n3A_2473, %reduce_max3A_2474 [1] : vector<128x512xi32> to vector<128xi32>
        %broadcast_in_dim3A_2476 = vector.shape_cast %reduce_max3A_2475 : vector<128xi32> to vector<128x1xi32>
        %gt3A_2477 = arith.constant 0 : i32
        %gt3A_2478 = vector.broadcast %gt3A_2477 : i32 to vector<128x1xi32>
        %gt3A_2479 = arith.cmpi sgt, %broadcast_in_dim3A_2476, %gt3A_2478 : vector<128x1xi32>
        %jit3A_2480 = arith.constant 1 : i32
        %broadcast_in_dim3A_2481 = vector.broadcast %jit3A_2480 : i32 to vector<128x1xi32>
        %select_n3A_2482 = arith.select %gt3A_2479, %broadcast_in_dim3A_2481, %select_n3A_2460 : vector<128x1xi1>, vector<128x1xi32>
        %get3A_2483 = arith.constant 0 : index
        %get3A_2484 = arith.constant 0 : index
        %get3A_2485 = arith.constant 0 : index
        %get3A_2486 = vector.load %arg5[%get3A_2483, %get3A_2484, %get3A_2485] : memref<16x128x512xf32, #tpu.memory_space<vmem>>, vector<1x128x512xf32>
        %get3A_2487 = vector.shape_cast %get3A_2486 : vector<1x128x512xf32> to vector<128x512xf32>
        %eq3A_2488 = vector.broadcast %broadcast_in_dim3A_2150 : vector<128x1xf32> to vector<128x512xf32>
        %eq3A_2489 = arith.cmpf oeq, %get3A_2487, %eq3A_2488 : vector<128x512xf32>
        %and3A_2490 = arith.andi %eq3A_1825, %eq3A_2489 : vector<128x512xi1>
        %jit3A_2491 = arith.constant 1 : i32
        %jit3A_2492 = arith.constant 0 : i32
        %broadcast_in_dim3A_2493 = vector.broadcast %jit3A_2491 : i32 to vector<128x512xi32>
        %broadcast_in_dim3A_2494 = vector.broadcast %jit3A_2492 : i32 to vector<128x512xi32>
        %select_n3A_2495 = arith.select %and3A_2490, %broadcast_in_dim3A_2493, %broadcast_in_dim3A_2494 : vector<128x512xi1>, vector<128x512xi32>
        %reduce_max3A_2496 = arith.constant dense<-2147483648> : vector<128xi32>
        %reduce_max3A_2497 = vector.multi_reduction <maxsi>, %select_n3A_2495, %reduce_max3A_2496 [1] : vector<128x512xi32> to vector<128xi32>
        %broadcast_in_dim3A_2498 = vector.shape_cast %reduce_max3A_2497 : vector<128xi32> to vector<128x1xi32>
        %gt3A_2499 = arith.constant 0 : i32
        %gt3A_2500 = vector.broadcast %gt3A_2499 : i32 to vector<128x1xi32>
        %gt3A_2501 = arith.cmpi sgt, %broadcast_in_dim3A_2498, %gt3A_2500 : vector<128x1xi32>
        %jit3A_2502 = arith.constant 0 : i32
        %broadcast_in_dim3A_2503 = vector.broadcast %jit3A_2502 : i32 to vector<128x1xi32>
        %select_n3A_2504 = arith.select %gt3A_2501, %broadcast_in_dim3A_2503, %select_n3A_2482 : vector<128x1xi1>, vector<128x1xi32>
        %mul3A_2505 = arith.constant 512 : i32
        %mul3A_2506 = vector.broadcast %mul3A_2505 : i32 to vector<128x1xi32>
        %mul3A_2507 = arith.muli %select_n3A_2504, %mul3A_2506 : vector<128x1xi32>
        %add3A_2508 = arith.addi %mul3A_2507, %select_n3A_1821 : vector<128x1xi32>
        %get3A_2509 = arith.constant 0 : index
        %get3A_2510 = arith.constant 0 : index
        %get3A_2511 = vector.load %arg7[%get3A_2509, %get3A_2510] : memref<128x512xf32, #tpu.memory_space<vmem>>, vector<128x512xf32>
        %broadcast_in_dim3A_2512 = vector.shape_cast %broadcast_in_dim3A_2150 : vector<128x1xf32> to vector<128x1xf32>
        %broadcast_in_dim3A_2513 = vector.broadcast %broadcast_in_dim3A_2512 : vector<128x1xf32> to vector<128x512xf32>
        %select_n3A_2514 = arith.select %eq3A_1825, %broadcast_in_dim3A_2513, %get3A_2511 : vector<128x512xi1>, vector<128x512xf32>
        %swap3A_2515 = arith.constant 0 : index
        %swap3A_2516 = arith.constant 0 : index
        %swap3A_2517 = vector.load %arg7[%swap3A_2515, %swap3A_2516] : memref<128x512xf32, #tpu.memory_space<vmem>>, vector<128x512xf32>
        tpu.vector_store %arg7[%swap3A_2515, %swap3A_2516], %select_n3A_2514 {strides = array<i32>} : memref<128x512xf32, #tpu.memory_space<vmem>>, vector<128x512xf32>,
        %get3A_2518 = arith.constant 0 : index
        %get3A_2519 = arith.constant 0 : index
        %get3A_2520 = vector.load %arg8[%get3A_2518, %get3A_2519] : memref<128x512xi32, #tpu.memory_space<vmem>>, vector<128x512xi32>
        %broadcast_in_dim3A_2521 = vector.shape_cast %add3A_2508 : vector<128x1xi32> to vector<128x1xi32>
        %broadcast_in_dim3A_2522 = vector.broadcast %broadcast_in_dim3A_2521 : vector<128x1xi32> to vector<128x512xi32>
        %select_n3A_2523 = arith.select %eq3A_1825, %broadcast_in_dim3A_2522, %get3A_2520 : vector<128x512xi1>, vector<128x512xi32>
        %swap3A_2524 = arith.constant 0 : index
        %swap3A_2525 = arith.constant 0 : index
        %swap3A_2526 = vector.load %arg8[%swap3A_2524, %swap3A_2525] : memref<128x512xi32, #tpu.memory_space<vmem>>, vector<128x512xi32>
        tpu.vector_store %arg8[%swap3A_2524, %swap3A_2525], %select_n3A_2523 {strides = array<i32>} : memref<128x512xi32, #tpu.memory_space<vmem>>, vector<128x512xi32>,
      } else {
      }
    }
    %scan3A_1715 = arith.constant 32 : i32
    %get3A_1716 = arith.constant 0 : index
    %get3A_1717 = arith.constant 0 : index
    %get3A_1718 = arith.constant 0 : index
    %get3A_1719 = vector.load %arg6[%get3A_1716, %get3A_1717, %get3A_1718] : memref<32x128x1xi32, #tpu.memory_space<vmem>>, vector<32x128x1xi32>
    %get3A_1720 = vector.shape_cast %get3A_1719 : vector<32x128x1xi32> to vector<32x128xi32>
    %transpose3A = tpu.transpose %get3A_1720, [1, 0] : vector<32x128xi32> -> vector<128x32xi32>
    %swap3A_1721 = arith.constant 0 : index
    %swap3A_1722 = arith.constant 0 : index
    %swap3A_1723 = arith.constant 0 : index
    %swap3A_1724 = vector.load %arg4[%swap3A_1721, %swap3A_1722, %swap3A_1723] : memref<1x128x32xi32, #tpu.memory_space<vmem>>, vector<1x128x32xi32>
    %swap3A_1725 = vector.shape_cast %swap3A_1724 : vector<1x128x32xi32> to vector<128x32xi32>
    %swap3A_1726 = vector.shape_cast %transpose3A : vector<128x32xi32> to vector<1x128x32xi32>
    tpu.vector_store %arg4[%swap3A_1721, %swap3A_1722, %swap3A_1723], %swap3A_1726 {strides = array<i32>} : memref<1x128x32xi32, #tpu.memory_space<vmem>>, vector<1x128x32xi32>,
    return
  }
  func.func @transform_0(%arg0: i32, %arg1: i32) -> (i32, i32, i32) {
    %c0_i32 = arith.constant 0 : i32
    %c0_i32_0 = arith.constant 0 : i32
    %c0_i32_1 = arith.constant 0 : i32
    return %arg0, %c0_i32, %c0_i32_0 : i32, i32, i32
  }
  func.func @transform_1(%arg0: i32, %arg1: i32) -> (i32, i32, i32) {
    %c0_i32 = arith.constant 0 : i32
    %c0_i32_0 = arith.constant 0 : i32
    return %arg0, %arg1, %c0_i32 : i32, i32, i32
  }
  func.func @transform_2(%arg0: i32, %arg1: i32) -> (i32, i32, i32) {
    %c0_i32 = arith.constant 0 : i32
    %c0_i32_0 = arith.constant 0 : i32
    return %arg0, %arg1, %c0_i32 : i32, i32, i32
  }
}

</mosaic_0001>

<sc_bundles>
// kernel: kernel.5.cloned.1.call-start
scs
__scs_entry_jumppad:
0x0: {  	(pc) =	sbr.rel $0x88, $3  }
0x1: {  	(tag) =	ssettag $0x0;
	lr =	simm.s32 $0x1  }
0x2: {  	[smem:$0x3FA0] =	sst lr;
	_ =	strace $0xD0000000  }
0x3: {  	_ = 	snop  }
0x4: {  	_ = 	snop  }
0x5: {  	_ = 	snop  }
0x6: {  	_ = 	snop  }
0x7: {  	_ = 	snop  }
__scs_overlays_trampoline_lowered:
0x8: {  	[smem:$0x3FAF] =	sst s0  }
0x9: {  	[smem:$0x3FB0] =	sst s1  }
0xa: {  	[smem:$0x3FB1] =	sst s2  }
0xb: {  	[smem:$0x3FB2] =	sst s3  }
0xc: {  	[smem:$0x3FB3] =	sst s4  }
0xd: {  	[smem:$0x3FB4] =	sst s5  }
0xe: {  	[smem:$0x3FB5] =	sst s6  }
0xf: {  	[smem:$0x3FB6] =	sst s7  }
0x10: {  	[smem:$0x3FB7] =	sst s8  }
0x11: {  	[smem:$0x3FB8] =	sst s9;
	s0 =	simm.s32 @!p0 $0x0  }
0x12: {  	s1 =	sld [smem:$0x3F9E];
	s0 =	simm.s32 @p0 $0x1  }
0x13: {  	[smem:$0x3FB9] =	sst s0;
	s0 =	simm.s32 @!p1 $0x0  }
0x14: {  	s2 =	sld [smem:$0x3F9D];
	s0 =	simm.s32 @p1 $0x1  }
0x15: {  	[smem:$0x3FBA] =	sst s0;
	s0 =	simm.s32 @!p2 $0x0  }
0x16: {  	s3 =	sld [smem:$0x3FDB];
	s0 =	simm.s32 @p2 $0x1  }
0x17: {  	s4 =	simm.s32 $0x1BF5;
	[smem:$0x3FBC] =	sst s0  }
0x18: {  	s0 =	sld [smem:$0x3F9F];
	_ =	swait.ge [sflag:s4], $0x0  }
0x19: {  	s7 =	sld [smem:$0x3FA0]  }
0x1a: {  	s8 =	sadd.s32 $0xFFFFE003, lr  }
0x1b: {  	s9 =	sadd.s32 $0xFFFFFEF7, lr;
	s5 =	simm.s32 $0xFFFFFFFF;
	p2 =	slt.u32 s8, $0xFFFFF086  }
0x1c: {  	p1 =	slt.u32 s9, $0xF7A;
	s5 =	simm.s32 @!p2 $0x0  }
0x1d: {  	s5 =	simm.s32 @p1 $0x1;
	p0 =	seq.s32 s7, s2  }
0x1e: {  	s7 =	smul.u32 @!p0 $0xF7A, s2;
	p2 =	seq.s32 @!p0 s5, $0x0  }
0x1f: {  	s9 =	smul.u32 $0xF7A, s1;
	s8 =	simm.s32 @!p0 $0x1BF5;
	p2 =	por !p2, p0  }
0x20: {  	[sflag:s8] =	ssyncset.s32 @!p0 $0xFFFFF086;
	s6 =	sadd.s32 @!p0 s3, s7;
	s7 =	simm.s32 @!p0 $0x108  }
0x21: {  	s3 =	sadd.s32 s3, s9;
	s6 =	sadd.s32 @!p0 $0x88, s6;
	s7 =	simm.s32 @p2 $0x1082  }
0x22: {  	[simem:s7], [sflag:s8] =	dma.local @!p0 [hbm:s6], $0xF7A  }
0x23: {  	s9 =	sor.u32 $0xD0000000, s2;
	s6 =	simm.s32 $0x108;
	_ =	swait.ge @!p0 [sflag:s8], $0x0  }
0x24: {  	s3 =	sadd.s32 $0x88, s3;
	s6 =	simm.s32 @!p1 $0x1082;
	[sflag:s4] =	ssyncset.s32 $0xFFFFF086  }
0x25: {  	[simem:s6], [sflag:s4] =	dma.local [hbm:s3], $0xF7A  }
0x26: {  	[smem:$0x3FA0] =	sst s1;
	(tag) =	ssettag s2;
	_ =	strace s9  }
0x27: {  	s1 =	sld [smem:$0x3FB0]  }
0x28: {  	s2 =	sld [smem:$0x3FB1]  }
0x29: {  	s4 =	sld [smem:$0x3FB3]  }
0x2a: {  	p0 =	seq.s32 s5, $0x0;
	s5 =	sld [smem:$0x3FB4]  }
0x2b: {  	s6 =	sld [smem:$0x3FB5]  }
0x2c: {  	s7 =	sld [smem:$0x3FB6]  }
0x2d: {  	s3 =	simm.s32 $0x108;
	s8 =	sld [smem:$0x3FB7]  }
0x2e: {  	s3 =	simm.s32 @!p0 $0x1082;
	s9 =	sld [smem:$0x3FB8]  }
0x2f: {  	lr =	sadd.s32 s0, s3;
	s0 =	sld [smem:$0x3FAF]  }
0x30: {  	s3 =	sld [smem:$0x3FB2]  }
0x31: {  	[smem:$0x3FBB] =	sst s10  }
0x32: {  	s10 =	sld [smem:$0x3FB9];
	_ =	sdelay $0x3  }
0x33: {  	p0 =	seq.s32 s10, $0x1;
	s10 =	sld [smem:$0x3FBB];
	_ =	sdelay $0x3  }
0x34: {  	[smem:$0x3FBB] =	sst s10  }
0x35: {  	s10 =	sld [smem:$0x3FBA];
	_ =	sdelay $0x3  }
0x36: {  	p1 =	seq.s32 s10, $0x1;
	s10 =	sld [smem:$0x3FBB];
	_ =	sdelay $0x3  }
0x37: {  	[smem:$0x3FBB] =	sst s10  }
0x38: {  	s10 =	sld [smem:$0x3FBC]  }
0x39: {  	_ = 	snop;
	(pc) =	sbr.ind lr, $3  }
0x3a: {  	_ = 	snop  }
0x3b: {  	_ = 	snop  }
0x3c: {  	p2 =	seq.s32 s10, $0x1;
	s10 =	sld [smem:$0x3FBB]  }
0x3d: {  	_ =	shalt  }
0x3e: {  	_ =	shalt  }
0x3f: {  	_ =	shalt  }
0x40: {  	_ =	shalt  }
0x41: {  	_ =	shalt  }
0x42: {  	_ =	shalt  }
0x43: {  	_ =	shalt  }
0x44: {  	_ =	shalt  }
0x45: {  	_ =	shalt  }
0x46: {  	_ =	shalt  }
0x47: {  	_ =	shalt  }
0x48: {  	_ =	shalt  }
0x49: {  	_ =	shalt  }
0x4a: {  	_ =	shalt  }
0x4b: {  	_ =	shalt  }
0x4c: {  	_ =	shalt  }
0x4d: {  	_ =	shalt  }
0x4e: {  	_ =	shalt  }
0x4f: {  	_ =	shalt  }
0x50: {  	_ =	shalt  }
0x51: {  	_ =	shalt  }
0x52: {  	_ =	shalt  }
0x53: {  	_ =	shalt  }
0x54: {  	_ =	shalt  }
0x55: {  	_ =	shalt  }
0x56: {  	_ =	shalt  }
0x57: {  	_ =	shalt  }
0x58: {  	_ =	shalt  }
0x59: {  	_ =	shalt  }
0x5a: {  	_ =	shalt  }
0x5b: {  	_ =	shalt  }
0x5c: {  	_ =	shalt  }
0x5d: {  	_ =	shalt  }
0x5e: {  	_ =	shalt  }
0x5f: {  	_ =	shalt  }
0x60: {  	_ =	shalt  }
0x61: {  	_ =	shalt  }
0x62: {  	_ =	shalt  }
0x63: {  	_ =	shalt  }
0x64: {  	_ =	shalt  }
0x65: {  	_ =	shalt  }
0x66: {  	_ =	shalt  }
0x67: {  	_ =	shalt  }
0x68: {  	_ =	shalt  }
0x69: {  	_ =	shalt  }
0x6a: {  	_ =	shalt  }
0x6b: {  	_ =	shalt  }
0x6c: {  	_ =	shalt  }
0x6d: {  	_ =	shalt  }
0x6e: {  	_ =	shalt  }
0x6f: {  	_ =	shalt  }
0x70: {  	_ =	shalt  }
0x71: {  	_ =	shalt  }
0x72: {  	_ =	shalt  }
0x73: {  	_ =	shalt  }
0x74: {  	_ =	shalt  }
0x75: {  	_ =	shalt  }
0x76: {  	_ =	shalt  }
0x77: {  	_ =	shalt  }
0x78: {  	_ =	shalt  }
0x79: {  	_ =	shalt  }
0x7a: {  	_ =	shalt  }
0x7b: {  	_ =	shalt  }
0x7c: {  	_ =	shalt  }
0x7d: {  	_ =	shalt  }
0x7e: {  	_ =	shalt  }
0x7f: {  	_ =	shalt  }
0x80: {  	_ =	shalt  }
0x81: {  	_ =	shalt  }
0x82: {  	_ =	shalt  }
0x83: {  	_ =	shalt  }
0x84: {  	_ =	shalt  }
0x85: {  	_ =	shalt  }
0x86: {  	_ =	shalt  }
0x87: {  	_ =	shalt  }
.Lfunc_end0:
.L_simem_size_0:
called_computation_lowered:
.L_overlay_start_0:
0x88: {  	s2 =	sld [smem:$0x3FD9]  }
0x89: {  	s3 =	sld [smem:$0x3FFE];
	_ =	sdelay $0x1  }
0x8a: {  	s1 =	srdreg.scid  }
0x8b: {  	s0 =	sand.u32 $0x1, s1  }
0x8c: {  	s14 =	sshll.u32 s0, $0xA;
	s2 =	sadd.s32 s3, s2  }
0x8d: {  	s2 =	sadd.s32 s2, s14  }
0x8e: {  	[smem:$0x3FC7] =	sst s2  }
0x8f: {  	_ = 	snop  }
0x90: {  	s2 =	sld [smem:$0x3FD0];
	_ =	sdelay $0x2  }
0x91: {  	s15 =	simm.s32 $0xA;
	s4 =	simm.s32 $0x10  }
0x92: {  	[smem:s4], [sflag:s15] =	dma.local [hbm:s2], $0x1  }
0x93: {  	_ =	swait.eq [sflag:s15], $0x1  }
0x94: {  	[sflag:s15] =	ssyncset.done $0x0  }
0x95: {  	s16 =	sld [smem:$0x10];
	[sflag:s15] =	ssyncadd.s32 $0xFFFFFFFF  }
0x96: {  	s17 =	sld [smem:$0x11];
	(tm) =	ssettm $0x1  }
0x97: {  	s18 =	sld [smem:$0x3FFB];
	_ =	sdelay $0x3  }
0x98: {  	_ =	strace s18  }
0x99: {  	s4 =	sld [smem:$0x3FFC];
	_ =	sdelay $0x3  }
0x9a: {  	_ =	strace s4  }
0x9b: {  	s4 =	sld [smem:$0x3FFD];
	_ =	sdelay $0x3  }
0x9c: {  	_ =	strace s4  }
0x9d: {  	_ =	strace $0x8FFFFFFF  }
0x9e: {  	s19 =	sld [smem:$0x3FDB];
	_ =	sdelay $0x1  }
0x9f: {  	s5 =	simm.s32 $_scs_section_size  }
0xa0: {  	s6 =	simm.s32 $_size__tile_overlayer_lowered;
	s7 =	simm.s32 $_tile_overlayer_lowered  }
0xa1: {  	s22 =	simm.s32 $0x1BFF;
	s21 =	sshll.u32 s7, $0x1;
	s4 =	sadd.s32 s5, s19  }
0xa2: {  	s8 =	simm.s32 $0x0;
	s20 =	sshll.u32 s6, $0x1;
	s6 =	sadd.s32 s21, s4  }
0xa3: {  	[timem:s8], [sflag:s22] =	dma.local [hbm:s6], s20  }
0xa4: {  	_ =	swait.ge [sflag:s22], s20  }
0xa5: {  	s5 =	ssub.s32 $0x0, s20;
	[sflag:s22] =	ssyncset.done $0x0  }
0xa6: {  	[sflag:s22] =	ssyncadd.s32 s5;
	_ =	sdelay $0x1  }
0xa7: {  	s23 =	simm.s32 $0x1B8B  }
0xa8: {  	_ =	swait.ge [sflag:s23], $0x1  }
0xa9: {  	[sflag:s23] =	ssyncset.done $0x0  }
0xaa: {  	s25 =	simm.s32 $0x1B8E;
	s24 =	sld [smem:$0x3FFE];
	[sflag:s23] =	ssyncadd.s32 $0xFFFFFFFF  }
0xab: {  	s26 =	simm.s32 $execute0_lowered;
	[smem:$0x3FD2] =	sst s25  }
0xac: {  	s6 =	sshll.u32 s26, $0x1;
	_ =	strace $0x80000046;
	[dreg:$0x1] =	wrdreg $0xFFFFFFFF  }
0xad: {  	s28 =	simm.s32 $_size_execute0_lowered;
	s4 =	sadd.s32 s4, s6;
	[dreg:$0x0] =	wrdreg $0x0  }
0xae: {  	s6 =	sshll.u32 s28, $0x1;
	[dreg:$0x2] =	wrdreg s4  }
0xaf: {  	[dreg:$0x3] =	wrdreg s6  }
0xb0: {  	[dreg:$0x4] =	wrdreg $0xC0  }
0xb1: {  	_ =	task [dreg:s8], $0x5FFFF  }
0xb2: {  	[dreg:$0x1] =	wrdreg $0xFFFFFFFF  }
0xb3: {  	[dreg:$0x0] =	wrdreg $0x60  }
0xb4: {  	[dreg:$0x2] =	wrdreg s16  }
0xb5: {  	[dreg:$0x3] =	wrdreg s17  }
0xb6: {  	[dreg:$0x4] =	wrdreg s24  }
0xb7: {  	[dreg:$0x5] =	wrdreg $0x9  }
0xb8: {  	_ =	task.clear_ibuf [dreg:s8], $0x6FFFF;
	_ =	strace $0x90000046  }
0xb9: {  	s29 =	simm.s32 $0x9;
	_ =	strace $0x80000048  }
0xba: {  	_ =	swait.ge [sflag:s29], $0x1  }
0xbb: {  	[sflag:s29] =	ssyncadd.s32 $0xFFFFFFFF  }
0xbc: {  	_ =	strace $0x90000048  }
0xbd: {  	_ =	sfence  }
0xbe: {  	s30 =	sld [smem:$0x0];
	_ =	sdelay $0x2  }
0xbf: {  	s31 =	sshll.u32 s1, $0xD;
	s1 =	sshrl.u32 s1, $0x2  }
0xc0: {  	s3 =	sand.u32 $0x4000, s31;
	s1 =	sadd.s32 s1, s30  }
0xc1: {  	s0 =	sor.u32 s3, s0;
	s1 =	sshll.u32 s1, $0x11  }
0xc2: {  	s0 =	sor.u32 s1, s0  }
0xc3: {  	s0 =	sadd.s32 $0x8F2B, s0  }
0xc4: {  	[sflag:s0] =	ssyncadd.remote.s32 $0x1  }
0xc5: {  	_ =	sfence.sel $0xFFFF  }
0xc6: {  	[dreg:$0x0] =	wrdreg $0xFFFFFFFF;
	(pc) =	sbr.abs _section_cstart, $3  }
0xc7: {  	[dreg:$0x1] =	wrdreg $0xFFFFFFFF  }
0xc8: {  	_ =	task.clear_ibuf [dreg:s8], $0x2FFFF;
	_ =	strace $0x9FFFFFFF  }
0xc9: {  	(tm) =	ssettm $0x7FFFFFFF  }
tec
execute0_lowered:
.L_overlay_start_1:
0x0: {  	(tag) =	ssettag $0x1  }
0x1: {  	v0 =	vlaneseq.u32  }
0x2: {  	v0 =	vmul.u32 $0x8, v0;
	_ =	sdelay $0x1  }
0x3: {  	v1 =	vor.u32 $0x1, v0;
	v8 =	vor.u32 $0x80, v0;
	v9 =	vor.u32 $0x81, v0  }
0x4: {  	v10 =	vor.u32 $0x82, v0;
	v11 =	vor.u32 $0x83, v0;
	v12 =	vor.u32 $0x84, v0  }
0x5: {  	v13 =	vor.u32 $0x85, v0;
	v14 =	vor.u32 $0x86, v0;
	v15 =	vor.u32 $0x87, v0  }
0x6: {  	s3 =	rddreg [dreg:$0x0];
	v16 =	vor.u32 $0x100, v0;
	v17 =	vor.u32 $0x101, v0;
	v18 =	vor.u32 $0x102, v0  }
0x7: {  	s4 =	rddreg [dreg:$0x1];
	v19 =	vor.u32 $0x103, v0;
	v20 =	vor.u32 $0x104, v0;
	v21 =	vor.u32 $0x105, v0  }
0x8: {  	s5 =	rddreg [dreg:$0x2];
	v22 =	vor.u32 $0x106, v0;
	v23 =	vor.u32 $0x107, v0;
	v24 =	vor.u32 $0x180, v0  }
0x9: {  	s0 =	rddreg [dreg:$0x3];
	s1 =	stileid.u32;
	v25 =	vor.u32 $0x181, v0;
	v26 =	vor.u32 $0x182, v0;
	v27 =	vor.u32 $0x183, v0  }
0xa: {  	s2 =	simm.s32 $0x0;
	s6 =	srdreg.scid;
	s13 =	simm.s32 $0x11080;
	v28 =	vor.u32 $0x184, v0;
	v29 =	vor.u32 $0x185, v0;
	v30 =	vor.u32 $0x186, v0  }
0xb: {  	s14 =	simm.s32 $0x11480;
	s15 =	simm.s32 $0x0;
	s7 =	sshll.u32 s1, $0x1;
	v31 =	vor.u32 $0x187, v0;
	v32 =	vor.u32 $0x200, v0;
	v33 =	vor.u32 $0x201, v0  }
0xc: {  	[smem:$0x7FF] =	sst s2;
	s6 =	sand.u32 $0x1, s6;
	s8 =	sshll.u32 s1, $0x6;
	v34 =	vor.u32 $0x202, v0;
	v35 =	vor.u32 $0x203, v0;
	v36 =	vor.u32 $0x204, v0  }
0xd: {  	s7 =	sand.u32 $0x2, s7;
	s8 =	sand.u32 $0x380, s8;
	s26 =	ssub.s32 $0x2, s6;
	v37 =	vor.u32 $0x205, v0;
	v38 =	vor.u32 $0x206, v0;
	v39 =	vor.u32 $0x207, v0  }
0xe: {  	s7 =	sor.u32 s6, s7;
	v40 =	vor.u32 $0x280, v0;
	v41 =	vor.u32 $0x281, v0;
	v42 =	vor.u32 $0x282, v0;
	s29 =	sshrl.u32 s26, $0x1;
	s12 =	sshrl.u32 s8, $0x3  }
0xf: {  	v43 =	vor.u32 $0x283, v0;
	v44 =	vor.u32 $0x284, v0;
	v45 =	vor.u32 $0x285, v0;
	s9 =	sshll.u32 s7, $0xF;
	s10 =	sshll.u32 s7, $0xD;
	s11 =	sshll.u32 s7, $0x12  }
0x10: {  	v46 =	vor.u32 $0x286, v0;
	v47 =	vor.u32 $0x287, v0;
	[tilespmem:$0x1FF90] =	vst v1;
	v1 =	vor.u32 $0x2, v0;
	s28 =	sshll.u32 s7, $0xA;
	s30 =	ssub.s32 s26, s29;
	s3 =	sadd.s32 s3, s12  }
0x11: {  	v48 =	vor.u32 $0x300, v0;
	v49 =	vor.u32 $0x301, v0;
	s12 =	simm.s32 $0x10000;
	[tilespmem:$0x1FFA0] =	vst v1;
	v1 =	vor.u32 $0x3, v0;
	s9 =	sor.u32 s8, s9;
	s10 =	sor.u32 s8, s10  }
0x12: {  	v50 =	vor.u32 $0x302, v0;
	v51 =	vor.u32 $0x303, v0;
	s11 =	sor.u32 s8, s11;
	s6 =	sor.u32 s8, s28;
	s8 =	smax.u32 s30, $0x1;
	[tilespmem:$0x1FFB0] =	vst v1;
	v1 =	vor.u32 $0x4, v0  }
0x13: {  	v52 =	vor.u32 $0x304, v0;
	v53 =	vor.u32 $0x305, v0;
	s9 =	sshrl.u32 s9, $0x3;
	s10 =	sshrl.u32 s10, $0x3;
	s11 =	sshrl.u32 s11, $0x3;
	[tilespmem:$0x1FFC0] =	vst v1;
	v1 =	vor.u32 $0x5, v0  }
0x14: {  	v54 =	vor.u32 $0x306, v0;
	v55 =	vor.u32 $0x307, v0;
	s31 =	sshrl.u32 s6, $0x3;
	s9 =	sadd.s32 s9, s5;
	s10 =	sadd.s32 s10, s5;
	[tilespmem:$0x1FFD0] =	vst v1;
	v1 =	vor.u32 $0x6, v0  }
0x15: {  	v56 =	vor.u32 $0x380, v0;
	v57 =	vor.u32 $0x381, v0;
	s11 =	sadd.s32 s11, s5;
	s4 =	sadd.s32 s4, s31;
	s5 =	sadd.s32 $0x101200, s9;
	[tilespmem:$0x1FFE0] =	vst v1;
	v1 =	vor.u32 $0x7, v0  }
0x16: {  	v58 =	vor.u32 $0x382, v0;
	v59 =	vor.u32 $0x383, v0;
	v60 =	vor.u32 $0x384, v0;
	s6 =	sadd.s32 $0x1200, s10;
	s7 =	sadd.s32 $0x2200, s11;
	s9 =	simm.s32 $0x80;
	[tilespmem:$0x1FFF0] =	vst v1  }
0x17: {  	v61 =	vor.u32 $0x385, v0;
	v62 =	vor.u32 $0x386, v0;
	v63 =	vor.u32 $0x387, v0;
	s10 =	simm.s32 $0x400;
	s11 =	simm.s32 $0x1;
	_ =	strace $0x80000047  }
.LBB2_1:
0x18: {  	[tilespmem:s2], [sflag:$0x1] =	stream.strided.gather [hbm4b:s3+s9], $0x10000, s10, s9, $0x38;
	[tilespmem:$0x19480] =	vst v63  }
0x19: {  	_ =	swait.ge [sflag:s11], $0x10000  }
0x1a: {  	[sflag:s11] =	ssyncset.done $0x0  }
0x1b: {  	[sflag:s11] =	ssyncadd.s32 $0xFFFF0000  }
0x1c: {  	[tilespmem:s12], [sflag:$0x1] =	stream.linear.gather [hbm4b:s4+s2], $0x80, $0x38;
	[tilespmem:$0x19480] =	vst v63  }
0x1d: {  	_ =	swait.ge [sflag:s11], $0x80  }
0x1e: {  	[sflag:s11] =	ssyncset.done $0x0  }
0x1f: {  	s16 =	simm.s32 $0x10080;
	[sflag:s11] =	ssyncadd.s32 $0xFFFFFF80  }
0x20: {  	[tilespmem:s16], [sflag:$0x1] =	stream.strided.gather [hbm4b:s5+s9], $0x1000, s10, s9, $0x38;
	[tilespmem:$0x19480] =	vst v63  }
0x21: {  	_ =	swait.ge [sflag:s11], $0x1000  }
0x22: {  	[sflag:s11] =	ssyncset.done $0x0  }
0x23: {  	[sflag:s11] =	ssyncadd.s32 $0xFFFFF000  }
0x24: {  	v1 =	vld [tilespmem:$0x10000];
	_ =	sdelay $0x4  }
0x25: {  	v1 =	vshll.u32 v1, $0x3;
	_ =	sdelay $0x4  }
0x26: {  	v2 =	vld.idx.msk [tilespmem:v1+s2+$0x0], $0xffff  }
0x27: {  	v3 =	vor.u32 $0x1, v1;
	_ =	sdelay $0x1  }
0x28: {  	v4 =	vld [tilespmem:$0x1FF90];
	_ =	sdelay $0x1  }
0x29: {  	[tilespmem:v0+s13+$0x0] =	vst.idx.msk $0xffff, v2  }
0x2a: {  	v2 =	vld.idx.msk [tilespmem:v3+s2+$0x0], $0xffff;
	_ =	sdelay $0x2  }
0x2b: {  	v3 =	vor.u32 $0x2, v1;
	_ =	sdelay $0x1  }
0x2c: {  	[tilespmem:v4+s13+$0x0] =	vst.idx.msk $0xffff, v2;
	v4 =	vld [tilespmem:$0x1FFA0];
	_ =	sdelay $0x2  }
0x2d: {  	v2 =	vld.idx.msk [tilespmem:v3+s2+$0x0], $0xffff;
	_ =	sdelay $0x2  }
0x2e: {  	v3 =	vor.u32 $0x3, v1;
	_ =	sdelay $0x1  }
0x2f: {  	[tilespmem:v4+s13+$0x0] =	vst.idx.msk $0xffff, v2;
	v4 =	vld [tilespmem:$0x1FFB0];
	_ =	sdelay $0x2  }
0x30: {  	v2 =	vld.idx.msk [tilespmem:v3+s2+$0x0], $0xffff;
	_ =	sdelay $0x2  }
0x31: {  	v3 =	vor.u32 $0x4, v1;
	_ =	sdelay $0x1  }
0x32: {  	[tilespmem:v4+s13+$0x0] =	vst.idx.msk $0xffff, v2;
	v4 =	vld [tilespmem:$0x1FFC0];
	_ =	sdelay $0x2  }
0x33: {  	v2 =	vld.idx.msk [tilespmem:v3+s2+$0x0], $0xffff;
	_ =	sdelay $0x2  }
0x34: {  	v3 =	vor.u32 $0x5, v1;
	_ =	sdelay $0x1  }
0x35: {  	[tilespmem:v4+s13+$0x0] =	vst.idx.msk $0xffff, v2;
	v4 =	vld [tilespmem:$0x1FFD0];
	_ =	sdelay $0x2  }
0x36: {  	v2 =	vld.idx.msk [tilespmem:v3+s2+$0x0], $0xffff  }
0x37: {  	v3 =	vor.u32 $0x6, v1;
	_ =	sdelay $0x3  }
0x38: {  	[tilespmem:v4+s13+$0x0] =	vst.idx.msk $0xffff, v2  }
0x39: {  	v2 =	vld.idx.msk [tilespmem:v3+s2+$0x0], $0xffff  }
0x3a: {  	v3 =	vld [tilespmem:$0x1FFE0];
	_ =	sdelay $0x5  }
0x3b: {  	v1 =	vor.u32 $0x7, v1;
	_ =	sdelay $0x1  }
0x3c: {  	[tilespmem:v3+s13+$0x0] =	vst.idx.msk $0xffff, v2;
	v2 =	vld [tilespmem:$0x1FFF0];
	_ =	sdelay $0x2  }
0x3d: {  	v1 =	vld.idx.msk [tilespmem:v1+s2+$0x0], $0xffff;
	_ =	sdelay $0x4  }
0x3e: {  	[tilespmem:v2+s13+$0x0] =	vst.idx.msk $0xffff, v1  }
0x3f: {  	v1 =	vld [tilespmem:$0x10010];
	_ =	sdelay $0x4  }
0x40: {  	v1 =	vshll.u32 v1, $0x3;
	_ =	sdelay $0x4  }
0x41: {  	v2 =	vld.idx.msk [tilespmem:v1+s2+$0x0], $0xffff  }
0x42: {  	v3 =	vor.u32 $0x1, v1;
	_ =	sdelay $0x3  }
0x43: {  	[tilespmem:v8+s13+$0x0] =	vst.idx.msk $0xffff, v2  }
0x44: {  	v2 =	vld.idx.msk [tilespmem:v3+s2+$0x0], $0xffff  }
0x45: {  	v3 =	vor.u32 $0x2, v1;
	_ =	sdelay $0x3  }
0x46: {  	[tilespmem:v9+s13+$0x0] =	vst.idx.msk $0xffff, v2  }
0x47: {  	v2 =	vld.idx.msk [tilespmem:v3+s2+$0x0], $0xffff  }
0x48: {  	v3 =	vor.u32 $0x3, v1;
	_ =	sdelay $0x3  }
0x49: {  	[tilespmem:v10+s13+$0x0] =	vst.idx.msk $0xffff, v2  }
0x4a: {  	v2 =	vld.idx.msk [tilespmem:v3+s2+$0x0], $0xffff  }
0x4b: {  	v3 =	vor.u32 $0x4, v1;
	_ =	sdelay $0x3  }
0x4c: {  	[tilespmem:v11+s13+$0x0] =	vst.idx.msk $0xffff, v2  }
0x4d: {  	v2 =	vld.idx.msk [tilespmem:v3+s2+$0x0], $0xffff  }
0x4e: {  	v3 =	vor.u32 $0x5, v1;
	_ =	sdelay $0x3  }
0x4f: {  	[tilespmem:v12+s13+$0x0] =	vst.idx.msk $0xffff, v2  }
0x50: {  	v2 =	vld.idx.msk [tilespmem:v3+s2+$0x0], $0xffff  }
0x51: {  	v3 =	vor.u32 $0x6, v1;
	_ =	sdelay $0x3  }
0x52: {  	[tilespmem:v13+s13+$0x0] =	vst.idx.msk $0xffff, v2  }
0x53: {  	v2 =	vld.idx.msk [tilespmem:v3+s2+$0x0], $0xffff  }
0x54: {  	v1 =	vor.u32 $0x7, v1;
	_ =	sdelay $0x3  }
0x55: {  	[tilespmem:v14+s13+$0x0] =	vst.idx.msk $0xffff, v2  }
0x56: {  	v1 =	vld.idx.msk [tilespmem:v1+s2+$0x0], $0xffff;
	_ =	sdelay $0x4  }
0x57: {  	[tilespmem:v15+s13+$0x0] =	vst.idx.msk $0xffff, v1  }
0x58: {  	v1 =	vld [tilespmem:$0x10020];
	_ =	sdelay $0x4  }
0x59: {  	v1 =	vshll.u32 v1, $0x3;
	_ =	sdelay $0x4  }
0x5a: {  	v2 =	vld.idx.msk [tilespmem:v1+s2+$0x0], $0xffff  }
0x5b: {  	v3 =	vor.u32 $0x1, v1;
	_ =	sdelay $0x3  }
0x5c: {  	[tilespmem:v16+s13+$0x0] =	vst.idx.msk $0xffff, v2  }
0x5d: {  	v2 =	vld.idx.msk [tilespmem:v3+s2+$0x0], $0xffff  }
0x5e: {  	v3 =	vor.u32 $0x2, v1;
	_ =	sdelay $0x3  }
0x5f: {  	[tilespmem:v17+s13+$0x0] =	vst.idx.msk $0xffff, v2  }
0x60: {  	v2 =	vld.idx.msk [tilespmem:v3+s2+$0x0], $0xffff  }
0x61: {  	v3 =	vor.u32 $0x3, v1;
	_ =	sdelay $0x3  }
0x62: {  	[tilespmem:v18+s13+$0x0] =	vst.idx.msk $0xffff, v2  }
0x63: {  	v2 =	vld.idx.msk [tilespmem:v3+s2+$0x0], $0xffff  }
0x64: {  	v3 =	vor.u32 $0x4, v1;
	_ =	sdelay $0x3  }
0x65: {  	[tilespmem:v19+s13+$0x0] =	vst.idx.msk $0xffff, v2  }
0x66: {  	v2 =	vld.idx.msk [tilespmem:v3+s2+$0x0], $0xffff  }
0x67: {  	v3 =	vor.u32 $0x5, v1;
	_ =	sdelay $0x3  }
0x68: {  	[tilespmem:v20+s13+$0x0] =	vst.idx.msk $0xffff, v2  }
0x69: {  	v2 =	vld.idx.msk [tilespmem:v3+s2+$0x0], $0xffff  }
0x6a: {  	v3 =	vor.u32 $0x6, v1;
	_ =	sdelay $0x3  }
0x6b: {  	[tilespmem:v21+s13+$0x0] =	vst.idx.msk $0xffff, v2  }
0x6c: {  	v2 =	vld.idx.msk [tilespmem:v3+s2+$0x0], $0xffff  }
0x6d: {  	v1 =	vor.u32 $0x7, v1;
	_ =	sdelay $0x3  }
0x6e: {  	[tilespmem:v22+s13+$0x0] =	vst.idx.msk $0xffff, v2  }
0x6f: {  	v1 =	vld.idx.msk [tilespmem:v1+s2+$0x0], $0xffff;
	_ =	sdelay $0x4  }
0x70: {  	[tilespmem:v23+s13+$0x0] =	vst.idx.msk $0xffff, v1  }
0x71: {  	v1 =	vld [tilespmem:$0x10030];
	_ =	sdelay $0x4  }
0x72: {  	v1 =	vshll.u32 v1, $0x3;
	_ =	sdelay $0x4  }
0x73: {  	v2 =	vld.idx.msk [tilespmem:v1+s2+$0x0], $0xffff  }
0x74: {  	v3 =	vor.u32 $0x1, v1;
	_ =	sdelay $0x3  }
0x75: {  	[tilespmem:v24+s13+$0x0] =	vst.idx.msk $0xffff, v2  }
0x76: {  	v2 =	vld.idx.msk [tilespmem:v3+s2+$0x0], $0xffff  }
0x77: {  	v3 =	vor.u32 $0x2, v1;
	_ =	sdelay $0x3  }
0x78: {  	[tilespmem:v25+s13+$0x0] =	vst.idx.msk $0xffff, v2  }
0x79: {  	v2 =	vld.idx.msk [tilespmem:v3+s2+$0x0], $0xffff  }
0x7a: {  	v3 =	vor.u32 $0x3, v1;
	_ =	sdelay $0x3  }
0x7b: {  	[tilespmem:v26+s13+$0x0] =	vst.idx.msk $0xffff, v2  }
0x7c: {  	v2 =	vld.idx.msk [tilespmem:v3+s2+$0x0], $0xffff  }
0x7d: {  	v3 =	vor.u32 $0x4, v1;
	_ =	sdelay $0x3  }
0x7e: {  	[tilespmem:v27+s13+$0x0] =	vst.idx.msk $0xffff, v2  }
0x7f: {  	v2 =	vld.idx.msk [tilespmem:v3+s2+$0x0], $0xffff  }
0x80: {  	v3 =	vor.u32 $0x5, v1;
	_ =	sdelay $0x3  }
0x81: {  	[tilespmem:v28+s13+$0x0] =	vst.idx.msk $0xffff, v2  }
0x82: {  	v2 =	vld.idx.msk [tilespmem:v3+s2+$0x0], $0xffff  }
0x83: {  	v3 =	vor.u32 $0x6, v1;
	_ =	sdelay $0x3  }
0x84: {  	[tilespmem:v29+s13+$0x0] =	vst.idx.msk $0xffff, v2  }
0x85: {  	v2 =	vld.idx.msk [tilespmem:v3+s2+$0x0], $0xffff  }
0x86: {  	v1 =	vor.u32 $0x7, v1;
	_ =	sdelay $0x3  }
0x87: {  	[tilespmem:v30+s13+$0x0] =	vst.idx.msk $0xffff, v2  }
0x88: {  	v1 =	vld.idx.msk [tilespmem:v1+s2+$0x0], $0xffff;
	_ =	sdelay $0x4  }
0x89: {  	[tilespmem:v31+s13+$0x0] =	vst.idx.msk $0xffff, v1  }
0x8a: {  	v1 =	vld [tilespmem:$0x10040];
	_ =	sdelay $0x4  }
0x8b: {  	v1 =	vshll.u32 v1, $0x3;
	_ =	sdelay $0x4  }
0x8c: {  	v2 =	vld.idx.msk [tilespmem:v1+s2+$0x0], $0xffff  }
0x8d: {  	v3 =	vor.u32 $0x1, v1;
	_ =	sdelay $0x3  }
0x8e: {  	[tilespmem:v32+s13+$0x0] =	vst.idx.msk $0xffff, v2  }
0x8f: {  	v2 =	vld.idx.msk [tilespmem:v3+s2+$0x0], $0xffff  }
0x90: {  	v3 =	vor.u32 $0x2, v1;
	_ =	sdelay $0x3  }
0x91: {  	[tilespmem:v33+s13+$0x0] =	vst.idx.msk $0xffff, v2  }
0x92: {  	v2 =	vld.idx.msk [tilespmem:v3+s2+$0x0], $0xffff  }
0x93: {  	v3 =	vor.u32 $0x3, v1;
	_ =	sdelay $0x3  }
0x94: {  	[tilespmem:v34+s13+$0x0] =	vst.idx.msk $0xffff, v2  }
0x95: {  	v2 =	vld.idx.msk [tilespmem:v3+s2+$0x0], $0xffff  }
0x96: {  	v3 =	vor.u32 $0x4, v1;
	_ =	sdelay $0x3  }
0x97: {  	[tilespmem:v35+s13+$0x0] =	vst.idx.msk $0xffff, v2  }
0x98: {  	v2 =	vld.idx.msk [tilespmem:v3+s2+$0x0], $0xffff  }
0x99: {  	v3 =	vor.u32 $0x5, v1;
	_ =	sdelay $0x3  }
0x9a: {  	[tilespmem:v36+s13+$0x0] =	vst.idx.msk $0xffff, v2  }
0x9b: {  	v2 =	vld.idx.msk [tilespmem:v3+s2+$0x0], $0xffff  }
0x9c: {  	v3 =	vor.u32 $0x6, v1;
	_ =	sdelay $0x3  }
0x9d: {  	[tilespmem:v37+s13+$0x0] =	vst.idx.msk $0xffff, v2  }
0x9e: {  	v2 =	vld.idx.msk [tilespmem:v3+s2+$0x0], $0xffff  }
0x9f: {  	v1 =	vor.u32 $0x7, v1;
	_ =	sdelay $0x3  }
0xa0: {  	[tilespmem:v38+s13+$0x0] =	vst.idx.msk $0xffff, v2  }
0xa1: {  	v1 =	vld.idx.msk [tilespmem:v1+s2+$0x0], $0xffff;
	_ =	sdelay $0x4  }
0xa2: {  	[tilespmem:v39+s13+$0x0] =	vst.idx.msk $0xffff, v1  }
0xa3: {  	v1 =	vld [tilespmem:$0x10050];
	_ =	sdelay $0x4  }
0xa4: {  	v1 =	vshll.u32 v1, $0x3;
	_ =	sdelay $0x4  }
0xa5: {  	v2 =	vld.idx.msk [tilespmem:v1+s2+$0x0], $0xffff  }
0xa6: {  	v3 =	vor.u32 $0x1, v1;
	_ =	sdelay $0x3  }
0xa7: {  	[tilespmem:v40+s13+$0x0] =	vst.idx.msk $0xffff, v2  }
0xa8: {  	v2 =	vld.idx.msk [tilespmem:v3+s2+$0x0], $0xffff  }
0xa9: {  	v3 =	vor.u32 $0x2, v1;
	_ =	sdelay $0x3  }
0xaa: {  	[tilespmem:v41+s13+$0x0] =	vst.idx.msk $0xffff, v2  }
0xab: {  	v2 =	vld.idx.msk [tilespmem:v3+s2+$0x0], $0xffff  }
0xac: {  	v3 =	vor.u32 $0x3, v1;
	_ =	sdelay $0x3  }
0xad: {  	[tilespmem:v42+s13+$0x0] =	vst.idx.msk $0xffff, v2  }
0xae: {  	v2 =	vld.idx.msk [tilespmem:v3+s2+$0x0], $0xffff  }
0xaf: {  	v3 =	vor.u32 $0x4, v1;
	_ =	sdelay $0x3  }
0xb0: {  	[tilespmem:v43+s13+$0x0] =	vst.idx.msk $0xffff, v2  }
0xb1: {  	v2 =	vld.idx.msk [tilespmem:v3+s2+$0x0], $0xffff  }
0xb2: {  	v3 =	vor.u32 $0x5, v1;
	_ =	sdelay $0x3  }
0xb3: {  	[tilespmem:v44+s13+$0x0] =	vst.idx.msk $0xffff, v2  }
0xb4: {  	v2 =	vld.idx.msk [tilespmem:v3+s2+$0x0], $0xffff  }
0xb5: {  	v3 =	vor.u32 $0x6, v1;
	_ =	sdelay $0x3  }
0xb6: {  	[tilespmem:v45+s13+$0x0] =	vst.idx.msk $0xffff, v2  }
0xb7: {  	v2 =	vld.idx.msk [tilespmem:v3+s2+$0x0], $0xffff  }
0xb8: {  	v1 =	vor.u32 $0x7, v1;
	_ =	sdelay $0x3  }
0xb9: {  	[tilespmem:v46+s13+$0x0] =	vst.idx.msk $0xffff, v2  }
0xba: {  	v1 =	vld.idx.msk [tilespmem:v1+s2+$0x0], $0xffff;
	_ =	sdelay $0x4  }
0xbb: {  	[tilespmem:v47+s13+$0x0] =	vst.idx.msk $0xffff, v1  }
0xbc: {  	v1 =	vld [tilespmem:$0x10060];
	_ =	sdelay $0x4  }
0xbd: {  	v1 =	vshll.u32 v1, $0x3;
	_ =	sdelay $0x4  }
0xbe: {  	v2 =	vld.idx.msk [tilespmem:v1+s2+$0x0], $0xffff  }
0xbf: {  	v3 =	vor.u32 $0x1, v1;
	_ =	sdelay $0x3  }
0xc0: {  	[tilespmem:v48+s13+$0x0] =	vst.idx.msk $0xffff, v2  }
0xc1: {  	v2 =	vld.idx.msk [tilespmem:v3+s2+$0x0], $0xffff  }
0xc2: {  	v3 =	vor.u32 $0x2, v1;
	_ =	sdelay $0x3  }
0xc3: {  	[tilespmem:v49+s13+$0x0] =	vst.idx.msk $0xffff, v2  }
0xc4: {  	v2 =	vld.idx.msk [tilespmem:v3+s2+$0x0], $0xffff  }
0xc5: {  	v3 =	vor.u32 $0x3, v1;
	_ =	sdelay $0x3  }
0xc6: {  	[tilespmem:v50+s13+$0x0] =	vst.idx.msk $0xffff, v2  }
0xc7: {  	v2 =	vld.idx.msk [tilespmem:v3+s2+$0x0], $0xffff  }
0xc8: {  	v3 =	vor.u32 $0x4, v1;
	_ =	sdelay $0x3  }
0xc9: {  	[tilespmem:v51+s13+$0x0] =	vst.idx.msk $0xffff, v2  }
0xca: {  	v2 =	vld.idx.msk [tilespmem:v3+s2+$0x0], $0xffff  }
0xcb: {  	v3 =	vor.u32 $0x5, v1;
	_ =	sdelay $0x3  }
0xcc: {  	[tilespmem:v52+s13+$0x0] =	vst.idx.msk $0xffff, v2  }
0xcd: {  	v2 =	vld.idx.msk [tilespmem:v3+s2+$0x0], $0xffff  }
0xce: {  	v3 =	vor.u32 $0x6, v1;
	_ =	sdelay $0x3  }
0xcf: {  	[tilespmem:v53+s13+$0x0] =	vst.idx.msk $0xffff, v2  }
0xd0: {  	v2 =	vld.idx.msk [tilespmem:v3+s2+$0x0], $0xffff  }
0xd1: {  	v1 =	vor.u32 $0x7, v1;
	_ =	sdelay $0x3  }
0xd2: {  	[tilespmem:v54+s13+$0x0] =	vst.idx.msk $0xffff, v2  }
0xd3: {  	v1 =	vld.idx.msk [tilespmem:v1+s2+$0x0], $0xffff;
	_ =	sdelay $0x4  }
0xd4: {  	[tilespmem:v55+s13+$0x0] =	vst.idx.msk $0xffff, v1  }
0xd5: {  	v1 =	vld [tilespmem:$0x10070];
	_ =	sdelay $0x4  }
0xd6: {  	v1 =	vshll.u32 v1, $0x3;
	_ =	sdelay $0x4  }
0xd7: {  	v2 =	vld.idx.msk [tilespmem:v1+s2+$0x0], $0xffff  }
0xd8: {  	v3 =	vor.u32 $0x1, v1;
	_ =	sdelay $0x3  }
0xd9: {  	[tilespmem:v56+s13+$0x0] =	vst.idx.msk $0xffff, v2  }
0xda: {  	v2 =	vld.idx.msk [tilespmem:v3+s2+$0x0], $0xffff  }
0xdb: {  	v3 =	vor.u32 $0x2, v1;
	_ =	sdelay $0x3  }
0xdc: {  	[tilespmem:v57+s13+$0x0] =	vst.idx.msk $0xffff, v2  }
0xdd: {  	v2 =	vld.idx.msk [tilespmem:v3+s2+$0x0], $0xffff  }
0xde: {  	v3 =	vor.u32 $0x3, v1;
	_ =	sdelay $0x3  }
0xdf: {  	[tilespmem:v58+s13+$0x0] =	vst.idx.msk $0xffff, v2  }
0xe0: {  	v2 =	vld.idx.msk [tilespmem:v3+s2+$0x0], $0xffff  }
0xe1: {  	v3 =	vor.u32 $0x4, v1;
	_ =	sdelay $0x3  }
0xe2: {  	[tilespmem:v59+s13+$0x0] =	vst.idx.msk $0xffff, v2  }
0xe3: {  	v2 =	vld.idx.msk [tilespmem:v3+s2+$0x0], $0xffff  }
0xe4: {  	v3 =	vor.u32 $0x5, v1;
	_ =	sdelay $0x3  }
0xe5: {  	[tilespmem:v60+s13+$0x0] =	vst.idx.msk $0xffff, v2  }
0xe6: {  	v2 =	vld.idx.msk [tilespmem:v3+s2+$0x0], $0xffff  }
0xe7: {  	v3 =	vor.u32 $0x6, v1;
	_ =	sdelay $0x3  }
0xe8: {  	[tilespmem:v61+s13+$0x0] =	vst.idx.msk $0xffff, v2  }
0xe9: {  	v2 =	vld.idx.msk [tilespmem:v3+s2+$0x0], $0xffff  }
0xea: {  	v1 =	vor.u32 $0x7, v1;
	_ =	sdelay $0x3  }
0xeb: {  	[tilespmem:v62+s13+$0x0] =	vst.idx.msk $0xffff, v2  }
0xec: {  	v1 =	vld.idx.msk [tilespmem:v1+s2+$0x0], $0xffff;
	_ =	sdelay $0x4  }
0xed: {  	[tilespmem:v63+s13+$0x0] =	vst.idx.msk $0xffff, v1  }
0xee: {  	v1 =	vld [tilespmem:s16+$0x0];
	_ =	sdelay $0x1  }
0xef: {  	v2 =	vmov s2  }
0xf0: {  	v3 =	vshrl.u32 v2, $0x2  }
0xf1: {  	v3 =	vand.u32 $0x3F8, v3  }
0xf2: {  	v1 =	vshll.u32 v1, $0x3;
	_ =	sdelay $0x3  }
0xf3: {  	v4 =	vld.idx.msk [tilespmem:v3+s13+$0x0], $0xffff  }
0xf4: {  	v5 =	vld.idx.msk [tilespmem:v1+s2+$0x0], $0xffff  }
0xf5: {  	v2 =	vshll.u32 v2, $0x3  }
0xf6: {  	v2 =	vor.u32 v0, v2  }
0xf7: {  	v6 =	vor.u32 $0x1, v1  }
0xf8: {  	v7 =	vor.u32 $0x1, v3  }
0xf9: {  	v4 =	vsub.f32 v5, v4;
	_ =	sdelay $0x1  }
0xfa: {  	[tilespmem:v2+s14+$0x0] =	vst.idx.msk $0xffff, v4  }
0xfb: {  	v4 =	vld.idx.msk [tilespmem:v6+s2+$0x0], $0xffff  }
0xfc: {  	v5 =	vld.idx.msk [tilespmem:v7+s13+$0x0], $0xffff;
	_ =	sdelay $0x1  }
0xfd: {  	v6 =	vor.u32 $0x1, v2  }
0xfe: {  	v7 =	vor.u32 $0x2, v1  }
0xff: {  	v3 =	vor.u32 $0x2, v3  }
0x100: {  	v4 =	vsub.f32 v4, v5;
	_ =	sdelay $0x1  }
0x101: {  	[tilespmem:v6+s14+$0x0] =	vst.idx.msk $0xffff, v4  }
0x102: {  	v4 =	vld.idx.msk [tilespmem:v7+s2+$0x0], $0xffff  }
0x103: {  	v3 =	vld.idx.msk [tilespmem:v3+s13+$0x0], $0xffff;
	_ =	sdelay $0x1  }
0x104: {  	v5 =	vor.u32 $0x2, v2  }
0x105: {  	v6 =	vor.u32 $0x3, v1;
	_ =	sdelay $0x1  }
0x106: {  	v3 =	vsub.f32 v4, v3;
	_ =	sdelay $0x1  }
0x107: {  	[tilespmem:v5+s14+$0x0] =	vst.idx.msk $0xffff, v3  }
0x108: {  	v4 =	vor.u32 $0x3, v2;
	v3 =	vld.idx.msk [tilespmem:v6+s2+$0x0], $0xffff  }
0x109: {  	v5 =	vor.u32 $0x4, v1;
	_ =	sdelay $0x3  }
0x10a: {  	[tilespmem:v4+s14+$0x0] =	vst.idx.msk $0xffff, v3  }
0x10b: {  	v4 =	vor.u32 $0x4, v2;
	v3 =	vld.idx.msk [tilespmem:v5+s2+$0x0], $0xffff  }
0x10c: {  	v5 =	vor.u32 $0x5, v1;
	_ =	sdelay $0x3  }
0x10d: {  	[tilespmem:v4+s14+$0x0] =	vst.idx.msk $0xffff, v3  }
0x10e: {  	v4 =	vor.u32 $0x5, v2;
	v3 =	vld.idx.msk [tilespmem:v5+s2+$0x0], $0xffff  }
0x10f: {  	v5 =	vor.u32 $0x6, v1;
	_ =	sdelay $0x3  }
0x110: {  	[tilespmem:v4+s14+$0x0] =	vst.idx.msk $0xffff, v3  }
0x111: {  	v4 =	vor.u32 $0x6, v2;
	v3 =	vld.idx.msk [tilespmem:v5+s2+$0x0], $0xffff  }
0x112: {  	v1 =	vor.u32 $0x7, v1;
	_ =	sdelay $0x3  }
0x113: {  	[tilespmem:v4+s14+$0x0] =	vst.idx.msk $0xffff, v3  }
0x114: {  	s17 =	simm.s32 $0x10;
	v2 =	vor.u32 $0x7, v2;
	v1 =	vld.idx.msk [tilespmem:v1+s2+$0x0], $0xffff  }
.LBB2_2:
0x115: {  	p0 =	sne.s32 s17, $0xFF0  }
0x116: {  	s16 =	sadd.s32 $0x10, s16;
	s18 =	smov.u32 s17;
	s17 =	sadd.s32 $0x10, s17  }
0x117: {  	_ =	sdelay $0x1  }
0x118: {  	[tilespmem:v2+s14+$0x0] =	vst.idx.msk $0xffff, v1  }
0x119: {  	v1 =	vld [tilespmem:s16+$0x0];
	_ =	sdelay $0x1  }
0x11a: {  	v2 =	vmov s18  }
0x11b: {  	v3 =	vshll.u32 v2, $0x3;
	v2 =	vshrl.u32 v2, $0x2  }
0x11c: {  	v2 =	vand.u32 $0x3F8, v2  }
0x11d: {  	v1 =	vshll.u32 v1, $0x3;
	_ =	sdelay $0x3  }
0x11e: {  	v4 =	vld.idx.msk [tilespmem:v2+s13+$0x0], $0xffff  }
0x11f: {  	v5 =	vld.idx.msk [tilespmem:v1+s2+$0x0], $0xffff;
	_ =	sdelay $0x2  }
0x120: {  	v3 =	vor.u32 v0, v3  }
0x121: {  	v6 =	vor.u32 $0x1, v1  }
0x122: {  	v7 =	vor.u32 $0x1, v2  }
0x123: {  	v4 =	vsub.f32 v5, v4;
	_ =	sdelay $0x1  }
0x124: {  	[tilespmem:v3+s14+$0x0] =	vst.idx.msk $0xffff, v4  }
0x125: {  	v4 =	vld.idx.msk [tilespmem:v6+s2+$0x0], $0xffff  }
0x126: {  	v5 =	vld.idx.msk [tilespmem:v7+s13+$0x0], $0xffff;
	_ =	sdelay $0x2  }
0x127: {  	v6 =	vor.u32 $0x1, v3  }
0x128: {  	v2 =	vor.u32 $0x2, v2;
	v7 =	vor.u32 $0x2, v1;
	_ =	sdelay $0x1  }
0x129: {  	v4 =	vsub.f32 v4, v5;
	_ =	sdelay $0x1  }
0x12a: {  	[tilespmem:v6+s14+$0x0] =	vst.idx.msk $0xffff, v4  }
0x12b: {  	v4 =	vld.idx.msk [tilespmem:v7+s2+$0x0], $0xffff  }
0x12c: {  	v2 =	vld.idx.msk [tilespmem:v2+s13+$0x0], $0xffff;
	_ =	sdelay $0x1  }
0x12d: {  	v5 =	vor.u32 $0x2, v3  }
0x12e: {  	v6 =	vor.u32 $0x3, v1;
	_ =	sdelay $0x2  }
0x12f: {  	v2 =	vsub.f32 v4, v2;
	_ =	sdelay $0x1  }
0x130: {  	[tilespmem:v5+s14+$0x0] =	vst.idx.msk $0xffff, v2  }
0x131: {  	v4 =	vor.u32 $0x3, v3;
	v2 =	vld.idx.msk [tilespmem:v6+s2+$0x0], $0xffff  }
0x132: {  	v5 =	vor.u32 $0x4, v1;
	_ =	sdelay $0x4  }
0x133: {  	[tilespmem:v4+s14+$0x0] =	vst.idx.msk $0xffff, v2  }
0x134: {  	v4 =	vor.u32 $0x4, v3;
	v2 =	vld.idx.msk [tilespmem:v5+s2+$0x0], $0xffff  }
0x135: {  	v5 =	vor.u32 $0x5, v1;
	_ =	sdelay $0x4  }
0x136: {  	[tilespmem:v4+s14+$0x0] =	vst.idx.msk $0xffff, v2  }
0x137: {  	v4 =	vor.u32 $0x5, v3;
	v2 =	vld.idx.msk [tilespmem:v5+s2+$0x0], $0xffff  }
0x138: {  	v5 =	vor.u32 $0x6, v1;
	_ =	sdelay $0x4  }
0x139: {  	[tilespmem:v4+s14+$0x0] =	vst.idx.msk $0xffff, v2  }
0x13a: {  	v4 =	vor.u32 $0x6, v3;
	v2 =	vld.idx.msk [tilespmem:v5+s2+$0x0], $0xffff  }
0x13b: {  	v1 =	vor.u32 $0x7, v1;
	_ =	sdelay $0x1  }
.Ltmp0:
0x13c: {  	(pc) =	sbr.rel @p0 .LBB2_2-.Ltmp0, $3  }
0x13d: {  	_ =	sdelay $0x1  }
0x13e: {  	[tilespmem:v4+s14+$0x0] =	vst.idx.msk $0xffff, v2  }
0x13f: {  	v2 =	vor.u32 $0x7, v3;
	v1 =	vld.idx.msk [tilespmem:v1+s2+$0x0], $0xffff  }
0x140: {  	_ =	sdelay $0x3  }
0x141: {  	[tilespmem:v2+s14+$0x0] =	vst.idx.msk $0xffff, v1  }
0x142: {  	[hbm4b:s6+s9] =	stream.strided.scatter [tilespmem:s13], [sflag:$0x1], $0x400, s10, s9, $0x38;
	[tilespmem:$0x19480] =	vst v63  }
0x143: {  	s15 =	sadd.s32 $0x1, s15;
	_ =	swait.ge [sflag:s11], $0x400  }
0x144: {  	p0 =	sne.s32 s15, s8;
	[sflag:s11] =	ssyncset.done $0x0  }
.Ltmp1:
0x145: {  	[sflag:s11] =	ssyncadd.s32 $0xFFFFFC00;
	(pc) =	sbr.rel @p0 .LBB2_1-.Ltmp1, $4  }
0x146: {  	[hbm4b:s7+s9] =	stream.strided.scatter [tilespmem:s14], [sflag:$0x1], $0x8000, s10, s9, $0x38;
	[tilespmem:$0x19480] =	vst v63  }
0x147: {  	_ =	swait.ge [sflag:s11], $0x8000  }
0x148: {  	[sflag:s11] =	ssyncset.done $0x0  }
0x149: {  	[sflag:s11] =	ssyncadd.s32 $0xFFFF8000  }
0x14a: {  	_ =	sfence.sel $0x180000  }
0x14b: {  	[bflag:$0x0] =	sbarrier.arrive $0xFFFF  }
0x14c: {  	p0 =	sne.s32 s1, $0x0;
	_ =	strace $0x90000047  }
0x14d: {  	s0 =	sadd.s32 @!p0 $0x100000, s0;
	[bflag:$0x2] =	sbarrier.arrive $0xFFFF  }
0x14e: {  	[sflag:s0] =	ssyncadd.tile.s32 @!p0 $0x1;
	_ =	shalt  }
.Lfunc_end2:
_tile_overlayer_lowered:
.L_overlay_start_2:
0x14f: {  	(tag) =	ssettag $0x2  }
0x150: {  	s0 =	rddreg [dreg:$0x0];
	s2 =	stileid.u32  }
0x151: {  	s1 =	rddreg [dreg:$0x1];
	p0 =	sne.s32 s2, $0x0  }
0x152: {  	s3 =	rddreg [dreg:$0x2];
	[bflag:$0x3] =	sbarrier.arrive $0xFFFF;
	s2 =	simm.s32 @!p0 $0x1C01  }
0x153: {  	[timem:s3], [sflag:s2] =	dma.local @!p0 [hbm:s0], s1  }
0x154: {  	s0 =	simm.s32 @!p0 $0x1  }
0x155: {  	_ =	swait.ge @!p0 [sflag:s0], s1  }
0x156: {  	s1 =	ssub.s32 @!p0 $0x0, s1;
	[sflag:s0] =	ssyncset.done @!p0 $0x0  }
0x157: {  	[sflag:s0] =	ssyncadd.s32 @!p0 s1  }
0x158: {  	[bflag:$0x3] =	sbarrier.arrive $0xFFFF  }
0x159: {  	_ =	shalt  }

</sc_bundles>
